<compile_context>
chip_gen: v7x
topology: tpu7x:2x2x1
jax: 0.10.2.dev20260603
libtpu: 0.0.44.dev20260713+nightly
codegen_flags: <defaults>
</compile_context>

<pallas_src>
import functools

import jax
import jax.numpy as jnp
from jax import lax
from jax.experimental import pallas as pl
from jax.experimental.pallas import tpu as pltpu
from jax.experimental.pallas import tpu_sc as plsc

_B = 16384
_D = 64
_NC = 2
_NS = 16
_NW = _NC * _NS
_BW = _B // _NW
_K = 256
_NCHUNK = _BW // _K


def _dist_body(trip_hbm, table_hbm, out_hbm,
               trip_v, rows_s, rows_d, part_v, out_v, sem):
    wid = lax.axis_index("s") * _NC + lax.axis_index("c")
    base = wid * _BW

    pltpu.sync_copy(trip_hbm.at[:, pl.ds(base, _BW)], trip_v)

    lane16 = lax.iota(jnp.int32, 16) * 16

    for chunk in range(_NCHUNK):
        off = chunk * _K

        def issue(i16, _):
            vs = trip_v[0, pl.ds(off + i16 * 16, 16)]
            vd = trip_v[1, pl.ds(off + i16 * 16, 16)]
            for j in range(16):
                r = vs[j]
                pltpu.async_copy(table_hbm.at[r >> 3, r & 7],
                                 rows_s.at[i16 * 16 + j], sem)
                r2 = vd[j]
                pltpu.async_copy(table_hbm.at[r2 >> 3, r2 & 7],
                                 rows_d.at[i16 * 16 + j], sem)
            return 0

        lax.fori_loop(0, _K // 16, issue, 0)

        def drain(i, _):
            pltpu.make_async_copy(table_hbm.at[0, 0], rows_s.at[0], sem).wait()
            pltpu.make_async_copy(table_hbm.at[0, 0], rows_d.at[0], sem).wait()
            return 0

        lax.fori_loop(0, _K, drain, 0)

        def group(g, _):
            for rloc in range(16):
                row = g * 16 + rloc
                p = jnp.zeros((16,), jnp.float32)
                for c in range(0, _D, 16):
                    s = rows_s[row, pl.ds(c, 16)]
                    t = rows_d[row, pl.ds(c, 16)]
                    df = s - t
                    p = p + df * df
                part_v[pl.ds(rloc * 16, 16)] = p
            acc = jnp.full((16,), 1e-12, jnp.float32)
            for k in range(16):
                acc = acc + plsc.load_gather(part_v, [lane16 + k])
            yi = 0x5F3759DF - (plsc.bitcast(acc, jnp.int32) >> 1)
            y = plsc.bitcast(yi, jnp.float32)
            y = y * (1.5 - 0.5 * acc * y * y)
            y = y * (1.5 - 0.5 * acc * y * y)
            y = y * (1.5 - 0.5 * acc * y * y)
            out_v[pl.ds(off + g * 16, 16)] = acc * y
            return 0

        lax.fori_loop(0, _K // 16, group, 0)

    pltpu.sync_copy(out_v, out_hbm.at[pl.ds(base, _BW)])


_dist_kernel = functools.partial(
    pl.kernel,
    mesh=plsc.VectorSubcoreMesh(core_axis_name="c", subcore_axis_name="s"),
    out_type=jax.ShapeDtypeStruct((_B,), jnp.float32),
    compiler_params=pltpu.CompilerParams(needs_layout_passes=False),
    scratch_types=[
        pltpu.VMEM((3, _BW), jnp.int32),
        pltpu.VMEM((_K, _D), jnp.float32),
        pltpu.VMEM((_K, _D), jnp.float32),
        pltpu.VMEM((256,), jnp.float32),
        pltpu.VMEM((_BW,), jnp.float32),
        pltpu.SemaphoreType.DMA,
    ],
)(_dist_body)


def kernel(input_triplet, embeds):
    trip = input_triplet.T
    table3 = embeds.reshape(125000, 8, _D)
    return _dist_kernel(trip, table3)

# --- scband reference (transcript-rebuilt; emitter-appended) ---
"""Pipeline reference for scband-model-50783693308341 (READ-ONLY COPY).

The authoritative reference and input builder live on the scoring server;
editing this copy changes nothing except your own understanding.
"""

import jax, jax.numpy as jnp
import numpy as np

NUM_EMBEDDINGS = 1000000
EMBEDDING_DIM = 64
BATCH = 16384
INIT_EPS = 0.001


def setup_inputs(seed: int = 0) -> dict:
    key = jax.random.key(seed)
    k_idx, k_emb = jax.random.split(key)
    input_triplet = jax.random.randint(k_idx, (BATCH, 3), 0, NUM_EMBEDDINGS, dtype=jnp.int64 if jax.config.jax_enable_x64 else jnp.int32)
    # VectorEmbeddings init: uniform_(-INIT_EPS, INIT_EPS); Euclidean projx is identity
    embeds = jax.random.uniform(k_emb, (NUM_EMBEDDINGS, EMBEDDING_DIM), dtype=jnp.float32, minval=-INIT_EPS, maxval=INIT_EPS)
    return {"input_triplet": input_triplet, "embeds": embeds}


def reference(input_triplet, embeds):
    # Model.forward with args.model == 'euclidean' (geoopt Euclidean(ndim=1)):
    #   src_embeds = embeds[src_index]; dst_embeds = embeds[dst_index]
    #   dist = ||src - dst||_2 over last dim
    src_index = input_triplet[:, 0]
    dst_index = input_triplet[:, 1]
    src_embeds = jnp.take(embeds, src_index, axis=0)
    dst_embeds = jnp.take(embeds, dst_index, axis=0)
    diff = src_embeds - dst_embeds
    distances = jnp.sqrt(jnp.sum(diff * diff, axis=-1) + 1e-12)
    return distances

if __name__ == "__main__":
    import jax
    _d = setup_inputs()
    print(jax.jit(kernel)(*tuple(_d.values())))

</pallas_src>

<mosaic_0001>
#map = affine_map<(d0, d1) -> (0, 0)>
#map1 = affine_map<(d0, d1) -> (0, 0, 0)>
#map2 = affine_map<(d0, d1) -> (0)>
module attributes {stable_mosaic.version = 14 : i64} {
  func.func @_dist_body(%arg0: i32, %arg1: i32, %arg2: memref<3x16384xi32, #tpu.memory_space<hbm>>, %arg3: memref<125000x8x64xf32, #tpu.memory_space<hbm>>, %arg4: memref<16384xf32, #tpu.memory_space<hbm>>, %arg5: memref<3x512xi32, #tpu.memory_space<vmem>>, %arg6: memref<256x64xf32, #tpu.memory_space<vmem>>, %arg7: memref<256x64xf32, #tpu.memory_space<vmem>>, %arg8: memref<256xf32, #tpu.memory_space<vmem>>, %arg9: memref<512xf32, #tpu.memory_space<vmem>>, %arg10: memref<!tpu.dma_semaphore, #tpu.memory_space<semaphore_mem>>) attributes {dimension_semantics = [#tpu.dimension_semantics<core_parallel>, #tpu.dimension_semantics<subcore_parallel>], iteration_bounds = array<i64: 2, 16>, scalar_prefetch = 0 : i64, scratch_operands = 6 : i64, tpu.core_type = #tpu.core_type<sc_vector_subcore>, window_params = [{transform_indices = #map}, {transform_indices = #map1}, {transform_indices = #map2}]} {
    %mul3A = arith.constant 2 : i32
    %mul3A_0 = arith.muli %arg1, %mul3A : i32
    %add3A = arith.addi %mul3A_0, %arg0 : i32
    %mul3A_1 = arith.constant 512 : i32
    %mul3A_2 = arith.muli %add3A, %mul3A_1 : i32
    "tpu.region"() ({
      %run_scoped3A = tpu.sem_alloc : memref<!tpu.dma_semaphore, #tpu.memory_space<semaphore_mem>>
      %dma_start3A = arith.constant 0 : i32
      %dma_start3A_47 = tpu.memref_slice %arg2[%dma_start3A, %mul3A_2] : memref<3x16384xi32, #tpu.memory_space<hbm>> -> memref<3x512xi32, #tpu.memory_space<hbm>>
      %dma_start3A_48 = arith.constant 0 : i32
      %dma_start3A_49 = tpu.memref_slice %arg2[%dma_start3A_48, %mul3A_2] : memref<3x16384xi32, #tpu.memory_space<hbm>> -> memref<3x512xi32, #tpu.memory_space<hbm>>
      tpu.enqueue_dma source(%dma_start3A_49 : memref<3x512xi32, #tpu.memory_space<hbm>>) target(%arg5 : memref<3x512xi32, #tpu.memory_space<vmem>>) target_semaphore(%run_scoped3A : memref<!tpu.dma_semaphore, #tpu.memory_space<semaphore_mem>>)
      %dma_wait3A = arith.constant 0 : i32
      %dma_wait3A_50 = tpu.memref_slice %arg2[%dma_wait3A, %mul3A_2] : memref<3x16384xi32, #tpu.memory_space<hbm>> -> memref<3x512xi32, #tpu.memory_space<hbm>>
      %dma_wait3A_51 = arith.constant 0 : i32
      %dma_wait3A_52 = tpu.memref_slice %arg2[%dma_wait3A_51, %mul3A_2] : memref<3x16384xi32, #tpu.memory_space<hbm>> -> memref<3x512xi32, #tpu.memory_space<hbm>>
      tpu.wait_dma2 semaphore(%run_scoped3A : memref<!tpu.dma_semaphore, #tpu.memory_space<semaphore_mem>>) src(%dma_wait3A_52 : memref<3x512xi32, #tpu.memory_space<hbm>>) dst(%arg5 : memref<3x512xi32, #tpu.memory_space<vmem>>)
      tpu.yield
    }) : () -> ()
    %iota3A = tpu.iota {dimensions = array<i32: 0>} : vector<16xi32>
    %mul3A_3 = arith.constant 16 : i32
    %mul3A_4 = vector.broadcast %mul3A_3 : i32 to vector<16xi32>
    %mul3A_5 = arith.muli %iota3A, %mul3A_4 : vector<16xi32>
    %scan3A = arith.constant 0 : i32
    %scan3A_6 = arith.constant 0 : i32
    %scan3A_7 = arith.constant 16 : i32
    %scan3A_8 = arith.addi %scan3A_6, %scan3A_7 : i32
    %scan3A_9 = arith.constant 1 : i32
    %scan3A_10 = scf.for %scan3A_47 = %scan3A_6 to %scan3A_8 step %scan3A_9 iter_args(%scan3A_48 = %scan3A) -> (i32)  : i32 {
      %mul3A_49 = arith.constant 16 : i32
      %mul3A_50 = arith.muli %scan3A_47, %mul3A_49 : i32
      %add3A_51 = arith.constant 0 : i32
      %add3A_52 = arith.addi %add3A_51, %mul3A_50 : i32
      %get3A = arith.constant 0 : i32
      %get3A_53 = arith.index_cast %get3A : i32 to index
      %get3A_54 = arith.index_cast %add3A_52 : i32 to index
      %get3A_55 = tpu.vector_load %arg5[%get3A_53, %get3A_54] {strides = array<i32>} : memref<3x512xi32, #tpu.memory_space<vmem>>, vector<16xi32>,
      %mul3A_56 = arith.constant 16 : i32
      %mul3A_57 = arith.muli %scan3A_47, %mul3A_56 : i32
      %add3A_58 = arith.constant 0 : i32
      %add3A_59 = arith.addi %add3A_58, %mul3A_57 : i32
      %get3A_60 = arith.constant 1 : i32
      %get3A_61 = arith.index_cast %get3A_60 : i32 to index
      %get3A_62 = arith.index_cast %add3A_59 : i32 to index
      %get3A_63 = tpu.vector_load %arg5[%get3A_61, %get3A_62] {strides = array<i32>} : memref<3x512xi32, #tpu.memory_space<vmem>>, vector<16xi32>,
      %slice3A = vector.extract_strided_slice %get3A_55 {offsets = [0], sizes = [1], strides = [1]} : vector<16xi32> to vector<1xi32>
      %squeeze3A = vector.extract %slice3A[0] : i32 from vector<1xi32>
      %shift_right_arithmetic3A = arith.constant 3 : i32
      %shift_right_arithmetic3A_64 = arith.shrsi %squeeze3A, %shift_right_arithmetic3A : i32
      %and3A = arith.constant 7 : i32
      %and3A_65 = arith.andi %squeeze3A, %and3A : i32
      %mul3A_66 = arith.constant 16 : i32
      %mul3A_67 = arith.muli %scan3A_47, %mul3A_66 : i32
      %add3A_68 = arith.constant 0 : i32
      %add3A_69 = arith.addi %mul3A_67, %add3A_68 : i32
      %dma_start3A = arith.constant 0 : i32
      %dma_start3A_70 = tpu.memref_slice %arg6[%add3A_69, %dma_start3A] : memref<256x64xf32, #tpu.memory_space<vmem>> -> memref<1x64xf32, #tpu.memory_space<vmem>>
      %dma_start3A_71 = tpu.memref_squeeze %dma_start3A_70 : memref<1x64xf32, #tpu.memory_space<vmem>> -> memref<64xf32, #tpu.memory_space<vmem>>
      %dma_start3A_72 = arith.constant 0 : i32
      %dma_start3A_73 = tpu.memref_slice %arg3[%shift_right_arithmetic3A_64, %and3A_65, %dma_start3A_72] : memref<125000x8x64xf32, #tpu.memory_space<hbm>> -> memref<1x1x64xf32, #tpu.memory_space<hbm>>
      %dma_start3A_74 = tpu.memref_squeeze %dma_start3A_73 : memref<1x1x64xf32, #tpu.memory_space<hbm>> -> memref<64xf32, #tpu.memory_space<hbm>>
      %dma_start3A_75 = arith.constant 0 : i32
      %dma_start3A_76 = tpu.memref_slice %arg6[%add3A_69, %dma_start3A_75] : memref<256x64xf32, #tpu.memory_space<vmem>> -> memref<1x64xf32, #tpu.memory_space<vmem>>
      %dma_start3A_77 = tpu.memref_squeeze %dma_start3A_76 : memref<1x64xf32, #tpu.memory_space<vmem>> -> memref<64xf32, #tpu.memory_space<vmem>>
      %dma_start3A_78 = arith.constant 0 : i32
      %dma_start3A_79 = tpu.memref_slice %arg3[%shift_right_arithmetic3A_64, %and3A_65, %dma_start3A_78] : memref<125000x8x64xf32, #tpu.memory_space<hbm>> -> memref<1x1x64xf32, #tpu.memory_space<hbm>>
      %dma_start3A_80 = tpu.memref_squeeze %dma_start3A_79 : memref<1x1x64xf32, #tpu.memory_space<hbm>> -> memref<64xf32, #tpu.memory_space<hbm>>
      tpu.enqueue_dma source(%dma_start3A_80 : memref<64xf32, #tpu.memory_space<hbm>>) target(%dma_start3A_77 : memref<64xf32, #tpu.memory_space<vmem>>) target_semaphore(%arg10 : memref<!tpu.dma_semaphore, #tpu.memory_space<semaphore_mem>>)
      %slice3A_81 = vector.extract_strided_slice %get3A_63 {offsets = [0], sizes = [1], strides = [1]} : vector<16xi32> to vector<1xi32>
      %squeeze3A_82 = vector.extract %slice3A_81[0] : i32 from vector<1xi32>
      %shift_right_arithmetic3A_83 = arith.constant 3 : i32
      %shift_right_arithmetic3A_84 = arith.shrsi %squeeze3A_82, %shift_right_arithmetic3A_83 : i32
      %and3A_85 = arith.constant 7 : i32
      %and3A_86 = arith.andi %squeeze3A_82, %and3A_85 : i32
      %mul3A_87 = arith.constant 16 : i32
      %mul3A_88 = arith.muli %scan3A_47, %mul3A_87 : i32
      %add3A_89 = arith.constant 0 : i32
      %add3A_90 = arith.addi %mul3A_88, %add3A_89 : i32
      %dma_start3A_91 = arith.constant 0 : i32
      %dma_start3A_92 = tpu.memref_slice %arg7[%add3A_90, %dma_start3A_91] : memref<256x64xf32, #tpu.memory_space<vmem>> -> memref<1x64xf32, #tpu.memory_space<vmem>>
      %dma_start3A_93 = tpu.memref_squeeze %dma_start3A_92 : memref<1x64xf32, #tpu.memory_space<vmem>> -> memref<64xf32, #tpu.memory_space<vmem>>
      %dma_start3A_94 = arith.constant 0 : i32
      %dma_start3A_95 = tpu.memref_slice %arg3[%shift_right_arithmetic3A_84, %and3A_86, %dma_start3A_94] : memref<125000x8x64xf32, #tpu.memory_space<hbm>> -> memref<1x1x64xf32, #tpu.memory_space<hbm>>
      %dma_start3A_96 = tpu.memref_squeeze %dma_start3A_95 : memref<1x1x64xf32, #tpu.memory_space<hbm>> -> memref<64xf32, #tpu.memory_space<hbm>>
      %dma_start3A_97 = arith.constant 0 : i32
      %dma_start3A_98 = tpu.memref_slice %arg7[%add3A_90, %dma_start3A_97] : memref<256x64xf32, #tpu.memory_space<vmem>> -> memref<1x64xf32, #tpu.memory_space<vmem>>
      %dma_start3A_99 = tpu.memref_squeeze %dma_start3A_98 : memref<1x64xf32, #tpu.memory_space<vmem>> -> memref<64xf32, #tpu.memory_space<vmem>>
      %dma_start3A_100 = arith.constant 0 : i32
      %dma_start3A_101 = tpu.memref_slice %arg3[%shift_right_arithmetic3A_84, %and3A_86, %dma_start3A_100] : memref<125000x8x64xf32, #tpu.memory_space<hbm>> -> memref<1x1x64xf32, #tpu.memory_space<hbm>>
      %dma_start3A_102 = tpu.memref_squeeze %dma_start3A_101 : memref<1x1x64xf32, #tpu.memory_space<hbm>> -> memref<64xf32, #tpu.memory_space<hbm>>
      tpu.enqueue_dma source(%dma_start3A_102 : memref<64xf32, #tpu.memory_space<hbm>>) target(%dma_start3A_99 : memref<64xf32, #tpu.memory_space<vmem>>) target_semaphore(%arg10 : memref<!tpu.dma_semaphore, #tpu.memory_space<semaphore_mem>>)
      %slice3A_103 = vector.extract_strided_slice %get3A_55 {offsets = [1], sizes = [1], strides = [1]} : vector<16xi32> to vector<1xi32>
      %squeeze3A_104 = vector.extract %slice3A_103[0] : i32 from vector<1xi32>
      %shift_right_arithmetic3A_105 = arith.constant 3 : i32
      %shift_right_arithmetic3A_106 = arith.shrsi %squeeze3A_104, %shift_right_arithmetic3A_105 : i32
      %and3A_107 = arith.constant 7 : i32
      %and3A_108 = arith.andi %squeeze3A_104, %and3A_107 : i32
      %mul3A_109 = arith.constant 16 : i32
      %mul3A_110 = arith.muli %scan3A_47, %mul3A_109 : i32
      %add3A_111 = arith.constant 1 : i32
      %add3A_112 = arith.addi %mul3A_110, %add3A_111 : i32
      %dma_start3A_113 = arith.constant 0 : i32
      %dma_start3A_114 = tpu.memref_slice %arg6[%add3A_112, %dma_start3A_113] : memref<256x64xf32, #tpu.memory_space<vmem>> -> memref<1x64xf32, #tpu.memory_space<vmem>>
      %dma_start3A_115 = tpu.memref_squeeze %dma_start3A_114 : memref<1x64xf32, #tpu.memory_space<vmem>> -> memref<64xf32, #tpu.memory_space<vmem>>
      %dma_start3A_116 = arith.constant 0 : i32
      %dma_start3A_117 = tpu.memref_slice %arg3[%shift_right_arithmetic3A_106, %and3A_108, %dma_start3A_116] : memref<125000x8x64xf32, #tpu.memory_space<hbm>> -> memref<1x1x64xf32, #tpu.memory_space<hbm>>
      %dma_start3A_118 = tpu.memref_squeeze %dma_start3A_117 : memref<1x1x64xf32, #tpu.memory_space<hbm>> -> memref<64xf32, #tpu.memory_space<hbm>>
      %dma_start3A_119 = arith.constant 0 : i32
      %dma_start3A_120 = tpu.memref_slice %arg6[%add3A_112, %dma_start3A_119] : memref<256x64xf32, #tpu.memory_space<vmem>> -> memref<1x64xf32, #tpu.memory_space<vmem>>
      %dma_start3A_121 = tpu.memref_squeeze %dma_start3A_120 : memref<1x64xf32, #tpu.memory_space<vmem>> -> memref<64xf32, #tpu.memory_space<vmem>>
      %dma_start3A_122 = arith.constant 0 : i32
      %dma_start3A_123 = tpu.memref_slice %arg3[%shift_right_arithmetic3A_106, %and3A_108, %dma_start3A_122] : memref<125000x8x64xf32, #tpu.memory_space<hbm>> -> memref<1x1x64xf32, #tpu.memory_space<hbm>>
      %dma_start3A_124 = tpu.memref_squeeze %dma_start3A_123 : memref<1x1x64xf32, #tpu.memory_space<hbm>> -> memref<64xf32, #tpu.memory_space<hbm>>
      tpu.enqueue_dma source(%dma_start3A_124 : memref<64xf32, #tpu.memory_space<hbm>>) target(%dma_start3A_121 : memref<64xf32, #tpu.memory_space<vmem>>) target_semaphore(%arg10 : memref<!tpu.dma_semaphore, #tpu.memory_space<semaphore_mem>>)
      %slice3A_125 = vector.extract_strided_slice %get3A_63 {offsets = [1], sizes = [1], strides = [1]} : vector<16xi32> to vector<1xi32>
      %squeeze3A_126 = vector.extract %slice3A_125[0] : i32 from vector<1xi32>
      %shift_right_arithmetic3A_127 = arith.constant 3 : i32
      %shift_right_arithmetic3A_128 = arith.shrsi %squeeze3A_126, %shift_right_arithmetic3A_127 : i32
      %and3A_129 = arith.constant 7 : i32
      %and3A_130 = arith.andi %squeeze3A_126, %and3A_129 : i32
      %mul3A_131 = arith.constant 16 : i32
      %mul3A_132 = arith.muli %scan3A_47, %mul3A_131 : i32
      %add3A_133 = arith.constant 1 : i32
      %add3A_134 = arith.addi %mul3A_132, %add3A_133 : i32
      %dma_start3A_135 = arith.constant 0 : i32
      %dma_start3A_136 = tpu.memref_slice %arg7[%add3A_134, %dma_start3A_135] : memref<256x64xf32, #tpu.memory_space<vmem>> -> memref<1x64xf32, #tpu.memory_space<vmem>>
      %dma_start3A_137 = tpu.memref_squeeze %dma_start3A_136 : memref<1x64xf32, #tpu.memory_space<vmem>> -> memref<64xf32, #tpu.memory_space<vmem>>
      %dma_start3A_138 = arith.constant 0 : i32
      %dma_start3A_139 = tpu.memref_slice %arg3[%shift_right_arithmetic3A_128, %and3A_130, %dma_start3A_138] : memref<125000x8x64xf32, #tpu.memory_space<hbm>> -> memref<1x1x64xf32, #tpu.memory_space<hbm>>
      %dma_start3A_140 = tpu.memref_squeeze %dma_start3A_139 : memref<1x1x64xf32, #tpu.memory_space<hbm>> -> memref<64xf32, #tpu.memory_space<hbm>>
      %dma_start3A_141 = arith.constant 0 : i32
      %dma_start3A_142 = tpu.memref_slice %arg7[%add3A_134, %dma_start3A_141] : memref<256x64xf32, #tpu.memory_space<vmem>> -> memref<1x64xf32, #tpu.memory_space<vmem>>
      %dma_start3A_143 = tpu.memref_squeeze %dma_start3A_142 : memref<1x64xf32, #tpu.memory_space<vmem>> -> memref<64xf32, #tpu.memory_space<vmem>>
      %dma_start3A_144 = arith.constant 0 : i32
      %dma_start3A_145 = tpu.memref_slice %arg3[%shift_right_arithmetic3A_128, %and3A_130, %dma_start3A_144] : memref<125000x8x64xf32, #tpu.memory_space<hbm>> -> memref<1x1x64xf32, #tpu.memory_space<hbm>>
      %dma_start3A_146 = tpu.memref_squeeze %dma_start3A_145 : memref<1x1x64xf32, #tpu.memory_space<hbm>> -> memref<64xf32, #tpu.memory_space<hbm>>
      tpu.enqueue_dma source(%dma_start3A_146 : memref<64xf32, #tpu.memory_space<hbm>>) target(%dma_start3A_143 : memref<64xf32, #tpu.memory_space<vmem>>) target_semaphore(%arg10 : memref<!tpu.dma_semaphore, #tpu.memory_space<semaphore_mem>>)
      %slice3A_147 = vector.extract_strided_slice %get3A_55 {offsets = [2], sizes = [1], strides = [1]} : vector<16xi32> to vector<1xi32>
      %squeeze3A_148 = vector.extract %slice3A_147[0] : i32 from vector<1xi32>
      %shift_right_arithmetic3A_149 = arith.constant 3 : i32
      %shift_right_arithmetic3A_150 = arith.shrsi %squeeze3A_148, %shift_right_arithmetic3A_149 : i32
      %and3A_151 = arith.constant 7 : i32
      %and3A_152 = arith.andi %squeeze3A_148, %and3A_151 : i32
      %mul3A_153 = arith.constant 16 : i32
      %mul3A_154 = arith.muli %scan3A_47, %mul3A_153 : i32
      %add3A_155 = arith.constant 2 : i32
      %add3A_156 = arith.addi %mul3A_154, %add3A_155 : i32
      %dma_start3A_157 = arith.constant 0 : i32
      %dma_start3A_158 = tpu.memref_slice %arg6[%add3A_156, %dma_start3A_157] : memref<256x64xf32, #tpu.memory_space<vmem>> -> memref<1x64xf32, #tpu.memory_space<vmem>>
      %dma_start3A_159 = tpu.memref_squeeze %dma_start3A_158 : memref<1x64xf32, #tpu.memory_space<vmem>> -> memref<64xf32, #tpu.memory_space<vmem>>
      %dma_start3A_160 = arith.constant 0 : i32
      %dma_start3A_161 = tpu.memref_slice %arg3[%shift_right_arithmetic3A_150, %and3A_152, %dma_start3A_160] : memref<125000x8x64xf32, #tpu.memory_space<hbm>> -> memref<1x1x64xf32, #tpu.memory_space<hbm>>
      %dma_start3A_162 = tpu.memref_squeeze %dma_start3A_161 : memref<1x1x64xf32, #tpu.memory_space<hbm>> -> memref<64xf32, #tpu.memory_space<hbm>>
      %dma_start3A_163 = arith.constant 0 : i32
      %dma_start3A_164 = tpu.memref_slice %arg6[%add3A_156, %dma_start3A_163] : memref<256x64xf32, #tpu.memory_space<vmem>> -> memref<1x64xf32, #tpu.memory_space<vmem>>
      %dma_start3A_165 = tpu.memref_squeeze %dma_start3A_164 : memref<1x64xf32, #tpu.memory_space<vmem>> -> memref<64xf32, #tpu.memory_space<vmem>>
      %dma_start3A_166 = arith.constant 0 : i32
      %dma_start3A_167 = tpu.memref_slice %arg3[%shift_right_arithmetic3A_150, %and3A_152, %dma_start3A_166] : memref<125000x8x64xf32, #tpu.memory_space<hbm>> -> memref<1x1x64xf32, #tpu.memory_space<hbm>>
      %dma_start3A_168 = tpu.memref_squeeze %dma_start3A_167 : memref<1x1x64xf32, #tpu.memory_space<hbm>> -> memref<64xf32, #tpu.memory_space<hbm>>
      tpu.enqueue_dma source(%dma_start3A_168 : memref<64xf32, #tpu.memory_space<hbm>>) target(%dma_start3A_165 : memref<64xf32, #tpu.memory_space<vmem>>) target_semaphore(%arg10 : memref<!tpu.dma_semaphore, #tpu.memory_space<semaphore_mem>>)
      %slice3A_169 = vector.extract_strided_slice %get3A_63 {offsets = [2], sizes = [1], strides = [1]} : vector<16xi32> to vector<1xi32>
      %squeeze3A_170 = vector.extract %slice3A_169[0] : i32 from vector<1xi32>
      %shift_right_arithmetic3A_171 = arith.constant 3 : i32
      %shift_right_arithmetic3A_172 = arith.shrsi %squeeze3A_170, %shift_right_arithmetic3A_171 : i32
      %and3A_173 = arith.constant 7 : i32
      %and3A_174 = arith.andi %squeeze3A_170, %and3A_173 : i32
      %mul3A_175 = arith.constant 16 : i32
      %mul3A_176 = arith.muli %scan3A_47, %mul3A_175 : i32
      %add3A_177 = arith.constant 2 : i32
      %add3A_178 = arith.addi %mul3A_176, %add3A_177 : i32
      %dma_start3A_179 = arith.constant 0 : i32
      %dma_start3A_180 = tpu.memref_slice %arg7[%add3A_178, %dma_start3A_179] : memref<256x64xf32, #tpu.memory_space<vmem>> -> memref<1x64xf32, #tpu.memory_space<vmem>>
      %dma_start3A_181 = tpu.memref_squeeze %dma_start3A_180 : memref<1x64xf32, #tpu.memory_space<vmem>> -> memref<64xf32, #tpu.memory_space<vmem>>
      %dma_start3A_182 = arith.constant 0 : i32
      %dma_start3A_183 = tpu.memref_slice %arg3[%shift_right_arithmetic3A_172, %and3A_174, %dma_start3A_182] : memref<125000x8x64xf32, #tpu.memory_space<hbm>> -> memref<1x1x64xf32, #tpu.memory_space<hbm>>
      %dma_start3A_184 = tpu.memref_squeeze %dma_start3A_183 : memref<1x1x64xf32, #tpu.memory_space<hbm>> -> memref<64xf32, #tpu.memory_space<hbm>>
      %dma_start3A_185 = arith.constant 0 : i32
      %dma_start3A_186 = tpu.memref_slice %arg7[%add3A_178, %dma_start3A_185] : memref<256x64xf32, #tpu.memory_space<vmem>> -> memref<1x64xf32, #tpu.memory_space<vmem>>
      %dma_start3A_187 = tpu.memref_squeeze %dma_start3A_186 : memref<1x64xf32, #tpu.memory_space<vmem>> -> memref<64xf32, #tpu.memory_space<vmem>>
      %dma_start3A_188 = arith.constant 0 : i32
      %dma_start3A_189 = tpu.memref_slice %arg3[%shift_right_arithmetic3A_172, %and3A_174, %dma_start3A_188] : memref<125000x8x64xf32, #tpu.memory_space<hbm>> -> memref<1x1x64xf32, #tpu.memory_space<hbm>>
      %dma_start3A_190 = tpu.memref_squeeze %dma_start3A_189 : memref<1x1x64xf32, #tpu.memory_space<hbm>> -> memref<64xf32, #tpu.memory_space<hbm>>
      tpu.enqueue_dma source(%dma_start3A_190 : memref<64xf32, #tpu.memory_space<hbm>>) target(%dma_start3A_187 : memref<64xf32, #tpu.memory_space<vmem>>) target_semaphore(%arg10 : memref<!tpu.dma_semaphore, #tpu.memory_space<semaphore_mem>>)
      %slice3A_191 = vector.extract_strided_slice %get3A_55 {offsets = [3], sizes = [1], strides = [1]} : vector<16xi32> to vector<1xi32>
      %squeeze3A_192 = vector.extract %slice3A_191[0] : i32 from vector<1xi32>
      %shift_right_arithmetic3A_193 = arith.constant 3 : i32
      %shift_right_arithmetic3A_194 = arith.shrsi %squeeze3A_192, %shift_right_arithmetic3A_193 : i32
      %and3A_195 = arith.constant 7 : i32
      %and3A_196 = arith.andi %squeeze3A_192, %and3A_195 : i32
      %mul3A_197 = arith.constant 16 : i32
      %mul3A_198 = arith.muli %scan3A_47, %mul3A_197 : i32
      %add3A_199 = arith.constant 3 : i32
      %add3A_200 = arith.addi %mul3A_198, %add3A_199 : i32
      %dma_start3A_201 = arith.constant 0 : i32
      %dma_start3A_202 = tpu.memref_slice %arg6[%add3A_200, %dma_start3A_201] : memref<256x64xf32, #tpu.memory_space<vmem>> -> memref<1x64xf32, #tpu.memory_space<vmem>>
      %dma_start3A_203 = tpu.memref_squeeze %dma_start3A_202 : memref<1x64xf32, #tpu.memory_space<vmem>> -> memref<64xf32, #tpu.memory_space<vmem>>
      %dma_start3A_204 = arith.constant 0 : i32
      %dma_start3A_205 = tpu.memref_slice %arg3[%shift_right_arithmetic3A_194, %and3A_196, %dma_start3A_204] : memref<125000x8x64xf32, #tpu.memory_space<hbm>> -> memref<1x1x64xf32, #tpu.memory_space<hbm>>
      %dma_start3A_206 = tpu.memref_squeeze %dma_start3A_205 : memref<1x1x64xf32, #tpu.memory_space<hbm>> -> memref<64xf32, #tpu.memory_space<hbm>>
      %dma_start3A_207 = arith.constant 0 : i32
      %dma_start3A_208 = tpu.memref_slice %arg6[%add3A_200, %dma_start3A_207] : memref<256x64xf32, #tpu.memory_space<vmem>> -> memref<1x64xf32, #tpu.memory_space<vmem>>
      %dma_start3A_209 = tpu.memref_squeeze %dma_start3A_208 : memref<1x64xf32, #tpu.memory_space<vmem>> -> memref<64xf32, #tpu.memory_space<vmem>>
      %dma_start3A_210 = arith.constant 0 : i32
      %dma_start3A_211 = tpu.memref_slice %arg3[%shift_right_arithmetic3A_194, %and3A_196, %dma_start3A_210] : memref<125000x8x64xf32, #tpu.memory_space<hbm>> -> memref<1x1x64xf32, #tpu.memory_space<hbm>>
      %dma_start3A_212 = tpu.memref_squeeze %dma_start3A_211 : memref<1x1x64xf32, #tpu.memory_space<hbm>> -> memref<64xf32, #tpu.memory_space<hbm>>
      tpu.enqueue_dma source(%dma_start3A_212 : memref<64xf32, #tpu.memory_space<hbm>>) target(%dma_start3A_209 : memref<64xf32, #tpu.memory_space<vmem>>) target_semaphore(%arg10 : memref<!tpu.dma_semaphore, #tpu.memory_space<semaphore_mem>>)
      %slice3A_213 = vector.extract_strided_slice %get3A_63 {offsets = [3], sizes = [1], strides = [1]} : vector<16xi32> to vector<1xi32>
      %squeeze3A_214 = vector.extract %slice3A_213[0] : i32 from vector<1xi32>
      %shift_right_arithmetic3A_215 = arith.constant 3 : i32
      %shift_right_arithmetic3A_216 = arith.shrsi %squeeze3A_214, %shift_right_arithmetic3A_215 : i32
      %and3A_217 = arith.constant 7 : i32
      %and3A_218 = arith.andi %squeeze3A_214, %and3A_217 : i32
      %mul3A_219 = arith.constant 16 : i32
      %mul3A_220 = arith.muli %scan3A_47, %mul3A_219 : i32
      %add3A_221 = arith.constant 3 : i32
      %add3A_222 = arith.addi %mul3A_220, %add3A_221 : i32
      %dma_start3A_223 = arith.constant 0 : i32
      %dma_start3A_224 = tpu.memref_slice %arg7[%add3A_222, %dma_start3A_223] : memref<256x64xf32, #tpu.memory_space<vmem>> -> memref<1x64xf32, #tpu.memory_space<vmem>>
      %dma_start3A_225 = tpu.memref_squeeze %dma_start3A_224 : memref<1x64xf32, #tpu.memory_space<vmem>> -> memref<64xf32, #tpu.memory_space<vmem>>
      %dma_start3A_226 = arith.constant 0 : i32
      %dma_start3A_227 = tpu.memref_slice %arg3[%shift_right_arithmetic3A_216, %and3A_218, %dma_start3A_226] : memref<125000x8x64xf32, #tpu.memory_space<hbm>> -> memref<1x1x64xf32, #tpu.memory_space<hbm>>
      %dma_start3A_228 = tpu.memref_squeeze %dma_start3A_227 : memref<1x1x64xf32, #tpu.memory_space<hbm>> -> memref<64xf32, #tpu.memory_space<hbm>>
      %dma_start3A_229 = arith.constant 0 : i32
      %dma_start3A_230 = tpu.memref_slice %arg7[%add3A_222, %dma_start3A_229] : memref<256x64xf32, #tpu.memory_space<vmem>> -> memref<1x64xf32, #tpu.memory_space<vmem>>
      %dma_start3A_231 = tpu.memref_squeeze %dma_start3A_230 : memref<1x64xf32, #tpu.memory_space<vmem>> -> memref<64xf32, #tpu.memory_space<vmem>>
      %dma_start3A_232 = arith.constant 0 : i32
      %dma_start3A_233 = tpu.memref_slice %arg3[%shift_right_arithmetic3A_216, %and3A_218, %dma_start3A_232] : memref<125000x8x64xf32, #tpu.memory_space<hbm>> -> memref<1x1x64xf32, #tpu.memory_space<hbm>>
      %dma_start3A_234 = tpu.memref_squeeze %dma_start3A_233 : memref<1x1x64xf32, #tpu.memory_space<hbm>> -> memref<64xf32, #tpu.memory_space<hbm>>
      tpu.enqueue_dma source(%dma_start3A_234 : memref<64xf32, #tpu.memory_space<hbm>>) target(%dma_start3A_231 : memref<64xf32, #tpu.memory_space<vmem>>) target_semaphore(%arg10 : memref<!tpu.dma_semaphore, #tpu.memory_space<semaphore_mem>>)
      %slice3A_235 = vector.extract_strided_slice %get3A_55 {offsets = [4], sizes = [1], strides = [1]} : vector<16xi32> to vector<1xi32>
      %squeeze3A_236 = vector.extract %slice3A_235[0] : i32 from vector<1xi32>
      %shift_right_arithmetic3A_237 = arith.constant 3 : i32
      %shift_right_arithmetic3A_238 = arith.shrsi %squeeze3A_236, %shift_right_arithmetic3A_237 : i32
      %and3A_239 = arith.constant 7 : i32
      %and3A_240 = arith.andi %squeeze3A_236, %and3A_239 : i32
      %mul3A_241 = arith.constant 16 : i32
      %mul3A_242 = arith.muli %scan3A_47, %mul3A_241 : i32
      %add3A_243 = arith.constant 4 : i32
      %add3A_244 = arith.addi %mul3A_242, %add3A_243 : i32
      %dma_start3A_245 = arith.constant 0 : i32
      %dma_start3A_246 = tpu.memref_slice %arg6[%add3A_244, %dma_start3A_245] : memref<256x64xf32, #tpu.memory_space<vmem>> -> memref<1x64xf32, #tpu.memory_space<vmem>>
      %dma_start3A_247 = tpu.memref_squeeze %dma_start3A_246 : memref<1x64xf32, #tpu.memory_space<vmem>> -> memref<64xf32, #tpu.memory_space<vmem>>
      %dma_start3A_248 = arith.constant 0 : i32
      %dma_start3A_249 = tpu.memref_slice %arg3[%shift_right_arithmetic3A_238, %and3A_240, %dma_start3A_248] : memref<125000x8x64xf32, #tpu.memory_space<hbm>> -> memref<1x1x64xf32, #tpu.memory_space<hbm>>
      %dma_start3A_250 = tpu.memref_squeeze %dma_start3A_249 : memref<1x1x64xf32, #tpu.memory_space<hbm>> -> memref<64xf32, #tpu.memory_space<hbm>>
      %dma_start3A_251 = arith.constant 0 : i32
      %dma_start3A_252 = tpu.memref_slice %arg6[%add3A_244, %dma_start3A_251] : memref<256x64xf32, #tpu.memory_space<vmem>> -> memref<1x64xf32, #tpu.memory_space<vmem>>
      %dma_start3A_253 = tpu.memref_squeeze %dma_start3A_252 : memref<1x64xf32, #tpu.memory_space<vmem>> -> memref<64xf32, #tpu.memory_space<vmem>>
      %dma_start3A_254 = arith.constant 0 : i32
      %dma_start3A_255 = tpu.memref_slice %arg3[%shift_right_arithmetic3A_238, %and3A_240, %dma_start3A_254] : memref<125000x8x64xf32, #tpu.memory_space<hbm>> -> memref<1x1x64xf32, #tpu.memory_space<hbm>>
      %dma_start3A_256 = tpu.memref_squeeze %dma_start3A_255 : memref<1x1x64xf32, #tpu.memory_space<hbm>> -> memref<64xf32, #tpu.memory_space<hbm>>
      tpu.enqueue_dma source(%dma_start3A_256 : memref<64xf32, #tpu.memory_space<hbm>>) target(%dma_start3A_253 : memref<64xf32, #tpu.memory_space<vmem>>) target_semaphore(%arg10 : memref<!tpu.dma_semaphore, #tpu.memory_space<semaphore_mem>>)
      %slice3A_257 = vector.extract_strided_slice %get3A_63 {offsets = [4], sizes = [1], strides = [1]} : vector<16xi32> to vector<1xi32>
      %squeeze3A_258 = vector.extract %slice3A_257[0] : i32 from vector<1xi32>
      %shift_right_arithmetic3A_259 = arith.constant 3 : i32
      %shift_right_arithmetic3A_260 = arith.shrsi %squeeze3A_258, %shift_right_arithmetic3A_259 : i32
      %and3A_261 = arith.constant 7 : i32
      %and3A_262 = arith.andi %squeeze3A_258, %and3A_261 : i32
      %mul3A_263 = arith.constant 16 : i32
      %mul3A_264 = arith.muli %scan3A_47, %mul3A_263 : i32
      %add3A_265 = arith.constant 4 : i32
      %add3A_266 = arith.addi %mul3A_264, %add3A_265 : i32
      %dma_start3A_267 = arith.constant 0 : i32
      %dma_start3A_268 = tpu.memref_slice %arg7[%add3A_266, %dma_start3A_267] : memref<256x64xf32, #tpu.memory_space<vmem>> -> memref<1x64xf32, #tpu.memory_space<vmem>>
      %dma_start3A_269 = tpu.memref_squeeze %dma_start3A_268 : memref<1x64xf32, #tpu.memory_space<vmem>> -> memref<64xf32, #tpu.memory_space<vmem>>
      %dma_start3A_270 = arith.constant 0 : i32
      %dma_start3A_271 = tpu.memref_slice %arg3[%shift_right_arithmetic3A_260, %and3A_262, %dma_start3A_270] : memref<125000x8x64xf32, #tpu.memory_space<hbm>> -> memref<1x1x64xf32, #tpu.memory_space<hbm>>
      %dma_start3A_272 = tpu.memref_squeeze %dma_start3A_271 : memref<1x1x64xf32, #tpu.memory_space<hbm>> -> memref<64xf32, #tpu.memory_space<hbm>>
      %dma_start3A_273 = arith.constant 0 : i32
      %dma_start3A_274 = tpu.memref_slice %arg7[%add3A_266, %dma_start3A_273] : memref<256x64xf32, #tpu.memory_space<vmem>> -> memref<1x64xf32, #tpu.memory_space<vmem>>
      %dma_start3A_275 = tpu.memref_squeeze %dma_start3A_274 : memref<1x64xf32, #tpu.memory_space<vmem>> -> memref<64xf32, #tpu.memory_space<vmem>>
      %dma_start3A_276 = arith.constant 0 : i32
      %dma_start3A_277 = tpu.memref_slice %arg3[%shift_right_arithmetic3A_260, %and3A_262, %dma_start3A_276] : memref<125000x8x64xf32, #tpu.memory_space<hbm>> -> memref<1x1x64xf32, #tpu.memory_space<hbm>>
      %dma_start3A_278 = tpu.memref_squeeze %dma_start3A_277 : memref<1x1x64xf32, #tpu.memory_space<hbm>> -> memref<64xf32, #tpu.memory_space<hbm>>
      tpu.enqueue_dma source(%dma_start3A_278 : memref<64xf32, #tpu.memory_space<hbm>>) target(%dma_start3A_275 : memref<64xf32, #tpu.memory_space<vmem>>) target_semaphore(%arg10 : memref<!tpu.dma_semaphore, #tpu.memory_space<semaphore_mem>>)
      %slice3A_279 = vector.extract_strided_slice %get3A_55 {offsets = [5], sizes = [1], strides = [1]} : vector<16xi32> to vector<1xi32>
      %squeeze3A_280 = vector.extract %slice3A_279[0] : i32 from vector<1xi32>
      %shift_right_arithmetic3A_281 = arith.constant 3 : i32
      %shift_right_arithmetic3A_282 = arith.shrsi %squeeze3A_280, %shift_right_arithmetic3A_281 : i32
      %and3A_283 = arith.constant 7 : i32
      %and3A_284 = arith.andi %squeeze3A_280, %and3A_283 : i32
      %mul3A_285 = arith.constant 16 : i32
      %mul3A_286 = arith.muli %scan3A_47, %mul3A_285 : i32
      %add3A_287 = arith.constant 5 : i32
      %add3A_288 = arith.addi %mul3A_286, %add3A_287 : i32
      %dma_start3A_289 = arith.constant 0 : i32
      %dma_start3A_290 = tpu.memref_slice %arg6[%add3A_288, %dma_start3A_289] : memref<256x64xf32, #tpu.memory_space<vmem>> -> memref<1x64xf32, #tpu.memory_space<vmem>>
      %dma_start3A_291 = tpu.memref_squeeze %dma_start3A_290 : memref<1x64xf32, #tpu.memory_space<vmem>> -> memref<64xf32, #tpu.memory_space<vmem>>
      %dma_start3A_292 = arith.constant 0 : i32
      %dma_start3A_293 = tpu.memref_slice %arg3[%shift_right_arithmetic3A_282, %and3A_284, %dma_start3A_292] : memref<125000x8x64xf32, #tpu.memory_space<hbm>> -> memref<1x1x64xf32, #tpu.memory_space<hbm>>
      %dma_start3A_294 = tpu.memref_squeeze %dma_start3A_293 : memref<1x1x64xf32, #tpu.memory_space<hbm>> -> memref<64xf32, #tpu.memory_space<hbm>>
      %dma_start3A_295 = arith.constant 0 : i32
      %dma_start3A_296 = tpu.memref_slice %arg6[%add3A_288, %dma_start3A_295] : memref<256x64xf32, #tpu.memory_space<vmem>> -> memref<1x64xf32, #tpu.memory_space<vmem>>
      %dma_start3A_297 = tpu.memref_squeeze %dma_start3A_296 : memref<1x64xf32, #tpu.memory_space<vmem>> -> memref<64xf32, #tpu.memory_space<vmem>>
      %dma_start3A_298 = arith.constant 0 : i32
      %dma_start3A_299 = tpu.memref_slice %arg3[%shift_right_arithmetic3A_282, %and3A_284, %dma_start3A_298] : memref<125000x8x64xf32, #tpu.memory_space<hbm>> -> memref<1x1x64xf32, #tpu.memory_space<hbm>>
      %dma_start3A_300 = tpu.memref_squeeze %dma_start3A_299 : memref<1x1x64xf32, #tpu.memory_space<hbm>> -> memref<64xf32, #tpu.memory_space<hbm>>
      tpu.enqueue_dma source(%dma_start3A_300 : memref<64xf32, #tpu.memory_space<hbm>>) target(%dma_start3A_297 : memref<64xf32, #tpu.memory_space<vmem>>) target_semaphore(%arg10 : memref<!tpu.dma_semaphore, #tpu.memory_space<semaphore_mem>>)
      %slice3A_301 = vector.extract_strided_slice %get3A_63 {offsets = [5], sizes = [1], strides = [1]} : vector<16xi32> to vector<1xi32>
      %squeeze3A_302 = vector.extract %slice3A_301[0] : i32 from vector<1xi32>
      %shift_right_arithmetic3A_303 = arith.constant 3 : i32
      %shift_right_arithmetic3A_304 = arith.shrsi %squeeze3A_302, %shift_right_arithmetic3A_303 : i32
      %and3A_305 = arith.constant 7 : i32
      %and3A_306 = arith.andi %squeeze3A_302, %and3A_305 : i32
      %mul3A_307 = arith.constant 16 : i32
      %mul3A_308 = arith.muli %scan3A_47, %mul3A_307 : i32
      %add3A_309 = arith.constant 5 : i32
      %add3A_310 = arith.addi %mul3A_308, %add3A_309 : i32
      %dma_start3A_311 = arith.constant 0 : i32
      %dma_start3A_312 = tpu.memref_slice %arg7[%add3A_310, %dma_start3A_311] : memref<256x64xf32, #tpu.memory_space<vmem>> -> memref<1x64xf32, #tpu.memory_space<vmem>>
      %dma_start3A_313 = tpu.memref_squeeze %dma_start3A_312 : memref<1x64xf32, #tpu.memory_space<vmem>> -> memref<64xf32, #tpu.memory_space<vmem>>
      %dma_start3A_314 = arith.constant 0 : i32
      %dma_start3A_315 = tpu.memref_slice %arg3[%shift_right_arithmetic3A_304, %and3A_306, %dma_start3A_314] : memref<125000x8x64xf32, #tpu.memory_space<hbm>> -> memref<1x1x64xf32, #tpu.memory_space<hbm>>
      %dma_start3A_316 = tpu.memref_squeeze %dma_start3A_315 : memref<1x1x64xf32, #tpu.memory_space<hbm>> -> memref<64xf32, #tpu.memory_space<hbm>>
      %dma_start3A_317 = arith.constant 0 : i32
      %dma_start3A_318 = tpu.memref_slice %arg7[%add3A_310, %dma_start3A_317] : memref<256x64xf32, #tpu.memory_space<vmem>> -> memref<1x64xf32, #tpu.memory_space<vmem>>
      %dma_start3A_319 = tpu.memref_squeeze %dma_start3A_318 : memref<1x64xf32, #tpu.memory_space<vmem>> -> memref<64xf32, #tpu.memory_space<vmem>>
      %dma_start3A_320 = arith.constant 0 : i32
      %dma_start3A_321 = tpu.memref_slice %arg3[%shift_right_arithmetic3A_304, %and3A_306, %dma_start3A_320] : memref<125000x8x64xf32, #tpu.memory_space<hbm>> -> memref<1x1x64xf32, #tpu.memory_space<hbm>>
      %dma_start3A_322 = tpu.memref_squeeze %dma_start3A_321 : memref<1x1x64xf32, #tpu.memory_space<hbm>> -> memref<64xf32, #tpu.memory_space<hbm>>
      tpu.enqueue_dma source(%dma_start3A_322 : memref<64xf32, #tpu.memory_space<hbm>>) target(%dma_start3A_319 : memref<64xf32, #tpu.memory_space<vmem>>) target_semaphore(%arg10 : memref<!tpu.dma_semaphore, #tpu.memory_space<semaphore_mem>>)
      %slice3A_323 = vector.extract_strided_slice %get3A_55 {offsets = [6], sizes = [1], strides = [1]} : vector<16xi32> to vector<1xi32>
      %squeeze3A_324 = vector.extract %slice3A_323[0] : i32 from vector<1xi32>
      %shift_right_arithmetic3A_325 = arith.constant 3 : i32
      %shift_right_arithmetic3A_326 = arith.shrsi %squeeze3A_324, %shift_right_arithmetic3A_325 : i32
      %and3A_327 = arith.constant 7 : i32
      %and3A_328 = arith.andi %squeeze3A_324, %and3A_327 : i32
      %mul3A_329 = arith.constant 16 : i32
      %mul3A_330 = arith.muli %scan3A_47, %mul3A_329 : i32
      %add3A_331 = arith.constant 6 : i32
      %add3A_332 = arith.addi %mul3A_330, %add3A_331 : i32
      %dma_start3A_333 = arith.constant 0 : i32
      %dma_start3A_334 = tpu.memref_slice %arg6[%add3A_332, %dma_start3A_333] : memref<256x64xf32, #tpu.memory_space<vmem>> -> memref<1x64xf32, #tpu.memory_space<vmem>>
      %dma_start3A_335 = tpu.memref_squeeze %dma_start3A_334 : memref<1x64xf32, #tpu.memory_space<vmem>> -> memref<64xf32, #tpu.memory_space<vmem>>
      %dma_start3A_336 = arith.constant 0 : i32
      %dma_start3A_337 = tpu.memref_slice %arg3[%shift_right_arithmetic3A_326, %and3A_328, %dma_start3A_336] : memref<125000x8x64xf32, #tpu.memory_space<hbm>> -> memref<1x1x64xf32, #tpu.memory_space<hbm>>
      %dma_start3A_338 = tpu.memref_squeeze %dma_start3A_337 : memref<1x1x64xf32, #tpu.memory_space<hbm>> -> memref<64xf32, #tpu.memory_space<hbm>>
      %dma_start3A_339 = arith.constant 0 : i32
      %dma_start3A_340 = tpu.memref_slice %arg6[%add3A_332, %dma_start3A_339] : memref<256x64xf32, #tpu.memory_space<vmem>> -> memref<1x64xf32, #tpu.memory_space<vmem>>
      %dma_start3A_341 = tpu.memref_squeeze %dma_start3A_340 : memref<1x64xf32, #tpu.memory_space<vmem>> -> memref<64xf32, #tpu.memory_space<vmem>>
      %dma_start3A_342 = arith.constant 0 : i32
      %dma_start3A_343 = tpu.memref_slice %arg3[%shift_right_arithmetic3A_326, %and3A_328, %dma_start3A_342] : memref<125000x8x64xf32, #tpu.memory_space<hbm>> -> memref<1x1x64xf32, #tpu.memory_space<hbm>>
      %dma_start3A_344 = tpu.memref_squeeze %dma_start3A_343 : memref<1x1x64xf32, #tpu.memory_space<hbm>> -> memref<64xf32, #tpu.memory_space<hbm>>
      tpu.enqueue_dma source(%dma_start3A_344 : memref<64xf32, #tpu.memory_space<hbm>>) target(%dma_start3A_341 : memref<64xf32, #tpu.memory_space<vmem>>) target_semaphore(%arg10 : memref<!tpu.dma_semaphore, #tpu.memory_space<semaphore_mem>>)
      %slice3A_345 = vector.extract_strided_slice %get3A_63 {offsets = [6], sizes = [1], strides = [1]} : vector<16xi32> to vector<1xi32>
      %squeeze3A_346 = vector.extract %slice3A_345[0] : i32 from vector<1xi32>
      %shift_right_arithmetic3A_347 = arith.constant 3 : i32
      %shift_right_arithmetic3A_348 = arith.shrsi %squeeze3A_346, %shift_right_arithmetic3A_347 : i32
      %and3A_349 = arith.constant 7 : i32
      %and3A_350 = arith.andi %squeeze3A_346, %and3A_349 : i32
      %mul3A_351 = arith.constant 16 : i32
      %mul3A_352 = arith.muli %scan3A_47, %mul3A_351 : i32
      %add3A_353 = arith.constant 6 : i32
      %add3A_354 = arith.addi %mul3A_352, %add3A_353 : i32
      %dma_start3A_355 = arith.constant 0 : i32
      %dma_start3A_356 = tpu.memref_slice %arg7[%add3A_354, %dma_start3A_355] : memref<256x64xf32, #tpu.memory_space<vmem>> -> memref<1x64xf32, #tpu.memory_space<vmem>>
      %dma_start3A_357 = tpu.memref_squeeze %dma_start3A_356 : memref<1x64xf32, #tpu.memory_space<vmem>> -> memref<64xf32, #tpu.memory_space<vmem>>
      %dma_start3A_358 = arith.constant 0 : i32
      %dma_start3A_359 = tpu.memref_slice %arg3[%shift_right_arithmetic3A_348, %and3A_350, %dma_start3A_358] : memref<125000x8x64xf32, #tpu.memory_space<hbm>> -> memref<1x1x64xf32, #tpu.memory_space<hbm>>
      %dma_start3A_360 = tpu.memref_squeeze %dma_start3A_359 : memref<1x1x64xf32, #tpu.memory_space<hbm>> -> memref<64xf32, #tpu.memory_space<hbm>>
      %dma_start3A_361 = arith.constant 0 : i32
      %dma_start3A_362 = tpu.memref_slice %arg7[%add3A_354, %dma_start3A_361] : memref<256x64xf32, #tpu.memory_space<vmem>> -> memref<1x64xf32, #tpu.memory_space<vmem>>
      %dma_start3A_363 = tpu.memref_squeeze %dma_start3A_362 : memref<1x64xf32, #tpu.memory_space<vmem>> -> memref<64xf32, #tpu.memory_space<vmem>>
      %dma_start3A_364 = arith.constant 0 : i32
      %dma_start3A_365 = tpu.memref_slice %arg3[%shift_right_arithmetic3A_348, %and3A_350, %dma_start3A_364] : memref<125000x8x64xf32, #tpu.memory_space<hbm>> -> memref<1x1x64xf32, #tpu.memory_space<hbm>>
      %dma_start3A_366 = tpu.memref_squeeze %dma_start3A_365 : memref<1x1x64xf32, #tpu.memory_space<hbm>> -> memref<64xf32, #tpu.memory_space<hbm>>
      tpu.enqueue_dma source(%dma_start3A_366 : memref<64xf32, #tpu.memory_space<hbm>>) target(%dma_start3A_363 : memref<64xf32, #tpu.memory_space<vmem>>) target_semaphore(%arg10 : memref<!tpu.dma_semaphore, #tpu.memory_space<semaphore_mem>>)
      %slice3A_367 = vector.extract_strided_slice %get3A_55 {offsets = [7], sizes = [1], strides = [1]} : vector<16xi32> to vector<1xi32>
      %squeeze3A_368 = vector.extract %slice3A_367[0] : i32 from vector<1xi32>
      %shift_right_arithmetic3A_369 = arith.constant 3 : i32
      %shift_right_arithmetic3A_370 = arith.shrsi %squeeze3A_368, %shift_right_arithmetic3A_369 : i32
      %and3A_371 = arith.constant 7 : i32
      %and3A_372 = arith.andi %squeeze3A_368, %and3A_371 : i32
      %mul3A_373 = arith.constant 16 : i32
      %mul3A_374 = arith.muli %scan3A_47, %mul3A_373 : i32
      %add3A_375 = arith.constant 7 : i32
      %add3A_376 = arith.addi %mul3A_374, %add3A_375 : i32
      %dma_start3A_377 = arith.constant 0 : i32
      %dma_start3A_378 = tpu.memref_slice %arg6[%add3A_376, %dma_start3A_377] : memref<256x64xf32, #tpu.memory_space<vmem>> -> memref<1x64xf32, #tpu.memory_space<vmem>>
      %dma_start3A_379 = tpu.memref_squeeze %dma_start3A_378 : memref<1x64xf32, #tpu.memory_space<vmem>> -> memref<64xf32, #tpu.memory_space<vmem>>
      %dma_start3A_380 = arith.constant 0 : i32
      %dma_start3A_381 = tpu.memref_slice %arg3[%shift_right_arithmetic3A_370, %and3A_372, %dma_start3A_380] : memref<125000x8x64xf32, #tpu.memory_space<hbm>> -> memref<1x1x64xf32, #tpu.memory_space<hbm>>
      %dma_start3A_382 = tpu.memref_squeeze %dma_start3A_381 : memref<1x1x64xf32, #tpu.memory_space<hbm>> -> memref<64xf32, #tpu.memory_space<hbm>>
      %dma_start3A_383 = arith.constant 0 : i32
      %dma_start3A_384 = tpu.memref_slice %arg6[%add3A_376, %dma_start3A_383] : memref<256x64xf32, #tpu.memory_space<vmem>> -> memref<1x64xf32, #tpu.memory_space<vmem>>
      %dma_start3A_385 = tpu.memref_squeeze %dma_start3A_384 : memref<1x64xf32, #tpu.memory_space<vmem>> -> memref<64xf32, #tpu.memory_space<vmem>>
      %dma_start3A_386 = arith.constant 0 : i32
      %dma_start3A_387 = tpu.memref_slice %arg3[%shift_right_arithmetic3A_370, %and3A_372, %dma_start3A_386] : memref<125000x8x64xf32, #tpu.memory_space<hbm>> -> memref<1x1x64xf32, #tpu.memory_space<hbm>>
      %dma_start3A_388 = tpu.memref_squeeze %dma_start3A_387 : memref<1x1x64xf32, #tpu.memory_space<hbm>> -> memref<64xf32, #tpu.memory_space<hbm>>
      tpu.enqueue_dma source(%dma_start3A_388 : memref<64xf32, #tpu.memory_space<hbm>>) target(%dma_start3A_385 : memref<64xf32, #tpu.memory_space<vmem>>) target_semaphore(%arg10 : memref<!tpu.dma_semaphore, #tpu.memory_space<semaphore_mem>>)
      %slice3A_389 = vector.extract_strided_slice %get3A_63 {offsets = [7], sizes = [1], strides = [1]} : vector<16xi32> to vector<1xi32>
      %squeeze3A_390 = vector.extract %slice3A_389[0] : i32 from vector<1xi32>
      %shift_right_arithmetic3A_391 = arith.constant 3 : i32
      %shift_right_arithmetic3A_392 = arith.shrsi %squeeze3A_390, %shift_right_arithmetic3A_391 : i32
      %and3A_393 = arith.constant 7 : i32
      %and3A_394 = arith.andi %squeeze3A_390, %and3A_393 : i32
      %mul3A_395 = arith.constant 16 : i32
      %mul3A_396 = arith.muli %scan3A_47, %mul3A_395 : i32
      %add3A_397 = arith.constant 7 : i32
      %add3A_398 = arith.addi %mul3A_396, %add3A_397 : i32
      %dma_start3A_399 = arith.constant 0 : i32
      %dma_start3A_400 = tpu.memref_slice %arg7[%add3A_398, %dma_start3A_399] : memref<256x64xf32, #tpu.memory_space<vmem>> -> memref<1x64xf32, #tpu.memory_space<vmem>>
      %dma_start3A_401 = tpu.memref_squeeze %dma_start3A_400 : memref<1x64xf32, #tpu.memory_space<vmem>> -> memref<64xf32, #tpu.memory_space<vmem>>
      %dma_start3A_402 = arith.constant 0 : i32
      %dma_start3A_403 = tpu.memref_slice %arg3[%shift_right_arithmetic3A_392, %and3A_394, %dma_start3A_402] : memref<125000x8x64xf32, #tpu.memory_space<hbm>> -> memref<1x1x64xf32, #tpu.memory_space<hbm>>
      %dma_start3A_404 = tpu.memref_squeeze %dma_start3A_403 : memref<1x1x64xf32, #tpu.memory_space<hbm>> -> memref<64xf32, #tpu.memory_space<hbm>>
      %dma_start3A_405 = arith.constant 0 : i32
      %dma_start3A_406 = tpu.memref_slice %arg7[%add3A_398, %dma_start3A_405] : memref<256x64xf32, #tpu.memory_space<vmem>> -> memref<1x64xf32, #tpu.memory_space<vmem>>
      %dma_start3A_407 = tpu.memref_squeeze %dma_start3A_406 : memref<1x64xf32, #tpu.memory_space<vmem>> -> memref<64xf32, #tpu.memory_space<vmem>>
      %dma_start3A_408 = arith.constant 0 : i32
      %dma_start3A_409 = tpu.memref_slice %arg3[%shift_right_arithmetic3A_392, %and3A_394, %dma_start3A_408] : memref<125000x8x64xf32, #tpu.memory_space<hbm>> -> memref<1x1x64xf32, #tpu.memory_space<hbm>>
      %dma_start3A_410 = tpu.memref_squeeze %dma_start3A_409 : memref<1x1x64xf32, #tpu.memory_space<hbm>> -> memref<64xf32, #tpu.memory_space<hbm>>
      tpu.enqueue_dma source(%dma_start3A_410 : memref<64xf32, #tpu.memory_space<hbm>>) target(%dma_start3A_407 : memref<64xf32, #tpu.memory_space<vmem>>) target_semaphore(%arg10 : memref<!tpu.dma_semaphore, #tpu.memory_space<semaphore_mem>>)
      %slice3A_411 = vector.extract_strided_slice %get3A_55 {offsets = [8], sizes = [1], strides = [1]} : vector<16xi32> to vector<1xi32>
      %squeeze3A_412 = vector.extract %slice3A_411[0] : i32 from vector<1xi32>
      %shift_right_arithmetic3A_413 = arith.constant 3 : i32
      %shift_right_arithmetic3A_414 = arith.shrsi %squeeze3A_412, %shift_right_arithmetic3A_413 : i32
      %and3A_415 = arith.constant 7 : i32
      %and3A_416 = arith.andi %squeeze3A_412, %and3A_415 : i32
      %mul3A_417 = arith.constant 16 : i32
      %mul3A_418 = arith.muli %scan3A_47, %mul3A_417 : i32
      %add3A_419 = arith.constant 8 : i32
      %add3A_420 = arith.addi %mul3A_418, %add3A_419 : i32
      %dma_start3A_421 = arith.constant 0 : i32
      %dma_start3A_422 = tpu.memref_slice %arg6[%add3A_420, %dma_start3A_421] : memref<256x64xf32, #tpu.memory_space<vmem>> -> memref<1x64xf32, #tpu.memory_space<vmem>>
      %dma_start3A_423 = tpu.memref_squeeze %dma_start3A_422 : memref<1x64xf32, #tpu.memory_space<vmem>> -> memref<64xf32, #tpu.memory_space<vmem>>
      %dma_start3A_424 = arith.constant 0 : i32
      %dma_start3A_425 = tpu.memref_slice %arg3[%shift_right_arithmetic3A_414, %and3A_416, %dma_start3A_424] : memref<125000x8x64xf32, #tpu.memory_space<hbm>> -> memref<1x1x64xf32, #tpu.memory_space<hbm>>
      %dma_start3A_426 = tpu.memref_squeeze %dma_start3A_425 : memref<1x1x64xf32, #tpu.memory_space<hbm>> -> memref<64xf32, #tpu.memory_space<hbm>>
      %dma_start3A_427 = arith.constant 0 : i32
      %dma_start3A_428 = tpu.memref_slice %arg6[%add3A_420, %dma_start3A_427] : memref<256x64xf32, #tpu.memory_space<vmem>> -> memref<1x64xf32, #tpu.memory_space<vmem>>
      %dma_start3A_429 = tpu.memref_squeeze %dma_start3A_428 : memref<1x64xf32, #tpu.memory_space<vmem>> -> memref<64xf32, #tpu.memory_space<vmem>>
      %dma_start3A_430 = arith.constant 0 : i32
      %dma_start3A_431 = tpu.memref_slice %arg3[%shift_right_arithmetic3A_414, %and3A_416, %dma_start3A_430] : memref<125000x8x64xf32, #tpu.memory_space<hbm>> -> memref<1x1x64xf32, #tpu.memory_space<hbm>>
      %dma_start3A_432 = tpu.memref_squeeze %dma_start3A_431 : memref<1x1x64xf32, #tpu.memory_space<hbm>> -> memref<64xf32, #tpu.memory_space<hbm>>
      tpu.enqueue_dma source(%dma_start3A_432 : memref<64xf32, #tpu.memory_space<hbm>>) target(%dma_start3A_429 : memref<64xf32, #tpu.memory_space<vmem>>) target_semaphore(%arg10 : memref<!tpu.dma_semaphore, #tpu.memory_space<semaphore_mem>>)
      %slice3A_433 = vector.extract_strided_slice %get3A_63 {offsets = [8], sizes = [1], strides = [1]} : vector<16xi32> to vector<1xi32>
      %squeeze3A_434 = vector.extract %slice3A_433[0] : i32 from vector<1xi32>
      %shift_right_arithmetic3A_435 = arith.constant 3 : i32
      %shift_right_arithmetic3A_436 = arith.shrsi %squeeze3A_434, %shift_right_arithmetic3A_435 : i32
      %and3A_437 = arith.constant 7 : i32
      %and3A_438 = arith.andi %squeeze3A_434, %and3A_437 : i32
      %mul3A_439 = arith.constant 16 : i32
      %mul3A_440 = arith.muli %scan3A_47, %mul3A_439 : i32
      %add3A_441 = arith.constant 8 : i32
      %add3A_442 = arith.addi %mul3A_440, %add3A_441 : i32
      %dma_start3A_443 = arith.constant 0 : i32
      %dma_start3A_444 = tpu.memref_slice %arg7[%add3A_442, %dma_start3A_443] : memref<256x64xf32, #tpu.memory_space<vmem>> -> memref<1x64xf32, #tpu.memory_space<vmem>>
      %dma_start3A_445 = tpu.memref_squeeze %dma_start3A_444 : memref<1x64xf32, #tpu.memory_space<vmem>> -> memref<64xf32, #tpu.memory_space<vmem>>
      %dma_start3A_446 = arith.constant 0 : i32
      %dma_start3A_447 = tpu.memref_slice %arg3[%shift_right_arithmetic3A_436, %and3A_438, %dma_start3A_446] : memref<125000x8x64xf32, #tpu.memory_space<hbm>> -> memref<1x1x64xf32, #tpu.memory_space<hbm>>
      %dma_start3A_448 = tpu.memref_squeeze %dma_start3A_447 : memref<1x1x64xf32, #tpu.memory_space<hbm>> -> memref<64xf32, #tpu.memory_space<hbm>>
      %dma_start3A_449 = arith.constant 0 : i32
      %dma_start3A_450 = tpu.memref_slice %arg7[%add3A_442, %dma_start3A_449] : memref<256x64xf32, #tpu.memory_space<vmem>> -> memref<1x64xf32, #tpu.memory_space<vmem>>
      %dma_start3A_451 = tpu.memref_squeeze %dma_start3A_450 : memref<1x64xf32, #tpu.memory_space<vmem>> -> memref<64xf32, #tpu.memory_space<vmem>>
      %dma_start3A_452 = arith.constant 0 : i32
      %dma_start3A_453 = tpu.memref_slice %arg3[%shift_right_arithmetic3A_436, %and3A_438, %dma_start3A_452] : memref<125000x8x64xf32, #tpu.memory_space<hbm>> -> memref<1x1x64xf32, #tpu.memory_space<hbm>>
      %dma_start3A_454 = tpu.memref_squeeze %dma_start3A_453 : memref<1x1x64xf32, #tpu.memory_space<hbm>> -> memref<64xf32, #tpu.memory_space<hbm>>
      tpu.enqueue_dma source(%dma_start3A_454 : memref<64xf32, #tpu.memory_space<hbm>>) target(%dma_start3A_451 : memref<64xf32, #tpu.memory_space<vmem>>) target_semaphore(%arg10 : memref<!tpu.dma_semaphore, #tpu.memory_space<semaphore_mem>>)
      %slice3A_455 = vector.extract_strided_slice %get3A_55 {offsets = [9], sizes = [1], strides = [1]} : vector<16xi32> to vector<1xi32>
      %squeeze3A_456 = vector.extract %slice3A_455[0] : i32 from vector<1xi32>
      %shift_right_arithmetic3A_457 = arith.constant 3 : i32
      %shift_right_arithmetic3A_458 = arith.shrsi %squeeze3A_456, %shift_right_arithmetic3A_457 : i32
      %and3A_459 = arith.constant 7 : i32
      %and3A_460 = arith.andi %squeeze3A_456, %and3A_459 : i32
      %mul3A_461 = arith.constant 16 : i32
      %mul3A_462 = arith.muli %scan3A_47, %mul3A_461 : i32
      %add3A_463 = arith.constant 9 : i32
      %add3A_464 = arith.addi %mul3A_462, %add3A_463 : i32
      %dma_start3A_465 = arith.constant 0 : i32
      %dma_start3A_466 = tpu.memref_slice %arg6[%add3A_464, %dma_start3A_465] : memref<256x64xf32, #tpu.memory_space<vmem>> -> memref<1x64xf32, #tpu.memory_space<vmem>>
      %dma_start3A_467 = tpu.memref_squeeze %dma_start3A_466 : memref<1x64xf32, #tpu.memory_space<vmem>> -> memref<64xf32, #tpu.memory_space<vmem>>
      %dma_start3A_468 = arith.constant 0 : i32
      %dma_start3A_469 = tpu.memref_slice %arg3[%shift_right_arithmetic3A_458, %and3A_460, %dma_start3A_468] : memref<125000x8x64xf32, #tpu.memory_space<hbm>> -> memref<1x1x64xf32, #tpu.memory_space<hbm>>
      %dma_start3A_470 = tpu.memref_squeeze %dma_start3A_469 : memref<1x1x64xf32, #tpu.memory_space<hbm>> -> memref<64xf32, #tpu.memory_space<hbm>>
      %dma_start3A_471 = arith.constant 0 : i32
      %dma_start3A_472 = tpu.memref_slice %arg6[%add3A_464, %dma_start3A_471] : memref<256x64xf32, #tpu.memory_space<vmem>> -> memref<1x64xf32, #tpu.memory_space<vmem>>
      %dma_start3A_473 = tpu.memref_squeeze %dma_start3A_472 : memref<1x64xf32, #tpu.memory_space<vmem>> -> memref<64xf32, #tpu.memory_space<vmem>>
      %dma_start3A_474 = arith.constant 0 : i32
      %dma_start3A_475 = tpu.memref_slice %arg3[%shift_right_arithmetic3A_458, %and3A_460, %dma_start3A_474] : memref<125000x8x64xf32, #tpu.memory_space<hbm>> -> memref<1x1x64xf32, #tpu.memory_space<hbm>>
      %dma_start3A_476 = tpu.memref_squeeze %dma_start3A_475 : memref<1x1x64xf32, #tpu.memory_space<hbm>> -> memref<64xf32, #tpu.memory_space<hbm>>
      tpu.enqueue_dma source(%dma_start3A_476 : memref<64xf32, #tpu.memory_space<hbm>>) target(%dma_start3A_473 : memref<64xf32, #tpu.memory_space<vmem>>) target_semaphore(%arg10 : memref<!tpu.dma_semaphore, #tpu.memory_space<semaphore_mem>>)
      %slice3A_477 = vector.extract_strided_slice %get3A_63 {offsets = [9], sizes = [1], strides = [1]} : vector<16xi32> to vector<1xi32>
      %squeeze3A_478 = vector.extract %slice3A_477[0] : i32 from vector<1xi32>
      %shift_right_arithmetic3A_479 = arith.constant 3 : i32
      %shift_right_arithmetic3A_480 = arith.shrsi %squeeze3A_478, %shift_right_arithmetic3A_479 : i32
      %and3A_481 = arith.constant 7 : i32
      %and3A_482 = arith.andi %squeeze3A_478, %and3A_481 : i32
      %mul3A_483 = arith.constant 16 : i32
      %mul3A_484 = arith.muli %scan3A_47, %mul3A_483 : i32
      %add3A_485 = arith.constant 9 : i32
      %add3A_486 = arith.addi %mul3A_484, %add3A_485 : i32
      %dma_start3A_487 = arith.constant 0 : i32
      %dma_start3A_488 = tpu.memref_slice %arg7[%add3A_486, %dma_start3A_487] : memref<256x64xf32, #tpu.memory_space<vmem>> -> memref<1x64xf32, #tpu.memory_space<vmem>>
      %dma_start3A_489 = tpu.memref_squeeze %dma_start3A_488 : memref<1x64xf32, #tpu.memory_space<vmem>> -> memref<64xf32, #tpu.memory_space<vmem>>
      %dma_start3A_490 = arith.constant 0 : i32
      %dma_start3A_491 = tpu.memref_slice %arg3[%shift_right_arithmetic3A_480, %and3A_482, %dma_start3A_490] : memref<125000x8x64xf32, #tpu.memory_space<hbm>> -> memref<1x1x64xf32, #tpu.memory_space<hbm>>
      %dma_start3A_492 = tpu.memref_squeeze %dma_start3A_491 : memref<1x1x64xf32, #tpu.memory_space<hbm>> -> memref<64xf32, #tpu.memory_space<hbm>>
      %dma_start3A_493 = arith.constant 0 : i32
      %dma_start3A_494 = tpu.memref_slice %arg7[%add3A_486, %dma_start3A_493] : memref<256x64xf32, #tpu.memory_space<vmem>> -> memref<1x64xf32, #tpu.memory_space<vmem>>
      %dma_start3A_495 = tpu.memref_squeeze %dma_start3A_494 : memref<1x64xf32, #tpu.memory_space<vmem>> -> memref<64xf32, #tpu.memory_space<vmem>>
      %dma_start3A_496 = arith.constant 0 : i32
      %dma_start3A_497 = tpu.memref_slice %arg3[%shift_right_arithmetic3A_480, %and3A_482, %dma_start3A_496] : memref<125000x8x64xf32, #tpu.memory_space<hbm>> -> memref<1x1x64xf32, #tpu.memory_space<hbm>>
      %dma_start3A_498 = tpu.memref_squeeze %dma_start3A_497 : memref<1x1x64xf32, #tpu.memory_space<hbm>> -> memref<64xf32, #tpu.memory_space<hbm>>
      tpu.enqueue_dma source(%dma_start3A_498 : memref<64xf32, #tpu.memory_space<hbm>>) target(%dma_start3A_495 : memref<64xf32, #tpu.memory_space<vmem>>) target_semaphore(%arg10 : memref<!tpu.dma_semaphore, #tpu.memory_space<semaphore_mem>>)
      %slice3A_499 = vector.extract_strided_slice %get3A_55 {offsets = [10], sizes = [1], strides = [1]} : vector<16xi32> to vector<1xi32>
      %squeeze3A_500 = vector.extract %slice3A_499[0] : i32 from vector<1xi32>
      %shift_right_arithmetic3A_501 = arith.constant 3 : i32
      %shift_right_arithmetic3A_502 = arith.shrsi %squeeze3A_500, %shift_right_arithmetic3A_501 : i32
      %and3A_503 = arith.constant 7 : i32
      %and3A_504 = arith.andi %squeeze3A_500, %and3A_503 : i32
      %mul3A_505 = arith.constant 16 : i32
      %mul3A_506 = arith.muli %scan3A_47, %mul3A_505 : i32
      %add3A_507 = arith.constant 10 : i32
      %add3A_508 = arith.addi %mul3A_506, %add3A_507 : i32
      %dma_start3A_509 = arith.constant 0 : i32
      %dma_start3A_510 = tpu.memref_slice %arg6[%add3A_508, %dma_start3A_509] : memref<256x64xf32, #tpu.memory_space<vmem>> -> memref<1x64xf32, #tpu.memory_space<vmem>>
      %dma_start3A_511 = tpu.memref_squeeze %dma_start3A_510 : memref<1x64xf32, #tpu.memory_space<vmem>> -> memref<64xf32, #tpu.memory_space<vmem>>
      %dma_start3A_512 = arith.constant 0 : i32
      %dma_start3A_513 = tpu.memref_slice %arg3[%shift_right_arithmetic3A_502, %and3A_504, %dma_start3A_512] : memref<125000x8x64xf32, #tpu.memory_space<hbm>> -> memref<1x1x64xf32, #tpu.memory_space<hbm>>
      %dma_start3A_514 = tpu.memref_squeeze %dma_start3A_513 : memref<1x1x64xf32, #tpu.memory_space<hbm>> -> memref<64xf32, #tpu.memory_space<hbm>>
      %dma_start3A_515 = arith.constant 0 : i32
      %dma_start3A_516 = tpu.memref_slice %arg6[%add3A_508, %dma_start3A_515] : memref<256x64xf32, #tpu.memory_space<vmem>> -> memref<1x64xf32, #tpu.memory_space<vmem>>
      %dma_start3A_517 = tpu.memref_squeeze %dma_start3A_516 : memref<1x64xf32, #tpu.memory_space<vmem>> -> memref<64xf32, #tpu.memory_space<vmem>>
      %dma_start3A_518 = arith.constant 0 : i32
      %dma_start3A_519 = tpu.memref_slice %arg3[%shift_right_arithmetic3A_502, %and3A_504, %dma_start3A_518] : memref<125000x8x64xf32, #tpu.memory_space<hbm>> -> memref<1x1x64xf32, #tpu.memory_space<hbm>>
      %dma_start3A_520 = tpu.memref_squeeze %dma_start3A_519 : memref<1x1x64xf32, #tpu.memory_space<hbm>> -> memref<64xf32, #tpu.memory_space<hbm>>
      tpu.enqueue_dma source(%dma_start3A_520 : memref<64xf32, #tpu.memory_space<hbm>>) target(%dma_start3A_517 : memref<64xf32, #tpu.memory_space<vmem>>) target_semaphore(%arg10 : memref<!tpu.dma_semaphore, #tpu.memory_space<semaphore_mem>>)
      %slice3A_521 = vector.extract_strided_slice %get3A_63 {offsets = [10], sizes = [1], strides = [1]} : vector<16xi32> to vector<1xi32>
      %squeeze3A_522 = vector.extract %slice3A_521[0] : i32 from vector<1xi32>
      %shift_right_arithmetic3A_523 = arith.constant 3 : i32
      %shift_right_arithmetic3A_524 = arith.shrsi %squeeze3A_522, %shift_right_arithmetic3A_523 : i32
      %and3A_525 = arith.constant 7 : i32
      %and3A_526 = arith.andi %squeeze3A_522, %and3A_525 : i32
      %mul3A_527 = arith.constant 16 : i32
      %mul3A_528 = arith.muli %scan3A_47, %mul3A_527 : i32
      %add3A_529 = arith.constant 10 : i32
      %add3A_530 = arith.addi %mul3A_528, %add3A_529 : i32
      %dma_start3A_531 = arith.constant 0 : i32
      %dma_start3A_532 = tpu.memref_slice %arg7[%add3A_530, %dma_start3A_531] : memref<256x64xf32, #tpu.memory_space<vmem>> -> memref<1x64xf32, #tpu.memory_space<vmem>>
      %dma_start3A_533 = tpu.memref_squeeze %dma_start3A_532 : memref<1x64xf32, #tpu.memory_space<vmem>> -> memref<64xf32, #tpu.memory_space<vmem>>
      %dma_start3A_534 = arith.constant 0 : i32
      %dma_start3A_535 = tpu.memref_slice %arg3[%shift_right_arithmetic3A_524, %and3A_526, %dma_start3A_534] : memref<125000x8x64xf32, #tpu.memory_space<hbm>> -> memref<1x1x64xf32, #tpu.memory_space<hbm>>
      %dma_start3A_536 = tpu.memref_squeeze %dma_start3A_535 : memref<1x1x64xf32, #tpu.memory_space<hbm>> -> memref<64xf32, #tpu.memory_space<hbm>>
      %dma_start3A_537 = arith.constant 0 : i32
      %dma_start3A_538 = tpu.memref_slice %arg7[%add3A_530, %dma_start3A_537] : memref<256x64xf32, #tpu.memory_space<vmem>> -> memref<1x64xf32, #tpu.memory_space<vmem>>
      %dma_start3A_539 = tpu.memref_squeeze %dma_start3A_538 : memref<1x64xf32, #tpu.memory_space<vmem>> -> memref<64xf32, #tpu.memory_space<vmem>>
      %dma_start3A_540 = arith.constant 0 : i32
      %dma_start3A_541 = tpu.memref_slice %arg3[%shift_right_arithmetic3A_524, %and3A_526, %dma_start3A_540] : memref<125000x8x64xf32, #tpu.memory_space<hbm>> -> memref<1x1x64xf32, #tpu.memory_space<hbm>>
      %dma_start3A_542 = tpu.memref_squeeze %dma_start3A_541 : memref<1x1x64xf32, #tpu.memory_space<hbm>> -> memref<64xf32, #tpu.memory_space<hbm>>
      tpu.enqueue_dma source(%dma_start3A_542 : memref<64xf32, #tpu.memory_space<hbm>>) target(%dma_start3A_539 : memref<64xf32, #tpu.memory_space<vmem>>) target_semaphore(%arg10 : memref<!tpu.dma_semaphore, #tpu.memory_space<semaphore_mem>>)
      %slice3A_543 = vector.extract_strided_slice %get3A_55 {offsets = [11], sizes = [1], strides = [1]} : vector<16xi32> to vector<1xi32>
      %squeeze3A_544 = vector.extract %slice3A_543[0] : i32 from vector<1xi32>
      %shift_right_arithmetic3A_545 = arith.constant 3 : i32
      %shift_right_arithmetic3A_546 = arith.shrsi %squeeze3A_544, %shift_right_arithmetic3A_545 : i32
      %and3A_547 = arith.constant 7 : i32
      %and3A_548 = arith.andi %squeeze3A_544, %and3A_547 : i32
      %mul3A_549 = arith.constant 16 : i32
      %mul3A_550 = arith.muli %scan3A_47, %mul3A_549 : i32
      %add3A_551 = arith.constant 11 : i32
      %add3A_552 = arith.addi %mul3A_550, %add3A_551 : i32
      %dma_start3A_553 = arith.constant 0 : i32
      %dma_start3A_554 = tpu.memref_slice %arg6[%add3A_552, %dma_start3A_553] : memref<256x64xf32, #tpu.memory_space<vmem>> -> memref<1x64xf32, #tpu.memory_space<vmem>>
      %dma_start3A_555 = tpu.memref_squeeze %dma_start3A_554 : memref<1x64xf32, #tpu.memory_space<vmem>> -> memref<64xf32, #tpu.memory_space<vmem>>
      %dma_start3A_556 = arith.constant 0 : i32
      %dma_start3A_557 = tpu.memref_slice %arg3[%shift_right_arithmetic3A_546, %and3A_548, %dma_start3A_556] : memref<125000x8x64xf32, #tpu.memory_space<hbm>> -> memref<1x1x64xf32, #tpu.memory_space<hbm>>
      %dma_start3A_558 = tpu.memref_squeeze %dma_start3A_557 : memref<1x1x64xf32, #tpu.memory_space<hbm>> -> memref<64xf32, #tpu.memory_space<hbm>>
      %dma_start3A_559 = arith.constant 0 : i32
      %dma_start3A_560 = tpu.memref_slice %arg6[%add3A_552, %dma_start3A_559] : memref<256x64xf32, #tpu.memory_space<vmem>> -> memref<1x64xf32, #tpu.memory_space<vmem>>
      %dma_start3A_561 = tpu.memref_squeeze %dma_start3A_560 : memref<1x64xf32, #tpu.memory_space<vmem>> -> memref<64xf32, #tpu.memory_space<vmem>>
      %dma_start3A_562 = arith.constant 0 : i32
      %dma_start3A_563 = tpu.memref_slice %arg3[%shift_right_arithmetic3A_546, %and3A_548, %dma_start3A_562] : memref<125000x8x64xf32, #tpu.memory_space<hbm>> -> memref<1x1x64xf32, #tpu.memory_space<hbm>>
      %dma_start3A_564 = tpu.memref_squeeze %dma_start3A_563 : memref<1x1x64xf32, #tpu.memory_space<hbm>> -> memref<64xf32, #tpu.memory_space<hbm>>
      tpu.enqueue_dma source(%dma_start3A_564 : memref<64xf32, #tpu.memory_space<hbm>>) target(%dma_start3A_561 : memref<64xf32, #tpu.memory_space<vmem>>) target_semaphore(%arg10 : memref<!tpu.dma_semaphore, #tpu.memory_space<semaphore_mem>>)
      %slice3A_565 = vector.extract_strided_slice %get3A_63 {offsets = [11], sizes = [1], strides = [1]} : vector<16xi32> to vector<1xi32>
      %squeeze3A_566 = vector.extract %slice3A_565[0] : i32 from vector<1xi32>
      %shift_right_arithmetic3A_567 = arith.constant 3 : i32
      %shift_right_arithmetic3A_568 = arith.shrsi %squeeze3A_566, %shift_right_arithmetic3A_567 : i32
      %and3A_569 = arith.constant 7 : i32
      %and3A_570 = arith.andi %squeeze3A_566, %and3A_569 : i32
      %mul3A_571 = arith.constant 16 : i32
      %mul3A_572 = arith.muli %scan3A_47, %mul3A_571 : i32
      %add3A_573 = arith.constant 11 : i32
      %add3A_574 = arith.addi %mul3A_572, %add3A_573 : i32
      %dma_start3A_575 = arith.constant 0 : i32
      %dma_start3A_576 = tpu.memref_slice %arg7[%add3A_574, %dma_start3A_575] : memref<256x64xf32, #tpu.memory_space<vmem>> -> memref<1x64xf32, #tpu.memory_space<vmem>>
      %dma_start3A_577 = tpu.memref_squeeze %dma_start3A_576 : memref<1x64xf32, #tpu.memory_space<vmem>> -> memref<64xf32, #tpu.memory_space<vmem>>
      %dma_start3A_578 = arith.constant 0 : i32
      %dma_start3A_579 = tpu.memref_slice %arg3[%shift_right_arithmetic3A_568, %and3A_570, %dma_start3A_578] : memref<125000x8x64xf32, #tpu.memory_space<hbm>> -> memref<1x1x64xf32, #tpu.memory_space<hbm>>
      %dma_start3A_580 = tpu.memref_squeeze %dma_start3A_579 : memref<1x1x64xf32, #tpu.memory_space<hbm>> -> memref<64xf32, #tpu.memory_space<hbm>>
      %dma_start3A_581 = arith.constant 0 : i32
      %dma_start3A_582 = tpu.memref_slice %arg7[%add3A_574, %dma_start3A_581] : memref<256x64xf32, #tpu.memory_space<vmem>> -> memref<1x64xf32, #tpu.memory_space<vmem>>
      %dma_start3A_583 = tpu.memref_squeeze %dma_start3A_582 : memref<1x64xf32, #tpu.memory_space<vmem>> -> memref<64xf32, #tpu.memory_space<vmem>>
      %dma_start3A_584 = arith.constant 0 : i32
      %dma_start3A_585 = tpu.memref_slice %arg3[%shift_right_arithmetic3A_568, %and3A_570, %dma_start3A_584] : memref<125000x8x64xf32, #tpu.memory_space<hbm>> -> memref<1x1x64xf32, #tpu.memory_space<hbm>>
      %dma_start3A_586 = tpu.memref_squeeze %dma_start3A_585 : memref<1x1x64xf32, #tpu.memory_space<hbm>> -> memref<64xf32, #tpu.memory_space<hbm>>
      tpu.enqueue_dma source(%dma_start3A_586 : memref<64xf32, #tpu.memory_space<hbm>>) target(%dma_start3A_583 : memref<64xf32, #tpu.memory_space<vmem>>) target_semaphore(%arg10 : memref<!tpu.dma_semaphore, #tpu.memory_space<semaphore_mem>>)
      %slice3A_587 = vector.extract_strided_slice %get3A_55 {offsets = [12], sizes = [1], strides = [1]} : vector<16xi32> to vector<1xi32>
      %squeeze3A_588 = vector.extract %slice3A_587[0] : i32 from vector<1xi32>
      %shift_right_arithmetic3A_589 = arith.constant 3 : i32
      %shift_right_arithmetic3A_590 = arith.shrsi %squeeze3A_588, %shift_right_arithmetic3A_589 : i32
      %and3A_591 = arith.constant 7 : i32
      %and3A_592 = arith.andi %squeeze3A_588, %and3A_591 : i32
      %mul3A_593 = arith.constant 16 : i32
      %mul3A_594 = arith.muli %scan3A_47, %mul3A_593 : i32
      %add3A_595 = arith.constant 12 : i32
      %add3A_596 = arith.addi %mul3A_594, %add3A_595 : i32
      %dma_start3A_597 = arith.constant 0 : i32
      %dma_start3A_598 = tpu.memref_slice %arg6[%add3A_596, %dma_start3A_597] : memref<256x64xf32, #tpu.memory_space<vmem>> -> memref<1x64xf32, #tpu.memory_space<vmem>>
      %dma_start3A_599 = tpu.memref_squeeze %dma_start3A_598 : memref<1x64xf32, #tpu.memory_space<vmem>> -> memref<64xf32, #tpu.memory_space<vmem>>
      %dma_start3A_600 = arith.constant 0 : i32
      %dma_start3A_601 = tpu.memref_slice %arg3[%shift_right_arithmetic3A_590, %and3A_592, %dma_start3A_600] : memref<125000x8x64xf32, #tpu.memory_space<hbm>> -> memref<1x1x64xf32, #tpu.memory_space<hbm>>
      %dma_start3A_602 = tpu.memref_squeeze %dma_start3A_601 : memref<1x1x64xf32, #tpu.memory_space<hbm>> -> memref<64xf32, #tpu.memory_space<hbm>>
      %dma_start3A_603 = arith.constant 0 : i32
      %dma_start3A_604 = tpu.memref_slice %arg6[%add3A_596, %dma_start3A_603] : memref<256x64xf32, #tpu.memory_space<vmem>> -> memref<1x64xf32, #tpu.memory_space<vmem>>
      %dma_start3A_605 = tpu.memref_squeeze %dma_start3A_604 : memref<1x64xf32, #tpu.memory_space<vmem>> -> memref<64xf32, #tpu.memory_space<vmem>>
      %dma_start3A_606 = arith.constant 0 : i32
      %dma_start3A_607 = tpu.memref_slice %arg3[%shift_right_arithmetic3A_590, %and3A_592, %dma_start3A_606] : memref<125000x8x64xf32, #tpu.memory_space<hbm>> -> memref<1x1x64xf32, #tpu.memory_space<hbm>>
      %dma_start3A_608 = tpu.memref_squeeze %dma_start3A_607 : memref<1x1x64xf32, #tpu.memory_space<hbm>> -> memref<64xf32, #tpu.memory_space<hbm>>
      tpu.enqueue_dma source(%dma_start3A_608 : memref<64xf32, #tpu.memory_space<hbm>>) target(%dma_start3A_605 : memref<64xf32, #tpu.memory_space<vmem>>) target_semaphore(%arg10 : memref<!tpu.dma_semaphore, #tpu.memory_space<semaphore_mem>>)
      %slice3A_609 = vector.extract_strided_slice %get3A_63 {offsets = [12], sizes = [1], strides = [1]} : vector<16xi32> to vector<1xi32>
      %squeeze3A_610 = vector.extract %slice3A_609[0] : i32 from vector<1xi32>
      %shift_right_arithmetic3A_611 = arith.constant 3 : i32
      %shift_right_arithmetic3A_612 = arith.shrsi %squeeze3A_610, %shift_right_arithmetic3A_611 : i32
      %and3A_613 = arith.constant 7 : i32
      %and3A_614 = arith.andi %squeeze3A_610, %and3A_613 : i32
      %mul3A_615 = arith.constant 16 : i32
      %mul3A_616 = arith.muli %scan3A_47, %mul3A_615 : i32
      %add3A_617 = arith.constant 12 : i32
      %add3A_618 = arith.addi %mul3A_616, %add3A_617 : i32
      %dma_start3A_619 = arith.constant 0 : i32
      %dma_start3A_620 = tpu.memref_slice %arg7[%add3A_618, %dma_start3A_619] : memref<256x64xf32, #tpu.memory_space<vmem>> -> memref<1x64xf32, #tpu.memory_space<vmem>>
      %dma_start3A_621 = tpu.memref_squeeze %dma_start3A_620 : memref<1x64xf32, #tpu.memory_space<vmem>> -> memref<64xf32, #tpu.memory_space<vmem>>
      %dma_start3A_622 = arith.constant 0 : i32
      %dma_start3A_623 = tpu.memref_slice %arg3[%shift_right_arithmetic3A_612, %and3A_614, %dma_start3A_622] : memref<125000x8x64xf32, #tpu.memory_space<hbm>> -> memref<1x1x64xf32, #tpu.memory_space<hbm>>
      %dma_start3A_624 = tpu.memref_squeeze %dma_start3A_623 : memref<1x1x64xf32, #tpu.memory_space<hbm>> -> memref<64xf32, #tpu.memory_space<hbm>>
      %dma_start3A_625 = arith.constant 0 : i32
      %dma_start3A_626 = tpu.memref_slice %arg7[%add3A_618, %dma_start3A_625] : memref<256x64xf32, #tpu.memory_space<vmem>> -> memref<1x64xf32, #tpu.memory_space<vmem>>
      %dma_start3A_627 = tpu.memref_squeeze %dma_start3A_626 : memref<1x64xf32, #tpu.memory_space<vmem>> -> memref<64xf32, #tpu.memory_space<vmem>>
      %dma_start3A_628 = arith.constant 0 : i32
      %dma_start3A_629 = tpu.memref_slice %arg3[%shift_right_arithmetic3A_612, %and3A_614, %dma_start3A_628] : memref<125000x8x64xf32, #tpu.memory_space<hbm>> -> memref<1x1x64xf32, #tpu.memory_space<hbm>>
      %dma_start3A_630 = tpu.memref_squeeze %dma_start3A_629 : memref<1x1x64xf32, #tpu.memory_space<hbm>> -> memref<64xf32, #tpu.memory_space<hbm>>
      tpu.enqueue_dma source(%dma_start3A_630 : memref<64xf32, #tpu.memory_space<hbm>>) target(%dma_start3A_627 : memref<64xf32, #tpu.memory_space<vmem>>) target_semaphore(%arg10 : memref<!tpu.dma_semaphore, #tpu.memory_space<semaphore_mem>>)
      %slice3A_631 = vector.extract_strided_slice %get3A_55 {offsets = [13], sizes = [1], strides = [1]} : vector<16xi32> to vector<1xi32>
      %squeeze3A_632 = vector.extract %slice3A_631[0] : i32 from vector<1xi32>
      %shift_right_arithmetic3A_633 = arith.constant 3 : i32
      %shift_right_arithmetic3A_634 = arith.shrsi %squeeze3A_632, %shift_right_arithmetic3A_633 : i32
      %and3A_635 = arith.constant 7 : i32
      %and3A_636 = arith.andi %squeeze3A_632, %and3A_635 : i32
      %mul3A_637 = arith.constant 16 : i32
      %mul3A_638 = arith.muli %scan3A_47, %mul3A_637 : i32
      %add3A_639 = arith.constant 13 : i32
      %add3A_640 = arith.addi %mul3A_638, %add3A_639 : i32
      %dma_start3A_641 = arith.constant 0 : i32
      %dma_start3A_642 = tpu.memref_slice %arg6[%add3A_640, %dma_start3A_641] : memref<256x64xf32, #tpu.memory_space<vmem>> -> memref<1x64xf32, #tpu.memory_space<vmem>>
      %dma_start3A_643 = tpu.memref_squeeze %dma_start3A_642 : memref<1x64xf32, #tpu.memory_space<vmem>> -> memref<64xf32, #tpu.memory_space<vmem>>
      %dma_start3A_644 = arith.constant 0 : i32
      %dma_start3A_645 = tpu.memref_slice %arg3[%shift_right_arithmetic3A_634, %and3A_636, %dma_start3A_644] : memref<125000x8x64xf32, #tpu.memory_space<hbm>> -> memref<1x1x64xf32, #tpu.memory_space<hbm>>
      %dma_start3A_646 = tpu.memref_squeeze %dma_start3A_645 : memref<1x1x64xf32, #tpu.memory_space<hbm>> -> memref<64xf32, #tpu.memory_space<hbm>>
      %dma_start3A_647 = arith.constant 0 : i32
      %dma_start3A_648 = tpu.memref_slice %arg6[%add3A_640, %dma_start3A_647] : memref<256x64xf32, #tpu.memory_space<vmem>> -> memref<1x64xf32, #tpu.memory_space<vmem>>
      %dma_start3A_649 = tpu.memref_squeeze %dma_start3A_648 : memref<1x64xf32, #tpu.memory_space<vmem>> -> memref<64xf32, #tpu.memory_space<vmem>>
      %dma_start3A_650 = arith.constant 0 : i32
      %dma_start3A_651 = tpu.memref_slice %arg3[%shift_right_arithmetic3A_634, %and3A_636, %dma_start3A_650] : memref<125000x8x64xf32, #tpu.memory_space<hbm>> -> memref<1x1x64xf32, #tpu.memory_space<hbm>>
      %dma_start3A_652 = tpu.memref_squeeze %dma_start3A_651 : memref<1x1x64xf32, #tpu.memory_space<hbm>> -> memref<64xf32, #tpu.memory_space<hbm>>
      tpu.enqueue_dma source(%dma_start3A_652 : memref<64xf32, #tpu.memory_space<hbm>>) target(%dma_start3A_649 : memref<64xf32, #tpu.memory_space<vmem>>) target_semaphore(%arg10 : memref<!tpu.dma_semaphore, #tpu.memory_space<semaphore_mem>>)
      %slice3A_653 = vector.extract_strided_slice %get3A_63 {offsets = [13], sizes = [1], strides = [1]} : vector<16xi32> to vector<1xi32>
      %squeeze3A_654 = vector.extract %slice3A_653[0] : i32 from vector<1xi32>
      %shift_right_arithmetic3A_655 = arith.constant 3 : i32
      %shift_right_arithmetic3A_656 = arith.shrsi %squeeze3A_654, %shift_right_arithmetic3A_655 : i32
      %and3A_657 = arith.constant 7 : i32
      %and3A_658 = arith.andi %squeeze3A_654, %and3A_657 : i32
      %mul3A_659 = arith.constant 16 : i32
      %mul3A_660 = arith.muli %scan3A_47, %mul3A_659 : i32
      %add3A_661 = arith.constant 13 : i32
      %add3A_662 = arith.addi %mul3A_660, %add3A_661 : i32
      %dma_start3A_663 = arith.constant 0 : i32
      %dma_start3A_664 = tpu.memref_slice %arg7[%add3A_662, %dma_start3A_663] : memref<256x64xf32, #tpu.memory_space<vmem>> -> memref<1x64xf32, #tpu.memory_space<vmem>>
      %dma_start3A_665 = tpu.memref_squeeze %dma_start3A_664 : memref<1x64xf32, #tpu.memory_space<vmem>> -> memref<64xf32, #tpu.memory_space<vmem>>
      %dma_start3A_666 = arith.constant 0 : i32
      %dma_start3A_667 = tpu.memref_slice %arg3[%shift_right_arithmetic3A_656, %and3A_658, %dma_start3A_666] : memref<125000x8x64xf32, #tpu.memory_space<hbm>> -> memref<1x1x64xf32, #tpu.memory_space<hbm>>
      %dma_start3A_668 = tpu.memref_squeeze %dma_start3A_667 : memref<1x1x64xf32, #tpu.memory_space<hbm>> -> memref<64xf32, #tpu.memory_space<hbm>>
      %dma_start3A_669 = arith.constant 0 : i32
      %dma_start3A_670 = tpu.memref_slice %arg7[%add3A_662, %dma_start3A_669] : memref<256x64xf32, #tpu.memory_space<vmem>> -> memref<1x64xf32, #tpu.memory_space<vmem>>
      %dma_start3A_671 = tpu.memref_squeeze %dma_start3A_670 : memref<1x64xf32, #tpu.memory_space<vmem>> -> memref<64xf32, #tpu.memory_space<vmem>>
      %dma_start3A_672 = arith.constant 0 : i32
      %dma_start3A_673 = tpu.memref_slice %arg3[%shift_right_arithmetic3A_656, %and3A_658, %dma_start3A_672] : memref<125000x8x64xf32, #tpu.memory_space<hbm>> -> memref<1x1x64xf32, #tpu.memory_space<hbm>>
      %dma_start3A_674 = tpu.memref_squeeze %dma_start3A_673 : memref<1x1x64xf32, #tpu.memory_space<hbm>> -> memref<64xf32, #tpu.memory_space<hbm>>
      tpu.enqueue_dma source(%dma_start3A_674 : memref<64xf32, #tpu.memory_space<hbm>>) target(%dma_start3A_671 : memref<64xf32, #tpu.memory_space<vmem>>) target_semaphore(%arg10 : memref<!tpu.dma_semaphore, #tpu.memory_space<semaphore_mem>>)
      %slice3A_675 = vector.extract_strided_slice %get3A_55 {offsets = [14], sizes = [1], strides = [1]} : vector<16xi32> to vector<1xi32>
      %squeeze3A_676 = vector.extract %slice3A_675[0] : i32 from vector<1xi32>
      %shift_right_arithmetic3A_677 = arith.constant 3 : i32
      %shift_right_arithmetic3A_678 = arith.shrsi %squeeze3A_676, %shift_right_arithmetic3A_677 : i32
      %and3A_679 = arith.constant 7 : i32
      %and3A_680 = arith.andi %squeeze3A_676, %and3A_679 : i32
      %mul3A_681 = arith.constant 16 : i32
      %mul3A_682 = arith.muli %scan3A_47, %mul3A_681 : i32
      %add3A_683 = arith.constant 14 : i32
      %add3A_684 = arith.addi %mul3A_682, %add3A_683 : i32
      %dma_start3A_685 = arith.constant 0 : i32
      %dma_start3A_686 = tpu.memref_slice %arg6[%add3A_684, %dma_start3A_685] : memref<256x64xf32, #tpu.memory_space<vmem>> -> memref<1x64xf32, #tpu.memory_space<vmem>>
      %dma_start3A_687 = tpu.memref_squeeze %dma_start3A_686 : memref<1x64xf32, #tpu.memory_space<vmem>> -> memref<64xf32, #tpu.memory_space<vmem>>
      %dma_start3A_688 = arith.constant 0 : i32
      %dma_start3A_689 = tpu.memref_slice %arg3[%shift_right_arithmetic3A_678, %and3A_680, %dma_start3A_688] : memref<125000x8x64xf32, #tpu.memory_space<hbm>> -> memref<1x1x64xf32, #tpu.memory_space<hbm>>
      %dma_start3A_690 = tpu.memref_squeeze %dma_start3A_689 : memref<1x1x64xf32, #tpu.memory_space<hbm>> -> memref<64xf32, #tpu.memory_space<hbm>>
      %dma_start3A_691 = arith.constant 0 : i32
      %dma_start3A_692 = tpu.memref_slice %arg6[%add3A_684, %dma_start3A_691] : memref<256x64xf32, #tpu.memory_space<vmem>> -> memref<1x64xf32, #tpu.memory_space<vmem>>
      %dma_start3A_693 = tpu.memref_squeeze %dma_start3A_692 : memref<1x64xf32, #tpu.memory_space<vmem>> -> memref<64xf32, #tpu.memory_space<vmem>>
      %dma_start3A_694 = arith.constant 0 : i32
      %dma_start3A_695 = tpu.memref_slice %arg3[%shift_right_arithmetic3A_678, %and3A_680, %dma_start3A_694] : memref<125000x8x64xf32, #tpu.memory_space<hbm>> -> memref<1x1x64xf32, #tpu.memory_space<hbm>>
      %dma_start3A_696 = tpu.memref_squeeze %dma_start3A_695 : memref<1x1x64xf32, #tpu.memory_space<hbm>> -> memref<64xf32, #tpu.memory_space<hbm>>
      tpu.enqueue_dma source(%dma_start3A_696 : memref<64xf32, #tpu.memory_space<hbm>>) target(%dma_start3A_693 : memref<64xf32, #tpu.memory_space<vmem>>) target_semaphore(%arg10 : memref<!tpu.dma_semaphore, #tpu.memory_space<semaphore_mem>>)
      %slice3A_697 = vector.extract_strided_slice %get3A_63 {offsets = [14], sizes = [1], strides = [1]} : vector<16xi32> to vector<1xi32>
      %squeeze3A_698 = vector.extract %slice3A_697[0] : i32 from vector<1xi32>
      %shift_right_arithmetic3A_699 = arith.constant 3 : i32
      %shift_right_arithmetic3A_700 = arith.shrsi %squeeze3A_698, %shift_right_arithmetic3A_699 : i32
      %and3A_701 = arith.constant 7 : i32
      %and3A_702 = arith.andi %squeeze3A_698, %and3A_701 : i32
      %mul3A_703 = arith.constant 16 : i32
      %mul3A_704 = arith.muli %scan3A_47, %mul3A_703 : i32
      %add3A_705 = arith.constant 14 : i32
      %add3A_706 = arith.addi %mul3A_704, %add3A_705 : i32
      %dma_start3A_707 = arith.constant 0 : i32
      %dma_start3A_708 = tpu.memref_slice %arg7[%add3A_706, %dma_start3A_707] : memref<256x64xf32, #tpu.memory_space<vmem>> -> memref<1x64xf32, #tpu.memory_space<vmem>>
      %dma_start3A_709 = tpu.memref_squeeze %dma_start3A_708 : memref<1x64xf32, #tpu.memory_space<vmem>> -> memref<64xf32, #tpu.memory_space<vmem>>
      %dma_start3A_710 = arith.constant 0 : i32
      %dma_start3A_711 = tpu.memref_slice %arg3[%shift_right_arithmetic3A_700, %and3A_702, %dma_start3A_710] : memref<125000x8x64xf32, #tpu.memory_space<hbm>> -> memref<1x1x64xf32, #tpu.memory_space<hbm>>
      %dma_start3A_712 = tpu.memref_squeeze %dma_start3A_711 : memref<1x1x64xf32, #tpu.memory_space<hbm>> -> memref<64xf32, #tpu.memory_space<hbm>>
      %dma_start3A_713 = arith.constant 0 : i32
      %dma_start3A_714 = tpu.memref_slice %arg7[%add3A_706, %dma_start3A_713] : memref<256x64xf32, #tpu.memory_space<vmem>> -> memref<1x64xf32, #tpu.memory_space<vmem>>
      %dma_start3A_715 = tpu.memref_squeeze %dma_start3A_714 : memref<1x64xf32, #tpu.memory_space<vmem>> -> memref<64xf32, #tpu.memory_space<vmem>>
      %dma_start3A_716 = arith.constant 0 : i32
      %dma_start3A_717 = tpu.memref_slice %arg3[%shift_right_arithmetic3A_700, %and3A_702, %dma_start3A_716] : memref<125000x8x64xf32, #tpu.memory_space<hbm>> -> memref<1x1x64xf32, #tpu.memory_space<hbm>>
      %dma_start3A_718 = tpu.memref_squeeze %dma_start3A_717 : memref<1x1x64xf32, #tpu.memory_space<hbm>> -> memref<64xf32, #tpu.memory_space<hbm>>
      tpu.enqueue_dma source(%dma_start3A_718 : memref<64xf32, #tpu.memory_space<hbm>>) target(%dma_start3A_715 : memref<64xf32, #tpu.memory_space<vmem>>) target_semaphore(%arg10 : memref<!tpu.dma_semaphore, #tpu.memory_space<semaphore_mem>>)
      %slice3A_719 = vector.extract_strided_slice %get3A_55 {offsets = [15], sizes = [1], strides = [1]} : vector<16xi32> to vector<1xi32>
      %squeeze3A_720 = vector.extract %slice3A_719[0] : i32 from vector<1xi32>
      %shift_right_arithmetic3A_721 = arith.constant 3 : i32
      %shift_right_arithmetic3A_722 = arith.shrsi %squeeze3A_720, %shift_right_arithmetic3A_721 : i32
      %and3A_723 = arith.constant 7 : i32
      %and3A_724 = arith.andi %squeeze3A_720, %and3A_723 : i32
      %mul3A_725 = arith.constant 16 : i32
      %mul3A_726 = arith.muli %scan3A_47, %mul3A_725 : i32
      %add3A_727 = arith.constant 15 : i32
      %add3A_728 = arith.addi %mul3A_726, %add3A_727 : i32
      %dma_start3A_729 = arith.constant 0 : i32
      %dma_start3A_730 = tpu.memref_slice %arg6[%add3A_728, %dma_start3A_729] : memref<256x64xf32, #tpu.memory_space<vmem>> -> memref<1x64xf32, #tpu.memory_space<vmem>>
      %dma_start3A_731 = tpu.memref_squeeze %dma_start3A_730 : memref<1x64xf32, #tpu.memory_space<vmem>> -> memref<64xf32, #tpu.memory_space<vmem>>
      %dma_start3A_732 = arith.constant 0 : i32
      %dma_start3A_733 = tpu.memref_slice %arg3[%shift_right_arithmetic3A_722, %and3A_724, %dma_start3A_732] : memref<125000x8x64xf32, #tpu.memory_space<hbm>> -> memref<1x1x64xf32, #tpu.memory_space<hbm>>
      %dma_start3A_734 = tpu.memref_squeeze %dma_start3A_733 : memref<1x1x64xf32, #tpu.memory_space<hbm>> -> memref<64xf32, #tpu.memory_space<hbm>>
      %dma_start3A_735 = arith.constant 0 : i32
      %dma_start3A_736 = tpu.memref_slice %arg6[%add3A_728, %dma_start3A_735] : memref<256x64xf32, #tpu.memory_space<vmem>> -> memref<1x64xf32, #tpu.memory_space<vmem>>
      %dma_start3A_737 = tpu.memref_squeeze %dma_start3A_736 : memref<1x64xf32, #tpu.memory_space<vmem>> -> memref<64xf32, #tpu.memory_space<vmem>>
      %dma_start3A_738 = arith.constant 0 : i32
      %dma_start3A_739 = tpu.memref_slice %arg3[%shift_right_arithmetic3A_722, %and3A_724, %dma_start3A_738] : memref<125000x8x64xf32, #tpu.memory_space<hbm>> -> memref<1x1x64xf32, #tpu.memory_space<hbm>>
      %dma_start3A_740 = tpu.memref_squeeze %dma_start3A_739 : memref<1x1x64xf32, #tpu.memory_space<hbm>> -> memref<64xf32, #tpu.memory_space<hbm>>
      tpu.enqueue_dma source(%dma_start3A_740 : memref<64xf32, #tpu.memory_space<hbm>>) target(%dma_start3A_737 : memref<64xf32, #tpu.memory_space<vmem>>) target_semaphore(%arg10 : memref<!tpu.dma_semaphore, #tpu.memory_space<semaphore_mem>>)
      %slice3A_741 = vector.extract_strided_slice %get3A_63 {offsets = [15], sizes = [1], strides = [1]} : vector<16xi32> to vector<1xi32>
      %squeeze3A_742 = vector.extract %slice3A_741[0] : i32 from vector<1xi32>
      %shift_right_arithmetic3A_743 = arith.constant 3 : i32
      %shift_right_arithmetic3A_744 = arith.shrsi %squeeze3A_742, %shift_right_arithmetic3A_743 : i32
      %and3A_745 = arith.constant 7 : i32
      %and3A_746 = arith.andi %squeeze3A_742, %and3A_745 : i32
      %mul3A_747 = arith.constant 16 : i32
      %mul3A_748 = arith.muli %scan3A_47, %mul3A_747 : i32
      %add3A_749 = arith.constant 15 : i32
      %add3A_750 = arith.addi %mul3A_748, %add3A_749 : i32
      %dma_start3A_751 = arith.constant 0 : i32
      %dma_start3A_752 = tpu.memref_slice %arg7[%add3A_750, %dma_start3A_751] : memref<256x64xf32, #tpu.memory_space<vmem>> -> memref<1x64xf32, #tpu.memory_space<vmem>>
      %dma_start3A_753 = tpu.memref_squeeze %dma_start3A_752 : memref<1x64xf32, #tpu.memory_space<vmem>> -> memref<64xf32, #tpu.memory_space<vmem>>
      %dma_start3A_754 = arith.constant 0 : i32
      %dma_start3A_755 = tpu.memref_slice %arg3[%shift_right_arithmetic3A_744, %and3A_746, %dma_start3A_754] : memref<125000x8x64xf32, #tpu.memory_space<hbm>> -> memref<1x1x64xf32, #tpu.memory_space<hbm>>
      %dma_start3A_756 = tpu.memref_squeeze %dma_start3A_755 : memref<1x1x64xf32, #tpu.memory_space<hbm>> -> memref<64xf32, #tpu.memory_space<hbm>>
      %dma_start3A_757 = arith.constant 0 : i32
      %dma_start3A_758 = tpu.memref_slice %arg7[%add3A_750, %dma_start3A_757] : memref<256x64xf32, #tpu.memory_space<vmem>> -> memref<1x64xf32, #tpu.memory_space<vmem>>
      %dma_start3A_759 = tpu.memref_squeeze %dma_start3A_758 : memref<1x64xf32, #tpu.memory_space<vmem>> -> memref<64xf32, #tpu.memory_space<vmem>>
      %dma_start3A_760 = arith.constant 0 : i32
      %dma_start3A_761 = tpu.memref_slice %arg3[%shift_right_arithmetic3A_744, %and3A_746, %dma_start3A_760] : memref<125000x8x64xf32, #tpu.memory_space<hbm>> -> memref<1x1x64xf32, #tpu.memory_space<hbm>>
      %dma_start3A_762 = tpu.memref_squeeze %dma_start3A_761 : memref<1x1x64xf32, #tpu.memory_space<hbm>> -> memref<64xf32, #tpu.memory_space<hbm>>
      tpu.enqueue_dma source(%dma_start3A_762 : memref<64xf32, #tpu.memory_space<hbm>>) target(%dma_start3A_759 : memref<64xf32, #tpu.memory_space<vmem>>) target_semaphore(%arg10 : memref<!tpu.dma_semaphore, #tpu.memory_space<semaphore_mem>>)
      %scan3A_763 = arith.constant 0 : i32
      scf.yield %scan3A_763 : i32
    }
    %scan3A_11 = arith.constant 16 : i32
    %scan3A_12 = arith.constant 0 : i32
    %scan3A_13 = arith.constant 0 : i32
    %scan3A_14 = arith.constant 256 : i32
    %scan3A_15 = arith.addi %scan3A_13, %scan3A_14 : i32
    %scan3A_16 = arith.constant 1 : i32
    %scan3A_17 = scf.for %scan3A_47 = %scan3A_13 to %scan3A_15 step %scan3A_16 iter_args(%scan3A_48 = %scan3A_12) -> (i32)  : i32 {
      %dma_wait3A = arith.constant 0 : i32
      %dma_wait3A_49 = arith.constant 0 : i32
      %dma_wait3A_50 = arith.constant 0 : i32
      %dma_wait3A_51 = arith.constant 0 : i32
      %dma_wait3A_52 = tpu.memref_slice %arg6[%dma_wait3A_50, %dma_wait3A_51] : memref<256x64xf32, #tpu.memory_space<vmem>> -> memref<1x64xf32, #tpu.memory_space<vmem>>
      %dma_wait3A_53 = tpu.memref_squeeze %dma_wait3A_52 : memref<1x64xf32, #tpu.memory_space<vmem>> -> memref<64xf32, #tpu.memory_space<vmem>>
      %dma_wait3A_54 = arith.constant 0 : i32
      %dma_wait3A_55 = tpu.memref_slice %arg3[%dma_wait3A, %dma_wait3A_49, %dma_wait3A_54] : memref<125000x8x64xf32, #tpu.memory_space<hbm>> -> memref<1x1x64xf32, #tpu.memory_space<hbm>>
      %dma_wait3A_56 = tpu.memref_squeeze %dma_wait3A_55 : memref<1x1x64xf32, #tpu.memory_space<hbm>> -> memref<64xf32, #tpu.memory_space<hbm>>
      %dma_wait3A_57 = arith.constant 0 : i32
      %dma_wait3A_58 = tpu.memref_slice %arg6[%dma_wait3A_50, %dma_wait3A_57] : memref<256x64xf32, #tpu.memory_space<vmem>> -> memref<1x64xf32, #tpu.memory_space<vmem>>
      %dma_wait3A_59 = tpu.memref_squeeze %dma_wait3A_58 : memref<1x64xf32, #tpu.memory_space<vmem>> -> memref<64xf32, #tpu.memory_space<vmem>>
      %dma_wait3A_60 = arith.constant 0 : i32
      %dma_wait3A_61 = tpu.memref_slice %arg3[%dma_wait3A, %dma_wait3A_49, %dma_wait3A_60] : memref<125000x8x64xf32, #tpu.memory_space<hbm>> -> memref<1x1x64xf32, #tpu.memory_space<hbm>>
      %dma_wait3A_62 = tpu.memref_squeeze %dma_wait3A_61 : memref<1x1x64xf32, #tpu.memory_space<hbm>> -> memref<64xf32, #tpu.memory_space<hbm>>
      tpu.wait_dma2 semaphore(%arg10 : memref<!tpu.dma_semaphore, #tpu.memory_space<semaphore_mem>>) src(%dma_wait3A_62 : memref<64xf32, #tpu.memory_space<hbm>>) dst(%dma_wait3A_59 : memref<64xf32, #tpu.memory_space<vmem>>)
      %dma_wait3A_63 = arith.constant 0 : i32
      %dma_wait3A_64 = arith.constant 0 : i32
      %dma_wait3A_65 = arith.constant 0 : i32
      %dma_wait3A_66 = arith.constant 0 : i32
      %dma_wait3A_67 = tpu.memref_slice %arg7[%dma_wait3A_65, %dma_wait3A_66] : memref<256x64xf32, #tpu.memory_space<vmem>> -> memref<1x64xf32, #tpu.memory_space<vmem>>
      %dma_wait3A_68 = tpu.memref_squeeze %dma_wait3A_67 : memref<1x64xf32, #tpu.memory_space<vmem>> -> memref<64xf32, #tpu.memory_space<vmem>>
      %dma_wait3A_69 = arith.constant 0 : i32
      %dma_wait3A_70 = tpu.memref_slice %arg3[%dma_wait3A_63, %dma_wait3A_64, %dma_wait3A_69] : memref<125000x8x64xf32, #tpu.memory_space<hbm>> -> memref<1x1x64xf32, #tpu.memory_space<hbm>>
      %dma_wait3A_71 = tpu.memref_squeeze %dma_wait3A_70 : memref<1x1x64xf32, #tpu.memory_space<hbm>> -> memref<64xf32, #tpu.memory_space<hbm>>
      %dma_wait3A_72 = arith.constant 0 : i32
      %dma_wait3A_73 = tpu.memref_slice %arg7[%dma_wait3A_65, %dma_wait3A_72] : memref<256x64xf32, #tpu.memory_space<vmem>> -> memref<1x64xf32, #tpu.memory_space<vmem>>
      %dma_wait3A_74 = tpu.memref_squeeze %dma_wait3A_73 : memref<1x64xf32, #tpu.memory_space<vmem>> -> memref<64xf32, #tpu.memory_space<vmem>>
      %dma_wait3A_75 = arith.constant 0 : i32
      %dma_wait3A_76 = tpu.memref_slice %arg3[%dma_wait3A_63, %dma_wait3A_64, %dma_wait3A_75] : memref<125000x8x64xf32, #tpu.memory_space<hbm>> -> memref<1x1x64xf32, #tpu.memory_space<hbm>>
      %dma_wait3A_77 = tpu.memref_squeeze %dma_wait3A_76 : memref<1x1x64xf32, #tpu.memory_space<hbm>> -> memref<64xf32, #tpu.memory_space<hbm>>
      tpu.wait_dma2 semaphore(%arg10 : memref<!tpu.dma_semaphore, #tpu.memory_space<semaphore_mem>>) src(%dma_wait3A_77 : memref<64xf32, #tpu.memory_space<hbm>>) dst(%dma_wait3A_74 : memref<64xf32, #tpu.memory_space<vmem>>)
      %scan3A_78 = arith.constant 0 : i32
      scf.yield %scan3A_78 : i32
    }
    %scan3A_18 = arith.constant 256 : i32
    %scan3A_19 = arith.constant 0 : i32
    %scan3A_20 = arith.constant 0 : i32
    %scan3A_21 = arith.constant 16 : i32
    %scan3A_22 = arith.addi %scan3A_20, %scan3A_21 : i32
    %scan3A_23 = arith.constant 1 : i32
    %scan3A_24 = scf.for %scan3A_47 = %scan3A_20 to %scan3A_22 step %scan3A_23 iter_args(%scan3A_48 = %scan3A_19) -> (i32)  : i32 {
      %mul3A_49 = arith.constant 16 : i32
      %mul3A_50 = arith.muli %scan3A_47, %mul3A_49 : i32
      %add3A_51 = arith.constant 0 : i32
      %add3A_52 = arith.addi %mul3A_50, %add3A_51 : i32
      %broadcast_in_dim3A = arith.constant 0.000000e+00 : f32
      %broadcast_in_dim3A_53 = vector.broadcast %broadcast_in_dim3A : f32 to vector<16xf32>
      %get3A = arith.index_cast %add3A_52 : i32 to index
      %get3A_54 = arith.constant 0 : index
      %get3A_55 = tpu.vector_load %arg6[%get3A, %get3A_54] {strides = array<i32>} : memref<256x64xf32, #tpu.memory_space<vmem>>, vector<16xf32>,
      %get3A_56 = arith.index_cast %add3A_52 : i32 to index
      %get3A_57 = arith.constant 0 : index
      %get3A_58 = tpu.vector_load %arg7[%get3A_56, %get3A_57] {strides = array<i32>} : memref<256x64xf32, #tpu.memory_space<vmem>>, vector<16xf32>,
      %sub3A = arith.subf %get3A_55, %get3A_58 : vector<16xf32>
      %mul3A_59 = arith.mulf %sub3A, %sub3A : vector<16xf32>
      %add3A_60 = arith.addf %broadcast_in_dim3A_53, %mul3A_59 : vector<16xf32>
      %get3A_61 = arith.index_cast %add3A_52 : i32 to index
      %get3A_62 = arith.constant 16 : index
      %get3A_63 = tpu.vector_load %arg6[%get3A_61, %get3A_62] {strides = array<i32>} : memref<256x64xf32, #tpu.memory_space<vmem>>, vector<16xf32>,
      %get3A_64 = arith.index_cast %add3A_52 : i32 to index
      %get3A_65 = arith.constant 16 : index
      %get3A_66 = tpu.vector_load %arg7[%get3A_64, %get3A_65] {strides = array<i32>} : memref<256x64xf32, #tpu.memory_space<vmem>>, vector<16xf32>,
      %sub3A_67 = arith.subf %get3A_63, %get3A_66 : vector<16xf32>
      %mul3A_68 = arith.mulf %sub3A_67, %sub3A_67 : vector<16xf32>
      %add3A_69 = arith.addf %add3A_60, %mul3A_68 : vector<16xf32>
      %get3A_70 = arith.index_cast %add3A_52 : i32 to index
      %get3A_71 = arith.constant 32 : index
      %get3A_72 = tpu.vector_load %arg6[%get3A_70, %get3A_71] {strides = array<i32>} : memref<256x64xf32, #tpu.memory_space<vmem>>, vector<16xf32>,
      %get3A_73 = arith.index_cast %add3A_52 : i32 to index
      %get3A_74 = arith.constant 32 : index
      %get3A_75 = tpu.vector_load %arg7[%get3A_73, %get3A_74] {strides = array<i32>} : memref<256x64xf32, #tpu.memory_space<vmem>>, vector<16xf32>,
      %sub3A_76 = arith.subf %get3A_72, %get3A_75 : vector<16xf32>
      %mul3A_77 = arith.mulf %sub3A_76, %sub3A_76 : vector<16xf32>
      %add3A_78 = arith.addf %add3A_69, %mul3A_77 : vector<16xf32>
      %get3A_79 = arith.index_cast %add3A_52 : i32 to index
      %get3A_80 = arith.constant 48 : index
      %get3A_81 = tpu.vector_load %arg6[%get3A_79, %get3A_80] {strides = array<i32>} : memref<256x64xf32, #tpu.memory_space<vmem>>, vector<16xf32>,
      %get3A_82 = arith.index_cast %add3A_52 : i32 to index
      %get3A_83 = arith.constant 48 : index
      %get3A_84 = tpu.vector_load %arg7[%get3A_82, %get3A_83] {strides = array<i32>} : memref<256x64xf32, #tpu.memory_space<vmem>>, vector<16xf32>,
      %sub3A_85 = arith.subf %get3A_81, %get3A_84 : vector<16xf32>
      %mul3A_86 = arith.mulf %sub3A_85, %sub3A_85 : vector<16xf32>
      %add3A_87 = arith.addf %add3A_78, %mul3A_86 : vector<16xf32>
      %swap3A = arith.constant 0 : index
      %swap3A_88 = tpu.vector_load %arg8[%swap3A] {strides = array<i32>} : memref<256xf32, #tpu.memory_space<vmem>>, vector<16xf32>,
      tpu.vector_store %arg8[%swap3A], %add3A_87 {strides = array<i32>} : memref<256xf32, #tpu.memory_space<vmem>>, vector<16xf32>,
      %mul3A_89 = arith.constant 16 : i32
      %mul3A_90 = arith.muli %scan3A_47, %mul3A_89 : i32
      %add3A_91 = arith.constant 1 : i32
      %add3A_92 = arith.addi %mul3A_90, %add3A_91 : i32
      %broadcast_in_dim3A_93 = arith.constant 0.000000e+00 : f32
      %broadcast_in_dim3A_94 = vector.broadcast %broadcast_in_dim3A_93 : f32 to vector<16xf32>
      %get3A_95 = arith.index_cast %add3A_92 : i32 to index
      %get3A_96 = arith.constant 0 : index
      %get3A_97 = tpu.vector_load %arg6[%get3A_95, %get3A_96] {strides = array<i32>} : memref<256x64xf32, #tpu.memory_space<vmem>>, vector<16xf32>,
      %get3A_98 = arith.index_cast %add3A_92 : i32 to index
      %get3A_99 = arith.constant 0 : index
      %get3A_100 = tpu.vector_load %arg7[%get3A_98, %get3A_99] {strides = array<i32>} : memref<256x64xf32, #tpu.memory_space<vmem>>, vector<16xf32>,
      %sub3A_101 = arith.subf %get3A_97, %get3A_100 : vector<16xf32>
      %mul3A_102 = arith.mulf %sub3A_101, %sub3A_101 : vector<16xf32>
      %add3A_103 = arith.addf %broadcast_in_dim3A_94, %mul3A_102 : vector<16xf32>
      %get3A_104 = arith.index_cast %add3A_92 : i32 to index
      %get3A_105 = arith.constant 16 : index
      %get3A_106 = tpu.vector_load %arg6[%get3A_104, %get3A_105] {strides = array<i32>} : memref<256x64xf32, #tpu.memory_space<vmem>>, vector<16xf32>,
      %get3A_107 = arith.index_cast %add3A_92 : i32 to index
      %get3A_108 = arith.constant 16 : index
      %get3A_109 = tpu.vector_load %arg7[%get3A_107, %get3A_108] {strides = array<i32>} : memref<256x64xf32, #tpu.memory_space<vmem>>, vector<16xf32>,
      %sub3A_110 = arith.subf %get3A_106, %get3A_109 : vector<16xf32>
      %mul3A_111 = arith.mulf %sub3A_110, %sub3A_110 : vector<16xf32>
      %add3A_112 = arith.addf %add3A_103, %mul3A_111 : vector<16xf32>
      %get3A_113 = arith.index_cast %add3A_92 : i32 to index
      %get3A_114 = arith.constant 32 : index
      %get3A_115 = tpu.vector_load %arg6[%get3A_113, %get3A_114] {strides = array<i32>} : memref<256x64xf32, #tpu.memory_space<vmem>>, vector<16xf32>,
      %get3A_116 = arith.index_cast %add3A_92 : i32 to index
      %get3A_117 = arith.constant 32 : index
      %get3A_118 = tpu.vector_load %arg7[%get3A_116, %get3A_117] {strides = array<i32>} : memref<256x64xf32, #tpu.memory_space<vmem>>, vector<16xf32>,
      %sub3A_119 = arith.subf %get3A_115, %get3A_118 : vector<16xf32>
      %mul3A_120 = arith.mulf %sub3A_119, %sub3A_119 : vector<16xf32>
      %add3A_121 = arith.addf %add3A_112, %mul3A_120 : vector<16xf32>
      %get3A_122 = arith.index_cast %add3A_92 : i32 to index
      %get3A_123 = arith.constant 48 : index
      %get3A_124 = tpu.vector_load %arg6[%get3A_122, %get3A_123] {strides = array<i32>} : memref<256x64xf32, #tpu.memory_space<vmem>>, vector<16xf32>,
      %get3A_125 = arith.index_cast %add3A_92 : i32 to index
      %get3A_126 = arith.constant 48 : index
      %get3A_127 = tpu.vector_load %arg7[%get3A_125, %get3A_126] {strides = array<i32>} : memref<256x64xf32, #tpu.memory_space<vmem>>, vector<16xf32>,
      %sub3A_128 = arith.subf %get3A_124, %get3A_127 : vector<16xf32>
      %mul3A_129 = arith.mulf %sub3A_128, %sub3A_128 : vector<16xf32>
      %add3A_130 = arith.addf %add3A_121, %mul3A_129 : vector<16xf32>
      %swap3A_131 = arith.constant 16 : index
      %swap3A_132 = tpu.vector_load %arg8[%swap3A_131] {strides = array<i32>} : memref<256xf32, #tpu.memory_space<vmem>>, vector<16xf32>,
      tpu.vector_store %arg8[%swap3A_131], %add3A_130 {strides = array<i32>} : memref<256xf32, #tpu.memory_space<vmem>>, vector<16xf32>,
      %mul3A_133 = arith.constant 16 : i32
      %mul3A_134 = arith.muli %scan3A_47, %mul3A_133 : i32
      %add3A_135 = arith.constant 2 : i32
      %add3A_136 = arith.addi %mul3A_134, %add3A_135 : i32
      %broadcast_in_dim3A_137 = arith.constant 0.000000e+00 : f32
      %broadcast_in_dim3A_138 = vector.broadcast %broadcast_in_dim3A_137 : f32 to vector<16xf32>
      %get3A_139 = arith.index_cast %add3A_136 : i32 to index
      %get3A_140 = arith.constant 0 : index
      %get3A_141 = tpu.vector_load %arg6[%get3A_139, %get3A_140] {strides = array<i32>} : memref<256x64xf32, #tpu.memory_space<vmem>>, vector<16xf32>,
      %get3A_142 = arith.index_cast %add3A_136 : i32 to index
      %get3A_143 = arith.constant 0 : index
      %get3A_144 = tpu.vector_load %arg7[%get3A_142, %get3A_143] {strides = array<i32>} : memref<256x64xf32, #tpu.memory_space<vmem>>, vector<16xf32>,
      %sub3A_145 = arith.subf %get3A_141, %get3A_144 : vector<16xf32>
      %mul3A_146 = arith.mulf %sub3A_145, %sub3A_145 : vector<16xf32>
      %add3A_147 = arith.addf %broadcast_in_dim3A_138, %mul3A_146 : vector<16xf32>
      %get3A_148 = arith.index_cast %add3A_136 : i32 to index
      %get3A_149 = arith.constant 16 : index
      %get3A_150 = tpu.vector_load %arg6[%get3A_148, %get3A_149] {strides = array<i32>} : memref<256x64xf32, #tpu.memory_space<vmem>>, vector<16xf32>,
      %get3A_151 = arith.index_cast %add3A_136 : i32 to index
      %get3A_152 = arith.constant 16 : index
      %get3A_153 = tpu.vector_load %arg7[%get3A_151, %get3A_152] {strides = array<i32>} : memref<256x64xf32, #tpu.memory_space<vmem>>, vector<16xf32>,
      %sub3A_154 = arith.subf %get3A_150, %get3A_153 : vector<16xf32>
      %mul3A_155 = arith.mulf %sub3A_154, %sub3A_154 : vector<16xf32>
      %add3A_156 = arith.addf %add3A_147, %mul3A_155 : vector<16xf32>
      %get3A_157 = arith.index_cast %add3A_136 : i32 to index
      %get3A_158 = arith.constant 32 : index
      %get3A_159 = tpu.vector_load %arg6[%get3A_157, %get3A_158] {strides = array<i32>} : memref<256x64xf32, #tpu.memory_space<vmem>>, vector<16xf32>,
      %get3A_160 = arith.index_cast %add3A_136 : i32 to index
      %get3A_161 = arith.constant 32 : index
      %get3A_162 = tpu.vector_load %arg7[%get3A_160, %get3A_161] {strides = array<i32>} : memref<256x64xf32, #tpu.memory_space<vmem>>, vector<16xf32>,
      %sub3A_163 = arith.subf %get3A_159, %get3A_162 : vector<16xf32>
      %mul3A_164 = arith.mulf %sub3A_163, %sub3A_163 : vector<16xf32>
      %add3A_165 = arith.addf %add3A_156, %mul3A_164 : vector<16xf32>
      %get3A_166 = arith.index_cast %add3A_136 : i32 to index
      %get3A_167 = arith.constant 48 : index
      %get3A_168 = tpu.vector_load %arg6[%get3A_166, %get3A_167] {strides = array<i32>} : memref<256x64xf32, #tpu.memory_space<vmem>>, vector<16xf32>,
      %get3A_169 = arith.index_cast %add3A_136 : i32 to index
      %get3A_170 = arith.constant 48 : index
      %get3A_171 = tpu.vector_load %arg7[%get3A_169, %get3A_170] {strides = array<i32>} : memref<256x64xf32, #tpu.memory_space<vmem>>, vector<16xf32>,
      %sub3A_172 = arith.subf %get3A_168, %get3A_171 : vector<16xf32>
      %mul3A_173 = arith.mulf %sub3A_172, %sub3A_172 : vector<16xf32>
      %add3A_174 = arith.addf %add3A_165, %mul3A_173 : vector<16xf32>
      %swap3A_175 = arith.constant 32 : index
      %swap3A_176 = tpu.vector_load %arg8[%swap3A_175] {strides = array<i32>} : memref<256xf32, #tpu.memory_space<vmem>>, vector<16xf32>,
      tpu.vector_store %arg8[%swap3A_175], %add3A_174 {strides = array<i32>} : memref<256xf32, #tpu.memory_space<vmem>>, vector<16xf32>,
      %mul3A_177 = arith.constant 16 : i32
      %mul3A_178 = arith.muli %scan3A_47, %mul3A_177 : i32
      %add3A_179 = arith.constant 3 : i32
      %add3A_180 = arith.addi %mul3A_178, %add3A_179 : i32
      %broadcast_in_dim3A_181 = arith.constant 0.000000e+00 : f32
      %broadcast_in_dim3A_182 = vector.broadcast %broadcast_in_dim3A_181 : f32 to vector<16xf32>
      %get3A_183 = arith.index_cast %add3A_180 : i32 to index
      %get3A_184 = arith.constant 0 : index
      %get3A_185 = tpu.vector_load %arg6[%get3A_183, %get3A_184] {strides = array<i32>} : memref<256x64xf32, #tpu.memory_space<vmem>>, vector<16xf32>,
      %get3A_186 = arith.index_cast %add3A_180 : i32 to index
      %get3A_187 = arith.constant 0 : index
      %get3A_188 = tpu.vector_load %arg7[%get3A_186, %get3A_187] {strides = array<i32>} : memref<256x64xf32, #tpu.memory_space<vmem>>, vector<16xf32>,
      %sub3A_189 = arith.subf %get3A_185, %get3A_188 : vector<16xf32>
      %mul3A_190 = arith.mulf %sub3A_189, %sub3A_189 : vector<16xf32>
      %add3A_191 = arith.addf %broadcast_in_dim3A_182, %mul3A_190 : vector<16xf32>
      %get3A_192 = arith.index_cast %add3A_180 : i32 to index
      %get3A_193 = arith.constant 16 : index
      %get3A_194 = tpu.vector_load %arg6[%get3A_192, %get3A_193] {strides = array<i32>} : memref<256x64xf32, #tpu.memory_space<vmem>>, vector<16xf32>,
      %get3A_195 = arith.index_cast %add3A_180 : i32 to index
      %get3A_196 = arith.constant 16 : index
      %get3A_197 = tpu.vector_load %arg7[%get3A_195, %get3A_196] {strides = array<i32>} : memref<256x64xf32, #tpu.memory_space<vmem>>, vector<16xf32>,
      %sub3A_198 = arith.subf %get3A_194, %get3A_197 : vector<16xf32>
      %mul3A_199 = arith.mulf %sub3A_198, %sub3A_198 : vector<16xf32>
      %add3A_200 = arith.addf %add3A_191, %mul3A_199 : vector<16xf32>
      %get3A_201 = arith.index_cast %add3A_180 : i32 to index
      %get3A_202 = arith.constant 32 : index
      %get3A_203 = tpu.vector_load %arg6[%get3A_201, %get3A_202] {strides = array<i32>} : memref<256x64xf32, #tpu.memory_space<vmem>>, vector<16xf32>,
      %get3A_204 = arith.index_cast %add3A_180 : i32 to index
      %get3A_205 = arith.constant 32 : index
      %get3A_206 = tpu.vector_load %arg7[%get3A_204, %get3A_205] {strides = array<i32>} : memref<256x64xf32, #tpu.memory_space<vmem>>, vector<16xf32>,
      %sub3A_207 = arith.subf %get3A_203, %get3A_206 : vector<16xf32>
      %mul3A_208 = arith.mulf %sub3A_207, %sub3A_207 : vector<16xf32>
      %add3A_209 = arith.addf %add3A_200, %mul3A_208 : vector<16xf32>
      %get3A_210 = arith.index_cast %add3A_180 : i32 to index
      %get3A_211 = arith.constant 48 : index
      %get3A_212 = tpu.vector_load %arg6[%get3A_210, %get3A_211] {strides = array<i32>} : memref<256x64xf32, #tpu.memory_space<vmem>>, vector<16xf32>,
      %get3A_213 = arith.index_cast %add3A_180 : i32 to index
      %get3A_214 = arith.constant 48 : index
      %get3A_215 = tpu.vector_load %arg7[%get3A_213, %get3A_214] {strides = array<i32>} : memref<256x64xf32, #tpu.memory_space<vmem>>, vector<16xf32>,
      %sub3A_216 = arith.subf %get3A_212, %get3A_215 : vector<16xf32>
      %mul3A_217 = arith.mulf %sub3A_216, %sub3A_216 : vector<16xf32>
      %add3A_218 = arith.addf %add3A_209, %mul3A_217 : vector<16xf32>
      %swap3A_219 = arith.constant 48 : index
      %swap3A_220 = tpu.vector_load %arg8[%swap3A_219] {strides = array<i32>} : memref<256xf32, #tpu.memory_space<vmem>>, vector<16xf32>,
      tpu.vector_store %arg8[%swap3A_219], %add3A_218 {strides = array<i32>} : memref<256xf32, #tpu.memory_space<vmem>>, vector<16xf32>,
      %mul3A_221 = arith.constant 16 : i32
      %mul3A_222 = arith.muli %scan3A_47, %mul3A_221 : i32
      %add3A_223 = arith.constant 4 : i32
      %add3A_224 = arith.addi %mul3A_222, %add3A_223 : i32
      %broadcast_in_dim3A_225 = arith.constant 0.000000e+00 : f32
      %broadcast_in_dim3A_226 = vector.broadcast %broadcast_in_dim3A_225 : f32 to vector<16xf32>
      %get3A_227 = arith.index_cast %add3A_224 : i32 to index
      %get3A_228 = arith.constant 0 : index
      %get3A_229 = tpu.vector_load %arg6[%get3A_227, %get3A_228] {strides = array<i32>} : memref<256x64xf32, #tpu.memory_space<vmem>>, vector<16xf32>,
      %get3A_230 = arith.index_cast %add3A_224 : i32 to index
      %get3A_231 = arith.constant 0 : index
      %get3A_232 = tpu.vector_load %arg7[%get3A_230, %get3A_231] {strides = array<i32>} : memref<256x64xf32, #tpu.memory_space<vmem>>, vector<16xf32>,
      %sub3A_233 = arith.subf %get3A_229, %get3A_232 : vector<16xf32>
      %mul3A_234 = arith.mulf %sub3A_233, %sub3A_233 : vector<16xf32>
      %add3A_235 = arith.addf %broadcast_in_dim3A_226, %mul3A_234 : vector<16xf32>
      %get3A_236 = arith.index_cast %add3A_224 : i32 to index
      %get3A_237 = arith.constant 16 : index
      %get3A_238 = tpu.vector_load %arg6[%get3A_236, %get3A_237] {strides = array<i32>} : memref<256x64xf32, #tpu.memory_space<vmem>>, vector<16xf32>,
      %get3A_239 = arith.index_cast %add3A_224 : i32 to index
      %get3A_240 = arith.constant 16 : index
      %get3A_241 = tpu.vector_load %arg7[%get3A_239, %get3A_240] {strides = array<i32>} : memref<256x64xf32, #tpu.memory_space<vmem>>, vector<16xf32>,
      %sub3A_242 = arith.subf %get3A_238, %get3A_241 : vector<16xf32>
      %mul3A_243 = arith.mulf %sub3A_242, %sub3A_242 : vector<16xf32>
      %add3A_244 = arith.addf %add3A_235, %mul3A_243 : vector<16xf32>
      %get3A_245 = arith.index_cast %add3A_224 : i32 to index
      %get3A_246 = arith.constant 32 : index
      %get3A_247 = tpu.vector_load %arg6[%get3A_245, %get3A_246] {strides = array<i32>} : memref<256x64xf32, #tpu.memory_space<vmem>>, vector<16xf32>,
      %get3A_248 = arith.index_cast %add3A_224 : i32 to index
      %get3A_249 = arith.constant 32 : index
      %get3A_250 = tpu.vector_load %arg7[%get3A_248, %get3A_249] {strides = array<i32>} : memref<256x64xf32, #tpu.memory_space<vmem>>, vector<16xf32>,
      %sub3A_251 = arith.subf %get3A_247, %get3A_250 : vector<16xf32>
      %mul3A_252 = arith.mulf %sub3A_251, %sub3A_251 : vector<16xf32>
      %add3A_253 = arith.addf %add3A_244, %mul3A_252 : vector<16xf32>
      %get3A_254 = arith.index_cast %add3A_224 : i32 to index
      %get3A_255 = arith.constant 48 : index
      %get3A_256 = tpu.vector_load %arg6[%get3A_254, %get3A_255] {strides = array<i32>} : memref<256x64xf32, #tpu.memory_space<vmem>>, vector<16xf32>,
      %get3A_257 = arith.index_cast %add3A_224 : i32 to index
      %get3A_258 = arith.constant 48 : index
      %get3A_259 = tpu.vector_load %arg7[%get3A_257, %get3A_258] {strides = array<i32>} : memref<256x64xf32, #tpu.memory_space<vmem>>, vector<16xf32>,
      %sub3A_260 = arith.subf %get3A_256, %get3A_259 : vector<16xf32>
      %mul3A_261 = arith.mulf %sub3A_260, %sub3A_260 : vector<16xf32>
      %add3A_262 = arith.addf %add3A_253, %mul3A_261 : vector<16xf32>
      %swap3A_263 = arith.constant 64 : index
      %swap3A_264 = tpu.vector_load %arg8[%swap3A_263] {strides = array<i32>} : memref<256xf32, #tpu.memory_space<vmem>>, vector<16xf32>,
      tpu.vector_store %arg8[%swap3A_263], %add3A_262 {strides = array<i32>} : memref<256xf32, #tpu.memory_space<vmem>>, vector<16xf32>,
      %mul3A_265 = arith.constant 16 : i32
      %mul3A_266 = arith.muli %scan3A_47, %mul3A_265 : i32
      %add3A_267 = arith.constant 5 : i32
      %add3A_268 = arith.addi %mul3A_266, %add3A_267 : i32
      %broadcast_in_dim3A_269 = arith.constant 0.000000e+00 : f32
      %broadcast_in_dim3A_270 = vector.broadcast %broadcast_in_dim3A_269 : f32 to vector<16xf32>
      %get3A_271 = arith.index_cast %add3A_268 : i32 to index
      %get3A_272 = arith.constant 0 : index
      %get3A_273 = tpu.vector_load %arg6[%get3A_271, %get3A_272] {strides = array<i32>} : memref<256x64xf32, #tpu.memory_space<vmem>>, vector<16xf32>,
      %get3A_274 = arith.index_cast %add3A_268 : i32 to index
      %get3A_275 = arith.constant 0 : index
      %get3A_276 = tpu.vector_load %arg7[%get3A_274, %get3A_275] {strides = array<i32>} : memref<256x64xf32, #tpu.memory_space<vmem>>, vector<16xf32>,
      %sub3A_277 = arith.subf %get3A_273, %get3A_276 : vector<16xf32>
      %mul3A_278 = arith.mulf %sub3A_277, %sub3A_277 : vector<16xf32>
      %add3A_279 = arith.addf %broadcast_in_dim3A_270, %mul3A_278 : vector<16xf32>
      %get3A_280 = arith.index_cast %add3A_268 : i32 to index
      %get3A_281 = arith.constant 16 : index
      %get3A_282 = tpu.vector_load %arg6[%get3A_280, %get3A_281] {strides = array<i32>} : memref<256x64xf32, #tpu.memory_space<vmem>>, vector<16xf32>,
      %get3A_283 = arith.index_cast %add3A_268 : i32 to index
      %get3A_284 = arith.constant 16 : index
      %get3A_285 = tpu.vector_load %arg7[%get3A_283, %get3A_284] {strides = array<i32>} : memref<256x64xf32, #tpu.memory_space<vmem>>, vector<16xf32>,
      %sub3A_286 = arith.subf %get3A_282, %get3A_285 : vector<16xf32>
      %mul3A_287 = arith.mulf %sub3A_286, %sub3A_286 : vector<16xf32>
      %add3A_288 = arith.addf %add3A_279, %mul3A_287 : vector<16xf32>
      %get3A_289 = arith.index_cast %add3A_268 : i32 to index
      %get3A_290 = arith.constant 32 : index
      %get3A_291 = tpu.vector_load %arg6[%get3A_289, %get3A_290] {strides = array<i32>} : memref<256x64xf32, #tpu.memory_space<vmem>>, vector<16xf32>,
      %get3A_292 = arith.index_cast %add3A_268 : i32 to index
      %get3A_293 = arith.constant 32 : index
      %get3A_294 = tpu.vector_load %arg7[%get3A_292, %get3A_293] {strides = array<i32>} : memref<256x64xf32, #tpu.memory_space<vmem>>, vector<16xf32>,
      %sub3A_295 = arith.subf %get3A_291, %get3A_294 : vector<16xf32>
      %mul3A_296 = arith.mulf %sub3A_295, %sub3A_295 : vector<16xf32>
      %add3A_297 = arith.addf %add3A_288, %mul3A_296 : vector<16xf32>
      %get3A_298 = arith.index_cast %add3A_268 : i32 to index
      %get3A_299 = arith.constant 48 : index
      %get3A_300 = tpu.vector_load %arg6[%get3A_298, %get3A_299] {strides = array<i32>} : memref<256x64xf32, #tpu.memory_space<vmem>>, vector<16xf32>,
      %get3A_301 = arith.index_cast %add3A_268 : i32 to index
      %get3A_302 = arith.constant 48 : index
      %get3A_303 = tpu.vector_load %arg7[%get3A_301, %get3A_302] {strides = array<i32>} : memref<256x64xf32, #tpu.memory_space<vmem>>, vector<16xf32>,
      %sub3A_304 = arith.subf %get3A_300, %get3A_303 : vector<16xf32>
      %mul3A_305 = arith.mulf %sub3A_304, %sub3A_304 : vector<16xf32>
      %add3A_306 = arith.addf %add3A_297, %mul3A_305 : vector<16xf32>
      %swap3A_307 = arith.constant 80 : index
      %swap3A_308 = tpu.vector_load %arg8[%swap3A_307] {strides = array<i32>} : memref<256xf32, #tpu.memory_space<vmem>>, vector<16xf32>,
      tpu.vector_store %arg8[%swap3A_307], %add3A_306 {strides = array<i32>} : memref<256xf32, #tpu.memory_space<vmem>>, vector<16xf32>,
      %mul3A_309 = arith.constant 16 : i32
      %mul3A_310 = arith.muli %scan3A_47, %mul3A_309 : i32
      %add3A_311 = arith.constant 6 : i32
      %add3A_312 = arith.addi %mul3A_310, %add3A_311 : i32
      %broadcast_in_dim3A_313 = arith.constant 0.000000e+00 : f32
      %broadcast_in_dim3A_314 = vector.broadcast %broadcast_in_dim3A_313 : f32 to vector<16xf32>
      %get3A_315 = arith.index_cast %add3A_312 : i32 to index
      %get3A_316 = arith.constant 0 : index
      %get3A_317 = tpu.vector_load %arg6[%get3A_315, %get3A_316] {strides = array<i32>} : memref<256x64xf32, #tpu.memory_space<vmem>>, vector<16xf32>,
      %get3A_318 = arith.index_cast %add3A_312 : i32 to index
      %get3A_319 = arith.constant 0 : index
      %get3A_320 = tpu.vector_load %arg7[%get3A_318, %get3A_319] {strides = array<i32>} : memref<256x64xf32, #tpu.memory_space<vmem>>, vector<16xf32>,
      %sub3A_321 = arith.subf %get3A_317, %get3A_320 : vector<16xf32>
      %mul3A_322 = arith.mulf %sub3A_321, %sub3A_321 : vector<16xf32>
      %add3A_323 = arith.addf %broadcast_in_dim3A_314, %mul3A_322 : vector<16xf32>
      %get3A_324 = arith.index_cast %add3A_312 : i32 to index
      %get3A_325 = arith.constant 16 : index
      %get3A_326 = tpu.vector_load %arg6[%get3A_324, %get3A_325] {strides = array<i32>} : memref<256x64xf32, #tpu.memory_space<vmem>>, vector<16xf32>,
      %get3A_327 = arith.index_cast %add3A_312 : i32 to index
      %get3A_328 = arith.constant 16 : index
      %get3A_329 = tpu.vector_load %arg7[%get3A_327, %get3A_328] {strides = array<i32>} : memref<256x64xf32, #tpu.memory_space<vmem>>, vector<16xf32>,
      %sub3A_330 = arith.subf %get3A_326, %get3A_329 : vector<16xf32>
      %mul3A_331 = arith.mulf %sub3A_330, %sub3A_330 : vector<16xf32>
      %add3A_332 = arith.addf %add3A_323, %mul3A_331 : vector<16xf32>
      %get3A_333 = arith.index_cast %add3A_312 : i32 to index
      %get3A_334 = arith.constant 32 : index
      %get3A_335 = tpu.vector_load %arg6[%get3A_333, %get3A_334] {strides = array<i32>} : memref<256x64xf32, #tpu.memory_space<vmem>>, vector<16xf32>,
      %get3A_336 = arith.index_cast %add3A_312 : i32 to index
      %get3A_337 = arith.constant 32 : index
      %get3A_338 = tpu.vector_load %arg7[%get3A_336, %get3A_337] {strides = array<i32>} : memref<256x64xf32, #tpu.memory_space<vmem>>, vector<16xf32>,
      %sub3A_339 = arith.subf %get3A_335, %get3A_338 : vector<16xf32>
      %mul3A_340 = arith.mulf %sub3A_339, %sub3A_339 : vector<16xf32>
      %add3A_341 = arith.addf %add3A_332, %mul3A_340 : vector<16xf32>
      %get3A_342 = arith.index_cast %add3A_312 : i32 to index
      %get3A_343 = arith.constant 48 : index
      %get3A_344 = tpu.vector_load %arg6[%get3A_342, %get3A_343] {strides = array<i32>} : memref<256x64xf32, #tpu.memory_space<vmem>>, vector<16xf32>,
      %get3A_345 = arith.index_cast %add3A_312 : i32 to index
      %get3A_346 = arith.constant 48 : index
      %get3A_347 = tpu.vector_load %arg7[%get3A_345, %get3A_346] {strides = array<i32>} : memref<256x64xf32, #tpu.memory_space<vmem>>, vector<16xf32>,
      %sub3A_348 = arith.subf %get3A_344, %get3A_347 : vector<16xf32>
      %mul3A_349 = arith.mulf %sub3A_348, %sub3A_348 : vector<16xf32>
      %add3A_350 = arith.addf %add3A_341, %mul3A_349 : vector<16xf32>
      %swap3A_351 = arith.constant 96 : index
      %swap3A_352 = tpu.vector_load %arg8[%swap3A_351] {strides = array<i32>} : memref<256xf32, #tpu.memory_space<vmem>>, vector<16xf32>,
      tpu.vector_store %arg8[%swap3A_351], %add3A_350 {strides = array<i32>} : memref<256xf32, #tpu.memory_space<vmem>>, vector<16xf32>,
      %mul3A_353 = arith.constant 16 : i32
      %mul3A_354 = arith.muli %scan3A_47, %mul3A_353 : i32
      %add3A_355 = arith.constant 7 : i32
      %add3A_356 = arith.addi %mul3A_354, %add3A_355 : i32
      %broadcast_in_dim3A_357 = arith.constant 0.000000e+00 : f32
      %broadcast_in_dim3A_358 = vector.broadcast %broadcast_in_dim3A_357 : f32 to vector<16xf32>
      %get3A_359 = arith.index_cast %add3A_356 : i32 to index
      %get3A_360 = arith.constant 0 : index
      %get3A_361 = tpu.vector_load %arg6[%get3A_359, %get3A_360] {strides = array<i32>} : memref<256x64xf32, #tpu.memory_space<vmem>>, vector<16xf32>,
      %get3A_362 = arith.index_cast %add3A_356 : i32 to index
      %get3A_363 = arith.constant 0 : index
      %get3A_364 = tpu.vector_load %arg7[%get3A_362, %get3A_363] {strides = array<i32>} : memref<256x64xf32, #tpu.memory_space<vmem>>, vector<16xf32>,
      %sub3A_365 = arith.subf %get3A_361, %get3A_364 : vector<16xf32>
      %mul3A_366 = arith.mulf %sub3A_365, %sub3A_365 : vector<16xf32>
      %add3A_367 = arith.addf %broadcast_in_dim3A_358, %mul3A_366 : vector<16xf32>
      %get3A_368 = arith.index_cast %add3A_356 : i32 to index
      %get3A_369 = arith.constant 16 : index
      %get3A_370 = tpu.vector_load %arg6[%get3A_368, %get3A_369] {strides = array<i32>} : memref<256x64xf32, #tpu.memory_space<vmem>>, vector<16xf32>,
      %get3A_371 = arith.index_cast %add3A_356 : i32 to index
      %get3A_372 = arith.constant 16 : index
      %get3A_373 = tpu.vector_load %arg7[%get3A_371, %get3A_372] {strides = array<i32>} : memref<256x64xf32, #tpu.memory_space<vmem>>, vector<16xf32>,
      %sub3A_374 = arith.subf %get3A_370, %get3A_373 : vector<16xf32>
      %mul3A_375 = arith.mulf %sub3A_374, %sub3A_374 : vector<16xf32>
      %add3A_376 = arith.addf %add3A_367, %mul3A_375 : vector<16xf32>
      %get3A_377 = arith.index_cast %add3A_356 : i32 to index
      %get3A_378 = arith.constant 32 : index
      %get3A_379 = tpu.vector_load %arg6[%get3A_377, %get3A_378] {strides = array<i32>} : memref<256x64xf32, #tpu.memory_space<vmem>>, vector<16xf32>,
      %get3A_380 = arith.index_cast %add3A_356 : i32 to index
      %get3A_381 = arith.constant 32 : index
      %get3A_382 = tpu.vector_load %arg7[%get3A_380, %get3A_381] {strides = array<i32>} : memref<256x64xf32, #tpu.memory_space<vmem>>, vector<16xf32>,
      %sub3A_383 = arith.subf %get3A_379, %get3A_382 : vector<16xf32>
      %mul3A_384 = arith.mulf %sub3A_383, %sub3A_383 : vector<16xf32>
      %add3A_385 = arith.addf %add3A_376, %mul3A_384 : vector<16xf32>
      %get3A_386 = arith.index_cast %add3A_356 : i32 to index
      %get3A_387 = arith.constant 48 : index
      %get3A_388 = tpu.vector_load %arg6[%get3A_386, %get3A_387] {strides = array<i32>} : memref<256x64xf32, #tpu.memory_space<vmem>>, vector<16xf32>,
      %get3A_389 = arith.index_cast %add3A_356 : i32 to index
      %get3A_390 = arith.constant 48 : index
      %get3A_391 = tpu.vector_load %arg7[%get3A_389, %get3A_390] {strides = array<i32>} : memref<256x64xf32, #tpu.memory_space<vmem>>, vector<16xf32>,
      %sub3A_392 = arith.subf %get3A_388, %get3A_391 : vector<16xf32>
      %mul3A_393 = arith.mulf %sub3A_392, %sub3A_392 : vector<16xf32>
      %add3A_394 = arith.addf %add3A_385, %mul3A_393 : vector<16xf32>
      %swap3A_395 = arith.constant 112 : index
      %swap3A_396 = tpu.vector_load %arg8[%swap3A_395] {strides = array<i32>} : memref<256xf32, #tpu.memory_space<vmem>>, vector<16xf32>,
      tpu.vector_store %arg8[%swap3A_395], %add3A_394 {strides = array<i32>} : memref<256xf32, #tpu.memory_space<vmem>>, vector<16xf32>,
      %mul3A_397 = arith.constant 16 : i32
      %mul3A_398 = arith.muli %scan3A_47, %mul3A_397 : i32
      %add3A_399 = arith.constant 8 : i32
      %add3A_400 = arith.addi %mul3A_398, %add3A_399 : i32
      %broadcast_in_dim3A_401 = arith.constant 0.000000e+00 : f32
      %broadcast_in_dim3A_402 = vector.broadcast %broadcast_in_dim3A_401 : f32 to vector<16xf32>
      %get3A_403 = arith.index_cast %add3A_400 : i32 to index
      %get3A_404 = arith.constant 0 : index
      %get3A_405 = tpu.vector_load %arg6[%get3A_403, %get3A_404] {strides = array<i32>} : memref<256x64xf32, #tpu.memory_space<vmem>>, vector<16xf32>,
      %get3A_406 = arith.index_cast %add3A_400 : i32 to index
      %get3A_407 = arith.constant 0 : index
      %get3A_408 = tpu.vector_load %arg7[%get3A_406, %get3A_407] {strides = array<i32>} : memref<256x64xf32, #tpu.memory_space<vmem>>, vector<16xf32>,
      %sub3A_409 = arith.subf %get3A_405, %get3A_408 : vector<16xf32>
      %mul3A_410 = arith.mulf %sub3A_409, %sub3A_409 : vector<16xf32>
      %add3A_411 = arith.addf %broadcast_in_dim3A_402, %mul3A_410 : vector<16xf32>
      %get3A_412 = arith.index_cast %add3A_400 : i32 to index
      %get3A_413 = arith.constant 16 : index
      %get3A_414 = tpu.vector_load %arg6[%get3A_412, %get3A_413] {strides = array<i32>} : memref<256x64xf32, #tpu.memory_space<vmem>>, vector<16xf32>,
      %get3A_415 = arith.index_cast %add3A_400 : i32 to index
      %get3A_416 = arith.constant 16 : index
      %get3A_417 = tpu.vector_load %arg7[%get3A_415, %get3A_416] {strides = array<i32>} : memref<256x64xf32, #tpu.memory_space<vmem>>, vector<16xf32>,
      %sub3A_418 = arith.subf %get3A_414, %get3A_417 : vector<16xf32>
      %mul3A_419 = arith.mulf %sub3A_418, %sub3A_418 : vector<16xf32>
      %add3A_420 = arith.addf %add3A_411, %mul3A_419 : vector<16xf32>
      %get3A_421 = arith.index_cast %add3A_400 : i32 to index
      %get3A_422 = arith.constant 32 : index
      %get3A_423 = tpu.vector_load %arg6[%get3A_421, %get3A_422] {strides = array<i32>} : memref<256x64xf32, #tpu.memory_space<vmem>>, vector<16xf32>,
      %get3A_424 = arith.index_cast %add3A_400 : i32 to index
      %get3A_425 = arith.constant 32 : index
      %get3A_426 = tpu.vector_load %arg7[%get3A_424, %get3A_425] {strides = array<i32>} : memref<256x64xf32, #tpu.memory_space<vmem>>, vector<16xf32>,
      %sub3A_427 = arith.subf %get3A_423, %get3A_426 : vector<16xf32>
      %mul3A_428 = arith.mulf %sub3A_427, %sub3A_427 : vector<16xf32>
      %add3A_429 = arith.addf %add3A_420, %mul3A_428 : vector<16xf32>
      %get3A_430 = arith.index_cast %add3A_400 : i32 to index
      %get3A_431 = arith.constant 48 : index
      %get3A_432 = tpu.vector_load %arg6[%get3A_430, %get3A_431] {strides = array<i32>} : memref<256x64xf32, #tpu.memory_space<vmem>>, vector<16xf32>,
      %get3A_433 = arith.index_cast %add3A_400 : i32 to index
      %get3A_434 = arith.constant 48 : index
      %get3A_435 = tpu.vector_load %arg7[%get3A_433, %get3A_434] {strides = array<i32>} : memref<256x64xf32, #tpu.memory_space<vmem>>, vector<16xf32>,
      %sub3A_436 = arith.subf %get3A_432, %get3A_435 : vector<16xf32>
      %mul3A_437 = arith.mulf %sub3A_436, %sub3A_436 : vector<16xf32>
      %add3A_438 = arith.addf %add3A_429, %mul3A_437 : vector<16xf32>
      %swap3A_439 = arith.constant 128 : index
      %swap3A_440 = tpu.vector_load %arg8[%swap3A_439] {strides = array<i32>} : memref<256xf32, #tpu.memory_space<vmem>>, vector<16xf32>,
      tpu.vector_store %arg8[%swap3A_439], %add3A_438 {strides = array<i32>} : memref<256xf32, #tpu.memory_space<vmem>>, vector<16xf32>,
      %mul3A_441 = arith.constant 16 : i32
      %mul3A_442 = arith.muli %scan3A_47, %mul3A_441 : i32
      %add3A_443 = arith.constant 9 : i32
      %add3A_444 = arith.addi %mul3A_442, %add3A_443 : i32
      %broadcast_in_dim3A_445 = arith.constant 0.000000e+00 : f32
      %broadcast_in_dim3A_446 = vector.broadcast %broadcast_in_dim3A_445 : f32 to vector<16xf32>
      %get3A_447 = arith.index_cast %add3A_444 : i32 to index
      %get3A_448 = arith.constant 0 : index
      %get3A_449 = tpu.vector_load %arg6[%get3A_447, %get3A_448] {strides = array<i32>} : memref<256x64xf32, #tpu.memory_space<vmem>>, vector<16xf32>,
      %get3A_450 = arith.index_cast %add3A_444 : i32 to index
      %get3A_451 = arith.constant 0 : index
      %get3A_452 = tpu.vector_load %arg7[%get3A_450, %get3A_451] {strides = array<i32>} : memref<256x64xf32, #tpu.memory_space<vmem>>, vector<16xf32>,
      %sub3A_453 = arith.subf %get3A_449, %get3A_452 : vector<16xf32>
      %mul3A_454 = arith.mulf %sub3A_453, %sub3A_453 : vector<16xf32>
      %add3A_455 = arith.addf %broadcast_in_dim3A_446, %mul3A_454 : vector<16xf32>
      %get3A_456 = arith.index_cast %add3A_444 : i32 to index
      %get3A_457 = arith.constant 16 : index
      %get3A_458 = tpu.vector_load %arg6[%get3A_456, %get3A_457] {strides = array<i32>} : memref<256x64xf32, #tpu.memory_space<vmem>>, vector<16xf32>,
      %get3A_459 = arith.index_cast %add3A_444 : i32 to index
      %get3A_460 = arith.constant 16 : index
      %get3A_461 = tpu.vector_load %arg7[%get3A_459, %get3A_460] {strides = array<i32>} : memref<256x64xf32, #tpu.memory_space<vmem>>, vector<16xf32>,
      %sub3A_462 = arith.subf %get3A_458, %get3A_461 : vector<16xf32>
      %mul3A_463 = arith.mulf %sub3A_462, %sub3A_462 : vector<16xf32>
      %add3A_464 = arith.addf %add3A_455, %mul3A_463 : vector<16xf32>
      %get3A_465 = arith.index_cast %add3A_444 : i32 to index
      %get3A_466 = arith.constant 32 : index
      %get3A_467 = tpu.vector_load %arg6[%get3A_465, %get3A_466] {strides = array<i32>} : memref<256x64xf32, #tpu.memory_space<vmem>>, vector<16xf32>,
      %get3A_468 = arith.index_cast %add3A_444 : i32 to index
      %get3A_469 = arith.constant 32 : index
      %get3A_470 = tpu.vector_load %arg7[%get3A_468, %get3A_469] {strides = array<i32>} : memref<256x64xf32, #tpu.memory_space<vmem>>, vector<16xf32>,
      %sub3A_471 = arith.subf %get3A_467, %get3A_470 : vector<16xf32>
      %mul3A_472 = arith.mulf %sub3A_471, %sub3A_471 : vector<16xf32>
      %add3A_473 = arith.addf %add3A_464, %mul3A_472 : vector<16xf32>
      %get3A_474 = arith.index_cast %add3A_444 : i32 to index
      %get3A_475 = arith.constant 48 : index
      %get3A_476 = tpu.vector_load %arg6[%get3A_474, %get3A_475] {strides = array<i32>} : memref<256x64xf32, #tpu.memory_space<vmem>>, vector<16xf32>,
      %get3A_477 = arith.index_cast %add3A_444 : i32 to index
      %get3A_478 = arith.constant 48 : index
      %get3A_479 = tpu.vector_load %arg7[%get3A_477, %get3A_478] {strides = array<i32>} : memref<256x64xf32, #tpu.memory_space<vmem>>, vector<16xf32>,
      %sub3A_480 = arith.subf %get3A_476, %get3A_479 : vector<16xf32>
      %mul3A_481 = arith.mulf %sub3A_480, %sub3A_480 : vector<16xf32>
      %add3A_482 = arith.addf %add3A_473, %mul3A_481 : vector<16xf32>
      %swap3A_483 = arith.constant 144 : index
      %swap3A_484 = tpu.vector_load %arg8[%swap3A_483] {strides = array<i32>} : memref<256xf32, #tpu.memory_space<vmem>>, vector<16xf32>,
      tpu.vector_store %arg8[%swap3A_483], %add3A_482 {strides = array<i32>} : memref<256xf32, #tpu.memory_space<vmem>>, vector<16xf32>,
      %mul3A_485 = arith.constant 16 : i32
      %mul3A_486 = arith.muli %scan3A_47, %mul3A_485 : i32
      %add3A_487 = arith.constant 10 : i32
      %add3A_488 = arith.addi %mul3A_486, %add3A_487 : i32
      %broadcast_in_dim3A_489 = arith.constant 0.000000e+00 : f32
      %broadcast_in_dim3A_490 = vector.broadcast %broadcast_in_dim3A_489 : f32 to vector<16xf32>
      %get3A_491 = arith.index_cast %add3A_488 : i32 to index
      %get3A_492 = arith.constant 0 : index
      %get3A_493 = tpu.vector_load %arg6[%get3A_491, %get3A_492] {strides = array<i32>} : memref<256x64xf32, #tpu.memory_space<vmem>>, vector<16xf32>,
      %get3A_494 = arith.index_cast %add3A_488 : i32 to index
      %get3A_495 = arith.constant 0 : index
      %get3A_496 = tpu.vector_load %arg7[%get3A_494, %get3A_495] {strides = array<i32>} : memref<256x64xf32, #tpu.memory_space<vmem>>, vector<16xf32>,
      %sub3A_497 = arith.subf %get3A_493, %get3A_496 : vector<16xf32>
      %mul3A_498 = arith.mulf %sub3A_497, %sub3A_497 : vector<16xf32>
      %add3A_499 = arith.addf %broadcast_in_dim3A_490, %mul3A_498 : vector<16xf32>
      %get3A_500 = arith.index_cast %add3A_488 : i32 to index
      %get3A_501 = arith.constant 16 : index
      %get3A_502 = tpu.vector_load %arg6[%get3A_500, %get3A_501] {strides = array<i32>} : memref<256x64xf32, #tpu.memory_space<vmem>>, vector<16xf32>,
      %get3A_503 = arith.index_cast %add3A_488 : i32 to index
      %get3A_504 = arith.constant 16 : index
      %get3A_505 = tpu.vector_load %arg7[%get3A_503, %get3A_504] {strides = array<i32>} : memref<256x64xf32, #tpu.memory_space<vmem>>, vector<16xf32>,
      %sub3A_506 = arith.subf %get3A_502, %get3A_505 : vector<16xf32>
      %mul3A_507 = arith.mulf %sub3A_506, %sub3A_506 : vector<16xf32>
      %add3A_508 = arith.addf %add3A_499, %mul3A_507 : vector<16xf32>
      %get3A_509 = arith.index_cast %add3A_488 : i32 to index
      %get3A_510 = arith.constant 32 : index
      %get3A_511 = tpu.vector_load %arg6[%get3A_509, %get3A_510] {strides = array<i32>} : memref<256x64xf32, #tpu.memory_space<vmem>>, vector<16xf32>,
      %get3A_512 = arith.index_cast %add3A_488 : i32 to index
      %get3A_513 = arith.constant 32 : index
      %get3A_514 = tpu.vector_load %arg7[%get3A_512, %get3A_513] {strides = array<i32>} : memref<256x64xf32, #tpu.memory_space<vmem>>, vector<16xf32>,
      %sub3A_515 = arith.subf %get3A_511, %get3A_514 : vector<16xf32>
      %mul3A_516 = arith.mulf %sub3A_515, %sub3A_515 : vector<16xf32>
      %add3A_517 = arith.addf %add3A_508, %mul3A_516 : vector<16xf32>
      %get3A_518 = arith.index_cast %add3A_488 : i32 to index
      %get3A_519 = arith.constant 48 : index
      %get3A_520 = tpu.vector_load %arg6[%get3A_518, %get3A_519] {strides = array<i32>} : memref<256x64xf32, #tpu.memory_space<vmem>>, vector<16xf32>,
      %get3A_521 = arith.index_cast %add3A_488 : i32 to index
      %get3A_522 = arith.constant 48 : index
      %get3A_523 = tpu.vector_load %arg7[%get3A_521, %get3A_522] {strides = array<i32>} : memref<256x64xf32, #tpu.memory_space<vmem>>, vector<16xf32>,
      %sub3A_524 = arith.subf %get3A_520, %get3A_523 : vector<16xf32>
      %mul3A_525 = arith.mulf %sub3A_524, %sub3A_524 : vector<16xf32>
      %add3A_526 = arith.addf %add3A_517, %mul3A_525 : vector<16xf32>
      %swap3A_527 = arith.constant 160 : index
      %swap3A_528 = tpu.vector_load %arg8[%swap3A_527] {strides = array<i32>} : memref<256xf32, #tpu.memory_space<vmem>>, vector<16xf32>,
      tpu.vector_store %arg8[%swap3A_527], %add3A_526 {strides = array<i32>} : memref<256xf32, #tpu.memory_space<vmem>>, vector<16xf32>,
      %mul3A_529 = arith.constant 16 : i32
      %mul3A_530 = arith.muli %scan3A_47, %mul3A_529 : i32
      %add3A_531 = arith.constant 11 : i32
      %add3A_532 = arith.addi %mul3A_530, %add3A_531 : i32
      %broadcast_in_dim3A_533 = arith.constant 0.000000e+00 : f32
      %broadcast_in_dim3A_534 = vector.broadcast %broadcast_in_dim3A_533 : f32 to vector<16xf32>
      %get3A_535 = arith.index_cast %add3A_532 : i32 to index
      %get3A_536 = arith.constant 0 : index
      %get3A_537 = tpu.vector_load %arg6[%get3A_535, %get3A_536] {strides = array<i32>} : memref<256x64xf32, #tpu.memory_space<vmem>>, vector<16xf32>,
      %get3A_538 = arith.index_cast %add3A_532 : i32 to index
      %get3A_539 = arith.constant 0 : index
      %get3A_540 = tpu.vector_load %arg7[%get3A_538, %get3A_539] {strides = array<i32>} : memref<256x64xf32, #tpu.memory_space<vmem>>, vector<16xf32>,
      %sub3A_541 = arith.subf %get3A_537, %get3A_540 : vector<16xf32>
      %mul3A_542 = arith.mulf %sub3A_541, %sub3A_541 : vector<16xf32>
      %add3A_543 = arith.addf %broadcast_in_dim3A_534, %mul3A_542 : vector<16xf32>
      %get3A_544 = arith.index_cast %add3A_532 : i32 to index
      %get3A_545 = arith.constant 16 : index
      %get3A_546 = tpu.vector_load %arg6[%get3A_544, %get3A_545] {strides = array<i32>} : memref<256x64xf32, #tpu.memory_space<vmem>>, vector<16xf32>,
      %get3A_547 = arith.index_cast %add3A_532 : i32 to index
      %get3A_548 = arith.constant 16 : index
      %get3A_549 = tpu.vector_load %arg7[%get3A_547, %get3A_548] {strides = array<i32>} : memref<256x64xf32, #tpu.memory_space<vmem>>, vector<16xf32>,
      %sub3A_550 = arith.subf %get3A_546, %get3A_549 : vector<16xf32>
      %mul3A_551 = arith.mulf %sub3A_550, %sub3A_550 : vector<16xf32>
      %add3A_552 = arith.addf %add3A_543, %mul3A_551 : vector<16xf32>
      %get3A_553 = arith.index_cast %add3A_532 : i32 to index
      %get3A_554 = arith.constant 32 : index
      %get3A_555 = tpu.vector_load %arg6[%get3A_553, %get3A_554] {strides = array<i32>} : memref<256x64xf32, #tpu.memory_space<vmem>>, vector<16xf32>,
      %get3A_556 = arith.index_cast %add3A_532 : i32 to index
      %get3A_557 = arith.constant 32 : index
      %get3A_558 = tpu.vector_load %arg7[%get3A_556, %get3A_557] {strides = array<i32>} : memref<256x64xf32, #tpu.memory_space<vmem>>, vector<16xf32>,
      %sub3A_559 = arith.subf %get3A_555, %get3A_558 : vector<16xf32>
      %mul3A_560 = arith.mulf %sub3A_559, %sub3A_559 : vector<16xf32>
      %add3A_561 = arith.addf %add3A_552, %mul3A_560 : vector<16xf32>
      %get3A_562 = arith.index_cast %add3A_532 : i32 to index
      %get3A_563 = arith.constant 48 : index
      %get3A_564 = tpu.vector_load %arg6[%get3A_562, %get3A_563] {strides = array<i32>} : memref<256x64xf32, #tpu.memory_space<vmem>>, vector<16xf32>,
      %get3A_565 = arith.index_cast %add3A_532 : i32 to index
      %get3A_566 = arith.constant 48 : index
      %get3A_567 = tpu.vector_load %arg7[%get3A_565, %get3A_566] {strides = array<i32>} : memref<256x64xf32, #tpu.memory_space<vmem>>, vector<16xf32>,
      %sub3A_568 = arith.subf %get3A_564, %get3A_567 : vector<16xf32>
      %mul3A_569 = arith.mulf %sub3A_568, %sub3A_568 : vector<16xf32>
      %add3A_570 = arith.addf %add3A_561, %mul3A_569 : vector<16xf32>
      %swap3A_571 = arith.constant 176 : index
      %swap3A_572 = tpu.vector_load %arg8[%swap3A_571] {strides = array<i32>} : memref<256xf32, #tpu.memory_space<vmem>>, vector<16xf32>,
      tpu.vector_store %arg8[%swap3A_571], %add3A_570 {strides = array<i32>} : memref<256xf32, #tpu.memory_space<vmem>>, vector<16xf32>,
      %mul3A_573 = arith.constant 16 : i32
      %mul3A_574 = arith.muli %scan3A_47, %mul3A_573 : i32
      %add3A_575 = arith.constant 12 : i32
      %add3A_576 = arith.addi %mul3A_574, %add3A_575 : i32
      %broadcast_in_dim3A_577 = arith.constant 0.000000e+00 : f32
      %broadcast_in_dim3A_578 = vector.broadcast %broadcast_in_dim3A_577 : f32 to vector<16xf32>
      %get3A_579 = arith.index_cast %add3A_576 : i32 to index
      %get3A_580 = arith.constant 0 : index
      %get3A_581 = tpu.vector_load %arg6[%get3A_579, %get3A_580] {strides = array<i32>} : memref<256x64xf32, #tpu.memory_space<vmem>>, vector<16xf32>,
      %get3A_582 = arith.index_cast %add3A_576 : i32 to index
      %get3A_583 = arith.constant 0 : index
      %get3A_584 = tpu.vector_load %arg7[%get3A_582, %get3A_583] {strides = array<i32>} : memref<256x64xf32, #tpu.memory_space<vmem>>, vector<16xf32>,
      %sub3A_585 = arith.subf %get3A_581, %get3A_584 : vector<16xf32>
      %mul3A_586 = arith.mulf %sub3A_585, %sub3A_585 : vector<16xf32>
      %add3A_587 = arith.addf %broadcast_in_dim3A_578, %mul3A_586 : vector<16xf32>
      %get3A_588 = arith.index_cast %add3A_576 : i32 to index
      %get3A_589 = arith.constant 16 : index
      %get3A_590 = tpu.vector_load %arg6[%get3A_588, %get3A_589] {strides = array<i32>} : memref<256x64xf32, #tpu.memory_space<vmem>>, vector<16xf32>,
      %get3A_591 = arith.index_cast %add3A_576 : i32 to index
      %get3A_592 = arith.constant 16 : index
      %get3A_593 = tpu.vector_load %arg7[%get3A_591, %get3A_592] {strides = array<i32>} : memref<256x64xf32, #tpu.memory_space<vmem>>, vector<16xf32>,
      %sub3A_594 = arith.subf %get3A_590, %get3A_593 : vector<16xf32>
      %mul3A_595 = arith.mulf %sub3A_594, %sub3A_594 : vector<16xf32>
      %add3A_596 = arith.addf %add3A_587, %mul3A_595 : vector<16xf32>
      %get3A_597 = arith.index_cast %add3A_576 : i32 to index
      %get3A_598 = arith.constant 32 : index
      %get3A_599 = tpu.vector_load %arg6[%get3A_597, %get3A_598] {strides = array<i32>} : memref<256x64xf32, #tpu.memory_space<vmem>>, vector<16xf32>,
      %get3A_600 = arith.index_cast %add3A_576 : i32 to index
      %get3A_601 = arith.constant 32 : index
      %get3A_602 = tpu.vector_load %arg7[%get3A_600, %get3A_601] {strides = array<i32>} : memref<256x64xf32, #tpu.memory_space<vmem>>, vector<16xf32>,
      %sub3A_603 = arith.subf %get3A_599, %get3A_602 : vector<16xf32>
      %mul3A_604 = arith.mulf %sub3A_603, %sub3A_603 : vector<16xf32>
      %add3A_605 = arith.addf %add3A_596, %mul3A_604 : vector<16xf32>
      %get3A_606 = arith.index_cast %add3A_576 : i32 to index
      %get3A_607 = arith.constant 48 : index
      %get3A_608 = tpu.vector_load %arg6[%get3A_606, %get3A_607] {strides = array<i32>} : memref<256x64xf32, #tpu.memory_space<vmem>>, vector<16xf32>,
      %get3A_609 = arith.index_cast %add3A_576 : i32 to index
      %get3A_610 = arith.constant 48 : index
      %get3A_611 = tpu.vector_load %arg7[%get3A_609, %get3A_610] {strides = array<i32>} : memref<256x64xf32, #tpu.memory_space<vmem>>, vector<16xf32>,
      %sub3A_612 = arith.subf %get3A_608, %get3A_611 : vector<16xf32>
      %mul3A_613 = arith.mulf %sub3A_612, %sub3A_612 : vector<16xf32>
      %add3A_614 = arith.addf %add3A_605, %mul3A_613 : vector<16xf32>
      %swap3A_615 = arith.constant 192 : index
      %swap3A_616 = tpu.vector_load %arg8[%swap3A_615] {strides = array<i32>} : memref<256xf32, #tpu.memory_space<vmem>>, vector<16xf32>,
      tpu.vector_store %arg8[%swap3A_615], %add3A_614 {strides = array<i32>} : memref<256xf32, #tpu.memory_space<vmem>>, vector<16xf32>,
      %mul3A_617 = arith.constant 16 : i32
      %mul3A_618 = arith.muli %scan3A_47, %mul3A_617 : i32
      %add3A_619 = arith.constant 13 : i32
      %add3A_620 = arith.addi %mul3A_618, %add3A_619 : i32
      %broadcast_in_dim3A_621 = arith.constant 0.000000e+00 : f32
      %broadcast_in_dim3A_622 = vector.broadcast %broadcast_in_dim3A_621 : f32 to vector<16xf32>
      %get3A_623 = arith.index_cast %add3A_620 : i32 to index
      %get3A_624 = arith.constant 0 : index
      %get3A_625 = tpu.vector_load %arg6[%get3A_623, %get3A_624] {strides = array<i32>} : memref<256x64xf32, #tpu.memory_space<vmem>>, vector<16xf32>,
      %get3A_626 = arith.index_cast %add3A_620 : i32 to index
      %get3A_627 = arith.constant 0 : index
      %get3A_628 = tpu.vector_load %arg7[%get3A_626, %get3A_627] {strides = array<i32>} : memref<256x64xf32, #tpu.memory_space<vmem>>, vector<16xf32>,
      %sub3A_629 = arith.subf %get3A_625, %get3A_628 : vector<16xf32>
      %mul3A_630 = arith.mulf %sub3A_629, %sub3A_629 : vector<16xf32>
      %add3A_631 = arith.addf %broadcast_in_dim3A_622, %mul3A_630 : vector<16xf32>
      %get3A_632 = arith.index_cast %add3A_620 : i32 to index
      %get3A_633 = arith.constant 16 : index
      %get3A_634 = tpu.vector_load %arg6[%get3A_632, %get3A_633] {strides = array<i32>} : memref<256x64xf32, #tpu.memory_space<vmem>>, vector<16xf32>,
      %get3A_635 = arith.index_cast %add3A_620 : i32 to index
      %get3A_636 = arith.constant 16 : index
      %get3A_637 = tpu.vector_load %arg7[%get3A_635, %get3A_636] {strides = array<i32>} : memref<256x64xf32, #tpu.memory_space<vmem>>, vector<16xf32>,
      %sub3A_638 = arith.subf %get3A_634, %get3A_637 : vector<16xf32>
      %mul3A_639 = arith.mulf %sub3A_638, %sub3A_638 : vector<16xf32>
      %add3A_640 = arith.addf %add3A_631, %mul3A_639 : vector<16xf32>
      %get3A_641 = arith.index_cast %add3A_620 : i32 to index
      %get3A_642 = arith.constant 32 : index
      %get3A_643 = tpu.vector_load %arg6[%get3A_641, %get3A_642] {strides = array<i32>} : memref<256x64xf32, #tpu.memory_space<vmem>>, vector<16xf32>,
      %get3A_644 = arith.index_cast %add3A_620 : i32 to index
      %get3A_645 = arith.constant 32 : index
      %get3A_646 = tpu.vector_load %arg7[%get3A_644, %get3A_645] {strides = array<i32>} : memref<256x64xf32, #tpu.memory_space<vmem>>, vector<16xf32>,
      %sub3A_647 = arith.subf %get3A_643, %get3A_646 : vector<16xf32>
      %mul3A_648 = arith.mulf %sub3A_647, %sub3A_647 : vector<16xf32>
      %add3A_649 = arith.addf %add3A_640, %mul3A_648 : vector<16xf32>
      %get3A_650 = arith.index_cast %add3A_620 : i32 to index
      %get3A_651 = arith.constant 48 : index
      %get3A_652 = tpu.vector_load %arg6[%get3A_650, %get3A_651] {strides = array<i32>} : memref<256x64xf32, #tpu.memory_space<vmem>>, vector<16xf32>,
      %get3A_653 = arith.index_cast %add3A_620 : i32 to index
      %get3A_654 = arith.constant 48 : index
      %get3A_655 = tpu.vector_load %arg7[%get3A_653, %get3A_654] {strides = array<i32>} : memref<256x64xf32, #tpu.memory_space<vmem>>, vector<16xf32>,
      %sub3A_656 = arith.subf %get3A_652, %get3A_655 : vector<16xf32>
      %mul3A_657 = arith.mulf %sub3A_656, %sub3A_656 : vector<16xf32>
      %add3A_658 = arith.addf %add3A_649, %mul3A_657 : vector<16xf32>
      %swap3A_659 = arith.constant 208 : index
      %swap3A_660 = tpu.vector_load %arg8[%swap3A_659] {strides = array<i32>} : memref<256xf32, #tpu.memory_space<vmem>>, vector<16xf32>,
      tpu.vector_store %arg8[%swap3A_659], %add3A_658 {strides = array<i32>} : memref<256xf32, #tpu.memory_space<vmem>>, vector<16xf32>,
      %mul3A_661 = arith.constant 16 : i32
      %mul3A_662 = arith.muli %scan3A_47, %mul3A_661 : i32
      %add3A_663 = arith.constant 14 : i32
      %add3A_664 = arith.addi %mul3A_662, %add3A_663 : i32
      %broadcast_in_dim3A_665 = arith.constant 0.000000e+00 : f32
      %broadcast_in_dim3A_666 = vector.broadcast %broadcast_in_dim3A_665 : f32 to vector<16xf32>
      %get3A_667 = arith.index_cast %add3A_664 : i32 to index
      %get3A_668 = arith.constant 0 : index
      %get3A_669 = tpu.vector_load %arg6[%get3A_667, %get3A_668] {strides = array<i32>} : memref<256x64xf32, #tpu.memory_space<vmem>>, vector<16xf32>,
      %get3A_670 = arith.index_cast %add3A_664 : i32 to index
      %get3A_671 = arith.constant 0 : index
      %get3A_672 = tpu.vector_load %arg7[%get3A_670, %get3A_671] {strides = array<i32>} : memref<256x64xf32, #tpu.memory_space<vmem>>, vector<16xf32>,
      %sub3A_673 = arith.subf %get3A_669, %get3A_672 : vector<16xf32>
      %mul3A_674 = arith.mulf %sub3A_673, %sub3A_673 : vector<16xf32>
      %add3A_675 = arith.addf %broadcast_in_dim3A_666, %mul3A_674 : vector<16xf32>
      %get3A_676 = arith.index_cast %add3A_664 : i32 to index
      %get3A_677 = arith.constant 16 : index
      %get3A_678 = tpu.vector_load %arg6[%get3A_676, %get3A_677] {strides = array<i32>} : memref<256x64xf32, #tpu.memory_space<vmem>>, vector<16xf32>,
      %get3A_679 = arith.index_cast %add3A_664 : i32 to index
      %get3A_680 = arith.constant 16 : index
      %get3A_681 = tpu.vector_load %arg7[%get3A_679, %get3A_680] {strides = array<i32>} : memref<256x64xf32, #tpu.memory_space<vmem>>, vector<16xf32>,
      %sub3A_682 = arith.subf %get3A_678, %get3A_681 : vector<16xf32>
      %mul3A_683 = arith.mulf %sub3A_682, %sub3A_682 : vector<16xf32>
      %add3A_684 = arith.addf %add3A_675, %mul3A_683 : vector<16xf32>
      %get3A_685 = arith.index_cast %add3A_664 : i32 to index
      %get3A_686 = arith.constant 32 : index
      %get3A_687 = tpu.vector_load %arg6[%get3A_685, %get3A_686] {strides = array<i32>} : memref<256x64xf32, #tpu.memory_space<vmem>>, vector<16xf32>,
      %get3A_688 = arith.index_cast %add3A_664 : i32 to index
      %get3A_689 = arith.constant 32 : index
      %get3A_690 = tpu.vector_load %arg7[%get3A_688, %get3A_689] {strides = array<i32>} : memref<256x64xf32, #tpu.memory_space<vmem>>, vector<16xf32>,
      %sub3A_691 = arith.subf %get3A_687, %get3A_690 : vector<16xf32>
      %mul3A_692 = arith.mulf %sub3A_691, %sub3A_691 : vector<16xf32>
      %add3A_693 = arith.addf %add3A_684, %mul3A_692 : vector<16xf32>
      %get3A_694 = arith.index_cast %add3A_664 : i32 to index
      %get3A_695 = arith.constant 48 : index
      %get3A_696 = tpu.vector_load %arg6[%get3A_694, %get3A_695] {strides = array<i32>} : memref<256x64xf32, #tpu.memory_space<vmem>>, vector<16xf32>,
      %get3A_697 = arith.index_cast %add3A_664 : i32 to index
      %get3A_698 = arith.constant 48 : index
      %get3A_699 = tpu.vector_load %arg7[%get3A_697, %get3A_698] {strides = array<i32>} : memref<256x64xf32, #tpu.memory_space<vmem>>, vector<16xf32>,
      %sub3A_700 = arith.subf %get3A_696, %get3A_699 : vector<16xf32>
      %mul3A_701 = arith.mulf %sub3A_700, %sub3A_700 : vector<16xf32>
      %add3A_702 = arith.addf %add3A_693, %mul3A_701 : vector<16xf32>
      %swap3A_703 = arith.constant 224 : index
      %swap3A_704 = tpu.vector_load %arg8[%swap3A_703] {strides = array<i32>} : memref<256xf32, #tpu.memory_space<vmem>>, vector<16xf32>,
      tpu.vector_store %arg8[%swap3A_703], %add3A_702 {strides = array<i32>} : memref<256xf32, #tpu.memory_space<vmem>>, vector<16xf32>,
      %mul3A_705 = arith.constant 16 : i32
      %mul3A_706 = arith.muli %scan3A_47, %mul3A_705 : i32
      %add3A_707 = arith.constant 15 : i32
      %add3A_708 = arith.addi %mul3A_706, %add3A_707 : i32
      %broadcast_in_dim3A_709 = arith.constant 0.000000e+00 : f32
      %broadcast_in_dim3A_710 = vector.broadcast %broadcast_in_dim3A_709 : f32 to vector<16xf32>
      %get3A_711 = arith.index_cast %add3A_708 : i32 to index
      %get3A_712 = arith.constant 0 : index
      %get3A_713 = tpu.vector_load %arg6[%get3A_711, %get3A_712] {strides = array<i32>} : memref<256x64xf32, #tpu.memory_space<vmem>>, vector<16xf32>,
      %get3A_714 = arith.index_cast %add3A_708 : i32 to index
      %get3A_715 = arith.constant 0 : index
      %get3A_716 = tpu.vector_load %arg7[%get3A_714, %get3A_715] {strides = array<i32>} : memref<256x64xf32, #tpu.memory_space<vmem>>, vector<16xf32>,
      %sub3A_717 = arith.subf %get3A_713, %get3A_716 : vector<16xf32>
      %mul3A_718 = arith.mulf %sub3A_717, %sub3A_717 : vector<16xf32>
      %add3A_719 = arith.addf %broadcast_in_dim3A_710, %mul3A_718 : vector<16xf32>
      %get3A_720 = arith.index_cast %add3A_708 : i32 to index
      %get3A_721 = arith.constant 16 : index
      %get3A_722 = tpu.vector_load %arg6[%get3A_720, %get3A_721] {strides = array<i32>} : memref<256x64xf32, #tpu.memory_space<vmem>>, vector<16xf32>,
      %get3A_723 = arith.index_cast %add3A_708 : i32 to index
      %get3A_724 = arith.constant 16 : index
      %get3A_725 = tpu.vector_load %arg7[%get3A_723, %get3A_724] {strides = array<i32>} : memref<256x64xf32, #tpu.memory_space<vmem>>, vector<16xf32>,
      %sub3A_726 = arith.subf %get3A_722, %get3A_725 : vector<16xf32>
      %mul3A_727 = arith.mulf %sub3A_726, %sub3A_726 : vector<16xf32>
      %add3A_728 = arith.addf %add3A_719, %mul3A_727 : vector<16xf32>
      %get3A_729 = arith.index_cast %add3A_708 : i32 to index
      %get3A_730 = arith.constant 32 : index
      %get3A_731 = tpu.vector_load %arg6[%get3A_729, %get3A_730] {strides = array<i32>} : memref<256x64xf32, #tpu.memory_space<vmem>>, vector<16xf32>,
      %get3A_732 = arith.index_cast %add3A_708 : i32 to index
      %get3A_733 = arith.constant 32 : index
      %get3A_734 = tpu.vector_load %arg7[%get3A_732, %get3A_733] {strides = array<i32>} : memref<256x64xf32, #tpu.memory_space<vmem>>, vector<16xf32>,
      %sub3A_735 = arith.subf %get3A_731, %get3A_734 : vector<16xf32>
      %mul3A_736 = arith.mulf %sub3A_735, %sub3A_735 : vector<16xf32>
      %add3A_737 = arith.addf %add3A_728, %mul3A_736 : vector<16xf32>
      %get3A_738 = arith.index_cast %add3A_708 : i32 to index
      %get3A_739 = arith.constant 48 : index
      %get3A_740 = tpu.vector_load %arg6[%get3A_738, %get3A_739] {strides = array<i32>} : memref<256x64xf32, #tpu.memory_space<vmem>>, vector<16xf32>,
      %get3A_741 = arith.index_cast %add3A_708 : i32 to index
      %get3A_742 = arith.constant 48 : index
      %get3A_743 = tpu.vector_load %arg7[%get3A_741, %get3A_742] {strides = array<i32>} : memref<256x64xf32, #tpu.memory_space<vmem>>, vector<16xf32>,
      %sub3A_744 = arith.subf %get3A_740, %get3A_743 : vector<16xf32>
      %mul3A_745 = arith.mulf %sub3A_744, %sub3A_744 : vector<16xf32>
      %add3A_746 = arith.addf %add3A_737, %mul3A_745 : vector<16xf32>
      %swap3A_747 = arith.constant 240 : index
      %swap3A_748 = tpu.vector_load %arg8[%swap3A_747] {strides = array<i32>} : memref<256xf32, #tpu.memory_space<vmem>>, vector<16xf32>,
      tpu.vector_store %arg8[%swap3A_747], %add3A_746 {strides = array<i32>} : memref<256xf32, #tpu.memory_space<vmem>>, vector<16xf32>,
      %broadcast_in_dim3A_749 = arith.constant 9.99999996E-13 : f32
      %broadcast_in_dim3A_750 = vector.broadcast %broadcast_in_dim3A_749 : f32 to vector<16xf32>
      %add3A_751 = arith.constant 0 : i32
      %add3A_752 = vector.broadcast %add3A_751 : i32 to vector<16xi32>
      %add3A_753 = arith.addi %mul3A_5, %add3A_752 : vector<16xi32>
      %gather3A = tpu.vector_load_idx %arg8[%add3A_753] : memref<256xf32, #tpu.memory_space<vmem>>[vector<16xi32>], vector<16xf32>,
      %add3A_754 = arith.addf %broadcast_in_dim3A_750, %gather3A : vector<16xf32>
      %add3A_755 = arith.constant 1 : i32
      %add3A_756 = vector.broadcast %add3A_755 : i32 to vector<16xi32>
      %add3A_757 = arith.addi %mul3A_5, %add3A_756 : vector<16xi32>
      %gather3A_758 = tpu.vector_load_idx %arg8[%add3A_757] : memref<256xf32, #tpu.memory_space<vmem>>[vector<16xi32>], vector<16xf32>,
      %add3A_759 = arith.addf %add3A_754, %gather3A_758 : vector<16xf32>
      %add3A_760 = arith.constant 2 : i32
      %add3A_761 = vector.broadcast %add3A_760 : i32 to vector<16xi32>
      %add3A_762 = arith.addi %mul3A_5, %add3A_761 : vector<16xi32>
      %gather3A_763 = tpu.vector_load_idx %arg8[%add3A_762] : memref<256xf32, #tpu.memory_space<vmem>>[vector<16xi32>], vector<16xf32>,
      %add3A_764 = arith.addf %add3A_759, %gather3A_763 : vector<16xf32>
      %add3A_765 = arith.constant 3 : i32
      %add3A_766 = vector.broadcast %add3A_765 : i32 to vector<16xi32>
      %add3A_767 = arith.addi %mul3A_5, %add3A_766 : vector<16xi32>
      %gather3A_768 = tpu.vector_load_idx %arg8[%add3A_767] : memref<256xf32, #tpu.memory_space<vmem>>[vector<16xi32>], vector<16xf32>,
      %add3A_769 = arith.addf %add3A_764, %gather3A_768 : vector<16xf32>
      %add3A_770 = arith.constant 4 : i32
      %add3A_771 = vector.broadcast %add3A_770 : i32 to vector<16xi32>
      %add3A_772 = arith.addi %mul3A_5, %add3A_771 : vector<16xi32>
      %gather3A_773 = tpu.vector_load_idx %arg8[%add3A_772] : memref<256xf32, #tpu.memory_space<vmem>>[vector<16xi32>], vector<16xf32>,
      %add3A_774 = arith.addf %add3A_769, %gather3A_773 : vector<16xf32>
      %add3A_775 = arith.constant 5 : i32
      %add3A_776 = vector.broadcast %add3A_775 : i32 to vector<16xi32>
      %add3A_777 = arith.addi %mul3A_5, %add3A_776 : vector<16xi32>
      %gather3A_778 = tpu.vector_load_idx %arg8[%add3A_777] : memref<256xf32, #tpu.memory_space<vmem>>[vector<16xi32>], vector<16xf32>,
      %add3A_779 = arith.addf %add3A_774, %gather3A_778 : vector<16xf32>
      %add3A_780 = arith.constant 6 : i32
      %add3A_781 = vector.broadcast %add3A_780 : i32 to vector<16xi32>
      %add3A_782 = arith.addi %mul3A_5, %add3A_781 : vector<16xi32>
      %gather3A_783 = tpu.vector_load_idx %arg8[%add3A_782] : memref<256xf32, #tpu.memory_space<vmem>>[vector<16xi32>], vector<16xf32>,
      %add3A_784 = arith.addf %add3A_779, %gather3A_783 : vector<16xf32>
      %add3A_785 = arith.constant 7 : i32
      %add3A_786 = vector.broadcast %add3A_785 : i32 to vector<16xi32>
      %add3A_787 = arith.addi %mul3A_5, %add3A_786 : vector<16xi32>
      %gather3A_788 = tpu.vector_load_idx %arg8[%add3A_787] : memref<256xf32, #tpu.memory_space<vmem>>[vector<16xi32>], vector<16xf32>,
      %add3A_789 = arith.addf %add3A_784, %gather3A_788 : vector<16xf32>
      %add3A_790 = arith.constant 8 : i32
      %add3A_791 = vector.broadcast %add3A_790 : i32 to vector<16xi32>
      %add3A_792 = arith.addi %mul3A_5, %add3A_791 : vector<16xi32>
      %gather3A_793 = tpu.vector_load_idx %arg8[%add3A_792] : memref<256xf32, #tpu.memory_space<vmem>>[vector<16xi32>], vector<16xf32>,
      %add3A_794 = arith.addf %add3A_789, %gather3A_793 : vector<16xf32>
      %add3A_795 = arith.constant 9 : i32
      %add3A_796 = vector.broadcast %add3A_795 : i32 to vector<16xi32>
      %add3A_797 = arith.addi %mul3A_5, %add3A_796 : vector<16xi32>
      %gather3A_798 = tpu.vector_load_idx %arg8[%add3A_797] : memref<256xf32, #tpu.memory_space<vmem>>[vector<16xi32>], vector<16xf32>,
      %add3A_799 = arith.addf %add3A_794, %gather3A_798 : vector<16xf32>
      %add3A_800 = arith.constant 10 : i32
      %add3A_801 = vector.broadcast %add3A_800 : i32 to vector<16xi32>
      %add3A_802 = arith.addi %mul3A_5, %add3A_801 : vector<16xi32>
      %gather3A_803 = tpu.vector_load_idx %arg8[%add3A_802] : memref<256xf32, #tpu.memory_space<vmem>>[vector<16xi32>], vector<16xf32>,
      %add3A_804 = arith.addf %add3A_799, %gather3A_803 : vector<16xf32>
      %add3A_805 = arith.constant 11 : i32
      %add3A_806 = vector.broadcast %add3A_805 : i32 to vector<16xi32>
      %add3A_807 = arith.addi %mul3A_5, %add3A_806 : vector<16xi32>
      %gather3A_808 = tpu.vector_load_idx %arg8[%add3A_807] : memref<256xf32, #tpu.memory_space<vmem>>[vector<16xi32>], vector<16xf32>,
      %add3A_809 = arith.addf %add3A_804, %gather3A_808 : vector<16xf32>
      %add3A_810 = arith.constant 12 : i32
      %add3A_811 = vector.broadcast %add3A_810 : i32 to vector<16xi32>
      %add3A_812 = arith.addi %mul3A_5, %add3A_811 : vector<16xi32>
      %gather3A_813 = tpu.vector_load_idx %arg8[%add3A_812] : memref<256xf32, #tpu.memory_space<vmem>>[vector<16xi32>], vector<16xf32>,
      %add3A_814 = arith.addf %add3A_809, %gather3A_813 : vector<16xf32>
      %add3A_815 = arith.constant 13 : i32
      %add3A_816 = vector.broadcast %add3A_815 : i32 to vector<16xi32>
      %add3A_817 = arith.addi %mul3A_5, %add3A_816 : vector<16xi32>
      %gather3A_818 = tpu.vector_load_idx %arg8[%add3A_817] : memref<256xf32, #tpu.memory_space<vmem>>[vector<16xi32>], vector<16xf32>,
      %add3A_819 = arith.addf %add3A_814, %gather3A_818 : vector<16xf32>
      %add3A_820 = arith.constant 14 : i32
      %add3A_821 = vector.broadcast %add3A_820 : i32 to vector<16xi32>
      %add3A_822 = arith.addi %mul3A_5, %add3A_821 : vector<16xi32>
      %gather3A_823 = tpu.vector_load_idx %arg8[%add3A_822] : memref<256xf32, #tpu.memory_space<vmem>>[vector<16xi32>], vector<16xf32>,
      %add3A_824 = arith.addf %add3A_819, %gather3A_823 : vector<16xf32>
      %add3A_825 = arith.constant 15 : i32
      %add3A_826 = vector.broadcast %add3A_825 : i32 to vector<16xi32>
      %add3A_827 = arith.addi %mul3A_5, %add3A_826 : vector<16xi32>
      %gather3A_828 = tpu.vector_load_idx %arg8[%add3A_827] : memref<256xf32, #tpu.memory_space<vmem>>[vector<16xi32>], vector<16xf32>,
      %add3A_829 = arith.addf %add3A_824, %gather3A_828 : vector<16xf32>
      %bitcast3A = vector.bitcast %add3A_829 : vector<16xf32> to vector<16xi32>
      %shift_right_arithmetic3A = arith.constant 1 : i32
      %shift_right_arithmetic3A_830 = vector.broadcast %shift_right_arithmetic3A : i32 to vector<16xi32>
      %shift_right_arithmetic3A_831 = arith.shrsi %bitcast3A, %shift_right_arithmetic3A_830 : vector<16xi32>
      %sub3A_832 = arith.constant 1597463007 : i32
      %sub3A_833 = vector.broadcast %sub3A_832 : i32 to vector<16xi32>
      %sub3A_834 = arith.subi %sub3A_833, %shift_right_arithmetic3A_831 : vector<16xi32>
      %bitcast3A_835 = vector.bitcast %sub3A_834 : vector<16xi32> to vector<16xf32>
      %mul3A_836 = arith.constant 5.000000e-01 : f32
      %mul3A_837 = vector.broadcast %mul3A_836 : f32 to vector<16xf32>
      %mul3A_838 = arith.mulf %mul3A_837, %add3A_829 : vector<16xf32>
      %mul3A_839 = arith.mulf %mul3A_838, %bitcast3A_835 : vector<16xf32>
      %mul3A_840 = arith.mulf %mul3A_839, %bitcast3A_835 : vector<16xf32>
      %sub3A_841 = arith.constant 1.500000e+00 : f32
      %sub3A_842 = vector.broadcast %sub3A_841 : f32 to vector<16xf32>
      %sub3A_843 = arith.subf %sub3A_842, %mul3A_840 : vector<16xf32>
      %mul3A_844 = arith.mulf %bitcast3A_835, %sub3A_843 : vector<16xf32>
      %mul3A_845 = arith.constant 5.000000e-01 : f32
      %mul3A_846 = vector.broadcast %mul3A_845 : f32 to vector<16xf32>
      %mul3A_847 = arith.mulf %mul3A_846, %add3A_829 : vector<16xf32>
      %mul3A_848 = arith.mulf %mul3A_847, %mul3A_844 : vector<16xf32>
      %mul3A_849 = arith.mulf %mul3A_848, %mul3A_844 : vector<16xf32>
      %sub3A_850 = arith.constant 1.500000e+00 : f32
      %sub3A_851 = vector.broadcast %sub3A_850 : f32 to vector<16xf32>
      %sub3A_852 = arith.subf %sub3A_851, %mul3A_849 : vector<16xf32>
      %mul3A_853 = arith.mulf %mul3A_844, %sub3A_852 : vector<16xf32>
      %mul3A_854 = arith.constant 5.000000e-01 : f32
      %mul3A_855 = vector.broadcast %mul3A_854 : f32 to vector<16xf32>
      %mul3A_856 = arith.mulf %mul3A_855, %add3A_829 : vector<16xf32>
      %mul3A_857 = arith.mulf %mul3A_856, %mul3A_853 : vector<16xf32>
      %mul3A_858 = arith.mulf %mul3A_857, %mul3A_853 : vector<16xf32>
      %sub3A_859 = arith.constant 1.500000e+00 : f32
      %sub3A_860 = vector.broadcast %sub3A_859 : f32 to vector<16xf32>
      %sub3A_861 = arith.subf %sub3A_860, %mul3A_858 : vector<16xf32>
      %mul3A_862 = arith.mulf %mul3A_853, %sub3A_861 : vector<16xf32>
      %mul3A_863 = arith.mulf %add3A_829, %mul3A_862 : vector<16xf32>
      %mul3A_864 = arith.constant 16 : i32
      %mul3A_865 = arith.muli %scan3A_47, %mul3A_864 : i32
      %add3A_866 = arith.constant 0 : i32
      %add3A_867 = arith.addi %add3A_866, %mul3A_865 : i32
      %swap3A_868 = arith.index_cast %add3A_867 : i32 to index
      %swap3A_869 = tpu.vector_load %arg9[%swap3A_868] {strides = array<i32>} : memref<512xf32, #tpu.memory_space<vmem>>, vector<16xf32>,
      tpu.vector_store %arg9[%swap3A_868], %mul3A_863 {strides = array<i32>} : memref<512xf32, #tpu.memory_space<vmem>>, vector<16xf32>,
      %scan3A_870 = arith.constant 0 : i32
      scf.yield %scan3A_870 : i32
    }
    %scan3A_25 = arith.constant 16 : i32
    %scan3A_26 = arith.constant 0 : i32
    %scan3A_27 = arith.constant 0 : i32
    %scan3A_28 = arith.constant 16 : i32
    %scan3A_29 = arith.addi %scan3A_27, %scan3A_28 : i32
    %scan3A_30 = arith.constant 1 : i32
    %scan3A_31 = scf.for %scan3A_47 = %scan3A_27 to %scan3A_29 step %scan3A_30 iter_args(%scan3A_48 = %scan3A_26) -> (i32)  : i32 {
      %mul3A_49 = arith.constant 16 : i32
      %mul3A_50 = arith.muli %scan3A_47, %mul3A_49 : i32
      %add3A_51 = arith.constant 256 : i32
      %add3A_52 = arith.addi %add3A_51, %mul3A_50 : i32
      %get3A = arith.constant 0 : i32
      %get3A_53 = arith.index_cast %get3A : i32 to index
      %get3A_54 = arith.index_cast %add3A_52 : i32 to index
      %get3A_55 = tpu.vector_load %arg5[%get3A_53, %get3A_54] {strides = array<i32>} : memref<3x512xi32, #tpu.memory_space<vmem>>, vector<16xi32>,
      %mul3A_56 = arith.constant 16 : i32
      %mul3A_57 = arith.muli %scan3A_47, %mul3A_56 : i32
      %add3A_58 = arith.constant 256 : i32
      %add3A_59 = arith.addi %add3A_58, %mul3A_57 : i32
      %get3A_60 = arith.constant 1 : i32
      %get3A_61 = arith.index_cast %get3A_60 : i32 to index
      %get3A_62 = arith.index_cast %add3A_59 : i32 to index
      %get3A_63 = tpu.vector_load %arg5[%get3A_61, %get3A_62] {strides = array<i32>} : memref<3x512xi32, #tpu.memory_space<vmem>>, vector<16xi32>,
      %slice3A = vector.extract_strided_slice %get3A_55 {offsets = [0], sizes = [1], strides = [1]} : vector<16xi32> to vector<1xi32>
      %squeeze3A = vector.extract %slice3A[0] : i32 from vector<1xi32>
      %shift_right_arithmetic3A = arith.constant 3 : i32
      %shift_right_arithmetic3A_64 = arith.shrsi %squeeze3A, %shift_right_arithmetic3A : i32
      %and3A = arith.constant 7 : i32
      %and3A_65 = arith.andi %squeeze3A, %and3A : i32
      %mul3A_66 = arith.constant 16 : i32
      %mul3A_67 = arith.muli %scan3A_47, %mul3A_66 : i32
      %add3A_68 = arith.constant 0 : i32
      %add3A_69 = arith.addi %mul3A_67, %add3A_68 : i32
      %dma_start3A = arith.constant 0 : i32
      %dma_start3A_70 = tpu.memref_slice %arg6[%add3A_69, %dma_start3A] : memref<256x64xf32, #tpu.memory_space<vmem>> -> memref<1x64xf32, #tpu.memory_space<vmem>>
      %dma_start3A_71 = tpu.memref_squeeze %dma_start3A_70 : memref<1x64xf32, #tpu.memory_space<vmem>> -> memref<64xf32, #tpu.memory_space<vmem>>
      %dma_start3A_72 = arith.constant 0 : i32
      %dma_start3A_73 = tpu.memref_slice %arg3[%shift_right_arithmetic3A_64, %and3A_65, %dma_start3A_72] : memref<125000x8x64xf32, #tpu.memory_space<hbm>> -> memref<1x1x64xf32, #tpu.memory_space<hbm>>
      %dma_start3A_74 = tpu.memref_squeeze %dma_start3A_73 : memref<1x1x64xf32, #tpu.memory_space<hbm>> -> memref<64xf32, #tpu.memory_space<hbm>>
      %dma_start3A_75 = arith.constant 0 : i32
      %dma_start3A_76 = tpu.memref_slice %arg6[%add3A_69, %dma_start3A_75] : memref<256x64xf32, #tpu.memory_space<vmem>> -> memref<1x64xf32, #tpu.memory_space<vmem>>
      %dma_start3A_77 = tpu.memref_squeeze %dma_start3A_76 : memref<1x64xf32, #tpu.memory_space<vmem>> -> memref<64xf32, #tpu.memory_space<vmem>>
      %dma_start3A_78 = arith.constant 0 : i32
      %dma_start3A_79 = tpu.memref_slice %arg3[%shift_right_arithmetic3A_64, %and3A_65, %dma_start3A_78] : memref<125000x8x64xf32, #tpu.memory_space<hbm>> -> memref<1x1x64xf32, #tpu.memory_space<hbm>>
      %dma_start3A_80 = tpu.memref_squeeze %dma_start3A_79 : memref<1x1x64xf32, #tpu.memory_space<hbm>> -> memref<64xf32, #tpu.memory_space<hbm>>
      tpu.enqueue_dma source(%dma_start3A_80 : memref<64xf32, #tpu.memory_space<hbm>>) target(%dma_start3A_77 : memref<64xf32, #tpu.memory_space<vmem>>) target_semaphore(%arg10 : memref<!tpu.dma_semaphore, #tpu.memory_space<semaphore_mem>>)
      %slice3A_81 = vector.extract_strided_slice %get3A_63 {offsets = [0], sizes = [1], strides = [1]} : vector<16xi32> to vector<1xi32>
      %squeeze3A_82 = vector.extract %slice3A_81[0] : i32 from vector<1xi32>
      %shift_right_arithmetic3A_83 = arith.constant 3 : i32
      %shift_right_arithmetic3A_84 = arith.shrsi %squeeze3A_82, %shift_right_arithmetic3A_83 : i32
      %and3A_85 = arith.constant 7 : i32
      %and3A_86 = arith.andi %squeeze3A_82, %and3A_85 : i32
      %mul3A_87 = arith.constant 16 : i32
      %mul3A_88 = arith.muli %scan3A_47, %mul3A_87 : i32
      %add3A_89 = arith.constant 0 : i32
      %add3A_90 = arith.addi %mul3A_88, %add3A_89 : i32
      %dma_start3A_91 = arith.constant 0 : i32
      %dma_start3A_92 = tpu.memref_slice %arg7[%add3A_90, %dma_start3A_91] : memref<256x64xf32, #tpu.memory_space<vmem>> -> memref<1x64xf32, #tpu.memory_space<vmem>>
      %dma_start3A_93 = tpu.memref_squeeze %dma_start3A_92 : memref<1x64xf32, #tpu.memory_space<vmem>> -> memref<64xf32, #tpu.memory_space<vmem>>
      %dma_start3A_94 = arith.constant 0 : i32
      %dma_start3A_95 = tpu.memref_slice %arg3[%shift_right_arithmetic3A_84, %and3A_86, %dma_start3A_94] : memref<125000x8x64xf32, #tpu.memory_space<hbm>> -> memref<1x1x64xf32, #tpu.memory_space<hbm>>
      %dma_start3A_96 = tpu.memref_squeeze %dma_start3A_95 : memref<1x1x64xf32, #tpu.memory_space<hbm>> -> memref<64xf32, #tpu.memory_space<hbm>>
      %dma_start3A_97 = arith.constant 0 : i32
      %dma_start3A_98 = tpu.memref_slice %arg7[%add3A_90, %dma_start3A_97] : memref<256x64xf32, #tpu.memory_space<vmem>> -> memref<1x64xf32, #tpu.memory_space<vmem>>
      %dma_start3A_99 = tpu.memref_squeeze %dma_start3A_98 : memref<1x64xf32, #tpu.memory_space<vmem>> -> memref<64xf32, #tpu.memory_space<vmem>>
      %dma_start3A_100 = arith.constant 0 : i32
      %dma_start3A_101 = tpu.memref_slice %arg3[%shift_right_arithmetic3A_84, %and3A_86, %dma_start3A_100] : memref<125000x8x64xf32, #tpu.memory_space<hbm>> -> memref<1x1x64xf32, #tpu.memory_space<hbm>>
      %dma_start3A_102 = tpu.memref_squeeze %dma_start3A_101 : memref<1x1x64xf32, #tpu.memory_space<hbm>> -> memref<64xf32, #tpu.memory_space<hbm>>
      tpu.enqueue_dma source(%dma_start3A_102 : memref<64xf32, #tpu.memory_space<hbm>>) target(%dma_start3A_99 : memref<64xf32, #tpu.memory_space<vmem>>) target_semaphore(%arg10 : memref<!tpu.dma_semaphore, #tpu.memory_space<semaphore_mem>>)
      %slice3A_103 = vector.extract_strided_slice %get3A_55 {offsets = [1], sizes = [1], strides = [1]} : vector<16xi32> to vector<1xi32>
      %squeeze3A_104 = vector.extract %slice3A_103[0] : i32 from vector<1xi32>
      %shift_right_arithmetic3A_105 = arith.constant 3 : i32
      %shift_right_arithmetic3A_106 = arith.shrsi %squeeze3A_104, %shift_right_arithmetic3A_105 : i32
      %and3A_107 = arith.constant 7 : i32
      %and3A_108 = arith.andi %squeeze3A_104, %and3A_107 : i32
      %mul3A_109 = arith.constant 16 : i32
      %mul3A_110 = arith.muli %scan3A_47, %mul3A_109 : i32
      %add3A_111 = arith.constant 1 : i32
      %add3A_112 = arith.addi %mul3A_110, %add3A_111 : i32
      %dma_start3A_113 = arith.constant 0 : i32
      %dma_start3A_114 = tpu.memref_slice %arg6[%add3A_112, %dma_start3A_113] : memref<256x64xf32, #tpu.memory_space<vmem>> -> memref<1x64xf32, #tpu.memory_space<vmem>>
      %dma_start3A_115 = tpu.memref_squeeze %dma_start3A_114 : memref<1x64xf32, #tpu.memory_space<vmem>> -> memref<64xf32, #tpu.memory_space<vmem>>
      %dma_start3A_116 = arith.constant 0 : i32
      %dma_start3A_117 = tpu.memref_slice %arg3[%shift_right_arithmetic3A_106, %and3A_108, %dma_start3A_116] : memref<125000x8x64xf32, #tpu.memory_space<hbm>> -> memref<1x1x64xf32, #tpu.memory_space<hbm>>
      %dma_start3A_118 = tpu.memref_squeeze %dma_start3A_117 : memref<1x1x64xf32, #tpu.memory_space<hbm>> -> memref<64xf32, #tpu.memory_space<hbm>>
      %dma_start3A_119 = arith.constant 0 : i32
      %dma_start3A_120 = tpu.memref_slice %arg6[%add3A_112, %dma_start3A_119] : memref<256x64xf32, #tpu.memory_space<vmem>> -> memref<1x64xf32, #tpu.memory_space<vmem>>
      %dma_start3A_121 = tpu.memref_squeeze %dma_start3A_120 : memref<1x64xf32, #tpu.memory_space<vmem>> -> memref<64xf32, #tpu.memory_space<vmem>>
      %dma_start3A_122 = arith.constant 0 : i32
      %dma_start3A_123 = tpu.memref_slice %arg3[%shift_right_arithmetic3A_106, %and3A_108, %dma_start3A_122] : memref<125000x8x64xf32, #tpu.memory_space<hbm>> -> memref<1x1x64xf32, #tpu.memory_space<hbm>>
      %dma_start3A_124 = tpu.memref_squeeze %dma_start3A_123 : memref<1x1x64xf32, #tpu.memory_space<hbm>> -> memref<64xf32, #tpu.memory_space<hbm>>
      tpu.enqueue_dma source(%dma_start3A_124 : memref<64xf32, #tpu.memory_space<hbm>>) target(%dma_start3A_121 : memref<64xf32, #tpu.memory_space<vmem>>) target_semaphore(%arg10 : memref<!tpu.dma_semaphore, #tpu.memory_space<semaphore_mem>>)
      %slice3A_125 = vector.extract_strided_slice %get3A_63 {offsets = [1], sizes = [1], strides = [1]} : vector<16xi32> to vector<1xi32>
      %squeeze3A_126 = vector.extract %slice3A_125[0] : i32 from vector<1xi32>
      %shift_right_arithmetic3A_127 = arith.constant 3 : i32
      %shift_right_arithmetic3A_128 = arith.shrsi %squeeze3A_126, %shift_right_arithmetic3A_127 : i32
      %and3A_129 = arith.constant 7 : i32
      %and3A_130 = arith.andi %squeeze3A_126, %and3A_129 : i32
      %mul3A_131 = arith.constant 16 : i32
      %mul3A_132 = arith.muli %scan3A_47, %mul3A_131 : i32
      %add3A_133 = arith.constant 1 : i32
      %add3A_134 = arith.addi %mul3A_132, %add3A_133 : i32
      %dma_start3A_135 = arith.constant 0 : i32
      %dma_start3A_136 = tpu.memref_slice %arg7[%add3A_134, %dma_start3A_135] : memref<256x64xf32, #tpu.memory_space<vmem>> -> memref<1x64xf32, #tpu.memory_space<vmem>>
      %dma_start3A_137 = tpu.memref_squeeze %dma_start3A_136 : memref<1x64xf32, #tpu.memory_space<vmem>> -> memref<64xf32, #tpu.memory_space<vmem>>
      %dma_start3A_138 = arith.constant 0 : i32
      %dma_start3A_139 = tpu.memref_slice %arg3[%shift_right_arithmetic3A_128, %and3A_130, %dma_start3A_138] : memref<125000x8x64xf32, #tpu.memory_space<hbm>> -> memref<1x1x64xf32, #tpu.memory_space<hbm>>
      %dma_start3A_140 = tpu.memref_squeeze %dma_start3A_139 : memref<1x1x64xf32, #tpu.memory_space<hbm>> -> memref<64xf32, #tpu.memory_space<hbm>>
      %dma_start3A_141 = arith.constant 0 : i32
      %dma_start3A_142 = tpu.memref_slice %arg7[%add3A_134, %dma_start3A_141] : memref<256x64xf32, #tpu.memory_space<vmem>> -> memref<1x64xf32, #tpu.memory_space<vmem>>
      %dma_start3A_143 = tpu.memref_squeeze %dma_start3A_142 : memref<1x64xf32, #tpu.memory_space<vmem>> -> memref<64xf32, #tpu.memory_space<vmem>>
      %dma_start3A_144 = arith.constant 0 : i32
      %dma_start3A_145 = tpu.memref_slice %arg3[%shift_right_arithmetic3A_128, %and3A_130, %dma_start3A_144] : memref<125000x8x64xf32, #tpu.memory_space<hbm>> -> memref<1x1x64xf32, #tpu.memory_space<hbm>>
      %dma_start3A_146 = tpu.memref_squeeze %dma_start3A_145 : memref<1x1x64xf32, #tpu.memory_space<hbm>> -> memref<64xf32, #tpu.memory_space<hbm>>
      tpu.enqueue_dma source(%dma_start3A_146 : memref<64xf32, #tpu.memory_space<hbm>>) target(%dma_start3A_143 : memref<64xf32, #tpu.memory_space<vmem>>) target_semaphore(%arg10 : memref<!tpu.dma_semaphore, #tpu.memory_space<semaphore_mem>>)
      %slice3A_147 = vector.extract_strided_slice %get3A_55 {offsets = [2], sizes = [1], strides = [1]} : vector<16xi32> to vector<1xi32>
      %squeeze3A_148 = vector.extract %slice3A_147[0] : i32 from vector<1xi32>
      %shift_right_arithmetic3A_149 = arith.constant 3 : i32
      %shift_right_arithmetic3A_150 = arith.shrsi %squeeze3A_148, %shift_right_arithmetic3A_149 : i32
      %and3A_151 = arith.constant 7 : i32
      %and3A_152 = arith.andi %squeeze3A_148, %and3A_151 : i32
      %mul3A_153 = arith.constant 16 : i32
      %mul3A_154 = arith.muli %scan3A_47, %mul3A_153 : i32
      %add3A_155 = arith.constant 2 : i32
      %add3A_156 = arith.addi %mul3A_154, %add3A_155 : i32
      %dma_start3A_157 = arith.constant 0 : i32
      %dma_start3A_158 = tpu.memref_slice %arg6[%add3A_156, %dma_start3A_157] : memref<256x64xf32, #tpu.memory_space<vmem>> -> memref<1x64xf32, #tpu.memory_space<vmem>>
      %dma_start3A_159 = tpu.memref_squeeze %dma_start3A_158 : memref<1x64xf32, #tpu.memory_space<vmem>> -> memref<64xf32, #tpu.memory_space<vmem>>
      %dma_start3A_160 = arith.constant 0 : i32
      %dma_start3A_161 = tpu.memref_slice %arg3[%shift_right_arithmetic3A_150, %and3A_152, %dma_start3A_160] : memref<125000x8x64xf32, #tpu.memory_space<hbm>> -> memref<1x1x64xf32, #tpu.memory_space<hbm>>
      %dma_start3A_162 = tpu.memref_squeeze %dma_start3A_161 : memref<1x1x64xf32, #tpu.memory_space<hbm>> -> memref<64xf32, #tpu.memory_space<hbm>>
      %dma_start3A_163 = arith.constant 0 : i32
      %dma_start3A_164 = tpu.memref_slice %arg6[%add3A_156, %dma_start3A_163] : memref<256x64xf32, #tpu.memory_space<vmem>> -> memref<1x64xf32, #tpu.memory_space<vmem>>
      %dma_start3A_165 = tpu.memref_squeeze %dma_start3A_164 : memref<1x64xf32, #tpu.memory_space<vmem>> -> memref<64xf32, #tpu.memory_space<vmem>>
      %dma_start3A_166 = arith.constant 0 : i32
      %dma_start3A_167 = tpu.memref_slice %arg3[%shift_right_arithmetic3A_150, %and3A_152, %dma_start3A_166] : memref<125000x8x64xf32, #tpu.memory_space<hbm>> -> memref<1x1x64xf32, #tpu.memory_space<hbm>>
      %dma_start3A_168 = tpu.memref_squeeze %dma_start3A_167 : memref<1x1x64xf32, #tpu.memory_space<hbm>> -> memref<64xf32, #tpu.memory_space<hbm>>
      tpu.enqueue_dma source(%dma_start3A_168 : memref<64xf32, #tpu.memory_space<hbm>>) target(%dma_start3A_165 : memref<64xf32, #tpu.memory_space<vmem>>) target_semaphore(%arg10 : memref<!tpu.dma_semaphore, #tpu.memory_space<semaphore_mem>>)
      %slice3A_169 = vector.extract_strided_slice %get3A_63 {offsets = [2], sizes = [1], strides = [1]} : vector<16xi32> to vector<1xi32>
      %squeeze3A_170 = vector.extract %slice3A_169[0] : i32 from vector<1xi32>
      %shift_right_arithmetic3A_171 = arith.constant 3 : i32
      %shift_right_arithmetic3A_172 = arith.shrsi %squeeze3A_170, %shift_right_arithmetic3A_171 : i32
      %and3A_173 = arith.constant 7 : i32
      %and3A_174 = arith.andi %squeeze3A_170, %and3A_173 : i32
      %mul3A_175 = arith.constant 16 : i32
      %mul3A_176 = arith.muli %scan3A_47, %mul3A_175 : i32
      %add3A_177 = arith.constant 2 : i32
      %add3A_178 = arith.addi %mul3A_176, %add3A_177 : i32
      %dma_start3A_179 = arith.constant 0 : i32
      %dma_start3A_180 = tpu.memref_slice %arg7[%add3A_178, %dma_start3A_179] : memref<256x64xf32, #tpu.memory_space<vmem>> -> memref<1x64xf32, #tpu.memory_space<vmem>>
      %dma_start3A_181 = tpu.memref_squeeze %dma_start3A_180 : memref<1x64xf32, #tpu.memory_space<vmem>> -> memref<64xf32, #tpu.memory_space<vmem>>
      %dma_start3A_182 = arith.constant 0 : i32
      %dma_start3A_183 = tpu.memref_slice %arg3[%shift_right_arithmetic3A_172, %and3A_174, %dma_start3A_182] : memref<125000x8x64xf32, #tpu.memory_space<hbm>> -> memref<1x1x64xf32, #tpu.memory_space<hbm>>
      %dma_start3A_184 = tpu.memref_squeeze %dma_start3A_183 : memref<1x1x64xf32, #tpu.memory_space<hbm>> -> memref<64xf32, #tpu.memory_space<hbm>>
      %dma_start3A_185 = arith.constant 0 : i32
      %dma_start3A_186 = tpu.memref_slice %arg7[%add3A_178, %dma_start3A_185] : memref<256x64xf32, #tpu.memory_space<vmem>> -> memref<1x64xf32, #tpu.memory_space<vmem>>
      %dma_start3A_187 = tpu.memref_squeeze %dma_start3A_186 : memref<1x64xf32, #tpu.memory_space<vmem>> -> memref<64xf32, #tpu.memory_space<vmem>>
      %dma_start3A_188 = arith.constant 0 : i32
      %dma_start3A_189 = tpu.memref_slice %arg3[%shift_right_arithmetic3A_172, %and3A_174, %dma_start3A_188] : memref<125000x8x64xf32, #tpu.memory_space<hbm>> -> memref<1x1x64xf32, #tpu.memory_space<hbm>>
      %dma_start3A_190 = tpu.memref_squeeze %dma_start3A_189 : memref<1x1x64xf32, #tpu.memory_space<hbm>> -> memref<64xf32, #tpu.memory_space<hbm>>
      tpu.enqueue_dma source(%dma_start3A_190 : memref<64xf32, #tpu.memory_space<hbm>>) target(%dma_start3A_187 : memref<64xf32, #tpu.memory_space<vmem>>) target_semaphore(%arg10 : memref<!tpu.dma_semaphore, #tpu.memory_space<semaphore_mem>>)
      %slice3A_191 = vector.extract_strided_slice %get3A_55 {offsets = [3], sizes = [1], strides = [1]} : vector<16xi32> to vector<1xi32>
      %squeeze3A_192 = vector.extract %slice3A_191[0] : i32 from vector<1xi32>
      %shift_right_arithmetic3A_193 = arith.constant 3 : i32
      %shift_right_arithmetic3A_194 = arith.shrsi %squeeze3A_192, %shift_right_arithmetic3A_193 : i32
      %and3A_195 = arith.constant 7 : i32
      %and3A_196 = arith.andi %squeeze3A_192, %and3A_195 : i32
      %mul3A_197 = arith.constant 16 : i32
      %mul3A_198 = arith.muli %scan3A_47, %mul3A_197 : i32
      %add3A_199 = arith.constant 3 : i32
      %add3A_200 = arith.addi %mul3A_198, %add3A_199 : i32
      %dma_start3A_201 = arith.constant 0 : i32
      %dma_start3A_202 = tpu.memref_slice %arg6[%add3A_200, %dma_start3A_201] : memref<256x64xf32, #tpu.memory_space<vmem>> -> memref<1x64xf32, #tpu.memory_space<vmem>>
      %dma_start3A_203 = tpu.memref_squeeze %dma_start3A_202 : memref<1x64xf32, #tpu.memory_space<vmem>> -> memref<64xf32, #tpu.memory_space<vmem>>
      %dma_start3A_204 = arith.constant 0 : i32
      %dma_start3A_205 = tpu.memref_slice %arg3[%shift_right_arithmetic3A_194, %and3A_196, %dma_start3A_204] : memref<125000x8x64xf32, #tpu.memory_space<hbm>> -> memref<1x1x64xf32, #tpu.memory_space<hbm>>
      %dma_start3A_206 = tpu.memref_squeeze %dma_start3A_205 : memref<1x1x64xf32, #tpu.memory_space<hbm>> -> memref<64xf32, #tpu.memory_space<hbm>>
      %dma_start3A_207 = arith.constant 0 : i32
      %dma_start3A_208 = tpu.memref_slice %arg6[%add3A_200, %dma_start3A_207] : memref<256x64xf32, #tpu.memory_space<vmem>> -> memref<1x64xf32, #tpu.memory_space<vmem>>
      %dma_start3A_209 = tpu.memref_squeeze %dma_start3A_208 : memref<1x64xf32, #tpu.memory_space<vmem>> -> memref<64xf32, #tpu.memory_space<vmem>>
      %dma_start3A_210 = arith.constant 0 : i32
      %dma_start3A_211 = tpu.memref_slice %arg3[%shift_right_arithmetic3A_194, %and3A_196, %dma_start3A_210] : memref<125000x8x64xf32, #tpu.memory_space<hbm>> -> memref<1x1x64xf32, #tpu.memory_space<hbm>>
      %dma_start3A_212 = tpu.memref_squeeze %dma_start3A_211 : memref<1x1x64xf32, #tpu.memory_space<hbm>> -> memref<64xf32, #tpu.memory_space<hbm>>
      tpu.enqueue_dma source(%dma_start3A_212 : memref<64xf32, #tpu.memory_space<hbm>>) target(%dma_start3A_209 : memref<64xf32, #tpu.memory_space<vmem>>) target_semaphore(%arg10 : memref<!tpu.dma_semaphore, #tpu.memory_space<semaphore_mem>>)
      %slice3A_213 = vector.extract_strided_slice %get3A_63 {offsets = [3], sizes = [1], strides = [1]} : vector<16xi32> to vector<1xi32>
      %squeeze3A_214 = vector.extract %slice3A_213[0] : i32 from vector<1xi32>
      %shift_right_arithmetic3A_215 = arith.constant 3 : i32
      %shift_right_arithmetic3A_216 = arith.shrsi %squeeze3A_214, %shift_right_arithmetic3A_215 : i32
      %and3A_217 = arith.constant 7 : i32
      %and3A_218 = arith.andi %squeeze3A_214, %and3A_217 : i32
      %mul3A_219 = arith.constant 16 : i32
      %mul3A_220 = arith.muli %scan3A_47, %mul3A_219 : i32
      %add3A_221 = arith.constant 3 : i32
      %add3A_222 = arith.addi %mul3A_220, %add3A_221 : i32
      %dma_start3A_223 = arith.constant 0 : i32
      %dma_start3A_224 = tpu.memref_slice %arg7[%add3A_222, %dma_start3A_223] : memref<256x64xf32, #tpu.memory_space<vmem>> -> memref<1x64xf32, #tpu.memory_space<vmem>>
      %dma_start3A_225 = tpu.memref_squeeze %dma_start3A_224 : memref<1x64xf32, #tpu.memory_space<vmem>> -> memref<64xf32, #tpu.memory_space<vmem>>
      %dma_start3A_226 = arith.constant 0 : i32
      %dma_start3A_227 = tpu.memref_slice %arg3[%shift_right_arithmetic3A_216, %and3A_218, %dma_start3A_226] : memref<125000x8x64xf32, #tpu.memory_space<hbm>> -> memref<1x1x64xf32, #tpu.memory_space<hbm>>
      %dma_start3A_228 = tpu.memref_squeeze %dma_start3A_227 : memref<1x1x64xf32, #tpu.memory_space<hbm>> -> memref<64xf32, #tpu.memory_space<hbm>>
      %dma_start3A_229 = arith.constant 0 : i32
      %dma_start3A_230 = tpu.memref_slice %arg7[%add3A_222, %dma_start3A_229] : memref<256x64xf32, #tpu.memory_space<vmem>> -> memref<1x64xf32, #tpu.memory_space<vmem>>
      %dma_start3A_231 = tpu.memref_squeeze %dma_start3A_230 : memref<1x64xf32, #tpu.memory_space<vmem>> -> memref<64xf32, #tpu.memory_space<vmem>>
      %dma_start3A_232 = arith.constant 0 : i32
      %dma_start3A_233 = tpu.memref_slice %arg3[%shift_right_arithmetic3A_216, %and3A_218, %dma_start3A_232] : memref<125000x8x64xf32, #tpu.memory_space<hbm>> -> memref<1x1x64xf32, #tpu.memory_space<hbm>>
      %dma_start3A_234 = tpu.memref_squeeze %dma_start3A_233 : memref<1x1x64xf32, #tpu.memory_space<hbm>> -> memref<64xf32, #tpu.memory_space<hbm>>
      tpu.enqueue_dma source(%dma_start3A_234 : memref<64xf32, #tpu.memory_space<hbm>>) target(%dma_start3A_231 : memref<64xf32, #tpu.memory_space<vmem>>) target_semaphore(%arg10 : memref<!tpu.dma_semaphore, #tpu.memory_space<semaphore_mem>>)
      %slice3A_235 = vector.extract_strided_slice %get3A_55 {offsets = [4], sizes = [1], strides = [1]} : vector<16xi32> to vector<1xi32>
      %squeeze3A_236 = vector.extract %slice3A_235[0] : i32 from vector<1xi32>
      %shift_right_arithmetic3A_237 = arith.constant 3 : i32
      %shift_right_arithmetic3A_238 = arith.shrsi %squeeze3A_236, %shift_right_arithmetic3A_237 : i32
      %and3A_239 = arith.constant 7 : i32
      %and3A_240 = arith.andi %squeeze3A_236, %and3A_239 : i32
      %mul3A_241 = arith.constant 16 : i32
      %mul3A_242 = arith.muli %scan3A_47, %mul3A_241 : i32
      %add3A_243 = arith.constant 4 : i32
      %add3A_244 = arith.addi %mul3A_242, %add3A_243 : i32
      %dma_start3A_245 = arith.constant 0 : i32
      %dma_start3A_246 = tpu.memref_slice %arg6[%add3A_244, %dma_start3A_245] : memref<256x64xf32, #tpu.memory_space<vmem>> -> memref<1x64xf32, #tpu.memory_space<vmem>>
      %dma_start3A_247 = tpu.memref_squeeze %dma_start3A_246 : memref<1x64xf32, #tpu.memory_space<vmem>> -> memref<64xf32, #tpu.memory_space<vmem>>
      %dma_start3A_248 = arith.constant 0 : i32
      %dma_start3A_249 = tpu.memref_slice %arg3[%shift_right_arithmetic3A_238, %and3A_240, %dma_start3A_248] : memref<125000x8x64xf32, #tpu.memory_space<hbm>> -> memref<1x1x64xf32, #tpu.memory_space<hbm>>
      %dma_start3A_250 = tpu.memref_squeeze %dma_start3A_249 : memref<1x1x64xf32, #tpu.memory_space<hbm>> -> memref<64xf32, #tpu.memory_space<hbm>>
      %dma_start3A_251 = arith.constant 0 : i32
      %dma_start3A_252 = tpu.memref_slice %arg6[%add3A_244, %dma_start3A_251] : memref<256x64xf32, #tpu.memory_space<vmem>> -> memref<1x64xf32, #tpu.memory_space<vmem>>
      %dma_start3A_253 = tpu.memref_squeeze %dma_start3A_252 : memref<1x64xf32, #tpu.memory_space<vmem>> -> memref<64xf32, #tpu.memory_space<vmem>>
      %dma_start3A_254 = arith.constant 0 : i32
      %dma_start3A_255 = tpu.memref_slice %arg3[%shift_right_arithmetic3A_238, %and3A_240, %dma_start3A_254] : memref<125000x8x64xf32, #tpu.memory_space<hbm>> -> memref<1x1x64xf32, #tpu.memory_space<hbm>>
      %dma_start3A_256 = tpu.memref_squeeze %dma_start3A_255 : memref<1x1x64xf32, #tpu.memory_space<hbm>> -> memref<64xf32, #tpu.memory_space<hbm>>
      tpu.enqueue_dma source(%dma_start3A_256 : memref<64xf32, #tpu.memory_space<hbm>>) target(%dma_start3A_253 : memref<64xf32, #tpu.memory_space<vmem>>) target_semaphore(%arg10 : memref<!tpu.dma_semaphore, #tpu.memory_space<semaphore_mem>>)
      %slice3A_257 = vector.extract_strided_slice %get3A_63 {offsets = [4], sizes = [1], strides = [1]} : vector<16xi32> to vector<1xi32>
      %squeeze3A_258 = vector.extract %slice3A_257[0] : i32 from vector<1xi32>
      %shift_right_arithmetic3A_259 = arith.constant 3 : i32
      %shift_right_arithmetic3A_260 = arith.shrsi %squeeze3A_258, %shift_right_arithmetic3A_259 : i32
      %and3A_261 = arith.constant 7 : i32
      %and3A_262 = arith.andi %squeeze3A_258, %and3A_261 : i32
      %mul3A_263 = arith.constant 16 : i32
      %mul3A_264 = arith.muli %scan3A_47, %mul3A_263 : i32
      %add3A_265 = arith.constant 4 : i32
      %add3A_266 = arith.addi %mul3A_264, %add3A_265 : i32
      %dma_start3A_267 = arith.constant 0 : i32
      %dma_start3A_268 = tpu.memref_slice %arg7[%add3A_266, %dma_start3A_267] : memref<256x64xf32, #tpu.memory_space<vmem>> -> memref<1x64xf32, #tpu.memory_space<vmem>>
      %dma_start3A_269 = tpu.memref_squeeze %dma_start3A_268 : memref<1x64xf32, #tpu.memory_space<vmem>> -> memref<64xf32, #tpu.memory_space<vmem>>
      %dma_start3A_270 = arith.constant 0 : i32
      %dma_start3A_271 = tpu.memref_slice %arg3[%shift_right_arithmetic3A_260, %and3A_262, %dma_start3A_270] : memref<125000x8x64xf32, #tpu.memory_space<hbm>> -> memref<1x1x64xf32, #tpu.memory_space<hbm>>
      %dma_start3A_272 = tpu.memref_squeeze %dma_start3A_271 : memref<1x1x64xf32, #tpu.memory_space<hbm>> -> memref<64xf32, #tpu.memory_space<hbm>>
      %dma_start3A_273 = arith.constant 0 : i32
      %dma_start3A_274 = tpu.memref_slice %arg7[%add3A_266, %dma_start3A_273] : memref<256x64xf32, #tpu.memory_space<vmem>> -> memref<1x64xf32, #tpu.memory_space<vmem>>
      %dma_start3A_275 = tpu.memref_squeeze %dma_start3A_274 : memref<1x64xf32, #tpu.memory_space<vmem>> -> memref<64xf32, #tpu.memory_space<vmem>>
      %dma_start3A_276 = arith.constant 0 : i32
      %dma_start3A_277 = tpu.memref_slice %arg3[%shift_right_arithmetic3A_260, %and3A_262, %dma_start3A_276] : memref<125000x8x64xf32, #tpu.memory_space<hbm>> -> memref<1x1x64xf32, #tpu.memory_space<hbm>>
      %dma_start3A_278 = tpu.memref_squeeze %dma_start3A_277 : memref<1x1x64xf32, #tpu.memory_space<hbm>> -> memref<64xf32, #tpu.memory_space<hbm>>
      tpu.enqueue_dma source(%dma_start3A_278 : memref<64xf32, #tpu.memory_space<hbm>>) target(%dma_start3A_275 : memref<64xf32, #tpu.memory_space<vmem>>) target_semaphore(%arg10 : memref<!tpu.dma_semaphore, #tpu.memory_space<semaphore_mem>>)
      %slice3A_279 = vector.extract_strided_slice %get3A_55 {offsets = [5], sizes = [1], strides = [1]} : vector<16xi32> to vector<1xi32>
      %squeeze3A_280 = vector.extract %slice3A_279[0] : i32 from vector<1xi32>
      %shift_right_arithmetic3A_281 = arith.constant 3 : i32
      %shift_right_arithmetic3A_282 = arith.shrsi %squeeze3A_280, %shift_right_arithmetic3A_281 : i32
      %and3A_283 = arith.constant 7 : i32
      %and3A_284 = arith.andi %squeeze3A_280, %and3A_283 : i32
      %mul3A_285 = arith.constant 16 : i32
      %mul3A_286 = arith.muli %scan3A_47, %mul3A_285 : i32
      %add3A_287 = arith.constant 5 : i32
      %add3A_288 = arith.addi %mul3A_286, %add3A_287 : i32
      %dma_start3A_289 = arith.constant 0 : i32
      %dma_start3A_290 = tpu.memref_slice %arg6[%add3A_288, %dma_start3A_289] : memref<256x64xf32, #tpu.memory_space<vmem>> -> memref<1x64xf32, #tpu.memory_space<vmem>>
      %dma_start3A_291 = tpu.memref_squeeze %dma_start3A_290 : memref<1x64xf32, #tpu.memory_space<vmem>> -> memref<64xf32, #tpu.memory_space<vmem>>
      %dma_start3A_292 = arith.constant 0 : i32
      %dma_start3A_293 = tpu.memref_slice %arg3[%shift_right_arithmetic3A_282, %and3A_284, %dma_start3A_292] : memref<125000x8x64xf32, #tpu.memory_space<hbm>> -> memref<1x1x64xf32, #tpu.memory_space<hbm>>
      %dma_start3A_294 = tpu.memref_squeeze %dma_start3A_293 : memref<1x1x64xf32, #tpu.memory_space<hbm>> -> memref<64xf32, #tpu.memory_space<hbm>>
      %dma_start3A_295 = arith.constant 0 : i32
      %dma_start3A_296 = tpu.memref_slice %arg6[%add3A_288, %dma_start3A_295] : memref<256x64xf32, #tpu.memory_space<vmem>> -> memref<1x64xf32, #tpu.memory_space<vmem>>
      %dma_start3A_297 = tpu.memref_squeeze %dma_start3A_296 : memref<1x64xf32, #tpu.memory_space<vmem>> -> memref<64xf32, #tpu.memory_space<vmem>>
      %dma_start3A_298 = arith.constant 0 : i32
      %dma_start3A_299 = tpu.memref_slice %arg3[%shift_right_arithmetic3A_282, %and3A_284, %dma_start3A_298] : memref<125000x8x64xf32, #tpu.memory_space<hbm>> -> memref<1x1x64xf32, #tpu.memory_space<hbm>>
      %dma_start3A_300 = tpu.memref_squeeze %dma_start3A_299 : memref<1x1x64xf32, #tpu.memory_space<hbm>> -> memref<64xf32, #tpu.memory_space<hbm>>
      tpu.enqueue_dma source(%dma_start3A_300 : memref<64xf32, #tpu.memory_space<hbm>>) target(%dma_start3A_297 : memref<64xf32, #tpu.memory_space<vmem>>) target_semaphore(%arg10 : memref<!tpu.dma_semaphore, #tpu.memory_space<semaphore_mem>>)
      %slice3A_301 = vector.extract_strided_slice %get3A_63 {offsets = [5], sizes = [1], strides = [1]} : vector<16xi32> to vector<1xi32>
      %squeeze3A_302 = vector.extract %slice3A_301[0] : i32 from vector<1xi32>
      %shift_right_arithmetic3A_303 = arith.constant 3 : i32
      %shift_right_arithmetic3A_304 = arith.shrsi %squeeze3A_302, %shift_right_arithmetic3A_303 : i32
      %and3A_305 = arith.constant 7 : i32
      %and3A_306 = arith.andi %squeeze3A_302, %and3A_305 : i32
      %mul3A_307 = arith.constant 16 : i32
      %mul3A_308 = arith.muli %scan3A_47, %mul3A_307 : i32
      %add3A_309 = arith.constant 5 : i32
      %add3A_310 = arith.addi %mul3A_308, %add3A_309 : i32
      %dma_start3A_311 = arith.constant 0 : i32
      %dma_start3A_312 = tpu.memref_slice %arg7[%add3A_310, %dma_start3A_311] : memref<256x64xf32, #tpu.memory_space<vmem>> -> memref<1x64xf32, #tpu.memory_space<vmem>>
      %dma_start3A_313 = tpu.memref_squeeze %dma_start3A_312 : memref<1x64xf32, #tpu.memory_space<vmem>> -> memref<64xf32, #tpu.memory_space<vmem>>
      %dma_start3A_314 = arith.constant 0 : i32
      %dma_start3A_315 = tpu.memref_slice %arg3[%shift_right_arithmetic3A_304, %and3A_306, %dma_start3A_314] : memref<125000x8x64xf32, #tpu.memory_space<hbm>> -> memref<1x1x64xf32, #tpu.memory_space<hbm>>
      %dma_start3A_316 = tpu.memref_squeeze %dma_start3A_315 : memref<1x1x64xf32, #tpu.memory_space<hbm>> -> memref<64xf32, #tpu.memory_space<hbm>>
      %dma_start3A_317 = arith.constant 0 : i32
      %dma_start3A_318 = tpu.memref_slice %arg7[%add3A_310, %dma_start3A_317] : memref<256x64xf32, #tpu.memory_space<vmem>> -> memref<1x64xf32, #tpu.memory_space<vmem>>
      %dma_start3A_319 = tpu.memref_squeeze %dma_start3A_318 : memref<1x64xf32, #tpu.memory_space<vmem>> -> memref<64xf32, #tpu.memory_space<vmem>>
      %dma_start3A_320 = arith.constant 0 : i32
      %dma_start3A_321 = tpu.memref_slice %arg3[%shift_right_arithmetic3A_304, %and3A_306, %dma_start3A_320] : memref<125000x8x64xf32, #tpu.memory_space<hbm>> -> memref<1x1x64xf32, #tpu.memory_space<hbm>>
      %dma_start3A_322 = tpu.memref_squeeze %dma_start3A_321 : memref<1x1x64xf32, #tpu.memory_space<hbm>> -> memref<64xf32, #tpu.memory_space<hbm>>
      tpu.enqueue_dma source(%dma_start3A_322 : memref<64xf32, #tpu.memory_space<hbm>>) target(%dma_start3A_319 : memref<64xf32, #tpu.memory_space<vmem>>) target_semaphore(%arg10 : memref<!tpu.dma_semaphore, #tpu.memory_space<semaphore_mem>>)
      %slice3A_323 = vector.extract_strided_slice %get3A_55 {offsets = [6], sizes = [1], strides = [1]} : vector<16xi32> to vector<1xi32>
      %squeeze3A_324 = vector.extract %slice3A_323[0] : i32 from vector<1xi32>
      %shift_right_arithmetic3A_325 = arith.constant 3 : i32
      %shift_right_arithmetic3A_326 = arith.shrsi %squeeze3A_324, %shift_right_arithmetic3A_325 : i32
      %and3A_327 = arith.constant 7 : i32
      %and3A_328 = arith.andi %squeeze3A_324, %and3A_327 : i32
      %mul3A_329 = arith.constant 16 : i32
      %mul3A_330 = arith.muli %scan3A_47, %mul3A_329 : i32
      %add3A_331 = arith.constant 6 : i32
      %add3A_332 = arith.addi %mul3A_330, %add3A_331 : i32
      %dma_start3A_333 = arith.constant 0 : i32
      %dma_start3A_334 = tpu.memref_slice %arg6[%add3A_332, %dma_start3A_333] : memref<256x64xf32, #tpu.memory_space<vmem>> -> memref<1x64xf32, #tpu.memory_space<vmem>>
      %dma_start3A_335 = tpu.memref_squeeze %dma_start3A_334 : memref<1x64xf32, #tpu.memory_space<vmem>> -> memref<64xf32, #tpu.memory_space<vmem>>
      %dma_start3A_336 = arith.constant 0 : i32
      %dma_start3A_337 = tpu.memref_slice %arg3[%shift_right_arithmetic3A_326, %and3A_328, %dma_start3A_336] : memref<125000x8x64xf32, #tpu.memory_space<hbm>> -> memref<1x1x64xf32, #tpu.memory_space<hbm>>
      %dma_start3A_338 = tpu.memref_squeeze %dma_start3A_337 : memref<1x1x64xf32, #tpu.memory_space<hbm>> -> memref<64xf32, #tpu.memory_space<hbm>>
      %dma_start3A_339 = arith.constant 0 : i32
      %dma_start3A_340 = tpu.memref_slice %arg6[%add3A_332, %dma_start3A_339] : memref<256x64xf32, #tpu.memory_space<vmem>> -> memref<1x64xf32, #tpu.memory_space<vmem>>
      %dma_start3A_341 = tpu.memref_squeeze %dma_start3A_340 : memref<1x64xf32, #tpu.memory_space<vmem>> -> memref<64xf32, #tpu.memory_space<vmem>>
      %dma_start3A_342 = arith.constant 0 : i32
      %dma_start3A_343 = tpu.memref_slice %arg3[%shift_right_arithmetic3A_326, %and3A_328, %dma_start3A_342] : memref<125000x8x64xf32, #tpu.memory_space<hbm>> -> memref<1x1x64xf32, #tpu.memory_space<hbm>>
      %dma_start3A_344 = tpu.memref_squeeze %dma_start3A_343 : memref<1x1x64xf32, #tpu.memory_space<hbm>> -> memref<64xf32, #tpu.memory_space<hbm>>
      tpu.enqueue_dma source(%dma_start3A_344 : memref<64xf32, #tpu.memory_space<hbm>>) target(%dma_start3A_341 : memref<64xf32, #tpu.memory_space<vmem>>) target_semaphore(%arg10 : memref<!tpu.dma_semaphore, #tpu.memory_space<semaphore_mem>>)
      %slice3A_345 = vector.extract_strided_slice %get3A_63 {offsets = [6], sizes = [1], strides = [1]} : vector<16xi32> to vector<1xi32>
      %squeeze3A_346 = vector.extract %slice3A_345[0] : i32 from vector<1xi32>
      %shift_right_arithmetic3A_347 = arith.constant 3 : i32
      %shift_right_arithmetic3A_348 = arith.shrsi %squeeze3A_346, %shift_right_arithmetic3A_347 : i32
      %and3A_349 = arith.constant 7 : i32
      %and3A_350 = arith.andi %squeeze3A_346, %and3A_349 : i32
      %mul3A_351 = arith.constant 16 : i32
      %mul3A_352 = arith.muli %scan3A_47, %mul3A_351 : i32
      %add3A_353 = arith.constant 6 : i32
      %add3A_354 = arith.addi %mul3A_352, %add3A_353 : i32
      %dma_start3A_355 = arith.constant 0 : i32
      %dma_start3A_356 = tpu.memref_slice %arg7[%add3A_354, %dma_start3A_355] : memref<256x64xf32, #tpu.memory_space<vmem>> -> memref<1x64xf32, #tpu.memory_space<vmem>>
      %dma_start3A_357 = tpu.memref_squeeze %dma_start3A_356 : memref<1x64xf32, #tpu.memory_space<vmem>> -> memref<64xf32, #tpu.memory_space<vmem>>
      %dma_start3A_358 = arith.constant 0 : i32
      %dma_start3A_359 = tpu.memref_slice %arg3[%shift_right_arithmetic3A_348, %and3A_350, %dma_start3A_358] : memref<125000x8x64xf32, #tpu.memory_space<hbm>> -> memref<1x1x64xf32, #tpu.memory_space<hbm>>
      %dma_start3A_360 = tpu.memref_squeeze %dma_start3A_359 : memref<1x1x64xf32, #tpu.memory_space<hbm>> -> memref<64xf32, #tpu.memory_space<hbm>>
      %dma_start3A_361 = arith.constant 0 : i32
      %dma_start3A_362 = tpu.memref_slice %arg7[%add3A_354, %dma_start3A_361] : memref<256x64xf32, #tpu.memory_space<vmem>> -> memref<1x64xf32, #tpu.memory_space<vmem>>
      %dma_start3A_363 = tpu.memref_squeeze %dma_start3A_362 : memref<1x64xf32, #tpu.memory_space<vmem>> -> memref<64xf32, #tpu.memory_space<vmem>>
      %dma_start3A_364 = arith.constant 0 : i32
      %dma_start3A_365 = tpu.memref_slice %arg3[%shift_right_arithmetic3A_348, %and3A_350, %dma_start3A_364] : memref<125000x8x64xf32, #tpu.memory_space<hbm>> -> memref<1x1x64xf32, #tpu.memory_space<hbm>>
      %dma_start3A_366 = tpu.memref_squeeze %dma_start3A_365 : memref<1x1x64xf32, #tpu.memory_space<hbm>> -> memref<64xf32, #tpu.memory_space<hbm>>
      tpu.enqueue_dma source(%dma_start3A_366 : memref<64xf32, #tpu.memory_space<hbm>>) target(%dma_start3A_363 : memref<64xf32, #tpu.memory_space<vmem>>) target_semaphore(%arg10 : memref<!tpu.dma_semaphore, #tpu.memory_space<semaphore_mem>>)
      %slice3A_367 = vector.extract_strided_slice %get3A_55 {offsets = [7], sizes = [1], strides = [1]} : vector<16xi32> to vector<1xi32>
      %squeeze3A_368 = vector.extract %slice3A_367[0] : i32 from vector<1xi32>
      %shift_right_arithmetic3A_369 = arith.constant 3 : i32
      %shift_right_arithmetic3A_370 = arith.shrsi %squeeze3A_368, %shift_right_arithmetic3A_369 : i32
      %and3A_371 = arith.constant 7 : i32
      %and3A_372 = arith.andi %squeeze3A_368, %and3A_371 : i32
      %mul3A_373 = arith.constant 16 : i32
      %mul3A_374 = arith.muli %scan3A_47, %mul3A_373 : i32
      %add3A_375 = arith.constant 7 : i32
      %add3A_376 = arith.addi %mul3A_374, %add3A_375 : i32
      %dma_start3A_377 = arith.constant 0 : i32
      %dma_start3A_378 = tpu.memref_slice %arg6[%add3A_376, %dma_start3A_377] : memref<256x64xf32, #tpu.memory_space<vmem>> -> memref<1x64xf32, #tpu.memory_space<vmem>>
      %dma_start3A_379 = tpu.memref_squeeze %dma_start3A_378 : memref<1x64xf32, #tpu.memory_space<vmem>> -> memref<64xf32, #tpu.memory_space<vmem>>
      %dma_start3A_380 = arith.constant 0 : i32
      %dma_start3A_381 = tpu.memref_slice %arg3[%shift_right_arithmetic3A_370, %and3A_372, %dma_start3A_380] : memref<125000x8x64xf32, #tpu.memory_space<hbm>> -> memref<1x1x64xf32, #tpu.memory_space<hbm>>
      %dma_start3A_382 = tpu.memref_squeeze %dma_start3A_381 : memref<1x1x64xf32, #tpu.memory_space<hbm>> -> memref<64xf32, #tpu.memory_space<hbm>>
      %dma_start3A_383 = arith.constant 0 : i32
      %dma_start3A_384 = tpu.memref_slice %arg6[%add3A_376, %dma_start3A_383] : memref<256x64xf32, #tpu.memory_space<vmem>> -> memref<1x64xf32, #tpu.memory_space<vmem>>
      %dma_start3A_385 = tpu.memref_squeeze %dma_start3A_384 : memref<1x64xf32, #tpu.memory_space<vmem>> -> memref<64xf32, #tpu.memory_space<vmem>>
      %dma_start3A_386 = arith.constant 0 : i32
      %dma_start3A_387 = tpu.memref_slice %arg3[%shift_right_arithmetic3A_370, %and3A_372, %dma_start3A_386] : memref<125000x8x64xf32, #tpu.memory_space<hbm>> -> memref<1x1x64xf32, #tpu.memory_space<hbm>>
      %dma_start3A_388 = tpu.memref_squeeze %dma_start3A_387 : memref<1x1x64xf32, #tpu.memory_space<hbm>> -> memref<64xf32, #tpu.memory_space<hbm>>
      tpu.enqueue_dma source(%dma_start3A_388 : memref<64xf32, #tpu.memory_space<hbm>>) target(%dma_start3A_385 : memref<64xf32, #tpu.memory_space<vmem>>) target_semaphore(%arg10 : memref<!tpu.dma_semaphore, #tpu.memory_space<semaphore_mem>>)
      %slice3A_389 = vector.extract_strided_slice %get3A_63 {offsets = [7], sizes = [1], strides = [1]} : vector<16xi32> to vector<1xi32>
      %squeeze3A_390 = vector.extract %slice3A_389[0] : i32 from vector<1xi32>
      %shift_right_arithmetic3A_391 = arith.constant 3 : i32
      %shift_right_arithmetic3A_392 = arith.shrsi %squeeze3A_390, %shift_right_arithmetic3A_391 : i32
      %and3A_393 = arith.constant 7 : i32
      %and3A_394 = arith.andi %squeeze3A_390, %and3A_393 : i32
      %mul3A_395 = arith.constant 16 : i32
      %mul3A_396 = arith.muli %scan3A_47, %mul3A_395 : i32
      %add3A_397 = arith.constant 7 : i32
      %add3A_398 = arith.addi %mul3A_396, %add3A_397 : i32
      %dma_start3A_399 = arith.constant 0 : i32
      %dma_start3A_400 = tpu.memref_slice %arg7[%add3A_398, %dma_start3A_399] : memref<256x64xf32, #tpu.memory_space<vmem>> -> memref<1x64xf32, #tpu.memory_space<vmem>>
      %dma_start3A_401 = tpu.memref_squeeze %dma_start3A_400 : memref<1x64xf32, #tpu.memory_space<vmem>> -> memref<64xf32, #tpu.memory_space<vmem>>
      %dma_start3A_402 = arith.constant 0 : i32
      %dma_start3A_403 = tpu.memref_slice %arg3[%shift_right_arithmetic3A_392, %and3A_394, %dma_start3A_402] : memref<125000x8x64xf32, #tpu.memory_space<hbm>> -> memref<1x1x64xf32, #tpu.memory_space<hbm>>
      %dma_start3A_404 = tpu.memref_squeeze %dma_start3A_403 : memref<1x1x64xf32, #tpu.memory_space<hbm>> -> memref<64xf32, #tpu.memory_space<hbm>>
      %dma_start3A_405 = arith.constant 0 : i32
      %dma_start3A_406 = tpu.memref_slice %arg7[%add3A_398, %dma_start3A_405] : memref<256x64xf32, #tpu.memory_space<vmem>> -> memref<1x64xf32, #tpu.memory_space<vmem>>
      %dma_start3A_407 = tpu.memref_squeeze %dma_start3A_406 : memref<1x64xf32, #tpu.memory_space<vmem>> -> memref<64xf32, #tpu.memory_space<vmem>>
      %dma_start3A_408 = arith.constant 0 : i32
      %dma_start3A_409 = tpu.memref_slice %arg3[%shift_right_arithmetic3A_392, %and3A_394, %dma_start3A_408] : memref<125000x8x64xf32, #tpu.memory_space<hbm>> -> memref<1x1x64xf32, #tpu.memory_space<hbm>>
      %dma_start3A_410 = tpu.memref_squeeze %dma_start3A_409 : memref<1x1x64xf32, #tpu.memory_space<hbm>> -> memref<64xf32, #tpu.memory_space<hbm>>
      tpu.enqueue_dma source(%dma_start3A_410 : memref<64xf32, #tpu.memory_space<hbm>>) target(%dma_start3A_407 : memref<64xf32, #tpu.memory_space<vmem>>) target_semaphore(%arg10 : memref<!tpu.dma_semaphore, #tpu.memory_space<semaphore_mem>>)
      %slice3A_411 = vector.extract_strided_slice %get3A_55 {offsets = [8], sizes = [1], strides = [1]} : vector<16xi32> to vector<1xi32>
      %squeeze3A_412 = vector.extract %slice3A_411[0] : i32 from vector<1xi32>
      %shift_right_arithmetic3A_413 = arith.constant 3 : i32
      %shift_right_arithmetic3A_414 = arith.shrsi %squeeze3A_412, %shift_right_arithmetic3A_413 : i32
      %and3A_415 = arith.constant 7 : i32
      %and3A_416 = arith.andi %squeeze3A_412, %and3A_415 : i32
      %mul3A_417 = arith.constant 16 : i32
      %mul3A_418 = arith.muli %scan3A_47, %mul3A_417 : i32
      %add3A_419 = arith.constant 8 : i32
      %add3A_420 = arith.addi %mul3A_418, %add3A_419 : i32
      %dma_start3A_421 = arith.constant 0 : i32
      %dma_start3A_422 = tpu.memref_slice %arg6[%add3A_420, %dma_start3A_421] : memref<256x64xf32, #tpu.memory_space<vmem>> -> memref<1x64xf32, #tpu.memory_space<vmem>>
      %dma_start3A_423 = tpu.memref_squeeze %dma_start3A_422 : memref<1x64xf32, #tpu.memory_space<vmem>> -> memref<64xf32, #tpu.memory_space<vmem>>
      %dma_start3A_424 = arith.constant 0 : i32
      %dma_start3A_425 = tpu.memref_slice %arg3[%shift_right_arithmetic3A_414, %and3A_416, %dma_start3A_424] : memref<125000x8x64xf32, #tpu.memory_space<hbm>> -> memref<1x1x64xf32, #tpu.memory_space<hbm>>
      %dma_start3A_426 = tpu.memref_squeeze %dma_start3A_425 : memref<1x1x64xf32, #tpu.memory_space<hbm>> -> memref<64xf32, #tpu.memory_space<hbm>>
      %dma_start3A_427 = arith.constant 0 : i32
      %dma_start3A_428 = tpu.memref_slice %arg6[%add3A_420, %dma_start3A_427] : memref<256x64xf32, #tpu.memory_space<vmem>> -> memref<1x64xf32, #tpu.memory_space<vmem>>
      %dma_start3A_429 = tpu.memref_squeeze %dma_start3A_428 : memref<1x64xf32, #tpu.memory_space<vmem>> -> memref<64xf32, #tpu.memory_space<vmem>>
      %dma_start3A_430 = arith.constant 0 : i32
      %dma_start3A_431 = tpu.memref_slice %arg3[%shift_right_arithmetic3A_414, %and3A_416, %dma_start3A_430] : memref<125000x8x64xf32, #tpu.memory_space<hbm>> -> memref<1x1x64xf32, #tpu.memory_space<hbm>>
      %dma_start3A_432 = tpu.memref_squeeze %dma_start3A_431 : memref<1x1x64xf32, #tpu.memory_space<hbm>> -> memref<64xf32, #tpu.memory_space<hbm>>
      tpu.enqueue_dma source(%dma_start3A_432 : memref<64xf32, #tpu.memory_space<hbm>>) target(%dma_start3A_429 : memref<64xf32, #tpu.memory_space<vmem>>) target_semaphore(%arg10 : memref<!tpu.dma_semaphore, #tpu.memory_space<semaphore_mem>>)
      %slice3A_433 = vector.extract_strided_slice %get3A_63 {offsets = [8], sizes = [1], strides = [1]} : vector<16xi32> to vector<1xi32>
      %squeeze3A_434 = vector.extract %slice3A_433[0] : i32 from vector<1xi32>
      %shift_right_arithmetic3A_435 = arith.constant 3 : i32
      %shift_right_arithmetic3A_436 = arith.shrsi %squeeze3A_434, %shift_right_arithmetic3A_435 : i32
      %and3A_437 = arith.constant 7 : i32
      %and3A_438 = arith.andi %squeeze3A_434, %and3A_437 : i32
      %mul3A_439 = arith.constant 16 : i32
      %mul3A_440 = arith.muli %scan3A_47, %mul3A_439 : i32
      %add3A_441 = arith.constant 8 : i32
      %add3A_442 = arith.addi %mul3A_440, %add3A_441 : i32
      %dma_start3A_443 = arith.constant 0 : i32
      %dma_start3A_444 = tpu.memref_slice %arg7[%add3A_442, %dma_start3A_443] : memref<256x64xf32, #tpu.memory_space<vmem>> -> memref<1x64xf32, #tpu.memory_space<vmem>>
      %dma_start3A_445 = tpu.memref_squeeze %dma_start3A_444 : memref<1x64xf32, #tpu.memory_space<vmem>> -> memref<64xf32, #tpu.memory_space<vmem>>
      %dma_start3A_446 = arith.constant 0 : i32
      %dma_start3A_447 = tpu.memref_slice %arg3[%shift_right_arithmetic3A_436, %and3A_438, %dma_start3A_446] : memref<125000x8x64xf32, #tpu.memory_space<hbm>> -> memref<1x1x64xf32, #tpu.memory_space<hbm>>
      %dma_start3A_448 = tpu.memref_squeeze %dma_start3A_447 : memref<1x1x64xf32, #tpu.memory_space<hbm>> -> memref<64xf32, #tpu.memory_space<hbm>>
      %dma_start3A_449 = arith.constant 0 : i32
      %dma_start3A_450 = tpu.memref_slice %arg7[%add3A_442, %dma_start3A_449] : memref<256x64xf32, #tpu.memory_space<vmem>> -> memref<1x64xf32, #tpu.memory_space<vmem>>
      %dma_start3A_451 = tpu.memref_squeeze %dma_start3A_450 : memref<1x64xf32, #tpu.memory_space<vmem>> -> memref<64xf32, #tpu.memory_space<vmem>>
      %dma_start3A_452 = arith.constant 0 : i32
      %dma_start3A_453 = tpu.memref_slice %arg3[%shift_right_arithmetic3A_436, %and3A_438, %dma_start3A_452] : memref<125000x8x64xf32, #tpu.memory_space<hbm>> -> memref<1x1x64xf32, #tpu.memory_space<hbm>>
      %dma_start3A_454 = tpu.memref_squeeze %dma_start3A_453 : memref<1x1x64xf32, #tpu.memory_space<hbm>> -> memref<64xf32, #tpu.memory_space<hbm>>
      tpu.enqueue_dma source(%dma_start3A_454 : memref<64xf32, #tpu.memory_space<hbm>>) target(%dma_start3A_451 : memref<64xf32, #tpu.memory_space<vmem>>) target_semaphore(%arg10 : memref<!tpu.dma_semaphore, #tpu.memory_space<semaphore_mem>>)
      %slice3A_455 = vector.extract_strided_slice %get3A_55 {offsets = [9], sizes = [1], strides = [1]} : vector<16xi32> to vector<1xi32>
      %squeeze3A_456 = vector.extract %slice3A_455[0] : i32 from vector<1xi32>
      %shift_right_arithmetic3A_457 = arith.constant 3 : i32
      %shift_right_arithmetic3A_458 = arith.shrsi %squeeze3A_456, %shift_right_arithmetic3A_457 : i32
      %and3A_459 = arith.constant 7 : i32
      %and3A_460 = arith.andi %squeeze3A_456, %and3A_459 : i32
      %mul3A_461 = arith.constant 16 : i32
      %mul3A_462 = arith.muli %scan3A_47, %mul3A_461 : i32
      %add3A_463 = arith.constant 9 : i32
      %add3A_464 = arith.addi %mul3A_462, %add3A_463 : i32
      %dma_start3A_465 = arith.constant 0 : i32
      %dma_start3A_466 = tpu.memref_slice %arg6[%add3A_464, %dma_start3A_465] : memref<256x64xf32, #tpu.memory_space<vmem>> -> memref<1x64xf32, #tpu.memory_space<vmem>>
      %dma_start3A_467 = tpu.memref_squeeze %dma_start3A_466 : memref<1x64xf32, #tpu.memory_space<vmem>> -> memref<64xf32, #tpu.memory_space<vmem>>
      %dma_start3A_468 = arith.constant 0 : i32
      %dma_start3A_469 = tpu.memref_slice %arg3[%shift_right_arithmetic3A_458, %and3A_460, %dma_start3A_468] : memref<125000x8x64xf32, #tpu.memory_space<hbm>> -> memref<1x1x64xf32, #tpu.memory_space<hbm>>
      %dma_start3A_470 = tpu.memref_squeeze %dma_start3A_469 : memref<1x1x64xf32, #tpu.memory_space<hbm>> -> memref<64xf32, #tpu.memory_space<hbm>>
      %dma_start3A_471 = arith.constant 0 : i32
      %dma_start3A_472 = tpu.memref_slice %arg6[%add3A_464, %dma_start3A_471] : memref<256x64xf32, #tpu.memory_space<vmem>> -> memref<1x64xf32, #tpu.memory_space<vmem>>
      %dma_start3A_473 = tpu.memref_squeeze %dma_start3A_472 : memref<1x64xf32, #tpu.memory_space<vmem>> -> memref<64xf32, #tpu.memory_space<vmem>>
      %dma_start3A_474 = arith.constant 0 : i32
      %dma_start3A_475 = tpu.memref_slice %arg3[%shift_right_arithmetic3A_458, %and3A_460, %dma_start3A_474] : memref<125000x8x64xf32, #tpu.memory_space<hbm>> -> memref<1x1x64xf32, #tpu.memory_space<hbm>>
      %dma_start3A_476 = tpu.memref_squeeze %dma_start3A_475 : memref<1x1x64xf32, #tpu.memory_space<hbm>> -> memref<64xf32, #tpu.memory_space<hbm>>
      tpu.enqueue_dma source(%dma_start3A_476 : memref<64xf32, #tpu.memory_space<hbm>>) target(%dma_start3A_473 : memref<64xf32, #tpu.memory_space<vmem>>) target_semaphore(%arg10 : memref<!tpu.dma_semaphore, #tpu.memory_space<semaphore_mem>>)
      %slice3A_477 = vector.extract_strided_slice %get3A_63 {offsets = [9], sizes = [1], strides = [1]} : vector<16xi32> to vector<1xi32>
      %squeeze3A_478 = vector.extract %slice3A_477[0] : i32 from vector<1xi32>
      %shift_right_arithmetic3A_479 = arith.constant 3 : i32
      %shift_right_arithmetic3A_480 = arith.shrsi %squeeze3A_478, %shift_right_arithmetic3A_479 : i32
      %and3A_481 = arith.constant 7 : i32
      %and3A_482 = arith.andi %squeeze3A_478, %and3A_481 : i32
      %mul3A_483 = arith.constant 16 : i32
      %mul3A_484 = arith.muli %scan3A_47, %mul3A_483 : i32
      %add3A_485 = arith.constant 9 : i32
      %add3A_486 = arith.addi %mul3A_484, %add3A_485 : i32
      %dma_start3A_487 = arith.constant 0 : i32
      %dma_start3A_488 = tpu.memref_slice %arg7[%add3A_486, %dma_start3A_487] : memref<256x64xf32, #tpu.memory_space<vmem>> -> memref<1x64xf32, #tpu.memory_space<vmem>>
      %dma_start3A_489 = tpu.memref_squeeze %dma_start3A_488 : memref<1x64xf32, #tpu.memory_space<vmem>> -> memref<64xf32, #tpu.memory_space<vmem>>
      %dma_start3A_490 = arith.constant 0 : i32
      %dma_start3A_491 = tpu.memref_slice %arg3[%shift_right_arithmetic3A_480, %and3A_482, %dma_start3A_490] : memref<125000x8x64xf32, #tpu.memory_space<hbm>> -> memref<1x1x64xf32, #tpu.memory_space<hbm>>
      %dma_start3A_492 = tpu.memref_squeeze %dma_start3A_491 : memref<1x1x64xf32, #tpu.memory_space<hbm>> -> memref<64xf32, #tpu.memory_space<hbm>>
      %dma_start3A_493 = arith.constant 0 : i32
      %dma_start3A_494 = tpu.memref_slice %arg7[%add3A_486, %dma_start3A_493] : memref<256x64xf32, #tpu.memory_space<vmem>> -> memref<1x64xf32, #tpu.memory_space<vmem>>
      %dma_start3A_495 = tpu.memref_squeeze %dma_start3A_494 : memref<1x64xf32, #tpu.memory_space<vmem>> -> memref<64xf32, #tpu.memory_space<vmem>>
      %dma_start3A_496 = arith.constant 0 : i32
      %dma_start3A_497 = tpu.memref_slice %arg3[%shift_right_arithmetic3A_480, %and3A_482, %dma_start3A_496] : memref<125000x8x64xf32, #tpu.memory_space<hbm>> -> memref<1x1x64xf32, #tpu.memory_space<hbm>>
      %dma_start3A_498 = tpu.memref_squeeze %dma_start3A_497 : memref<1x1x64xf32, #tpu.memory_space<hbm>> -> memref<64xf32, #tpu.memory_space<hbm>>
      tpu.enqueue_dma source(%dma_start3A_498 : memref<64xf32, #tpu.memory_space<hbm>>) target(%dma_start3A_495 : memref<64xf32, #tpu.memory_space<vmem>>) target_semaphore(%arg10 : memref<!tpu.dma_semaphore, #tpu.memory_space<semaphore_mem>>)
      %slice3A_499 = vector.extract_strided_slice %get3A_55 {offsets = [10], sizes = [1], strides = [1]} : vector<16xi32> to vector<1xi32>
      %squeeze3A_500 = vector.extract %slice3A_499[0] : i32 from vector<1xi32>
      %shift_right_arithmetic3A_501 = arith.constant 3 : i32
      %shift_right_arithmetic3A_502 = arith.shrsi %squeeze3A_500, %shift_right_arithmetic3A_501 : i32
      %and3A_503 = arith.constant 7 : i32
      %and3A_504 = arith.andi %squeeze3A_500, %and3A_503 : i32
      %mul3A_505 = arith.constant 16 : i32
      %mul3A_506 = arith.muli %scan3A_47, %mul3A_505 : i32
      %add3A_507 = arith.constant 10 : i32
      %add3A_508 = arith.addi %mul3A_506, %add3A_507 : i32
      %dma_start3A_509 = arith.constant 0 : i32
      %dma_start3A_510 = tpu.memref_slice %arg6[%add3A_508, %dma_start3A_509] : memref<256x64xf32, #tpu.memory_space<vmem>> -> memref<1x64xf32, #tpu.memory_space<vmem>>
      %dma_start3A_511 = tpu.memref_squeeze %dma_start3A_510 : memref<1x64xf32, #tpu.memory_space<vmem>> -> memref<64xf32, #tpu.memory_space<vmem>>
      %dma_start3A_512 = arith.constant 0 : i32
      %dma_start3A_513 = tpu.memref_slice %arg3[%shift_right_arithmetic3A_502, %and3A_504, %dma_start3A_512] : memref<125000x8x64xf32, #tpu.memory_space<hbm>> -> memref<1x1x64xf32, #tpu.memory_space<hbm>>
      %dma_start3A_514 = tpu.memref_squeeze %dma_start3A_513 : memref<1x1x64xf32, #tpu.memory_space<hbm>> -> memref<64xf32, #tpu.memory_space<hbm>>
      %dma_start3A_515 = arith.constant 0 : i32
      %dma_start3A_516 = tpu.memref_slice %arg6[%add3A_508, %dma_start3A_515] : memref<256x64xf32, #tpu.memory_space<vmem>> -> memref<1x64xf32, #tpu.memory_space<vmem>>
      %dma_start3A_517 = tpu.memref_squeeze %dma_start3A_516 : memref<1x64xf32, #tpu.memory_space<vmem>> -> memref<64xf32, #tpu.memory_space<vmem>>
      %dma_start3A_518 = arith.constant 0 : i32
      %dma_start3A_519 = tpu.memref_slice %arg3[%shift_right_arithmetic3A_502, %and3A_504, %dma_start3A_518] : memref<125000x8x64xf32, #tpu.memory_space<hbm>> -> memref<1x1x64xf32, #tpu.memory_space<hbm>>
      %dma_start3A_520 = tpu.memref_squeeze %dma_start3A_519 : memref<1x1x64xf32, #tpu.memory_space<hbm>> -> memref<64xf32, #tpu.memory_space<hbm>>
      tpu.enqueue_dma source(%dma_start3A_520 : memref<64xf32, #tpu.memory_space<hbm>>) target(%dma_start3A_517 : memref<64xf32, #tpu.memory_space<vmem>>) target_semaphore(%arg10 : memref<!tpu.dma_semaphore, #tpu.memory_space<semaphore_mem>>)
      %slice3A_521 = vector.extract_strided_slice %get3A_63 {offsets = [10], sizes = [1], strides = [1]} : vector<16xi32> to vector<1xi32>
      %squeeze3A_522 = vector.extract %slice3A_521[0] : i32 from vector<1xi32>
      %shift_right_arithmetic3A_523 = arith.constant 3 : i32
      %shift_right_arithmetic3A_524 = arith.shrsi %squeeze3A_522, %shift_right_arithmetic3A_523 : i32
      %and3A_525 = arith.constant 7 : i32
      %and3A_526 = arith.andi %squeeze3A_522, %and3A_525 : i32
      %mul3A_527 = arith.constant 16 : i32
      %mul3A_528 = arith.muli %scan3A_47, %mul3A_527 : i32
      %add3A_529 = arith.constant 10 : i32
      %add3A_530 = arith.addi %mul3A_528, %add3A_529 : i32
      %dma_start3A_531 = arith.constant 0 : i32
      %dma_start3A_532 = tpu.memref_slice %arg7[%add3A_530, %dma_start3A_531] : memref<256x64xf32, #tpu.memory_space<vmem>> -> memref<1x64xf32, #tpu.memory_space<vmem>>
      %dma_start3A_533 = tpu.memref_squeeze %dma_start3A_532 : memref<1x64xf32, #tpu.memory_space<vmem>> -> memref<64xf32, #tpu.memory_space<vmem>>
      %dma_start3A_534 = arith.constant 0 : i32
      %dma_start3A_535 = tpu.memref_slice %arg3[%shift_right_arithmetic3A_524, %and3A_526, %dma_start3A_534] : memref<125000x8x64xf32, #tpu.memory_space<hbm>> -> memref<1x1x64xf32, #tpu.memory_space<hbm>>
      %dma_start3A_536 = tpu.memref_squeeze %dma_start3A_535 : memref<1x1x64xf32, #tpu.memory_space<hbm>> -> memref<64xf32, #tpu.memory_space<hbm>>
      %dma_start3A_537 = arith.constant 0 : i32
      %dma_start3A_538 = tpu.memref_slice %arg7[%add3A_530, %dma_start3A_537] : memref<256x64xf32, #tpu.memory_space<vmem>> -> memref<1x64xf32, #tpu.memory_space<vmem>>
      %dma_start3A_539 = tpu.memref_squeeze %dma_start3A_538 : memref<1x64xf32, #tpu.memory_space<vmem>> -> memref<64xf32, #tpu.memory_space<vmem>>
      %dma_start3A_540 = arith.constant 0 : i32
      %dma_start3A_541 = tpu.memref_slice %arg3[%shift_right_arithmetic3A_524, %and3A_526, %dma_start3A_540] : memref<125000x8x64xf32, #tpu.memory_space<hbm>> -> memref<1x1x64xf32, #tpu.memory_space<hbm>>
      %dma_start3A_542 = tpu.memref_squeeze %dma_start3A_541 : memref<1x1x64xf32, #tpu.memory_space<hbm>> -> memref<64xf32, #tpu.memory_space<hbm>>
      tpu.enqueue_dma source(%dma_start3A_542 : memref<64xf32, #tpu.memory_space<hbm>>) target(%dma_start3A_539 : memref<64xf32, #tpu.memory_space<vmem>>) target_semaphore(%arg10 : memref<!tpu.dma_semaphore, #tpu.memory_space<semaphore_mem>>)
      %slice3A_543 = vector.extract_strided_slice %get3A_55 {offsets = [11], sizes = [1], strides = [1]} : vector<16xi32> to vector<1xi32>
      %squeeze3A_544 = vector.extract %slice3A_543[0] : i32 from vector<1xi32>
      %shift_right_arithmetic3A_545 = arith.constant 3 : i32
      %shift_right_arithmetic3A_546 = arith.shrsi %squeeze3A_544, %shift_right_arithmetic3A_545 : i32
      %and3A_547 = arith.constant 7 : i32
      %and3A_548 = arith.andi %squeeze3A_544, %and3A_547 : i32
      %mul3A_549 = arith.constant 16 : i32
      %mul3A_550 = arith.muli %scan3A_47, %mul3A_549 : i32
      %add3A_551 = arith.constant 11 : i32
      %add3A_552 = arith.addi %mul3A_550, %add3A_551 : i32
      %dma_start3A_553 = arith.constant 0 : i32
      %dma_start3A_554 = tpu.memref_slice %arg6[%add3A_552, %dma_start3A_553] : memref<256x64xf32, #tpu.memory_space<vmem>> -> memref<1x64xf32, #tpu.memory_space<vmem>>
      %dma_start3A_555 = tpu.memref_squeeze %dma_start3A_554 : memref<1x64xf32, #tpu.memory_space<vmem>> -> memref<64xf32, #tpu.memory_space<vmem>>
      %dma_start3A_556 = arith.constant 0 : i32
      %dma_start3A_557 = tpu.memref_slice %arg3[%shift_right_arithmetic3A_546, %and3A_548, %dma_start3A_556] : memref<125000x8x64xf32, #tpu.memory_space<hbm>> -> memref<1x1x64xf32, #tpu.memory_space<hbm>>
      %dma_start3A_558 = tpu.memref_squeeze %dma_start3A_557 : memref<1x1x64xf32, #tpu.memory_space<hbm>> -> memref<64xf32, #tpu.memory_space<hbm>>
      %dma_start3A_559 = arith.constant 0 : i32
      %dma_start3A_560 = tpu.memref_slice %arg6[%add3A_552, %dma_start3A_559] : memref<256x64xf32, #tpu.memory_space<vmem>> -> memref<1x64xf32, #tpu.memory_space<vmem>>
      %dma_start3A_561 = tpu.memref_squeeze %dma_start3A_560 : memref<1x64xf32, #tpu.memory_space<vmem>> -> memref<64xf32, #tpu.memory_space<vmem>>
      %dma_start3A_562 = arith.constant 0 : i32
      %dma_start3A_563 = tpu.memref_slice %arg3[%shift_right_arithmetic3A_546, %and3A_548, %dma_start3A_562] : memref<125000x8x64xf32, #tpu.memory_space<hbm>> -> memref<1x1x64xf32, #tpu.memory_space<hbm>>
      %dma_start3A_564 = tpu.memref_squeeze %dma_start3A_563 : memref<1x1x64xf32, #tpu.memory_space<hbm>> -> memref<64xf32, #tpu.memory_space<hbm>>
      tpu.enqueue_dma source(%dma_start3A_564 : memref<64xf32, #tpu.memory_space<hbm>>) target(%dma_start3A_561 : memref<64xf32, #tpu.memory_space<vmem>>) target_semaphore(%arg10 : memref<!tpu.dma_semaphore, #tpu.memory_space<semaphore_mem>>)
      %slice3A_565 = vector.extract_strided_slice %get3A_63 {offsets = [11], sizes = [1], strides = [1]} : vector<16xi32> to vector<1xi32>
      %squeeze3A_566 = vector.extract %slice3A_565[0] : i32 from vector<1xi32>
      %shift_right_arithmetic3A_567 = arith.constant 3 : i32
      %shift_right_arithmetic3A_568 = arith.shrsi %squeeze3A_566, %shift_right_arithmetic3A_567 : i32
      %and3A_569 = arith.constant 7 : i32
      %and3A_570 = arith.andi %squeeze3A_566, %and3A_569 : i32
      %mul3A_571 = arith.constant 16 : i32
      %mul3A_572 = arith.muli %scan3A_47, %mul3A_571 : i32
      %add3A_573 = arith.constant 11 : i32
      %add3A_574 = arith.addi %mul3A_572, %add3A_573 : i32
      %dma_start3A_575 = arith.constant 0 : i32
      %dma_start3A_576 = tpu.memref_slice %arg7[%add3A_574, %dma_start3A_575] : memref<256x64xf32, #tpu.memory_space<vmem>> -> memref<1x64xf32, #tpu.memory_space<vmem>>
      %dma_start3A_577 = tpu.memref_squeeze %dma_start3A_576 : memref<1x64xf32, #tpu.memory_space<vmem>> -> memref<64xf32, #tpu.memory_space<vmem>>
      %dma_start3A_578 = arith.constant 0 : i32
      %dma_start3A_579 = tpu.memref_slice %arg3[%shift_right_arithmetic3A_568, %and3A_570, %dma_start3A_578] : memref<125000x8x64xf32, #tpu.memory_space<hbm>> -> memref<1x1x64xf32, #tpu.memory_space<hbm>>
      %dma_start3A_580 = tpu.memref_squeeze %dma_start3A_579 : memref<1x1x64xf32, #tpu.memory_space<hbm>> -> memref<64xf32, #tpu.memory_space<hbm>>
      %dma_start3A_581 = arith.constant 0 : i32
      %dma_start3A_582 = tpu.memref_slice %arg7[%add3A_574, %dma_start3A_581] : memref<256x64xf32, #tpu.memory_space<vmem>> -> memref<1x64xf32, #tpu.memory_space<vmem>>
      %dma_start3A_583 = tpu.memref_squeeze %dma_start3A_582 : memref<1x64xf32, #tpu.memory_space<vmem>> -> memref<64xf32, #tpu.memory_space<vmem>>
      %dma_start3A_584 = arith.constant 0 : i32
      %dma_start3A_585 = tpu.memref_slice %arg3[%shift_right_arithmetic3A_568, %and3A_570, %dma_start3A_584] : memref<125000x8x64xf32, #tpu.memory_space<hbm>> -> memref<1x1x64xf32, #tpu.memory_space<hbm>>
      %dma_start3A_586 = tpu.memref_squeeze %dma_start3A_585 : memref<1x1x64xf32, #tpu.memory_space<hbm>> -> memref<64xf32, #tpu.memory_space<hbm>>
      tpu.enqueue_dma source(%dma_start3A_586 : memref<64xf32, #tpu.memory_space<hbm>>) target(%dma_start3A_583 : memref<64xf32, #tpu.memory_space<vmem>>) target_semaphore(%arg10 : memref<!tpu.dma_semaphore, #tpu.memory_space<semaphore_mem>>)
      %slice3A_587 = vector.extract_strided_slice %get3A_55 {offsets = [12], sizes = [1], strides = [1]} : vector<16xi32> to vector<1xi32>
      %squeeze3A_588 = vector.extract %slice3A_587[0] : i32 from vector<1xi32>
      %shift_right_arithmetic3A_589 = arith.constant 3 : i32
      %shift_right_arithmetic3A_590 = arith.shrsi %squeeze3A_588, %shift_right_arithmetic3A_589 : i32
      %and3A_591 = arith.constant 7 : i32
      %and3A_592 = arith.andi %squeeze3A_588, %and3A_591 : i32
      %mul3A_593 = arith.constant 16 : i32
      %mul3A_594 = arith.muli %scan3A_47, %mul3A_593 : i32
      %add3A_595 = arith.constant 12 : i32
      %add3A_596 = arith.addi %mul3A_594, %add3A_595 : i32
      %dma_start3A_597 = arith.constant 0 : i32
      %dma_start3A_598 = tpu.memref_slice %arg6[%add3A_596, %dma_start3A_597] : memref<256x64xf32, #tpu.memory_space<vmem>> -> memref<1x64xf32, #tpu.memory_space<vmem>>
      %dma_start3A_599 = tpu.memref_squeeze %dma_start3A_598 : memref<1x64xf32, #tpu.memory_space<vmem>> -> memref<64xf32, #tpu.memory_space<vmem>>
      %dma_start3A_600 = arith.constant 0 : i32
      %dma_start3A_601 = tpu.memref_slice %arg3[%shift_right_arithmetic3A_590, %and3A_592, %dma_start3A_600] : memref<125000x8x64xf32, #tpu.memory_space<hbm>> -> memref<1x1x64xf32, #tpu.memory_space<hbm>>
      %dma_start3A_602 = tpu.memref_squeeze %dma_start3A_601 : memref<1x1x64xf32, #tpu.memory_space<hbm>> -> memref<64xf32, #tpu.memory_space<hbm>>
      %dma_start3A_603 = arith.constant 0 : i32
      %dma_start3A_604 = tpu.memref_slice %arg6[%add3A_596, %dma_start3A_603] : memref<256x64xf32, #tpu.memory_space<vmem>> -> memref<1x64xf32, #tpu.memory_space<vmem>>
      %dma_start3A_605 = tpu.memref_squeeze %dma_start3A_604 : memref<1x64xf32, #tpu.memory_space<vmem>> -> memref<64xf32, #tpu.memory_space<vmem>>
      %dma_start3A_606 = arith.constant 0 : i32
      %dma_start3A_607 = tpu.memref_slice %arg3[%shift_right_arithmetic3A_590, %and3A_592, %dma_start3A_606] : memref<125000x8x64xf32, #tpu.memory_space<hbm>> -> memref<1x1x64xf32, #tpu.memory_space<hbm>>
      %dma_start3A_608 = tpu.memref_squeeze %dma_start3A_607 : memref<1x1x64xf32, #tpu.memory_space<hbm>> -> memref<64xf32, #tpu.memory_space<hbm>>
      tpu.enqueue_dma source(%dma_start3A_608 : memref<64xf32, #tpu.memory_space<hbm>>) target(%dma_start3A_605 : memref<64xf32, #tpu.memory_space<vmem>>) target_semaphore(%arg10 : memref<!tpu.dma_semaphore, #tpu.memory_space<semaphore_mem>>)
      %slice3A_609 = vector.extract_strided_slice %get3A_63 {offsets = [12], sizes = [1], strides = [1]} : vector<16xi32> to vector<1xi32>
      %squeeze3A_610 = vector.extract %slice3A_609[0] : i32 from vector<1xi32>
      %shift_right_arithmetic3A_611 = arith.constant 3 : i32
      %shift_right_arithmetic3A_612 = arith.shrsi %squeeze3A_610, %shift_right_arithmetic3A_611 : i32
      %and3A_613 = arith.constant 7 : i32
      %and3A_614 = arith.andi %squeeze3A_610, %and3A_613 : i32
      %mul3A_615 = arith.constant 16 : i32
      %mul3A_616 = arith.muli %scan3A_47, %mul3A_615 : i32
      %add3A_617 = arith.constant 12 : i32
      %add3A_618 = arith.addi %mul3A_616, %add3A_617 : i32
      %dma_start3A_619 = arith.constant 0 : i32
      %dma_start3A_620 = tpu.memref_slice %arg7[%add3A_618, %dma_start3A_619] : memref<256x64xf32, #tpu.memory_space<vmem>> -> memref<1x64xf32, #tpu.memory_space<vmem>>
      %dma_start3A_621 = tpu.memref_squeeze %dma_start3A_620 : memref<1x64xf32, #tpu.memory_space<vmem>> -> memref<64xf32, #tpu.memory_space<vmem>>
      %dma_start3A_622 = arith.constant 0 : i32
      %dma_start3A_623 = tpu.memref_slice %arg3[%shift_right_arithmetic3A_612, %and3A_614, %dma_start3A_622] : memref<125000x8x64xf32, #tpu.memory_space<hbm>> -> memref<1x1x64xf32, #tpu.memory_space<hbm>>
      %dma_start3A_624 = tpu.memref_squeeze %dma_start3A_623 : memref<1x1x64xf32, #tpu.memory_space<hbm>> -> memref<64xf32, #tpu.memory_space<hbm>>
      %dma_start3A_625 = arith.constant 0 : i32
      %dma_start3A_626 = tpu.memref_slice %arg7[%add3A_618, %dma_start3A_625] : memref<256x64xf32, #tpu.memory_space<vmem>> -> memref<1x64xf32, #tpu.memory_space<vmem>>
      %dma_start3A_627 = tpu.memref_squeeze %dma_start3A_626 : memref<1x64xf32, #tpu.memory_space<vmem>> -> memref<64xf32, #tpu.memory_space<vmem>>
      %dma_start3A_628 = arith.constant 0 : i32
      %dma_start3A_629 = tpu.memref_slice %arg3[%shift_right_arithmetic3A_612, %and3A_614, %dma_start3A_628] : memref<125000x8x64xf32, #tpu.memory_space<hbm>> -> memref<1x1x64xf32, #tpu.memory_space<hbm>>
      %dma_start3A_630 = tpu.memref_squeeze %dma_start3A_629 : memref<1x1x64xf32, #tpu.memory_space<hbm>> -> memref<64xf32, #tpu.memory_space<hbm>>
      tpu.enqueue_dma source(%dma_start3A_630 : memref<64xf32, #tpu.memory_space<hbm>>) target(%dma_start3A_627 : memref<64xf32, #tpu.memory_space<vmem>>) target_semaphore(%arg10 : memref<!tpu.dma_semaphore, #tpu.memory_space<semaphore_mem>>)
      %slice3A_631 = vector.extract_strided_slice %get3A_55 {offsets = [13], sizes = [1], strides = [1]} : vector<16xi32> to vector<1xi32>
      %squeeze3A_632 = vector.extract %slice3A_631[0] : i32 from vector<1xi32>
      %shift_right_arithmetic3A_633 = arith.constant 3 : i32
      %shift_right_arithmetic3A_634 = arith.shrsi %squeeze3A_632, %shift_right_arithmetic3A_633 : i32
      %and3A_635 = arith.constant 7 : i32
      %and3A_636 = arith.andi %squeeze3A_632, %and3A_635 : i32
      %mul3A_637 = arith.constant 16 : i32
      %mul3A_638 = arith.muli %scan3A_47, %mul3A_637 : i32
      %add3A_639 = arith.constant 13 : i32
      %add3A_640 = arith.addi %mul3A_638, %add3A_639 : i32
      %dma_start3A_641 = arith.constant 0 : i32
      %dma_start3A_642 = tpu.memref_slice %arg6[%add3A_640, %dma_start3A_641] : memref<256x64xf32, #tpu.memory_space<vmem>> -> memref<1x64xf32, #tpu.memory_space<vmem>>
      %dma_start3A_643 = tpu.memref_squeeze %dma_start3A_642 : memref<1x64xf32, #tpu.memory_space<vmem>> -> memref<64xf32, #tpu.memory_space<vmem>>
      %dma_start3A_644 = arith.constant 0 : i32
      %dma_start3A_645 = tpu.memref_slice %arg3[%shift_right_arithmetic3A_634, %and3A_636, %dma_start3A_644] : memref<125000x8x64xf32, #tpu.memory_space<hbm>> -> memref<1x1x64xf32, #tpu.memory_space<hbm>>
      %dma_start3A_646 = tpu.memref_squeeze %dma_start3A_645 : memref<1x1x64xf32, #tpu.memory_space<hbm>> -> memref<64xf32, #tpu.memory_space<hbm>>
      %dma_start3A_647 = arith.constant 0 : i32
      %dma_start3A_648 = tpu.memref_slice %arg6[%add3A_640, %dma_start3A_647] : memref<256x64xf32, #tpu.memory_space<vmem>> -> memref<1x64xf32, #tpu.memory_space<vmem>>
      %dma_start3A_649 = tpu.memref_squeeze %dma_start3A_648 : memref<1x64xf32, #tpu.memory_space<vmem>> -> memref<64xf32, #tpu.memory_space<vmem>>
      %dma_start3A_650 = arith.constant 0 : i32
      %dma_start3A_651 = tpu.memref_slice %arg3[%shift_right_arithmetic3A_634, %and3A_636, %dma_start3A_650] : memref<125000x8x64xf32, #tpu.memory_space<hbm>> -> memref<1x1x64xf32, #tpu.memory_space<hbm>>
      %dma_start3A_652 = tpu.memref_squeeze %dma_start3A_651 : memref<1x1x64xf32, #tpu.memory_space<hbm>> -> memref<64xf32, #tpu.memory_space<hbm>>
      tpu.enqueue_dma source(%dma_start3A_652 : memref<64xf32, #tpu.memory_space<hbm>>) target(%dma_start3A_649 : memref<64xf32, #tpu.memory_space<vmem>>) target_semaphore(%arg10 : memref<!tpu.dma_semaphore, #tpu.memory_space<semaphore_mem>>)
      %slice3A_653 = vector.extract_strided_slice %get3A_63 {offsets = [13], sizes = [1], strides = [1]} : vector<16xi32> to vector<1xi32>
      %squeeze3A_654 = vector.extract %slice3A_653[0] : i32 from vector<1xi32>
      %shift_right_arithmetic3A_655 = arith.constant 3 : i32
      %shift_right_arithmetic3A_656 = arith.shrsi %squeeze3A_654, %shift_right_arithmetic3A_655 : i32
      %and3A_657 = arith.constant 7 : i32
      %and3A_658 = arith.andi %squeeze3A_654, %and3A_657 : i32
      %mul3A_659 = arith.constant 16 : i32
      %mul3A_660 = arith.muli %scan3A_47, %mul3A_659 : i32
      %add3A_661 = arith.constant 13 : i32
      %add3A_662 = arith.addi %mul3A_660, %add3A_661 : i32
      %dma_start3A_663 = arith.constant 0 : i32
      %dma_start3A_664 = tpu.memref_slice %arg7[%add3A_662, %dma_start3A_663] : memref<256x64xf32, #tpu.memory_space<vmem>> -> memref<1x64xf32, #tpu.memory_space<vmem>>
      %dma_start3A_665 = tpu.memref_squeeze %dma_start3A_664 : memref<1x64xf32, #tpu.memory_space<vmem>> -> memref<64xf32, #tpu.memory_space<vmem>>
      %dma_start3A_666 = arith.constant 0 : i32
      %dma_start3A_667 = tpu.memref_slice %arg3[%shift_right_arithmetic3A_656, %and3A_658, %dma_start3A_666] : memref<125000x8x64xf32, #tpu.memory_space<hbm>> -> memref<1x1x64xf32, #tpu.memory_space<hbm>>
      %dma_start3A_668 = tpu.memref_squeeze %dma_start3A_667 : memref<1x1x64xf32, #tpu.memory_space<hbm>> -> memref<64xf32, #tpu.memory_space<hbm>>
      %dma_start3A_669 = arith.constant 0 : i32
      %dma_start3A_670 = tpu.memref_slice %arg7[%add3A_662, %dma_start3A_669] : memref<256x64xf32, #tpu.memory_space<vmem>> -> memref<1x64xf32, #tpu.memory_space<vmem>>
      %dma_start3A_671 = tpu.memref_squeeze %dma_start3A_670 : memref<1x64xf32, #tpu.memory_space<vmem>> -> memref<64xf32, #tpu.memory_space<vmem>>
      %dma_start3A_672 = arith.constant 0 : i32
      %dma_start3A_673 = tpu.memref_slice %arg3[%shift_right_arithmetic3A_656, %and3A_658, %dma_start3A_672] : memref<125000x8x64xf32, #tpu.memory_space<hbm>> -> memref<1x1x64xf32, #tpu.memory_space<hbm>>
      %dma_start3A_674 = tpu.memref_squeeze %dma_start3A_673 : memref<1x1x64xf32, #tpu.memory_space<hbm>> -> memref<64xf32, #tpu.memory_space<hbm>>
      tpu.enqueue_dma source(%dma_start3A_674 : memref<64xf32, #tpu.memory_space<hbm>>) target(%dma_start3A_671 : memref<64xf32, #tpu.memory_space<vmem>>) target_semaphore(%arg10 : memref<!tpu.dma_semaphore, #tpu.memory_space<semaphore_mem>>)
      %slice3A_675 = vector.extract_strided_slice %get3A_55 {offsets = [14], sizes = [1], strides = [1]} : vector<16xi32> to vector<1xi32>
      %squeeze3A_676 = vector.extract %slice3A_675[0] : i32 from vector<1xi32>
      %shift_right_arithmetic3A_677 = arith.constant 3 : i32
      %shift_right_arithmetic3A_678 = arith.shrsi %squeeze3A_676, %shift_right_arithmetic3A_677 : i32
      %and3A_679 = arith.constant 7 : i32
      %and3A_680 = arith.andi %squeeze3A_676, %and3A_679 : i32
      %mul3A_681 = arith.constant 16 : i32
      %mul3A_682 = arith.muli %scan3A_47, %mul3A_681 : i32
      %add3A_683 = arith.constant 14 : i32
      %add3A_684 = arith.addi %mul3A_682, %add3A_683 : i32
      %dma_start3A_685 = arith.constant 0 : i32
      %dma_start3A_686 = tpu.memref_slice %arg6[%add3A_684, %dma_start3A_685] : memref<256x64xf32, #tpu.memory_space<vmem>> -> memref<1x64xf32, #tpu.memory_space<vmem>>
      %dma_start3A_687 = tpu.memref_squeeze %dma_start3A_686 : memref<1x64xf32, #tpu.memory_space<vmem>> -> memref<64xf32, #tpu.memory_space<vmem>>
      %dma_start3A_688 = arith.constant 0 : i32
      %dma_start3A_689 = tpu.memref_slice %arg3[%shift_right_arithmetic3A_678, %and3A_680, %dma_start3A_688] : memref<125000x8x64xf32, #tpu.memory_space<hbm>> -> memref<1x1x64xf32, #tpu.memory_space<hbm>>
      %dma_start3A_690 = tpu.memref_squeeze %dma_start3A_689 : memref<1x1x64xf32, #tpu.memory_space<hbm>> -> memref<64xf32, #tpu.memory_space<hbm>>
      %dma_start3A_691 = arith.constant 0 : i32
      %dma_start3A_692 = tpu.memref_slice %arg6[%add3A_684, %dma_start3A_691] : memref<256x64xf32, #tpu.memory_space<vmem>> -> memref<1x64xf32, #tpu.memory_space<vmem>>
      %dma_start3A_693 = tpu.memref_squeeze %dma_start3A_692 : memref<1x64xf32, #tpu.memory_space<vmem>> -> memref<64xf32, #tpu.memory_space<vmem>>
      %dma_start3A_694 = arith.constant 0 : i32
      %dma_start3A_695 = tpu.memref_slice %arg3[%shift_right_arithmetic3A_678, %and3A_680, %dma_start3A_694] : memref<125000x8x64xf32, #tpu.memory_space<hbm>> -> memref<1x1x64xf32, #tpu.memory_space<hbm>>
      %dma_start3A_696 = tpu.memref_squeeze %dma_start3A_695 : memref<1x1x64xf32, #tpu.memory_space<hbm>> -> memref<64xf32, #tpu.memory_space<hbm>>
      tpu.enqueue_dma source(%dma_start3A_696 : memref<64xf32, #tpu.memory_space<hbm>>) target(%dma_start3A_693 : memref<64xf32, #tpu.memory_space<vmem>>) target_semaphore(%arg10 : memref<!tpu.dma_semaphore, #tpu.memory_space<semaphore_mem>>)
      %slice3A_697 = vector.extract_strided_slice %get3A_63 {offsets = [14], sizes = [1], strides = [1]} : vector<16xi32> to vector<1xi32>
      %squeeze3A_698 = vector.extract %slice3A_697[0] : i32 from vector<1xi32>
      %shift_right_arithmetic3A_699 = arith.constant 3 : i32
      %shift_right_arithmetic3A_700 = arith.shrsi %squeeze3A_698, %shift_right_arithmetic3A_699 : i32
      %and3A_701 = arith.constant 7 : i32
      %and3A_702 = arith.andi %squeeze3A_698, %and3A_701 : i32
      %mul3A_703 = arith.constant 16 : i32
      %mul3A_704 = arith.muli %scan3A_47, %mul3A_703 : i32
      %add3A_705 = arith.constant 14 : i32
      %add3A_706 = arith.addi %mul3A_704, %add3A_705 : i32
      %dma_start3A_707 = arith.constant 0 : i32
      %dma_start3A_708 = tpu.memref_slice %arg7[%add3A_706, %dma_start3A_707] : memref<256x64xf32, #tpu.memory_space<vmem>> -> memref<1x64xf32, #tpu.memory_space<vmem>>
      %dma_start3A_709 = tpu.memref_squeeze %dma_start3A_708 : memref<1x64xf32, #tpu.memory_space<vmem>> -> memref<64xf32, #tpu.memory_space<vmem>>
      %dma_start3A_710 = arith.constant 0 : i32
      %dma_start3A_711 = tpu.memref_slice %arg3[%shift_right_arithmetic3A_700, %and3A_702, %dma_start3A_710] : memref<125000x8x64xf32, #tpu.memory_space<hbm>> -> memref<1x1x64xf32, #tpu.memory_space<hbm>>
      %dma_start3A_712 = tpu.memref_squeeze %dma_start3A_711 : memref<1x1x64xf32, #tpu.memory_space<hbm>> -> memref<64xf32, #tpu.memory_space<hbm>>
      %dma_start3A_713 = arith.constant 0 : i32
      %dma_start3A_714 = tpu.memref_slice %arg7[%add3A_706, %dma_start3A_713] : memref<256x64xf32, #tpu.memory_space<vmem>> -> memref<1x64xf32, #tpu.memory_space<vmem>>
      %dma_start3A_715 = tpu.memref_squeeze %dma_start3A_714 : memref<1x64xf32, #tpu.memory_space<vmem>> -> memref<64xf32, #tpu.memory_space<vmem>>
      %dma_start3A_716 = arith.constant 0 : i32
      %dma_start3A_717 = tpu.memref_slice %arg3[%shift_right_arithmetic3A_700, %and3A_702, %dma_start3A_716] : memref<125000x8x64xf32, #tpu.memory_space<hbm>> -> memref<1x1x64xf32, #tpu.memory_space<hbm>>
      %dma_start3A_718 = tpu.memref_squeeze %dma_start3A_717 : memref<1x1x64xf32, #tpu.memory_space<hbm>> -> memref<64xf32, #tpu.memory_space<hbm>>
      tpu.enqueue_dma source(%dma_start3A_718 : memref<64xf32, #tpu.memory_space<hbm>>) target(%dma_start3A_715 : memref<64xf32, #tpu.memory_space<vmem>>) target_semaphore(%arg10 : memref<!tpu.dma_semaphore, #tpu.memory_space<semaphore_mem>>)
      %slice3A_719 = vector.extract_strided_slice %get3A_55 {offsets = [15], sizes = [1], strides = [1]} : vector<16xi32> to vector<1xi32>
      %squeeze3A_720 = vector.extract %slice3A_719[0] : i32 from vector<1xi32>
      %shift_right_arithmetic3A_721 = arith.constant 3 : i32
      %shift_right_arithmetic3A_722 = arith.shrsi %squeeze3A_720, %shift_right_arithmetic3A_721 : i32
      %and3A_723 = arith.constant 7 : i32
      %and3A_724 = arith.andi %squeeze3A_720, %and3A_723 : i32
      %mul3A_725 = arith.constant 16 : i32
      %mul3A_726 = arith.muli %scan3A_47, %mul3A_725 : i32
      %add3A_727 = arith.constant 15 : i32
      %add3A_728 = arith.addi %mul3A_726, %add3A_727 : i32
      %dma_start3A_729 = arith.constant 0 : i32
      %dma_start3A_730 = tpu.memref_slice %arg6[%add3A_728, %dma_start3A_729] : memref<256x64xf32, #tpu.memory_space<vmem>> -> memref<1x64xf32, #tpu.memory_space<vmem>>
      %dma_start3A_731 = tpu.memref_squeeze %dma_start3A_730 : memref<1x64xf32, #tpu.memory_space<vmem>> -> memref<64xf32, #tpu.memory_space<vmem>>
      %dma_start3A_732 = arith.constant 0 : i32
      %dma_start3A_733 = tpu.memref_slice %arg3[%shift_right_arithmetic3A_722, %and3A_724, %dma_start3A_732] : memref<125000x8x64xf32, #tpu.memory_space<hbm>> -> memref<1x1x64xf32, #tpu.memory_space<hbm>>
      %dma_start3A_734 = tpu.memref_squeeze %dma_start3A_733 : memref<1x1x64xf32, #tpu.memory_space<hbm>> -> memref<64xf32, #tpu.memory_space<hbm>>
      %dma_start3A_735 = arith.constant 0 : i32
      %dma_start3A_736 = tpu.memref_slice %arg6[%add3A_728, %dma_start3A_735] : memref<256x64xf32, #tpu.memory_space<vmem>> -> memref<1x64xf32, #tpu.memory_space<vmem>>
      %dma_start3A_737 = tpu.memref_squeeze %dma_start3A_736 : memref<1x64xf32, #tpu.memory_space<vmem>> -> memref<64xf32, #tpu.memory_space<vmem>>
      %dma_start3A_738 = arith.constant 0 : i32
      %dma_start3A_739 = tpu.memref_slice %arg3[%shift_right_arithmetic3A_722, %and3A_724, %dma_start3A_738] : memref<125000x8x64xf32, #tpu.memory_space<hbm>> -> memref<1x1x64xf32, #tpu.memory_space<hbm>>
      %dma_start3A_740 = tpu.memref_squeeze %dma_start3A_739 : memref<1x1x64xf32, #tpu.memory_space<hbm>> -> memref<64xf32, #tpu.memory_space<hbm>>
      tpu.enqueue_dma source(%dma_start3A_740 : memref<64xf32, #tpu.memory_space<hbm>>) target(%dma_start3A_737 : memref<64xf32, #tpu.memory_space<vmem>>) target_semaphore(%arg10 : memref<!tpu.dma_semaphore, #tpu.memory_space<semaphore_mem>>)
      %slice3A_741 = vector.extract_strided_slice %get3A_63 {offsets = [15], sizes = [1], strides = [1]} : vector<16xi32> to vector<1xi32>
      %squeeze3A_742 = vector.extract %slice3A_741[0] : i32 from vector<1xi32>
      %shift_right_arithmetic3A_743 = arith.constant 3 : i32
      %shift_right_arithmetic3A_744 = arith.shrsi %squeeze3A_742, %shift_right_arithmetic3A_743 : i32
      %and3A_745 = arith.constant 7 : i32
      %and3A_746 = arith.andi %squeeze3A_742, %and3A_745 : i32
      %mul3A_747 = arith.constant 16 : i32
      %mul3A_748 = arith.muli %scan3A_47, %mul3A_747 : i32
      %add3A_749 = arith.constant 15 : i32
      %add3A_750 = arith.addi %mul3A_748, %add3A_749 : i32
      %dma_start3A_751 = arith.constant 0 : i32
      %dma_start3A_752 = tpu.memref_slice %arg7[%add3A_750, %dma_start3A_751] : memref<256x64xf32, #tpu.memory_space<vmem>> -> memref<1x64xf32, #tpu.memory_space<vmem>>
      %dma_start3A_753 = tpu.memref_squeeze %dma_start3A_752 : memref<1x64xf32, #tpu.memory_space<vmem>> -> memref<64xf32, #tpu.memory_space<vmem>>
      %dma_start3A_754 = arith.constant 0 : i32
      %dma_start3A_755 = tpu.memref_slice %arg3[%shift_right_arithmetic3A_744, %and3A_746, %dma_start3A_754] : memref<125000x8x64xf32, #tpu.memory_space<hbm>> -> memref<1x1x64xf32, #tpu.memory_space<hbm>>
      %dma_start3A_756 = tpu.memref_squeeze %dma_start3A_755 : memref<1x1x64xf32, #tpu.memory_space<hbm>> -> memref<64xf32, #tpu.memory_space<hbm>>
      %dma_start3A_757 = arith.constant 0 : i32
      %dma_start3A_758 = tpu.memref_slice %arg7[%add3A_750, %dma_start3A_757] : memref<256x64xf32, #tpu.memory_space<vmem>> -> memref<1x64xf32, #tpu.memory_space<vmem>>
      %dma_start3A_759 = tpu.memref_squeeze %dma_start3A_758 : memref<1x64xf32, #tpu.memory_space<vmem>> -> memref<64xf32, #tpu.memory_space<vmem>>
      %dma_start3A_760 = arith.constant 0 : i32
      %dma_start3A_761 = tpu.memref_slice %arg3[%shift_right_arithmetic3A_744, %and3A_746, %dma_start3A_760] : memref<125000x8x64xf32, #tpu.memory_space<hbm>> -> memref<1x1x64xf32, #tpu.memory_space<hbm>>
      %dma_start3A_762 = tpu.memref_squeeze %dma_start3A_761 : memref<1x1x64xf32, #tpu.memory_space<hbm>> -> memref<64xf32, #tpu.memory_space<hbm>>
      tpu.enqueue_dma source(%dma_start3A_762 : memref<64xf32, #tpu.memory_space<hbm>>) target(%dma_start3A_759 : memref<64xf32, #tpu.memory_space<vmem>>) target_semaphore(%arg10 : memref<!tpu.dma_semaphore, #tpu.memory_space<semaphore_mem>>)
      %scan3A_763 = arith.constant 0 : i32
      scf.yield %scan3A_763 : i32
    }
    %scan3A_32 = arith.constant 16 : i32
    %scan3A_33 = arith.constant 0 : i32
    %scan3A_34 = arith.constant 0 : i32
    %scan3A_35 = arith.constant 256 : i32
    %scan3A_36 = arith.addi %scan3A_34, %scan3A_35 : i32
    %scan3A_37 = arith.constant 1 : i32
    %scan3A_38 = scf.for %scan3A_47 = %scan3A_34 to %scan3A_36 step %scan3A_37 iter_args(%scan3A_48 = %scan3A_33) -> (i32)  : i32 {
      %dma_wait3A = arith.constant 0 : i32
      %dma_wait3A_49 = arith.constant 0 : i32
      %dma_wait3A_50 = arith.constant 0 : i32
      %dma_wait3A_51 = arith.constant 0 : i32
      %dma_wait3A_52 = tpu.memref_slice %arg6[%dma_wait3A_50, %dma_wait3A_51] : memref<256x64xf32, #tpu.memory_space<vmem>> -> memref<1x64xf32, #tpu.memory_space<vmem>>
      %dma_wait3A_53 = tpu.memref_squeeze %dma_wait3A_52 : memref<1x64xf32, #tpu.memory_space<vmem>> -> memref<64xf32, #tpu.memory_space<vmem>>
      %dma_wait3A_54 = arith.constant 0 : i32
      %dma_wait3A_55 = tpu.memref_slice %arg3[%dma_wait3A, %dma_wait3A_49, %dma_wait3A_54] : memref<125000x8x64xf32, #tpu.memory_space<hbm>> -> memref<1x1x64xf32, #tpu.memory_space<hbm>>
      %dma_wait3A_56 = tpu.memref_squeeze %dma_wait3A_55 : memref<1x1x64xf32, #tpu.memory_space<hbm>> -> memref<64xf32, #tpu.memory_space<hbm>>
      %dma_wait3A_57 = arith.constant 0 : i32
      %dma_wait3A_58 = tpu.memref_slice %arg6[%dma_wait3A_50, %dma_wait3A_57] : memref<256x64xf32, #tpu.memory_space<vmem>> -> memref<1x64xf32, #tpu.memory_space<vmem>>
      %dma_wait3A_59 = tpu.memref_squeeze %dma_wait3A_58 : memref<1x64xf32, #tpu.memory_space<vmem>> -> memref<64xf32, #tpu.memory_space<vmem>>
      %dma_wait3A_60 = arith.constant 0 : i32
      %dma_wait3A_61 = tpu.memref_slice %arg3[%dma_wait3A, %dma_wait3A_49, %dma_wait3A_60] : memref<125000x8x64xf32, #tpu.memory_space<hbm>> -> memref<1x1x64xf32, #tpu.memory_space<hbm>>
      %dma_wait3A_62 = tpu.memref_squeeze %dma_wait3A_61 : memref<1x1x64xf32, #tpu.memory_space<hbm>> -> memref<64xf32, #tpu.memory_space<hbm>>
      tpu.wait_dma2 semaphore(%arg10 : memref<!tpu.dma_semaphore, #tpu.memory_space<semaphore_mem>>) src(%dma_wait3A_62 : memref<64xf32, #tpu.memory_space<hbm>>) dst(%dma_wait3A_59 : memref<64xf32, #tpu.memory_space<vmem>>)
      %dma_wait3A_63 = arith.constant 0 : i32
      %dma_wait3A_64 = arith.constant 0 : i32
      %dma_wait3A_65 = arith.constant 0 : i32
      %dma_wait3A_66 = arith.constant 0 : i32
      %dma_wait3A_67 = tpu.memref_slice %arg7[%dma_wait3A_65, %dma_wait3A_66] : memref<256x64xf32, #tpu.memory_space<vmem>> -> memref<1x64xf32, #tpu.memory_space<vmem>>
      %dma_wait3A_68 = tpu.memref_squeeze %dma_wait3A_67 : memref<1x64xf32, #tpu.memory_space<vmem>> -> memref<64xf32, #tpu.memory_space<vmem>>
      %dma_wait3A_69 = arith.constant 0 : i32
      %dma_wait3A_70 = tpu.memref_slice %arg3[%dma_wait3A_63, %dma_wait3A_64, %dma_wait3A_69] : memref<125000x8x64xf32, #tpu.memory_space<hbm>> -> memref<1x1x64xf32, #tpu.memory_space<hbm>>
      %dma_wait3A_71 = tpu.memref_squeeze %dma_wait3A_70 : memref<1x1x64xf32, #tpu.memory_space<hbm>> -> memref<64xf32, #tpu.memory_space<hbm>>
      %dma_wait3A_72 = arith.constant 0 : i32
      %dma_wait3A_73 = tpu.memref_slice %arg7[%dma_wait3A_65, %dma_wait3A_72] : memref<256x64xf32, #tpu.memory_space<vmem>> -> memref<1x64xf32, #tpu.memory_space<vmem>>
      %dma_wait3A_74 = tpu.memref_squeeze %dma_wait3A_73 : memref<1x64xf32, #tpu.memory_space<vmem>> -> memref<64xf32, #tpu.memory_space<vmem>>
      %dma_wait3A_75 = arith.constant 0 : i32
      %dma_wait3A_76 = tpu.memref_slice %arg3[%dma_wait3A_63, %dma_wait3A_64, %dma_wait3A_75] : memref<125000x8x64xf32, #tpu.memory_space<hbm>> -> memref<1x1x64xf32, #tpu.memory_space<hbm>>
      %dma_wait3A_77 = tpu.memref_squeeze %dma_wait3A_76 : memref<1x1x64xf32, #tpu.memory_space<hbm>> -> memref<64xf32, #tpu.memory_space<hbm>>
      tpu.wait_dma2 semaphore(%arg10 : memref<!tpu.dma_semaphore, #tpu.memory_space<semaphore_mem>>) src(%dma_wait3A_77 : memref<64xf32, #tpu.memory_space<hbm>>) dst(%dma_wait3A_74 : memref<64xf32, #tpu.memory_space<vmem>>)
      %scan3A_78 = arith.constant 0 : i32
      scf.yield %scan3A_78 : i32
    }
    %scan3A_39 = arith.constant 256 : i32
    %scan3A_40 = arith.constant 0 : i32
    %scan3A_41 = arith.constant 0 : i32
    %scan3A_42 = arith.constant 16 : i32
    %scan3A_43 = arith.addi %scan3A_41, %scan3A_42 : i32
    %scan3A_44 = arith.constant 1 : i32
    %scan3A_45 = scf.for %scan3A_47 = %scan3A_41 to %scan3A_43 step %scan3A_44 iter_args(%scan3A_48 = %scan3A_40) -> (i32)  : i32 {
      %mul3A_49 = arith.constant 16 : i32
      %mul3A_50 = arith.muli %scan3A_47, %mul3A_49 : i32
      %add3A_51 = arith.constant 0 : i32
      %add3A_52 = arith.addi %mul3A_50, %add3A_51 : i32
      %broadcast_in_dim3A = arith.constant 0.000000e+00 : f32
      %broadcast_in_dim3A_53 = vector.broadcast %broadcast_in_dim3A : f32 to vector<16xf32>
      %get3A = arith.index_cast %add3A_52 : i32 to index
      %get3A_54 = arith.constant 0 : index
      %get3A_55 = tpu.vector_load %arg6[%get3A, %get3A_54] {strides = array<i32>} : memref<256x64xf32, #tpu.memory_space<vmem>>, vector<16xf32>,
      %get3A_56 = arith.index_cast %add3A_52 : i32 to index
      %get3A_57 = arith.constant 0 : index
      %get3A_58 = tpu.vector_load %arg7[%get3A_56, %get3A_57] {strides = array<i32>} : memref<256x64xf32, #tpu.memory_space<vmem>>, vector<16xf32>,
      %sub3A = arith.subf %get3A_55, %get3A_58 : vector<16xf32>
      %mul3A_59 = arith.mulf %sub3A, %sub3A : vector<16xf32>
      %add3A_60 = arith.addf %broadcast_in_dim3A_53, %mul3A_59 : vector<16xf32>
      %get3A_61 = arith.index_cast %add3A_52 : i32 to index
      %get3A_62 = arith.constant 16 : index
      %get3A_63 = tpu.vector_load %arg6[%get3A_61, %get3A_62] {strides = array<i32>} : memref<256x64xf32, #tpu.memory_space<vmem>>, vector<16xf32>,
      %get3A_64 = arith.index_cast %add3A_52 : i32 to index
      %get3A_65 = arith.constant 16 : index
      %get3A_66 = tpu.vector_load %arg7[%get3A_64, %get3A_65] {strides = array<i32>} : memref<256x64xf32, #tpu.memory_space<vmem>>, vector<16xf32>,
      %sub3A_67 = arith.subf %get3A_63, %get3A_66 : vector<16xf32>
      %mul3A_68 = arith.mulf %sub3A_67, %sub3A_67 : vector<16xf32>
      %add3A_69 = arith.addf %add3A_60, %mul3A_68 : vector<16xf32>
      %get3A_70 = arith.index_cast %add3A_52 : i32 to index
      %get3A_71 = arith.constant 32 : index
      %get3A_72 = tpu.vector_load %arg6[%get3A_70, %get3A_71] {strides = array<i32>} : memref<256x64xf32, #tpu.memory_space<vmem>>, vector<16xf32>,
      %get3A_73 = arith.index_cast %add3A_52 : i32 to index
      %get3A_74 = arith.constant 32 : index
      %get3A_75 = tpu.vector_load %arg7[%get3A_73, %get3A_74] {strides = array<i32>} : memref<256x64xf32, #tpu.memory_space<vmem>>, vector<16xf32>,
      %sub3A_76 = arith.subf %get3A_72, %get3A_75 : vector<16xf32>
      %mul3A_77 = arith.mulf %sub3A_76, %sub3A_76 : vector<16xf32>
      %add3A_78 = arith.addf %add3A_69, %mul3A_77 : vector<16xf32>
      %get3A_79 = arith.index_cast %add3A_52 : i32 to index
      %get3A_80 = arith.constant 48 : index
      %get3A_81 = tpu.vector_load %arg6[%get3A_79, %get3A_80] {strides = array<i32>} : memref<256x64xf32, #tpu.memory_space<vmem>>, vector<16xf32>,
      %get3A_82 = arith.index_cast %add3A_52 : i32 to index
      %get3A_83 = arith.constant 48 : index
      %get3A_84 = tpu.vector_load %arg7[%get3A_82, %get3A_83] {strides = array<i32>} : memref<256x64xf32, #tpu.memory_space<vmem>>, vector<16xf32>,
      %sub3A_85 = arith.subf %get3A_81, %get3A_84 : vector<16xf32>
      %mul3A_86 = arith.mulf %sub3A_85, %sub3A_85 : vector<16xf32>
      %add3A_87 = arith.addf %add3A_78, %mul3A_86 : vector<16xf32>
      %swap3A = arith.constant 0 : index
      %swap3A_88 = tpu.vector_load %arg8[%swap3A] {strides = array<i32>} : memref<256xf32, #tpu.memory_space<vmem>>, vector<16xf32>,
      tpu.vector_store %arg8[%swap3A], %add3A_87 {strides = array<i32>} : memref<256xf32, #tpu.memory_space<vmem>>, vector<16xf32>,
      %mul3A_89 = arith.constant 16 : i32
      %mul3A_90 = arith.muli %scan3A_47, %mul3A_89 : i32
      %add3A_91 = arith.constant 1 : i32
      %add3A_92 = arith.addi %mul3A_90, %add3A_91 : i32
      %broadcast_in_dim3A_93 = arith.constant 0.000000e+00 : f32
      %broadcast_in_dim3A_94 = vector.broadcast %broadcast_in_dim3A_93 : f32 to vector<16xf32>
      %get3A_95 = arith.index_cast %add3A_92 : i32 to index
      %get3A_96 = arith.constant 0 : index
      %get3A_97 = tpu.vector_load %arg6[%get3A_95, %get3A_96] {strides = array<i32>} : memref<256x64xf32, #tpu.memory_space<vmem>>, vector<16xf32>,
      %get3A_98 = arith.index_cast %add3A_92 : i32 to index
      %get3A_99 = arith.constant 0 : index
      %get3A_100 = tpu.vector_load %arg7[%get3A_98, %get3A_99] {strides = array<i32>} : memref<256x64xf32, #tpu.memory_space<vmem>>, vector<16xf32>,
      %sub3A_101 = arith.subf %get3A_97, %get3A_100 : vector<16xf32>
      %mul3A_102 = arith.mulf %sub3A_101, %sub3A_101 : vector<16xf32>
      %add3A_103 = arith.addf %broadcast_in_dim3A_94, %mul3A_102 : vector<16xf32>
      %get3A_104 = arith.index_cast %add3A_92 : i32 to index
      %get3A_105 = arith.constant 16 : index
      %get3A_106 = tpu.vector_load %arg6[%get3A_104, %get3A_105] {strides = array<i32>} : memref<256x64xf32, #tpu.memory_space<vmem>>, vector<16xf32>,
      %get3A_107 = arith.index_cast %add3A_92 : i32 to index
      %get3A_108 = arith.constant 16 : index
      %get3A_109 = tpu.vector_load %arg7[%get3A_107, %get3A_108] {strides = array<i32>} : memref<256x64xf32, #tpu.memory_space<vmem>>, vector<16xf32>,
      %sub3A_110 = arith.subf %get3A_106, %get3A_109 : vector<16xf32>
      %mul3A_111 = arith.mulf %sub3A_110, %sub3A_110 : vector<16xf32>
      %add3A_112 = arith.addf %add3A_103, %mul3A_111 : vector<16xf32>
      %get3A_113 = arith.index_cast %add3A_92 : i32 to index
      %get3A_114 = arith.constant 32 : index
      %get3A_115 = tpu.vector_load %arg6[%get3A_113, %get3A_114] {strides = array<i32>} : memref<256x64xf32, #tpu.memory_space<vmem>>, vector<16xf32>,
      %get3A_116 = arith.index_cast %add3A_92 : i32 to index
      %get3A_117 = arith.constant 32 : index
      %get3A_118 = tpu.vector_load %arg7[%get3A_116, %get3A_117] {strides = array<i32>} : memref<256x64xf32, #tpu.memory_space<vmem>>, vector<16xf32>,
      %sub3A_119 = arith.subf %get3A_115, %get3A_118 : vector<16xf32>
      %mul3A_120 = arith.mulf %sub3A_119, %sub3A_119 : vector<16xf32>
      %add3A_121 = arith.addf %add3A_112, %mul3A_120 : vector<16xf32>
      %get3A_122 = arith.index_cast %add3A_92 : i32 to index
      %get3A_123 = arith.constant 48 : index
      %get3A_124 = tpu.vector_load %arg6[%get3A_122, %get3A_123] {strides = array<i32>} : memref<256x64xf32, #tpu.memory_space<vmem>>, vector<16xf32>,
      %get3A_125 = arith.index_cast %add3A_92 : i32 to index
      %get3A_126 = arith.constant 48 : index
      %get3A_127 = tpu.vector_load %arg7[%get3A_125, %get3A_126] {strides = array<i32>} : memref<256x64xf32, #tpu.memory_space<vmem>>, vector<16xf32>,
      %sub3A_128 = arith.subf %get3A_124, %get3A_127 : vector<16xf32>
      %mul3A_129 = arith.mulf %sub3A_128, %sub3A_128 : vector<16xf32>
      %add3A_130 = arith.addf %add3A_121, %mul3A_129 : vector<16xf32>
      %swap3A_131 = arith.constant 16 : index
      %swap3A_132 = tpu.vector_load %arg8[%swap3A_131] {strides = array<i32>} : memref<256xf32, #tpu.memory_space<vmem>>, vector<16xf32>,
      tpu.vector_store %arg8[%swap3A_131], %add3A_130 {strides = array<i32>} : memref<256xf32, #tpu.memory_space<vmem>>, vector<16xf32>,
      %mul3A_133 = arith.constant 16 : i32
      %mul3A_134 = arith.muli %scan3A_47, %mul3A_133 : i32
      %add3A_135 = arith.constant 2 : i32
      %add3A_136 = arith.addi %mul3A_134, %add3A_135 : i32
      %broadcast_in_dim3A_137 = arith.constant 0.000000e+00 : f32
      %broadcast_in_dim3A_138 = vector.broadcast %broadcast_in_dim3A_137 : f32 to vector<16xf32>
      %get3A_139 = arith.index_cast %add3A_136 : i32 to index
      %get3A_140 = arith.constant 0 : index
      %get3A_141 = tpu.vector_load %arg6[%get3A_139, %get3A_140] {strides = array<i32>} : memref<256x64xf32, #tpu.memory_space<vmem>>, vector<16xf32>,
      %get3A_142 = arith.index_cast %add3A_136 : i32 to index
      %get3A_143 = arith.constant 0 : index
      %get3A_144 = tpu.vector_load %arg7[%get3A_142, %get3A_143] {strides = array<i32>} : memref<256x64xf32, #tpu.memory_space<vmem>>, vector<16xf32>,
      %sub3A_145 = arith.subf %get3A_141, %get3A_144 : vector<16xf32>
      %mul3A_146 = arith.mulf %sub3A_145, %sub3A_145 : vector<16xf32>
      %add3A_147 = arith.addf %broadcast_in_dim3A_138, %mul3A_146 : vector<16xf32>
      %get3A_148 = arith.index_cast %add3A_136 : i32 to index
      %get3A_149 = arith.constant 16 : index
      %get3A_150 = tpu.vector_load %arg6[%get3A_148, %get3A_149] {strides = array<i32>} : memref<256x64xf32, #tpu.memory_space<vmem>>, vector<16xf32>,
      %get3A_151 = arith.index_cast %add3A_136 : i32 to index
      %get3A_152 = arith.constant 16 : index
      %get3A_153 = tpu.vector_load %arg7[%get3A_151, %get3A_152] {strides = array<i32>} : memref<256x64xf32, #tpu.memory_space<vmem>>, vector<16xf32>,
      %sub3A_154 = arith.subf %get3A_150, %get3A_153 : vector<16xf32>
      %mul3A_155 = arith.mulf %sub3A_154, %sub3A_154 : vector<16xf32>
      %add3A_156 = arith.addf %add3A_147, %mul3A_155 : vector<16xf32>
      %get3A_157 = arith.index_cast %add3A_136 : i32 to index
      %get3A_158 = arith.constant 32 : index
      %get3A_159 = tpu.vector_load %arg6[%get3A_157, %get3A_158] {strides = array<i32>} : memref<256x64xf32, #tpu.memory_space<vmem>>, vector<16xf32>,
      %get3A_160 = arith.index_cast %add3A_136 : i32 to index
      %get3A_161 = arith.constant 32 : index
      %get3A_162 = tpu.vector_load %arg7[%get3A_160, %get3A_161] {strides = array<i32>} : memref<256x64xf32, #tpu.memory_space<vmem>>, vector<16xf32>,
      %sub3A_163 = arith.subf %get3A_159, %get3A_162 : vector<16xf32>
      %mul3A_164 = arith.mulf %sub3A_163, %sub3A_163 : vector<16xf32>
      %add3A_165 = arith.addf %add3A_156, %mul3A_164 : vector<16xf32>
      %get3A_166 = arith.index_cast %add3A_136 : i32 to index
      %get3A_167 = arith.constant 48 : index
      %get3A_168 = tpu.vector_load %arg6[%get3A_166, %get3A_167] {strides = array<i32>} : memref<256x64xf32, #tpu.memory_space<vmem>>, vector<16xf32>,
      %get3A_169 = arith.index_cast %add3A_136 : i32 to index
      %get3A_170 = arith.constant 48 : index
      %get3A_171 = tpu.vector_load %arg7[%get3A_169, %get3A_170] {strides = array<i32>} : memref<256x64xf32, #tpu.memory_space<vmem>>, vector<16xf32>,
      %sub3A_172 = arith.subf %get3A_168, %get3A_171 : vector<16xf32>
      %mul3A_173 = arith.mulf %sub3A_172, %sub3A_172 : vector<16xf32>
      %add3A_174 = arith.addf %add3A_165, %mul3A_173 : vector<16xf32>
      %swap3A_175 = arith.constant 32 : index
      %swap3A_176 = tpu.vector_load %arg8[%swap3A_175] {strides = array<i32>} : memref<256xf32, #tpu.memory_space<vmem>>, vector<16xf32>,
      tpu.vector_store %arg8[%swap3A_175], %add3A_174 {strides = array<i32>} : memref<256xf32, #tpu.memory_space<vmem>>, vector<16xf32>,
      %mul3A_177 = arith.constant 16 : i32
      %mul3A_178 = arith.muli %scan3A_47, %mul3A_177 : i32
      %add3A_179 = arith.constant 3 : i32
      %add3A_180 = arith.addi %mul3A_178, %add3A_179 : i32
      %broadcast_in_dim3A_181 = arith.constant 0.000000e+00 : f32
      %broadcast_in_dim3A_182 = vector.broadcast %broadcast_in_dim3A_181 : f32 to vector<16xf32>
      %get3A_183 = arith.index_cast %add3A_180 : i32 to index
      %get3A_184 = arith.constant 0 : index
      %get3A_185 = tpu.vector_load %arg6[%get3A_183, %get3A_184] {strides = array<i32>} : memref<256x64xf32, #tpu.memory_space<vmem>>, vector<16xf32>,
      %get3A_186 = arith.index_cast %add3A_180 : i32 to index
      %get3A_187 = arith.constant 0 : index
      %get3A_188 = tpu.vector_load %arg7[%get3A_186, %get3A_187] {strides = array<i32>} : memref<256x64xf32, #tpu.memory_space<vmem>>, vector<16xf32>,
      %sub3A_189 = arith.subf %get3A_185, %get3A_188 : vector<16xf32>
      %mul3A_190 = arith.mulf %sub3A_189, %sub3A_189 : vector<16xf32>
      %add3A_191 = arith.addf %broadcast_in_dim3A_182, %mul3A_190 : vector<16xf32>
      %get3A_192 = arith.index_cast %add3A_180 : i32 to index
      %get3A_193 = arith.constant 16 : index
      %get3A_194 = tpu.vector_load %arg6[%get3A_192, %get3A_193] {strides = array<i32>} : memref<256x64xf32, #tpu.memory_space<vmem>>, vector<16xf32>,
      %get3A_195 = arith.index_cast %add3A_180 : i32 to index
      %get3A_196 = arith.constant 16 : index
      %get3A_197 = tpu.vector_load %arg7[%get3A_195, %get3A_196] {strides = array<i32>} : memref<256x64xf32, #tpu.memory_space<vmem>>, vector<16xf32>,
      %sub3A_198 = arith.subf %get3A_194, %get3A_197 : vector<16xf32>
      %mul3A_199 = arith.mulf %sub3A_198, %sub3A_198 : vector<16xf32>
      %add3A_200 = arith.addf %add3A_191, %mul3A_199 : vector<16xf32>
      %get3A_201 = arith.index_cast %add3A_180 : i32 to index
      %get3A_202 = arith.constant 32 : index
      %get3A_203 = tpu.vector_load %arg6[%get3A_201, %get3A_202] {strides = array<i32>} : memref<256x64xf32, #tpu.memory_space<vmem>>, vector<16xf32>,
      %get3A_204 = arith.index_cast %add3A_180 : i32 to index
      %get3A_205 = arith.constant 32 : index
      %get3A_206 = tpu.vector_load %arg7[%get3A_204, %get3A_205] {strides = array<i32>} : memref<256x64xf32, #tpu.memory_space<vmem>>, vector<16xf32>,
      %sub3A_207 = arith.subf %get3A_203, %get3A_206 : vector<16xf32>
      %mul3A_208 = arith.mulf %sub3A_207, %sub3A_207 : vector<16xf32>
      %add3A_209 = arith.addf %add3A_200, %mul3A_208 : vector<16xf32>
      %get3A_210 = arith.index_cast %add3A_180 : i32 to index
      %get3A_211 = arith.constant 48 : index
      %get3A_212 = tpu.vector_load %arg6[%get3A_210, %get3A_211] {strides = array<i32>} : memref<256x64xf32, #tpu.memory_space<vmem>>, vector<16xf32>,
      %get3A_213 = arith.index_cast %add3A_180 : i32 to index
      %get3A_214 = arith.constant 48 : index
      %get3A_215 = tpu.vector_load %arg7[%get3A_213, %get3A_214] {strides = array<i32>} : memref<256x64xf32, #tpu.memory_space<vmem>>, vector<16xf32>,
      %sub3A_216 = arith.subf %get3A_212, %get3A_215 : vector<16xf32>
      %mul3A_217 = arith.mulf %sub3A_216, %sub3A_216 : vector<16xf32>
      %add3A_218 = arith.addf %add3A_209, %mul3A_217 : vector<16xf32>
      %swap3A_219 = arith.constant 48 : index
      %swap3A_220 = tpu.vector_load %arg8[%swap3A_219] {strides = array<i32>} : memref<256xf32, #tpu.memory_space<vmem>>, vector<16xf32>,
      tpu.vector_store %arg8[%swap3A_219], %add3A_218 {strides = array<i32>} : memref<256xf32, #tpu.memory_space<vmem>>, vector<16xf32>,
      %mul3A_221 = arith.constant 16 : i32
      %mul3A_222 = arith.muli %scan3A_47, %mul3A_221 : i32
      %add3A_223 = arith.constant 4 : i32
      %add3A_224 = arith.addi %mul3A_222, %add3A_223 : i32
      %broadcast_in_dim3A_225 = arith.constant 0.000000e+00 : f32
      %broadcast_in_dim3A_226 = vector.broadcast %broadcast_in_dim3A_225 : f32 to vector<16xf32>
      %get3A_227 = arith.index_cast %add3A_224 : i32 to index
      %get3A_228 = arith.constant 0 : index
      %get3A_229 = tpu.vector_load %arg6[%get3A_227, %get3A_228] {strides = array<i32>} : memref<256x64xf32, #tpu.memory_space<vmem>>, vector<16xf32>,
      %get3A_230 = arith.index_cast %add3A_224 : i32 to index
      %get3A_231 = arith.constant 0 : index
      %get3A_232 = tpu.vector_load %arg7[%get3A_230, %get3A_231] {strides = array<i32>} : memref<256x64xf32, #tpu.memory_space<vmem>>, vector<16xf32>,
      %sub3A_233 = arith.subf %get3A_229, %get3A_232 : vector<16xf32>
      %mul3A_234 = arith.mulf %sub3A_233, %sub3A_233 : vector<16xf32>
      %add3A_235 = arith.addf %broadcast_in_dim3A_226, %mul3A_234 : vector<16xf32>
      %get3A_236 = arith.index_cast %add3A_224 : i32 to index
      %get3A_237 = arith.constant 16 : index
      %get3A_238 = tpu.vector_load %arg6[%get3A_236, %get3A_237] {strides = array<i32>} : memref<256x64xf32, #tpu.memory_space<vmem>>, vector<16xf32>,
      %get3A_239 = arith.index_cast %add3A_224 : i32 to index
      %get3A_240 = arith.constant 16 : index
      %get3A_241 = tpu.vector_load %arg7[%get3A_239, %get3A_240] {strides = array<i32>} : memref<256x64xf32, #tpu.memory_space<vmem>>, vector<16xf32>,
      %sub3A_242 = arith.subf %get3A_238, %get3A_241 : vector<16xf32>
      %mul3A_243 = arith.mulf %sub3A_242, %sub3A_242 : vector<16xf32>
      %add3A_244 = arith.addf %add3A_235, %mul3A_243 : vector<16xf32>
      %get3A_245 = arith.index_cast %add3A_224 : i32 to index
      %get3A_246 = arith.constant 32 : index
      %get3A_247 = tpu.vector_load %arg6[%get3A_245, %get3A_246] {strides = array<i32>} : memref<256x64xf32, #tpu.memory_space<vmem>>, vector<16xf32>,
      %get3A_248 = arith.index_cast %add3A_224 : i32 to index
      %get3A_249 = arith.constant 32 : index
      %get3A_250 = tpu.vector_load %arg7[%get3A_248, %get3A_249] {strides = array<i32>} : memref<256x64xf32, #tpu.memory_space<vmem>>, vector<16xf32>,
      %sub3A_251 = arith.subf %get3A_247, %get3A_250 : vector<16xf32>
      %mul3A_252 = arith.mulf %sub3A_251, %sub3A_251 : vector<16xf32>
      %add3A_253 = arith.addf %add3A_244, %mul3A_252 : vector<16xf32>
      %get3A_254 = arith.index_cast %add3A_224 : i32 to index
      %get3A_255 = arith.constant 48 : index
      %get3A_256 = tpu.vector_load %arg6[%get3A_254, %get3A_255] {strides = array<i32>} : memref<256x64xf32, #tpu.memory_space<vmem>>, vector<16xf32>,
      %get3A_257 = arith.index_cast %add3A_224 : i32 to index
      %get3A_258 = arith.constant 48 : index
      %get3A_259 = tpu.vector_load %arg7[%get3A_257, %get3A_258] {strides = array<i32>} : memref<256x64xf32, #tpu.memory_space<vmem>>, vector<16xf32>,
      %sub3A_260 = arith.subf %get3A_256, %get3A_259 : vector<16xf32>
      %mul3A_261 = arith.mulf %sub3A_260, %sub3A_260 : vector<16xf32>
      %add3A_262 = arith.addf %add3A_253, %mul3A_261 : vector<16xf32>
      %swap3A_263 = arith.constant 64 : index
      %swap3A_264 = tpu.vector_load %arg8[%swap3A_263] {strides = array<i32>} : memref<256xf32, #tpu.memory_space<vmem>>, vector<16xf32>,
      tpu.vector_store %arg8[%swap3A_263], %add3A_262 {strides = array<i32>} : memref<256xf32, #tpu.memory_space<vmem>>, vector<16xf32>,
      %mul3A_265 = arith.constant 16 : i32
      %mul3A_266 = arith.muli %scan3A_47, %mul3A_265 : i32
      %add3A_267 = arith.constant 5 : i32
      %add3A_268 = arith.addi %mul3A_266, %add3A_267 : i32
      %broadcast_in_dim3A_269 = arith.constant 0.000000e+00 : f32
      %broadcast_in_dim3A_270 = vector.broadcast %broadcast_in_dim3A_269 : f32 to vector<16xf32>
      %get3A_271 = arith.index_cast %add3A_268 : i32 to index
      %get3A_272 = arith.constant 0 : index
      %get3A_273 = tpu.vector_load %arg6[%get3A_271, %get3A_272] {strides = array<i32>} : memref<256x64xf32, #tpu.memory_space<vmem>>, vector<16xf32>,
      %get3A_274 = arith.index_cast %add3A_268 : i32 to index
      %get3A_275 = arith.constant 0 : index
      %get3A_276 = tpu.vector_load %arg7[%get3A_274, %get3A_275] {strides = array<i32>} : memref<256x64xf32, #tpu.memory_space<vmem>>, vector<16xf32>,
      %sub3A_277 = arith.subf %get3A_273, %get3A_276 : vector<16xf32>
      %mul3A_278 = arith.mulf %sub3A_277, %sub3A_277 : vector<16xf32>
      %add3A_279 = arith.addf %broadcast_in_dim3A_270, %mul3A_278 : vector<16xf32>
      %get3A_280 = arith.index_cast %add3A_268 : i32 to index
      %get3A_281 = arith.constant 16 : index
      %get3A_282 = tpu.vector_load %arg6[%get3A_280, %get3A_281] {strides = array<i32>} : memref<256x64xf32, #tpu.memory_space<vmem>>, vector<16xf32>,
      %get3A_283 = arith.index_cast %add3A_268 : i32 to index
      %get3A_284 = arith.constant 16 : index
      %get3A_285 = tpu.vector_load %arg7[%get3A_283, %get3A_284] {strides = array<i32>} : memref<256x64xf32, #tpu.memory_space<vmem>>, vector<16xf32>,
      %sub3A_286 = arith.subf %get3A_282, %get3A_285 : vector<16xf32>
      %mul3A_287 = arith.mulf %sub3A_286, %sub3A_286 : vector<16xf32>
      %add3A_288 = arith.addf %add3A_279, %mul3A_287 : vector<16xf32>
      %get3A_289 = arith.index_cast %add3A_268 : i32 to index
      %get3A_290 = arith.constant 32 : index
      %get3A_291 = tpu.vector_load %arg6[%get3A_289, %get3A_290] {strides = array<i32>} : memref<256x64xf32, #tpu.memory_space<vmem>>, vector<16xf32>,
      %get3A_292 = arith.index_cast %add3A_268 : i32 to index
      %get3A_293 = arith.constant 32 : index
      %get3A_294 = tpu.vector_load %arg7[%get3A_292, %get3A_293] {strides = array<i32>} : memref<256x64xf32, #tpu.memory_space<vmem>>, vector<16xf32>,
      %sub3A_295 = arith.subf %get3A_291, %get3A_294 : vector<16xf32>
      %mul3A_296 = arith.mulf %sub3A_295, %sub3A_295 : vector<16xf32>
      %add3A_297 = arith.addf %add3A_288, %mul3A_296 : vector<16xf32>
      %get3A_298 = arith.index_cast %add3A_268 : i32 to index
      %get3A_299 = arith.constant 48 : index
      %get3A_300 = tpu.vector_load %arg6[%get3A_298, %get3A_299] {strides = array<i32>} : memref<256x64xf32, #tpu.memory_space<vmem>>, vector<16xf32>,
      %get3A_301 = arith.index_cast %add3A_268 : i32 to index
      %get3A_302 = arith.constant 48 : index
      %get3A_303 = tpu.vector_load %arg7[%get3A_301, %get3A_302] {strides = array<i32>} : memref<256x64xf32, #tpu.memory_space<vmem>>, vector<16xf32>,
      %sub3A_304 = arith.subf %get3A_300, %get3A_303 : vector<16xf32>
      %mul3A_305 = arith.mulf %sub3A_304, %sub3A_304 : vector<16xf32>
      %add3A_306 = arith.addf %add3A_297, %mul3A_305 : vector<16xf32>
      %swap3A_307 = arith.constant 80 : index
      %swap3A_308 = tpu.vector_load %arg8[%swap3A_307] {strides = array<i32>} : memref<256xf32, #tpu.memory_space<vmem>>, vector<16xf32>,
      tpu.vector_store %arg8[%swap3A_307], %add3A_306 {strides = array<i32>} : memref<256xf32, #tpu.memory_space<vmem>>, vector<16xf32>,
      %mul3A_309 = arith.constant 16 : i32
      %mul3A_310 = arith.muli %scan3A_47, %mul3A_309 : i32
      %add3A_311 = arith.constant 6 : i32
      %add3A_312 = arith.addi %mul3A_310, %add3A_311 : i32
      %broadcast_in_dim3A_313 = arith.constant 0.000000e+00 : f32
      %broadcast_in_dim3A_314 = vector.broadcast %broadcast_in_dim3A_313 : f32 to vector<16xf32>
      %get3A_315 = arith.index_cast %add3A_312 : i32 to index
      %get3A_316 = arith.constant 0 : index
      %get3A_317 = tpu.vector_load %arg6[%get3A_315, %get3A_316] {strides = array<i32>} : memref<256x64xf32, #tpu.memory_space<vmem>>, vector<16xf32>,
      %get3A_318 = arith.index_cast %add3A_312 : i32 to index
      %get3A_319 = arith.constant 0 : index
      %get3A_320 = tpu.vector_load %arg7[%get3A_318, %get3A_319] {strides = array<i32>} : memref<256x64xf32, #tpu.memory_space<vmem>>, vector<16xf32>,
      %sub3A_321 = arith.subf %get3A_317, %get3A_320 : vector<16xf32>
      %mul3A_322 = arith.mulf %sub3A_321, %sub3A_321 : vector<16xf32>
      %add3A_323 = arith.addf %broadcast_in_dim3A_314, %mul3A_322 : vector<16xf32>
      %get3A_324 = arith.index_cast %add3A_312 : i32 to index
      %get3A_325 = arith.constant 16 : index
      %get3A_326 = tpu.vector_load %arg6[%get3A_324, %get3A_325] {strides = array<i32>} : memref<256x64xf32, #tpu.memory_space<vmem>>, vector<16xf32>,
      %get3A_327 = arith.index_cast %add3A_312 : i32 to index
      %get3A_328 = arith.constant 16 : index
      %get3A_329 = tpu.vector_load %arg7[%get3A_327, %get3A_328] {strides = array<i32>} : memref<256x64xf32, #tpu.memory_space<vmem>>, vector<16xf32>,
      %sub3A_330 = arith.subf %get3A_326, %get3A_329 : vector<16xf32>
      %mul3A_331 = arith.mulf %sub3A_330, %sub3A_330 : vector<16xf32>
      %add3A_332 = arith.addf %add3A_323, %mul3A_331 : vector<16xf32>
      %get3A_333 = arith.index_cast %add3A_312 : i32 to index
      %get3A_334 = arith.constant 32 : index
      %get3A_335 = tpu.vector_load %arg6[%get3A_333, %get3A_334] {strides = array<i32>} : memref<256x64xf32, #tpu.memory_space<vmem>>, vector<16xf32>,
      %get3A_336 = arith.index_cast %add3A_312 : i32 to index
      %get3A_337 = arith.constant 32 : index
      %get3A_338 = tpu.vector_load %arg7[%get3A_336, %get3A_337] {strides = array<i32>} : memref<256x64xf32, #tpu.memory_space<vmem>>, vector<16xf32>,
      %sub3A_339 = arith.subf %get3A_335, %get3A_338 : vector<16xf32>
      %mul3A_340 = arith.mulf %sub3A_339, %sub3A_339 : vector<16xf32>
      %add3A_341 = arith.addf %add3A_332, %mul3A_340 : vector<16xf32>
      %get3A_342 = arith.index_cast %add3A_312 : i32 to index
      %get3A_343 = arith.constant 48 : index
      %get3A_344 = tpu.vector_load %arg6[%get3A_342, %get3A_343] {strides = array<i32>} : memref<256x64xf32, #tpu.memory_space<vmem>>, vector<16xf32>,
      %get3A_345 = arith.index_cast %add3A_312 : i32 to index
      %get3A_346 = arith.constant 48 : index
      %get3A_347 = tpu.vector_load %arg7[%get3A_345, %get3A_346] {strides = array<i32>} : memref<256x64xf32, #tpu.memory_space<vmem>>, vector<16xf32>,
      %sub3A_348 = arith.subf %get3A_344, %get3A_347 : vector<16xf32>
      %mul3A_349 = arith.mulf %sub3A_348, %sub3A_348 : vector<16xf32>
      %add3A_350 = arith.addf %add3A_341, %mul3A_349 : vector<16xf32>
      %swap3A_351 = arith.constant 96 : index
      %swap3A_352 = tpu.vector_load %arg8[%swap3A_351] {strides = array<i32>} : memref<256xf32, #tpu.memory_space<vmem>>, vector<16xf32>,
      tpu.vector_store %arg8[%swap3A_351], %add3A_350 {strides = array<i32>} : memref<256xf32, #tpu.memory_space<vmem>>, vector<16xf32>,
      %mul3A_353 = arith.constant 16 : i32
      %mul3A_354 = arith.muli %scan3A_47, %mul3A_353 : i32
      %add3A_355 = arith.constant 7 : i32
      %add3A_356 = arith.addi %mul3A_354, %add3A_355 : i32
      %broadcast_in_dim3A_357 = arith.constant 0.000000e+00 : f32
      %broadcast_in_dim3A_358 = vector.broadcast %broadcast_in_dim3A_357 : f32 to vector<16xf32>
      %get3A_359 = arith.index_cast %add3A_356 : i32 to index
      %get3A_360 = arith.constant 0 : index
      %get3A_361 = tpu.vector_load %arg6[%get3A_359, %get3A_360] {strides = array<i32>} : memref<256x64xf32, #tpu.memory_space<vmem>>, vector<16xf32>,
      %get3A_362 = arith.index_cast %add3A_356 : i32 to index
      %get3A_363 = arith.constant 0 : index
      %get3A_364 = tpu.vector_load %arg7[%get3A_362, %get3A_363] {strides = array<i32>} : memref<256x64xf32, #tpu.memory_space<vmem>>, vector<16xf32>,
      %sub3A_365 = arith.subf %get3A_361, %get3A_364 : vector<16xf32>
      %mul3A_366 = arith.mulf %sub3A_365, %sub3A_365 : vector<16xf32>
      %add3A_367 = arith.addf %broadcast_in_dim3A_358, %mul3A_366 : vector<16xf32>
      %get3A_368 = arith.index_cast %add3A_356 : i32 to index
      %get3A_369 = arith.constant 16 : index
      %get3A_370 = tpu.vector_load %arg6[%get3A_368, %get3A_369] {strides = array<i32>} : memref<256x64xf32, #tpu.memory_space<vmem>>, vector<16xf32>,
      %get3A_371 = arith.index_cast %add3A_356 : i32 to index
      %get3A_372 = arith.constant 16 : index
      %get3A_373 = tpu.vector_load %arg7[%get3A_371, %get3A_372] {strides = array<i32>} : memref<256x64xf32, #tpu.memory_space<vmem>>, vector<16xf32>,
      %sub3A_374 = arith.subf %get3A_370, %get3A_373 : vector<16xf32>
      %mul3A_375 = arith.mulf %sub3A_374, %sub3A_374 : vector<16xf32>
      %add3A_376 = arith.addf %add3A_367, %mul3A_375 : vector<16xf32>
      %get3A_377 = arith.index_cast %add3A_356 : i32 to index
      %get3A_378 = arith.constant 32 : index
      %get3A_379 = tpu.vector_load %arg6[%get3A_377, %get3A_378] {strides = array<i32>} : memref<256x64xf32, #tpu.memory_space<vmem>>, vector<16xf32>,
      %get3A_380 = arith.index_cast %add3A_356 : i32 to index
      %get3A_381 = arith.constant 32 : index
      %get3A_382 = tpu.vector_load %arg7[%get3A_380, %get3A_381] {strides = array<i32>} : memref<256x64xf32, #tpu.memory_space<vmem>>, vector<16xf32>,
      %sub3A_383 = arith.subf %get3A_379, %get3A_382 : vector<16xf32>
      %mul3A_384 = arith.mulf %sub3A_383, %sub3A_383 : vector<16xf32>
      %add3A_385 = arith.addf %add3A_376, %mul3A_384 : vector<16xf32>
      %get3A_386 = arith.index_cast %add3A_356 : i32 to index
      %get3A_387 = arith.constant 48 : index
      %get3A_388 = tpu.vector_load %arg6[%get3A_386, %get3A_387] {strides = array<i32>} : memref<256x64xf32, #tpu.memory_space<vmem>>, vector<16xf32>,
      %get3A_389 = arith.index_cast %add3A_356 : i32 to index
      %get3A_390 = arith.constant 48 : index
      %get3A_391 = tpu.vector_load %arg7[%get3A_389, %get3A_390] {strides = array<i32>} : memref<256x64xf32, #tpu.memory_space<vmem>>, vector<16xf32>,
      %sub3A_392 = arith.subf %get3A_388, %get3A_391 : vector<16xf32>
      %mul3A_393 = arith.mulf %sub3A_392, %sub3A_392 : vector<16xf32>
      %add3A_394 = arith.addf %add3A_385, %mul3A_393 : vector<16xf32>
      %swap3A_395 = arith.constant 112 : index
      %swap3A_396 = tpu.vector_load %arg8[%swap3A_395] {strides = array<i32>} : memref<256xf32, #tpu.memory_space<vmem>>, vector<16xf32>,
      tpu.vector_store %arg8[%swap3A_395], %add3A_394 {strides = array<i32>} : memref<256xf32, #tpu.memory_space<vmem>>, vector<16xf32>,
      %mul3A_397 = arith.constant 16 : i32
      %mul3A_398 = arith.muli %scan3A_47, %mul3A_397 : i32
      %add3A_399 = arith.constant 8 : i32
      %add3A_400 = arith.addi %mul3A_398, %add3A_399 : i32
      %broadcast_in_dim3A_401 = arith.constant 0.000000e+00 : f32
      %broadcast_in_dim3A_402 = vector.broadcast %broadcast_in_dim3A_401 : f32 to vector<16xf32>
      %get3A_403 = arith.index_cast %add3A_400 : i32 to index
      %get3A_404 = arith.constant 0 : index
      %get3A_405 = tpu.vector_load %arg6[%get3A_403, %get3A_404] {strides = array<i32>} : memref<256x64xf32, #tpu.memory_space<vmem>>, vector<16xf32>,
      %get3A_406 = arith.index_cast %add3A_400 : i32 to index
      %get3A_407 = arith.constant 0 : index
      %get3A_408 = tpu.vector_load %arg7[%get3A_406, %get3A_407] {strides = array<i32>} : memref<256x64xf32, #tpu.memory_space<vmem>>, vector<16xf32>,
      %sub3A_409 = arith.subf %get3A_405, %get3A_408 : vector<16xf32>
      %mul3A_410 = arith.mulf %sub3A_409, %sub3A_409 : vector<16xf32>
      %add3A_411 = arith.addf %broadcast_in_dim3A_402, %mul3A_410 : vector<16xf32>
      %get3A_412 = arith.index_cast %add3A_400 : i32 to index
      %get3A_413 = arith.constant 16 : index
      %get3A_414 = tpu.vector_load %arg6[%get3A_412, %get3A_413] {strides = array<i32>} : memref<256x64xf32, #tpu.memory_space<vmem>>, vector<16xf32>,
      %get3A_415 = arith.index_cast %add3A_400 : i32 to index
      %get3A_416 = arith.constant 16 : index
      %get3A_417 = tpu.vector_load %arg7[%get3A_415, %get3A_416] {strides = array<i32>} : memref<256x64xf32, #tpu.memory_space<vmem>>, vector<16xf32>,
      %sub3A_418 = arith.subf %get3A_414, %get3A_417 : vector<16xf32>
      %mul3A_419 = arith.mulf %sub3A_418, %sub3A_418 : vector<16xf32>
      %add3A_420 = arith.addf %add3A_411, %mul3A_419 : vector<16xf32>
      %get3A_421 = arith.index_cast %add3A_400 : i32 to index
      %get3A_422 = arith.constant 32 : index
      %get3A_423 = tpu.vector_load %arg6[%get3A_421, %get3A_422] {strides = array<i32>} : memref<256x64xf32, #tpu.memory_space<vmem>>, vector<16xf32>,
      %get3A_424 = arith.index_cast %add3A_400 : i32 to index
      %get3A_425 = arith.constant 32 : index
      %get3A_426 = tpu.vector_load %arg7[%get3A_424, %get3A_425] {strides = array<i32>} : memref<256x64xf32, #tpu.memory_space<vmem>>, vector<16xf32>,
      %sub3A_427 = arith.subf %get3A_423, %get3A_426 : vector<16xf32>
      %mul3A_428 = arith.mulf %sub3A_427, %sub3A_427 : vector<16xf32>
      %add3A_429 = arith.addf %add3A_420, %mul3A_428 : vector<16xf32>
      %get3A_430 = arith.index_cast %add3A_400 : i32 to index
      %get3A_431 = arith.constant 48 : index
      %get3A_432 = tpu.vector_load %arg6[%get3A_430, %get3A_431] {strides = array<i32>} : memref<256x64xf32, #tpu.memory_space<vmem>>, vector<16xf32>,
      %get3A_433 = arith.index_cast %add3A_400 : i32 to index
      %get3A_434 = arith.constant 48 : index
      %get3A_435 = tpu.vector_load %arg7[%get3A_433, %get3A_434] {strides = array<i32>} : memref<256x64xf32, #tpu.memory_space<vmem>>, vector<16xf32>,
      %sub3A_436 = arith.subf %get3A_432, %get3A_435 : vector<16xf32>
      %mul3A_437 = arith.mulf %sub3A_436, %sub3A_436 : vector<16xf32>
      %add3A_438 = arith.addf %add3A_429, %mul3A_437 : vector<16xf32>
      %swap3A_439 = arith.constant 128 : index
      %swap3A_440 = tpu.vector_load %arg8[%swap3A_439] {strides = array<i32>} : memref<256xf32, #tpu.memory_space<vmem>>, vector<16xf32>,
      tpu.vector_store %arg8[%swap3A_439], %add3A_438 {strides = array<i32>} : memref<256xf32, #tpu.memory_space<vmem>>, vector<16xf32>,
      %mul3A_441 = arith.constant 16 : i32
      %mul3A_442 = arith.muli %scan3A_47, %mul3A_441 : i32
      %add3A_443 = arith.constant 9 : i32
      %add3A_444 = arith.addi %mul3A_442, %add3A_443 : i32
      %broadcast_in_dim3A_445 = arith.constant 0.000000e+00 : f32
      %broadcast_in_dim3A_446 = vector.broadcast %broadcast_in_dim3A_445 : f32 to vector<16xf32>
      %get3A_447 = arith.index_cast %add3A_444 : i32 to index
      %get3A_448 = arith.constant 0 : index
      %get3A_449 = tpu.vector_load %arg6[%get3A_447, %get3A_448] {strides = array<i32>} : memref<256x64xf32, #tpu.memory_space<vmem>>, vector<16xf32>,
      %get3A_450 = arith.index_cast %add3A_444 : i32 to index
      %get3A_451 = arith.constant 0 : index
      %get3A_452 = tpu.vector_load %arg7[%get3A_450, %get3A_451] {strides = array<i32>} : memref<256x64xf32, #tpu.memory_space<vmem>>, vector<16xf32>,
      %sub3A_453 = arith.subf %get3A_449, %get3A_452 : vector<16xf32>
      %mul3A_454 = arith.mulf %sub3A_453, %sub3A_453 : vector<16xf32>
      %add3A_455 = arith.addf %broadcast_in_dim3A_446, %mul3A_454 : vector<16xf32>
      %get3A_456 = arith.index_cast %add3A_444 : i32 to index
      %get3A_457 = arith.constant 16 : index
      %get3A_458 = tpu.vector_load %arg6[%get3A_456, %get3A_457] {strides = array<i32>} : memref<256x64xf32, #tpu.memory_space<vmem>>, vector<16xf32>,
      %get3A_459 = arith.index_cast %add3A_444 : i32 to index
      %get3A_460 = arith.constant 16 : index
      %get3A_461 = tpu.vector_load %arg7[%get3A_459, %get3A_460] {strides = array<i32>} : memref<256x64xf32, #tpu.memory_space<vmem>>, vector<16xf32>,
      %sub3A_462 = arith.subf %get3A_458, %get3A_461 : vector<16xf32>
      %mul3A_463 = arith.mulf %sub3A_462, %sub3A_462 : vector<16xf32>
      %add3A_464 = arith.addf %add3A_455, %mul3A_463 : vector<16xf32>
      %get3A_465 = arith.index_cast %add3A_444 : i32 to index
      %get3A_466 = arith.constant 32 : index
      %get3A_467 = tpu.vector_load %arg6[%get3A_465, %get3A_466] {strides = array<i32>} : memref<256x64xf32, #tpu.memory_space<vmem>>, vector<16xf32>,
      %get3A_468 = arith.index_cast %add3A_444 : i32 to index
      %get3A_469 = arith.constant 32 : index
      %get3A_470 = tpu.vector_load %arg7[%get3A_468, %get3A_469] {strides = array<i32>} : memref<256x64xf32, #tpu.memory_space<vmem>>, vector<16xf32>,
      %sub3A_471 = arith.subf %get3A_467, %get3A_470 : vector<16xf32>
      %mul3A_472 = arith.mulf %sub3A_471, %sub3A_471 : vector<16xf32>
      %add3A_473 = arith.addf %add3A_464, %mul3A_472 : vector<16xf32>
      %get3A_474 = arith.index_cast %add3A_444 : i32 to index
      %get3A_475 = arith.constant 48 : index
      %get3A_476 = tpu.vector_load %arg6[%get3A_474, %get3A_475] {strides = array<i32>} : memref<256x64xf32, #tpu.memory_space<vmem>>, vector<16xf32>,
      %get3A_477 = arith.index_cast %add3A_444 : i32 to index
      %get3A_478 = arith.constant 48 : index
      %get3A_479 = tpu.vector_load %arg7[%get3A_477, %get3A_478] {strides = array<i32>} : memref<256x64xf32, #tpu.memory_space<vmem>>, vector<16xf32>,
      %sub3A_480 = arith.subf %get3A_476, %get3A_479 : vector<16xf32>
      %mul3A_481 = arith.mulf %sub3A_480, %sub3A_480 : vector<16xf32>
      %add3A_482 = arith.addf %add3A_473, %mul3A_481 : vector<16xf32>
      %swap3A_483 = arith.constant 144 : index
      %swap3A_484 = tpu.vector_load %arg8[%swap3A_483] {strides = array<i32>} : memref<256xf32, #tpu.memory_space<vmem>>, vector<16xf32>,
      tpu.vector_store %arg8[%swap3A_483], %add3A_482 {strides = array<i32>} : memref<256xf32, #tpu.memory_space<vmem>>, vector<16xf32>,
      %mul3A_485 = arith.constant 16 : i32
      %mul3A_486 = arith.muli %scan3A_47, %mul3A_485 : i32
      %add3A_487 = arith.constant 10 : i32
      %add3A_488 = arith.addi %mul3A_486, %add3A_487 : i32
      %broadcast_in_dim3A_489 = arith.constant 0.000000e+00 : f32
      %broadcast_in_dim3A_490 = vector.broadcast %broadcast_in_dim3A_489 : f32 to vector<16xf32>
      %get3A_491 = arith.index_cast %add3A_488 : i32 to index
      %get3A_492 = arith.constant 0 : index
      %get3A_493 = tpu.vector_load %arg6[%get3A_491, %get3A_492] {strides = array<i32>} : memref<256x64xf32, #tpu.memory_space<vmem>>, vector<16xf32>,
      %get3A_494 = arith.index_cast %add3A_488 : i32 to index
      %get3A_495 = arith.constant 0 : index
      %get3A_496 = tpu.vector_load %arg7[%get3A_494, %get3A_495] {strides = array<i32>} : memref<256x64xf32, #tpu.memory_space<vmem>>, vector<16xf32>,
      %sub3A_497 = arith.subf %get3A_493, %get3A_496 : vector<16xf32>
      %mul3A_498 = arith.mulf %sub3A_497, %sub3A_497 : vector<16xf32>
      %add3A_499 = arith.addf %broadcast_in_dim3A_490, %mul3A_498 : vector<16xf32>
      %get3A_500 = arith.index_cast %add3A_488 : i32 to index
      %get3A_501 = arith.constant 16 : index
      %get3A_502 = tpu.vector_load %arg6[%get3A_500, %get3A_501] {strides = array<i32>} : memref<256x64xf32, #tpu.memory_space<vmem>>, vector<16xf32>,
      %get3A_503 = arith.index_cast %add3A_488 : i32 to index
      %get3A_504 = arith.constant 16 : index
      %get3A_505 = tpu.vector_load %arg7[%get3A_503, %get3A_504] {strides = array<i32>} : memref<256x64xf32, #tpu.memory_space<vmem>>, vector<16xf32>,
      %sub3A_506 = arith.subf %get3A_502, %get3A_505 : vector<16xf32>
      %mul3A_507 = arith.mulf %sub3A_506, %sub3A_506 : vector<16xf32>
      %add3A_508 = arith.addf %add3A_499, %mul3A_507 : vector<16xf32>
      %get3A_509 = arith.index_cast %add3A_488 : i32 to index
      %get3A_510 = arith.constant 32 : index
      %get3A_511 = tpu.vector_load %arg6[%get3A_509, %get3A_510] {strides = array<i32>} : memref<256x64xf32, #tpu.memory_space<vmem>>, vector<16xf32>,
      %get3A_512 = arith.index_cast %add3A_488 : i32 to index
      %get3A_513 = arith.constant 32 : index
      %get3A_514 = tpu.vector_load %arg7[%get3A_512, %get3A_513] {strides = array<i32>} : memref<256x64xf32, #tpu.memory_space<vmem>>, vector<16xf32>,
      %sub3A_515 = arith.subf %get3A_511, %get3A_514 : vector<16xf32>
      %mul3A_516 = arith.mulf %sub3A_515, %sub3A_515 : vector<16xf32>
      %add3A_517 = arith.addf %add3A_508, %mul3A_516 : vector<16xf32>
      %get3A_518 = arith.index_cast %add3A_488 : i32 to index
      %get3A_519 = arith.constant 48 : index
      %get3A_520 = tpu.vector_load %arg6[%get3A_518, %get3A_519] {strides = array<i32>} : memref<256x64xf32, #tpu.memory_space<vmem>>, vector<16xf32>,
      %get3A_521 = arith.index_cast %add3A_488 : i32 to index
      %get3A_522 = arith.constant 48 : index
      %get3A_523 = tpu.vector_load %arg7[%get3A_521, %get3A_522] {strides = array<i32>} : memref<256x64xf32, #tpu.memory_space<vmem>>, vector<16xf32>,
      %sub3A_524 = arith.subf %get3A_520, %get3A_523 : vector<16xf32>
      %mul3A_525 = arith.mulf %sub3A_524, %sub3A_524 : vector<16xf32>
      %add3A_526 = arith.addf %add3A_517, %mul3A_525 : vector<16xf32>
      %swap3A_527 = arith.constant 160 : index
      %swap3A_528 = tpu.vector_load %arg8[%swap3A_527] {strides = array<i32>} : memref<256xf32, #tpu.memory_space<vmem>>, vector<16xf32>,
      tpu.vector_store %arg8[%swap3A_527], %add3A_526 {strides = array<i32>} : memref<256xf32, #tpu.memory_space<vmem>>, vector<16xf32>,
      %mul3A_529 = arith.constant 16 : i32
      %mul3A_530 = arith.muli %scan3A_47, %mul3A_529 : i32
      %add3A_531 = arith.constant 11 : i32
      %add3A_532 = arith.addi %mul3A_530, %add3A_531 : i32
      %broadcast_in_dim3A_533 = arith.constant 0.000000e+00 : f32
      %broadcast_in_dim3A_534 = vector.broadcast %broadcast_in_dim3A_533 : f32 to vector<16xf32>
      %get3A_535 = arith.index_cast %add3A_532 : i32 to index
      %get3A_536 = arith.constant 0 : index
      %get3A_537 = tpu.vector_load %arg6[%get3A_535, %get3A_536] {strides = array<i32>} : memref<256x64xf32, #tpu.memory_space<vmem>>, vector<16xf32>,
      %get3A_538 = arith.index_cast %add3A_532 : i32 to index
      %get3A_539 = arith.constant 0 : index
      %get3A_540 = tpu.vector_load %arg7[%get3A_538, %get3A_539] {strides = array<i32>} : memref<256x64xf32, #tpu.memory_space<vmem>>, vector<16xf32>,
      %sub3A_541 = arith.subf %get3A_537, %get3A_540 : vector<16xf32>
      %mul3A_542 = arith.mulf %sub3A_541, %sub3A_541 : vector<16xf32>
      %add3A_543 = arith.addf %broadcast_in_dim3A_534, %mul3A_542 : vector<16xf32>
      %get3A_544 = arith.index_cast %add3A_532 : i32 to index
      %get3A_545 = arith.constant 16 : index
      %get3A_546 = tpu.vector_load %arg6[%get3A_544, %get3A_545] {strides = array<i32>} : memref<256x64xf32, #tpu.memory_space<vmem>>, vector<16xf32>,
      %get3A_547 = arith.index_cast %add3A_532 : i32 to index
      %get3A_548 = arith.constant 16 : index
      %get3A_549 = tpu.vector_load %arg7[%get3A_547, %get3A_548] {strides = array<i32>} : memref<256x64xf32, #tpu.memory_space<vmem>>, vector<16xf32>,
      %sub3A_550 = arith.subf %get3A_546, %get3A_549 : vector<16xf32>
      %mul3A_551 = arith.mulf %sub3A_550, %sub3A_550 : vector<16xf32>
      %add3A_552 = arith.addf %add3A_543, %mul3A_551 : vector<16xf32>
      %get3A_553 = arith.index_cast %add3A_532 : i32 to index
      %get3A_554 = arith.constant 32 : index
      %get3A_555 = tpu.vector_load %arg6[%get3A_553, %get3A_554] {strides = array<i32>} : memref<256x64xf32, #tpu.memory_space<vmem>>, vector<16xf32>,
      %get3A_556 = arith.index_cast %add3A_532 : i32 to index
      %get3A_557 = arith.constant 32 : index
      %get3A_558 = tpu.vector_load %arg7[%get3A_556, %get3A_557] {strides = array<i32>} : memref<256x64xf32, #tpu.memory_space<vmem>>, vector<16xf32>,
      %sub3A_559 = arith.subf %get3A_555, %get3A_558 : vector<16xf32>
      %mul3A_560 = arith.mulf %sub3A_559, %sub3A_559 : vector<16xf32>
      %add3A_561 = arith.addf %add3A_552, %mul3A_560 : vector<16xf32>
      %get3A_562 = arith.index_cast %add3A_532 : i32 to index
      %get3A_563 = arith.constant 48 : index
      %get3A_564 = tpu.vector_load %arg6[%get3A_562, %get3A_563] {strides = array<i32>} : memref<256x64xf32, #tpu.memory_space<vmem>>, vector<16xf32>,
      %get3A_565 = arith.index_cast %add3A_532 : i32 to index
      %get3A_566 = arith.constant 48 : index
      %get3A_567 = tpu.vector_load %arg7[%get3A_565, %get3A_566] {strides = array<i32>} : memref<256x64xf32, #tpu.memory_space<vmem>>, vector<16xf32>,
      %sub3A_568 = arith.subf %get3A_564, %get3A_567 : vector<16xf32>
      %mul3A_569 = arith.mulf %sub3A_568, %sub3A_568 : vector<16xf32>
      %add3A_570 = arith.addf %add3A_561, %mul3A_569 : vector<16xf32>
      %swap3A_571 = arith.constant 176 : index
      %swap3A_572 = tpu.vector_load %arg8[%swap3A_571] {strides = array<i32>} : memref<256xf32, #tpu.memory_space<vmem>>, vector<16xf32>,
      tpu.vector_store %arg8[%swap3A_571], %add3A_570 {strides = array<i32>} : memref<256xf32, #tpu.memory_space<vmem>>, vector<16xf32>,
      %mul3A_573 = arith.constant 16 : i32
      %mul3A_574 = arith.muli %scan3A_47, %mul3A_573 : i32
      %add3A_575 = arith.constant 12 : i32
      %add3A_576 = arith.addi %mul3A_574, %add3A_575 : i32
      %broadcast_in_dim3A_577 = arith.constant 0.000000e+00 : f32
      %broadcast_in_dim3A_578 = vector.broadcast %broadcast_in_dim3A_577 : f32 to vector<16xf32>
      %get3A_579 = arith.index_cast %add3A_576 : i32 to index
      %get3A_580 = arith.constant 0 : index
      %get3A_581 = tpu.vector_load %arg6[%get3A_579, %get3A_580] {strides = array<i32>} : memref<256x64xf32, #tpu.memory_space<vmem>>, vector<16xf32>,
      %get3A_582 = arith.index_cast %add3A_576 : i32 to index
      %get3A_583 = arith.constant 0 : index
      %get3A_584 = tpu.vector_load %arg7[%get3A_582, %get3A_583] {strides = array<i32>} : memref<256x64xf32, #tpu.memory_space<vmem>>, vector<16xf32>,
      %sub3A_585 = arith.subf %get3A_581, %get3A_584 : vector<16xf32>
      %mul3A_586 = arith.mulf %sub3A_585, %sub3A_585 : vector<16xf32>
      %add3A_587 = arith.addf %broadcast_in_dim3A_578, %mul3A_586 : vector<16xf32>
      %get3A_588 = arith.index_cast %add3A_576 : i32 to index
      %get3A_589 = arith.constant 16 : index
      %get3A_590 = tpu.vector_load %arg6[%get3A_588, %get3A_589] {strides = array<i32>} : memref<256x64xf32, #tpu.memory_space<vmem>>, vector<16xf32>,
      %get3A_591 = arith.index_cast %add3A_576 : i32 to index
      %get3A_592 = arith.constant 16 : index
      %get3A_593 = tpu.vector_load %arg7[%get3A_591, %get3A_592] {strides = array<i32>} : memref<256x64xf32, #tpu.memory_space<vmem>>, vector<16xf32>,
      %sub3A_594 = arith.subf %get3A_590, %get3A_593 : vector<16xf32>
      %mul3A_595 = arith.mulf %sub3A_594, %sub3A_594 : vector<16xf32>
      %add3A_596 = arith.addf %add3A_587, %mul3A_595 : vector<16xf32>
      %get3A_597 = arith.index_cast %add3A_576 : i32 to index
      %get3A_598 = arith.constant 32 : index
      %get3A_599 = tpu.vector_load %arg6[%get3A_597, %get3A_598] {strides = array<i32>} : memref<256x64xf32, #tpu.memory_space<vmem>>, vector<16xf32>,
      %get3A_600 = arith.index_cast %add3A_576 : i32 to index
      %get3A_601 = arith.constant 32 : index
      %get3A_602 = tpu.vector_load %arg7[%get3A_600, %get3A_601] {strides = array<i32>} : memref<256x64xf32, #tpu.memory_space<vmem>>, vector<16xf32>,
      %sub3A_603 = arith.subf %get3A_599, %get3A_602 : vector<16xf32>
      %mul3A_604 = arith.mulf %sub3A_603, %sub3A_603 : vector<16xf32>
      %add3A_605 = arith.addf %add3A_596, %mul3A_604 : vector<16xf32>
      %get3A_606 = arith.index_cast %add3A_576 : i32 to index
      %get3A_607 = arith.constant 48 : index
      %get3A_608 = tpu.vector_load %arg6[%get3A_606, %get3A_607] {strides = array<i32>} : memref<256x64xf32, #tpu.memory_space<vmem>>, vector<16xf32>,
      %get3A_609 = arith.index_cast %add3A_576 : i32 to index
      %get3A_610 = arith.constant 48 : index
      %get3A_611 = tpu.vector_load %arg7[%get3A_609, %get3A_610] {strides = array<i32>} : memref<256x64xf32, #tpu.memory_space<vmem>>, vector<16xf32>,
      %sub3A_612 = arith.subf %get3A_608, %get3A_611 : vector<16xf32>
      %mul3A_613 = arith.mulf %sub3A_612, %sub3A_612 : vector<16xf32>
      %add3A_614 = arith.addf %add3A_605, %mul3A_613 : vector<16xf32>
      %swap3A_615 = arith.constant 192 : index
      %swap3A_616 = tpu.vector_load %arg8[%swap3A_615] {strides = array<i32>} : memref<256xf32, #tpu.memory_space<vmem>>, vector<16xf32>,
      tpu.vector_store %arg8[%swap3A_615], %add3A_614 {strides = array<i32>} : memref<256xf32, #tpu.memory_space<vmem>>, vector<16xf32>,
      %mul3A_617 = arith.constant 16 : i32
      %mul3A_618 = arith.muli %scan3A_47, %mul3A_617 : i32
      %add3A_619 = arith.constant 13 : i32
      %add3A_620 = arith.addi %mul3A_618, %add3A_619 : i32
      %broadcast_in_dim3A_621 = arith.constant 0.000000e+00 : f32
      %broadcast_in_dim3A_622 = vector.broadcast %broadcast_in_dim3A_621 : f32 to vector<16xf32>
      %get3A_623 = arith.index_cast %add3A_620 : i32 to index
      %get3A_624 = arith.constant 0 : index
      %get3A_625 = tpu.vector_load %arg6[%get3A_623, %get3A_624] {strides = array<i32>} : memref<256x64xf32, #tpu.memory_space<vmem>>, vector<16xf32>,
      %get3A_626 = arith.index_cast %add3A_620 : i32 to index
      %get3A_627 = arith.constant 0 : index
      %get3A_628 = tpu.vector_load %arg7[%get3A_626, %get3A_627] {strides = array<i32>} : memref<256x64xf32, #tpu.memory_space<vmem>>, vector<16xf32>,
      %sub3A_629 = arith.subf %get3A_625, %get3A_628 : vector<16xf32>
      %mul3A_630 = arith.mulf %sub3A_629, %sub3A_629 : vector<16xf32>
      %add3A_631 = arith.addf %broadcast_in_dim3A_622, %mul3A_630 : vector<16xf32>
      %get3A_632 = arith.index_cast %add3A_620 : i32 to index
      %get3A_633 = arith.constant 16 : index
      %get3A_634 = tpu.vector_load %arg6[%get3A_632, %get3A_633] {strides = array<i32>} : memref<256x64xf32, #tpu.memory_space<vmem>>, vector<16xf32>,
      %get3A_635 = arith.index_cast %add3A_620 : i32 to index
      %get3A_636 = arith.constant 16 : index
      %get3A_637 = tpu.vector_load %arg7[%get3A_635, %get3A_636] {strides = array<i32>} : memref<256x64xf32, #tpu.memory_space<vmem>>, vector<16xf32>,
      %sub3A_638 = arith.subf %get3A_634, %get3A_637 : vector<16xf32>
      %mul3A_639 = arith.mulf %sub3A_638, %sub3A_638 : vector<16xf32>
      %add3A_640 = arith.addf %add3A_631, %mul3A_639 : vector<16xf32>
      %get3A_641 = arith.index_cast %add3A_620 : i32 to index
      %get3A_642 = arith.constant 32 : index
      %get3A_643 = tpu.vector_load %arg6[%get3A_641, %get3A_642] {strides = array<i32>} : memref<256x64xf32, #tpu.memory_space<vmem>>, vector<16xf32>,
      %get3A_644 = arith.index_cast %add3A_620 : i32 to index
      %get3A_645 = arith.constant 32 : index
      %get3A_646 = tpu.vector_load %arg7[%get3A_644, %get3A_645] {strides = array<i32>} : memref<256x64xf32, #tpu.memory_space<vmem>>, vector<16xf32>,
      %sub3A_647 = arith.subf %get3A_643, %get3A_646 : vector<16xf32>
      %mul3A_648 = arith.mulf %sub3A_647, %sub3A_647 : vector<16xf32>
      %add3A_649 = arith.addf %add3A_640, %mul3A_648 : vector<16xf32>
      %get3A_650 = arith.index_cast %add3A_620 : i32 to index
      %get3A_651 = arith.constant 48 : index
      %get3A_652 = tpu.vector_load %arg6[%get3A_650, %get3A_651] {strides = array<i32>} : memref<256x64xf32, #tpu.memory_space<vmem>>, vector<16xf32>,
      %get3A_653 = arith.index_cast %add3A_620 : i32 to index
      %get3A_654 = arith.constant 48 : index
      %get3A_655 = tpu.vector_load %arg7[%get3A_653, %get3A_654] {strides = array<i32>} : memref<256x64xf32, #tpu.memory_space<vmem>>, vector<16xf32>,
      %sub3A_656 = arith.subf %get3A_652, %get3A_655 : vector<16xf32>
      %mul3A_657 = arith.mulf %sub3A_656, %sub3A_656 : vector<16xf32>
      %add3A_658 = arith.addf %add3A_649, %mul3A_657 : vector<16xf32>
      %swap3A_659 = arith.constant 208 : index
      %swap3A_660 = tpu.vector_load %arg8[%swap3A_659] {strides = array<i32>} : memref<256xf32, #tpu.memory_space<vmem>>, vector<16xf32>,
      tpu.vector_store %arg8[%swap3A_659], %add3A_658 {strides = array<i32>} : memref<256xf32, #tpu.memory_space<vmem>>, vector<16xf32>,
      %mul3A_661 = arith.constant 16 : i32
      %mul3A_662 = arith.muli %scan3A_47, %mul3A_661 : i32
      %add3A_663 = arith.constant 14 : i32
      %add3A_664 = arith.addi %mul3A_662, %add3A_663 : i32
      %broadcast_in_dim3A_665 = arith.constant 0.000000e+00 : f32
      %broadcast_in_dim3A_666 = vector.broadcast %broadcast_in_dim3A_665 : f32 to vector<16xf32>
      %get3A_667 = arith.index_cast %add3A_664 : i32 to index
      %get3A_668 = arith.constant 0 : index
      %get3A_669 = tpu.vector_load %arg6[%get3A_667, %get3A_668] {strides = array<i32>} : memref<256x64xf32, #tpu.memory_space<vmem>>, vector<16xf32>,
      %get3A_670 = arith.index_cast %add3A_664 : i32 to index
      %get3A_671 = arith.constant 0 : index
      %get3A_672 = tpu.vector_load %arg7[%get3A_670, %get3A_671] {strides = array<i32>} : memref<256x64xf32, #tpu.memory_space<vmem>>, vector<16xf32>,
      %sub3A_673 = arith.subf %get3A_669, %get3A_672 : vector<16xf32>
      %mul3A_674 = arith.mulf %sub3A_673, %sub3A_673 : vector<16xf32>
      %add3A_675 = arith.addf %broadcast_in_dim3A_666, %mul3A_674 : vector<16xf32>
      %get3A_676 = arith.index_cast %add3A_664 : i32 to index
      %get3A_677 = arith.constant 16 : index
      %get3A_678 = tpu.vector_load %arg6[%get3A_676, %get3A_677] {strides = array<i32>} : memref<256x64xf32, #tpu.memory_space<vmem>>, vector<16xf32>,
      %get3A_679 = arith.index_cast %add3A_664 : i32 to index
      %get3A_680 = arith.constant 16 : index
      %get3A_681 = tpu.vector_load %arg7[%get3A_679, %get3A_680] {strides = array<i32>} : memref<256x64xf32, #tpu.memory_space<vmem>>, vector<16xf32>,
      %sub3A_682 = arith.subf %get3A_678, %get3A_681 : vector<16xf32>
      %mul3A_683 = arith.mulf %sub3A_682, %sub3A_682 : vector<16xf32>
      %add3A_684 = arith.addf %add3A_675, %mul3A_683 : vector<16xf32>
      %get3A_685 = arith.index_cast %add3A_664 : i32 to index
      %get3A_686 = arith.constant 32 : index
      %get3A_687 = tpu.vector_load %arg6[%get3A_685, %get3A_686] {strides = array<i32>} : memref<256x64xf32, #tpu.memory_space<vmem>>, vector<16xf32>,
      %get3A_688 = arith.index_cast %add3A_664 : i32 to index
      %get3A_689 = arith.constant 32 : index
      %get3A_690 = tpu.vector_load %arg7[%get3A_688, %get3A_689] {strides = array<i32>} : memref<256x64xf32, #tpu.memory_space<vmem>>, vector<16xf32>,
      %sub3A_691 = arith.subf %get3A_687, %get3A_690 : vector<16xf32>
      %mul3A_692 = arith.mulf %sub3A_691, %sub3A_691 : vector<16xf32>
      %add3A_693 = arith.addf %add3A_684, %mul3A_692 : vector<16xf32>
      %get3A_694 = arith.index_cast %add3A_664 : i32 to index
      %get3A_695 = arith.constant 48 : index
      %get3A_696 = tpu.vector_load %arg6[%get3A_694, %get3A_695] {strides = array<i32>} : memref<256x64xf32, #tpu.memory_space<vmem>>, vector<16xf32>,
      %get3A_697 = arith.index_cast %add3A_664 : i32 to index
      %get3A_698 = arith.constant 48 : index
      %get3A_699 = tpu.vector_load %arg7[%get3A_697, %get3A_698] {strides = array<i32>} : memref<256x64xf32, #tpu.memory_space<vmem>>, vector<16xf32>,
      %sub3A_700 = arith.subf %get3A_696, %get3A_699 : vector<16xf32>
      %mul3A_701 = arith.mulf %sub3A_700, %sub3A_700 : vector<16xf32>
      %add3A_702 = arith.addf %add3A_693, %mul3A_701 : vector<16xf32>
      %swap3A_703 = arith.constant 224 : index
      %swap3A_704 = tpu.vector_load %arg8[%swap3A_703] {strides = array<i32>} : memref<256xf32, #tpu.memory_space<vmem>>, vector<16xf32>,
      tpu.vector_store %arg8[%swap3A_703], %add3A_702 {strides = array<i32>} : memref<256xf32, #tpu.memory_space<vmem>>, vector<16xf32>,
      %mul3A_705 = arith.constant 16 : i32
      %mul3A_706 = arith.muli %scan3A_47, %mul3A_705 : i32
      %add3A_707 = arith.constant 15 : i32
      %add3A_708 = arith.addi %mul3A_706, %add3A_707 : i32
      %broadcast_in_dim3A_709 = arith.constant 0.000000e+00 : f32
      %broadcast_in_dim3A_710 = vector.broadcast %broadcast_in_dim3A_709 : f32 to vector<16xf32>
      %get3A_711 = arith.index_cast %add3A_708 : i32 to index
      %get3A_712 = arith.constant 0 : index
      %get3A_713 = tpu.vector_load %arg6[%get3A_711, %get3A_712] {strides = array<i32>} : memref<256x64xf32, #tpu.memory_space<vmem>>, vector<16xf32>,
      %get3A_714 = arith.index_cast %add3A_708 : i32 to index
      %get3A_715 = arith.constant 0 : index
      %get3A_716 = tpu.vector_load %arg7[%get3A_714, %get3A_715] {strides = array<i32>} : memref<256x64xf32, #tpu.memory_space<vmem>>, vector<16xf32>,
      %sub3A_717 = arith.subf %get3A_713, %get3A_716 : vector<16xf32>
      %mul3A_718 = arith.mulf %sub3A_717, %sub3A_717 : vector<16xf32>
      %add3A_719 = arith.addf %broadcast_in_dim3A_710, %mul3A_718 : vector<16xf32>
      %get3A_720 = arith.index_cast %add3A_708 : i32 to index
      %get3A_721 = arith.constant 16 : index
      %get3A_722 = tpu.vector_load %arg6[%get3A_720, %get3A_721] {strides = array<i32>} : memref<256x64xf32, #tpu.memory_space<vmem>>, vector<16xf32>,
      %get3A_723 = arith.index_cast %add3A_708 : i32 to index
      %get3A_724 = arith.constant 16 : index
      %get3A_725 = tpu.vector_load %arg7[%get3A_723, %get3A_724] {strides = array<i32>} : memref<256x64xf32, #tpu.memory_space<vmem>>, vector<16xf32>,
      %sub3A_726 = arith.subf %get3A_722, %get3A_725 : vector<16xf32>
      %mul3A_727 = arith.mulf %sub3A_726, %sub3A_726 : vector<16xf32>
      %add3A_728 = arith.addf %add3A_719, %mul3A_727 : vector<16xf32>
      %get3A_729 = arith.index_cast %add3A_708 : i32 to index
      %get3A_730 = arith.constant 32 : index
      %get3A_731 = tpu.vector_load %arg6[%get3A_729, %get3A_730] {strides = array<i32>} : memref<256x64xf32, #tpu.memory_space<vmem>>, vector<16xf32>,
      %get3A_732 = arith.index_cast %add3A_708 : i32 to index
      %get3A_733 = arith.constant 32 : index
      %get3A_734 = tpu.vector_load %arg7[%get3A_732, %get3A_733] {strides = array<i32>} : memref<256x64xf32, #tpu.memory_space<vmem>>, vector<16xf32>,
      %sub3A_735 = arith.subf %get3A_731, %get3A_734 : vector<16xf32>
      %mul3A_736 = arith.mulf %sub3A_735, %sub3A_735 : vector<16xf32>
      %add3A_737 = arith.addf %add3A_728, %mul3A_736 : vector<16xf32>
      %get3A_738 = arith.index_cast %add3A_708 : i32 to index
      %get3A_739 = arith.constant 48 : index
      %get3A_740 = tpu.vector_load %arg6[%get3A_738, %get3A_739] {strides = array<i32>} : memref<256x64xf32, #tpu.memory_space<vmem>>, vector<16xf32>,
      %get3A_741 = arith.index_cast %add3A_708 : i32 to index
      %get3A_742 = arith.constant 48 : index
      %get3A_743 = tpu.vector_load %arg7[%get3A_741, %get3A_742] {strides = array<i32>} : memref<256x64xf32, #tpu.memory_space<vmem>>, vector<16xf32>,
      %sub3A_744 = arith.subf %get3A_740, %get3A_743 : vector<16xf32>
      %mul3A_745 = arith.mulf %sub3A_744, %sub3A_744 : vector<16xf32>
      %add3A_746 = arith.addf %add3A_737, %mul3A_745 : vector<16xf32>
      %swap3A_747 = arith.constant 240 : index
      %swap3A_748 = tpu.vector_load %arg8[%swap3A_747] {strides = array<i32>} : memref<256xf32, #tpu.memory_space<vmem>>, vector<16xf32>,
      tpu.vector_store %arg8[%swap3A_747], %add3A_746 {strides = array<i32>} : memref<256xf32, #tpu.memory_space<vmem>>, vector<16xf32>,
      %broadcast_in_dim3A_749 = arith.constant 9.99999996E-13 : f32
      %broadcast_in_dim3A_750 = vector.broadcast %broadcast_in_dim3A_749 : f32 to vector<16xf32>
      %add3A_751 = arith.constant 0 : i32
      %add3A_752 = vector.broadcast %add3A_751 : i32 to vector<16xi32>
      %add3A_753 = arith.addi %mul3A_5, %add3A_752 : vector<16xi32>
      %gather3A = tpu.vector_load_idx %arg8[%add3A_753] : memref<256xf32, #tpu.memory_space<vmem>>[vector<16xi32>], vector<16xf32>,
      %add3A_754 = arith.addf %broadcast_in_dim3A_750, %gather3A : vector<16xf32>
      %add3A_755 = arith.constant 1 : i32
      %add3A_756 = vector.broadcast %add3A_755 : i32 to vector<16xi32>
      %add3A_757 = arith.addi %mul3A_5, %add3A_756 : vector<16xi32>
      %gather3A_758 = tpu.vector_load_idx %arg8[%add3A_757] : memref<256xf32, #tpu.memory_space<vmem>>[vector<16xi32>], vector<16xf32>,
      %add3A_759 = arith.addf %add3A_754, %gather3A_758 : vector<16xf32>
      %add3A_760 = arith.constant 2 : i32
      %add3A_761 = vector.broadcast %add3A_760 : i32 to vector<16xi32>
      %add3A_762 = arith.addi %mul3A_5, %add3A_761 : vector<16xi32>
      %gather3A_763 = tpu.vector_load_idx %arg8[%add3A_762] : memref<256xf32, #tpu.memory_space<vmem>>[vector<16xi32>], vector<16xf32>,
      %add3A_764 = arith.addf %add3A_759, %gather3A_763 : vector<16xf32>
      %add3A_765 = arith.constant 3 : i32
      %add3A_766 = vector.broadcast %add3A_765 : i32 to vector<16xi32>
      %add3A_767 = arith.addi %mul3A_5, %add3A_766 : vector<16xi32>
      %gather3A_768 = tpu.vector_load_idx %arg8[%add3A_767] : memref<256xf32, #tpu.memory_space<vmem>>[vector<16xi32>], vector<16xf32>,
      %add3A_769 = arith.addf %add3A_764, %gather3A_768 : vector<16xf32>
      %add3A_770 = arith.constant 4 : i32
      %add3A_771 = vector.broadcast %add3A_770 : i32 to vector<16xi32>
      %add3A_772 = arith.addi %mul3A_5, %add3A_771 : vector<16xi32>
      %gather3A_773 = tpu.vector_load_idx %arg8[%add3A_772] : memref<256xf32, #tpu.memory_space<vmem>>[vector<16xi32>], vector<16xf32>,
      %add3A_774 = arith.addf %add3A_769, %gather3A_773 : vector<16xf32>
      %add3A_775 = arith.constant 5 : i32
      %add3A_776 = vector.broadcast %add3A_775 : i32 to vector<16xi32>
      %add3A_777 = arith.addi %mul3A_5, %add3A_776 : vector<16xi32>
      %gather3A_778 = tpu.vector_load_idx %arg8[%add3A_777] : memref<256xf32, #tpu.memory_space<vmem>>[vector<16xi32>], vector<16xf32>,
      %add3A_779 = arith.addf %add3A_774, %gather3A_778 : vector<16xf32>
      %add3A_780 = arith.constant 6 : i32
      %add3A_781 = vector.broadcast %add3A_780 : i32 to vector<16xi32>
      %add3A_782 = arith.addi %mul3A_5, %add3A_781 : vector<16xi32>
      %gather3A_783 = tpu.vector_load_idx %arg8[%add3A_782] : memref<256xf32, #tpu.memory_space<vmem>>[vector<16xi32>], vector<16xf32>,
      %add3A_784 = arith.addf %add3A_779, %gather3A_783 : vector<16xf32>
      %add3A_785 = arith.constant 7 : i32
      %add3A_786 = vector.broadcast %add3A_785 : i32 to vector<16xi32>
      %add3A_787 = arith.addi %mul3A_5, %add3A_786 : vector<16xi32>
      %gather3A_788 = tpu.vector_load_idx %arg8[%add3A_787] : memref<256xf32, #tpu.memory_space<vmem>>[vector<16xi32>], vector<16xf32>,
      %add3A_789 = arith.addf %add3A_784, %gather3A_788 : vector<16xf32>
      %add3A_790 = arith.constant 8 : i32
      %add3A_791 = vector.broadcast %add3A_790 : i32 to vector<16xi32>
      %add3A_792 = arith.addi %mul3A_5, %add3A_791 : vector<16xi32>
      %gather3A_793 = tpu.vector_load_idx %arg8[%add3A_792] : memref<256xf32, #tpu.memory_space<vmem>>[vector<16xi32>], vector<16xf32>,
      %add3A_794 = arith.addf %add3A_789, %gather3A_793 : vector<16xf32>
      %add3A_795 = arith.constant 9 : i32
      %add3A_796 = vector.broadcast %add3A_795 : i32 to vector<16xi32>
      %add3A_797 = arith.addi %mul3A_5, %add3A_796 : vector<16xi32>
      %gather3A_798 = tpu.vector_load_idx %arg8[%add3A_797] : memref<256xf32, #tpu.memory_space<vmem>>[vector<16xi32>], vector<16xf32>,
      %add3A_799 = arith.addf %add3A_794, %gather3A_798 : vector<16xf32>
      %add3A_800 = arith.constant 10 : i32
      %add3A_801 = vector.broadcast %add3A_800 : i32 to vector<16xi32>
      %add3A_802 = arith.addi %mul3A_5, %add3A_801 : vector<16xi32>
      %gather3A_803 = tpu.vector_load_idx %arg8[%add3A_802] : memref<256xf32, #tpu.memory_space<vmem>>[vector<16xi32>], vector<16xf32>,
      %add3A_804 = arith.addf %add3A_799, %gather3A_803 : vector<16xf32>
      %add3A_805 = arith.constant 11 : i32
      %add3A_806 = vector.broadcast %add3A_805 : i32 to vector<16xi32>
      %add3A_807 = arith.addi %mul3A_5, %add3A_806 : vector<16xi32>
      %gather3A_808 = tpu.vector_load_idx %arg8[%add3A_807] : memref<256xf32, #tpu.memory_space<vmem>>[vector<16xi32>], vector<16xf32>,
      %add3A_809 = arith.addf %add3A_804, %gather3A_808 : vector<16xf32>
      %add3A_810 = arith.constant 12 : i32
      %add3A_811 = vector.broadcast %add3A_810 : i32 to vector<16xi32>
      %add3A_812 = arith.addi %mul3A_5, %add3A_811 : vector<16xi32>
      %gather3A_813 = tpu.vector_load_idx %arg8[%add3A_812] : memref<256xf32, #tpu.memory_space<vmem>>[vector<16xi32>], vector<16xf32>,
      %add3A_814 = arith.addf %add3A_809, %gather3A_813 : vector<16xf32>
      %add3A_815 = arith.constant 13 : i32
      %add3A_816 = vector.broadcast %add3A_815 : i32 to vector<16xi32>
      %add3A_817 = arith.addi %mul3A_5, %add3A_816 : vector<16xi32>
      %gather3A_818 = tpu.vector_load_idx %arg8[%add3A_817] : memref<256xf32, #tpu.memory_space<vmem>>[vector<16xi32>], vector<16xf32>,
      %add3A_819 = arith.addf %add3A_814, %gather3A_818 : vector<16xf32>
      %add3A_820 = arith.constant 14 : i32
      %add3A_821 = vector.broadcast %add3A_820 : i32 to vector<16xi32>
      %add3A_822 = arith.addi %mul3A_5, %add3A_821 : vector<16xi32>
      %gather3A_823 = tpu.vector_load_idx %arg8[%add3A_822] : memref<256xf32, #tpu.memory_space<vmem>>[vector<16xi32>], vector<16xf32>,
      %add3A_824 = arith.addf %add3A_819, %gather3A_823 : vector<16xf32>
      %add3A_825 = arith.constant 15 : i32
      %add3A_826 = vector.broadcast %add3A_825 : i32 to vector<16xi32>
      %add3A_827 = arith.addi %mul3A_5, %add3A_826 : vector<16xi32>
      %gather3A_828 = tpu.vector_load_idx %arg8[%add3A_827] : memref<256xf32, #tpu.memory_space<vmem>>[vector<16xi32>], vector<16xf32>,
      %add3A_829 = arith.addf %add3A_824, %gather3A_828 : vector<16xf32>
      %bitcast3A = vector.bitcast %add3A_829 : vector<16xf32> to vector<16xi32>
      %shift_right_arithmetic3A = arith.constant 1 : i32
      %shift_right_arithmetic3A_830 = vector.broadcast %shift_right_arithmetic3A : i32 to vector<16xi32>
      %shift_right_arithmetic3A_831 = arith.shrsi %bitcast3A, %shift_right_arithmetic3A_830 : vector<16xi32>
      %sub3A_832 = arith.constant 1597463007 : i32
      %sub3A_833 = vector.broadcast %sub3A_832 : i32 to vector<16xi32>
      %sub3A_834 = arith.subi %sub3A_833, %shift_right_arithmetic3A_831 : vector<16xi32>
      %bitcast3A_835 = vector.bitcast %sub3A_834 : vector<16xi32> to vector<16xf32>
      %mul3A_836 = arith.constant 5.000000e-01 : f32
      %mul3A_837 = vector.broadcast %mul3A_836 : f32 to vector<16xf32>
      %mul3A_838 = arith.mulf %mul3A_837, %add3A_829 : vector<16xf32>
      %mul3A_839 = arith.mulf %mul3A_838, %bitcast3A_835 : vector<16xf32>
      %mul3A_840 = arith.mulf %mul3A_839, %bitcast3A_835 : vector<16xf32>
      %sub3A_841 = arith.constant 1.500000e+00 : f32
      %sub3A_842 = vector.broadcast %sub3A_841 : f32 to vector<16xf32>
      %sub3A_843 = arith.subf %sub3A_842, %mul3A_840 : vector<16xf32>
      %mul3A_844 = arith.mulf %bitcast3A_835, %sub3A_843 : vector<16xf32>
      %mul3A_845 = arith.constant 5.000000e-01 : f32
      %mul3A_846 = vector.broadcast %mul3A_845 : f32 to vector<16xf32>
      %mul3A_847 = arith.mulf %mul3A_846, %add3A_829 : vector<16xf32>
      %mul3A_848 = arith.mulf %mul3A_847, %mul3A_844 : vector<16xf32>
      %mul3A_849 = arith.mulf %mul3A_848, %mul3A_844 : vector<16xf32>
      %sub3A_850 = arith.constant 1.500000e+00 : f32
      %sub3A_851 = vector.broadcast %sub3A_850 : f32 to vector<16xf32>
      %sub3A_852 = arith.subf %sub3A_851, %mul3A_849 : vector<16xf32>
      %mul3A_853 = arith.mulf %mul3A_844, %sub3A_852 : vector<16xf32>
      %mul3A_854 = arith.constant 5.000000e-01 : f32
      %mul3A_855 = vector.broadcast %mul3A_854 : f32 to vector<16xf32>
      %mul3A_856 = arith.mulf %mul3A_855, %add3A_829 : vector<16xf32>
      %mul3A_857 = arith.mulf %mul3A_856, %mul3A_853 : vector<16xf32>
      %mul3A_858 = arith.mulf %mul3A_857, %mul3A_853 : vector<16xf32>
      %sub3A_859 = arith.constant 1.500000e+00 : f32
      %sub3A_860 = vector.broadcast %sub3A_859 : f32 to vector<16xf32>
      %sub3A_861 = arith.subf %sub3A_860, %mul3A_858 : vector<16xf32>
      %mul3A_862 = arith.mulf %mul3A_853, %sub3A_861 : vector<16xf32>
      %mul3A_863 = arith.mulf %add3A_829, %mul3A_862 : vector<16xf32>
      %mul3A_864 = arith.constant 16 : i32
      %mul3A_865 = arith.muli %scan3A_47, %mul3A_864 : i32
      %add3A_866 = arith.constant 256 : i32
      %add3A_867 = arith.addi %add3A_866, %mul3A_865 : i32
      %swap3A_868 = arith.index_cast %add3A_867 : i32 to index
      %swap3A_869 = tpu.vector_load %arg9[%swap3A_868] {strides = array<i32>} : memref<512xf32, #tpu.memory_space<vmem>>, vector<16xf32>,
      tpu.vector_store %arg9[%swap3A_868], %mul3A_863 {strides = array<i32>} : memref<512xf32, #tpu.memory_space<vmem>>, vector<16xf32>,
      %scan3A_870 = arith.constant 0 : i32
      scf.yield %scan3A_870 : i32
    }
    %scan3A_46 = arith.constant 16 : i32
    "tpu.region"() ({
      %run_scoped3A = tpu.sem_alloc : memref<!tpu.dma_semaphore, #tpu.memory_space<semaphore_mem>>
      %dma_start3A = tpu.memref_slice %arg4[%mul3A_2] : memref<16384xf32, #tpu.memory_space<hbm>> -> memref<512xf32, #tpu.memory_space<hbm>>
      %dma_start3A_47 = tpu.memref_slice %arg4[%mul3A_2] : memref<16384xf32, #tpu.memory_space<hbm>> -> memref<512xf32, #tpu.memory_space<hbm>>
      tpu.enqueue_dma source(%arg9 : memref<512xf32, #tpu.memory_space<vmem>>) target(%dma_start3A_47 : memref<512xf32, #tpu.memory_space<hbm>>) target_semaphore(%run_scoped3A : memref<!tpu.dma_semaphore, #tpu.memory_space<semaphore_mem>>)
      %dma_wait3A = tpu.memref_slice %arg4[%mul3A_2] : memref<16384xf32, #tpu.memory_space<hbm>> -> memref<512xf32, #tpu.memory_space<hbm>>
      %dma_wait3A_48 = tpu.memref_slice %arg4[%mul3A_2] : memref<16384xf32, #tpu.memory_space<hbm>> -> memref<512xf32, #tpu.memory_space<hbm>>
      tpu.wait_dma2 semaphore(%run_scoped3A : memref<!tpu.dma_semaphore, #tpu.memory_space<semaphore_mem>>) src(%arg9 : memref<512xf32, #tpu.memory_space<vmem>>) dst(%dma_wait3A_48 : memref<512xf32, #tpu.memory_space<hbm>>)
      tpu.yield
    }) : () -> ()
    return
  }
}

</mosaic_0001>

<sc_bundles>
// kernel: kernel.3.cloned.1.call-start
scs
__scs_entry_jumppad:
0x0: {  	(pc) =	sbr.rel $0x88, $3  }
0x1: {  	(tag) =	ssettag $0x0;
	lr =	simm.s32 $0x1  }
0x2: {  	[smem:$0x3F9F] =	sst lr;
	_ =	strace $0xD0000000  }
0x3: {  	_ = 	snop  }
0x4: {  	_ = 	snop  }
0x5: {  	_ = 	snop  }
0x6: {  	_ = 	snop  }
0x7: {  	_ = 	snop  }
__scs_overlays_trampoline_lowered:
0x8: {  	[smem:$0x3FAE] =	sst s0  }
0x9: {  	[smem:$0x3FAF] =	sst s1  }
0xa: {  	[smem:$0x3FB0] =	sst s2  }
0xb: {  	[smem:$0x3FB1] =	sst s3  }
0xc: {  	[smem:$0x3FB2] =	sst s4  }
0xd: {  	[smem:$0x3FB3] =	sst s5  }
0xe: {  	[smem:$0x3FB4] =	sst s6  }
0xf: {  	[smem:$0x3FB5] =	sst s7  }
0x10: {  	[smem:$0x3FB6] =	sst s8  }
0x11: {  	[smem:$0x3FB7] =	sst s9;
	s0 =	simm.s32 @!p0 $0x0  }
0x12: {  	s1 =	sld [smem:$0x3F9D];
	s0 =	simm.s32 @p0 $0x1  }
0x13: {  	[smem:$0x3FB8] =	sst s0;
	s0 =	simm.s32 @!p1 $0x0  }
0x14: {  	s2 =	sld [smem:$0x3F9C];
	s0 =	simm.s32 @p1 $0x1  }
0x15: {  	[smem:$0x3FB9] =	sst s0;
	s0 =	simm.s32 @!p2 $0x0  }
0x16: {  	s3 =	sld [smem:$0x3FDB];
	s0 =	simm.s32 @p2 $0x1  }
0x17: {  	s4 =	simm.s32 $0x1BF5;
	[smem:$0x3FBB] =	sst s0  }
0x18: {  	s0 =	sld [smem:$0x3F9E];
	_ =	swait.ge [sflag:s4], $0x0  }
0x19: {  	s7 =	sld [smem:$0x3F9F]  }
0x1a: {  	s8 =	sadd.s32 $0xFFFFE003, lr  }
0x1b: {  	s9 =	sadd.s32 $0xFFFFFEF7, lr;
	s5 =	simm.s32 $0xFFFFFFFF;
	p2 =	slt.u32 s8, $0xFFFFF086  }
0x1c: {  	p1 =	slt.u32 s9, $0xF7A;
	s5 =	simm.s32 @!p2 $0x0  }
0x1d: {  	s5 =	simm.s32 @p1 $0x1;
	p0 =	seq.s32 s7, s2  }
0x1e: {  	s7 =	smul.u32 @!p0 $0xF7A, s2;
	p2 =	seq.s32 @!p0 s5, $0x0  }
0x1f: {  	s9 =	smul.u32 $0xF7A, s1;
	s8 =	simm.s32 @!p0 $0x1BF5;
	p2 =	por !p2, p0  }
0x20: {  	[sflag:s8] =	ssyncset.s32 @!p0 $0xFFFFF086;
	s6 =	sadd.s32 @!p0 s3, s7;
	s7 =	simm.s32 @!p0 $0x108  }
0x21: {  	s3 =	sadd.s32 s3, s9;
	s6 =	sadd.s32 @!p0 $0x88, s6;
	s7 =	simm.s32 @p2 $0x1082  }
0x22: {  	[simem:s7], [sflag:s8] =	dma.local @!p0 [hbm:s6], $0xF7A  }
0x23: {  	s9 =	sor.u32 $0xD0000000, s2;
	s6 =	simm.s32 $0x108;
	_ =	swait.ge @!p0 [sflag:s8], $0x0  }
0x24: {  	s3 =	sadd.s32 $0x88, s3;
	s6 =	simm.s32 @!p1 $0x1082;
	[sflag:s4] =	ssyncset.s32 $0xFFFFF086  }
0x25: {  	[simem:s6], [sflag:s4] =	dma.local [hbm:s3], $0xF7A  }
0x26: {  	[smem:$0x3F9F] =	sst s1;
	(tag) =	ssettag s2;
	_ =	strace s9  }
0x27: {  	s1 =	sld [smem:$0x3FAF]  }
0x28: {  	s2 =	sld [smem:$0x3FB0]  }
0x29: {  	s4 =	sld [smem:$0x3FB2]  }
0x2a: {  	p0 =	seq.s32 s5, $0x0;
	s5 =	sld [smem:$0x3FB3]  }
0x2b: {  	s6 =	sld [smem:$0x3FB4]  }
0x2c: {  	s7 =	sld [smem:$0x3FB5]  }
0x2d: {  	s3 =	simm.s32 $0x108;
	s8 =	sld [smem:$0x3FB6]  }
0x2e: {  	s3 =	simm.s32 @!p0 $0x1082;
	s9 =	sld [smem:$0x3FB7]  }
0x2f: {  	lr =	sadd.s32 s0, s3;
	s0 =	sld [smem:$0x3FAE]  }
0x30: {  	s3 =	sld [smem:$0x3FB1]  }
0x31: {  	[smem:$0x3FBA] =	sst s10  }
0x32: {  	s10 =	sld [smem:$0x3FB8];
	_ =	sdelay $0x3  }
0x33: {  	p0 =	seq.s32 s10, $0x1;
	s10 =	sld [smem:$0x3FBA];
	_ =	sdelay $0x3  }
0x34: {  	[smem:$0x3FBA] =	sst s10  }
0x35: {  	s10 =	sld [smem:$0x3FB9];
	_ =	sdelay $0x3  }
0x36: {  	p1 =	seq.s32 s10, $0x1;
	s10 =	sld [smem:$0x3FBA];
	_ =	sdelay $0x3  }
0x37: {  	[smem:$0x3FBA] =	sst s10  }
0x38: {  	s10 =	sld [smem:$0x3FBB]  }
0x39: {  	_ = 	snop;
	(pc) =	sbr.ind lr, $3  }
0x3a: {  	_ = 	snop  }
0x3b: {  	_ = 	snop  }
0x3c: {  	p2 =	seq.s32 s10, $0x1;
	s10 =	sld [smem:$0x3FBA]  }
0x3d: {  	_ =	shalt  }
0x3e: {  	_ =	shalt  }
0x3f: {  	_ =	shalt  }
0x40: {  	_ =	shalt  }
0x41: {  	_ =	shalt  }
0x42: {  	_ =	shalt  }
0x43: {  	_ =	shalt  }
0x44: {  	_ =	shalt  }
0x45: {  	_ =	shalt  }
0x46: {  	_ =	shalt  }
0x47: {  	_ =	shalt  }
0x48: {  	_ =	shalt  }
0x49: {  	_ =	shalt  }
0x4a: {  	_ =	shalt  }
0x4b: {  	_ =	shalt  }
0x4c: {  	_ =	shalt  }
0x4d: {  	_ =	shalt  }
0x4e: {  	_ =	shalt  }
0x4f: {  	_ =	shalt  }
0x50: {  	_ =	shalt  }
0x51: {  	_ =	shalt  }
0x52: {  	_ =	shalt  }
0x53: {  	_ =	shalt  }
0x54: {  	_ =	shalt  }
0x55: {  	_ =	shalt  }
0x56: {  	_ =	shalt  }
0x57: {  	_ =	shalt  }
0x58: {  	_ =	shalt  }
0x59: {  	_ =	shalt  }
0x5a: {  	_ =	shalt  }
0x5b: {  	_ =	shalt  }
0x5c: {  	_ =	shalt  }
0x5d: {  	_ =	shalt  }
0x5e: {  	_ =	shalt  }
0x5f: {  	_ =	shalt  }
0x60: {  	_ =	shalt  }
0x61: {  	_ =	shalt  }
0x62: {  	_ =	shalt  }
0x63: {  	_ =	shalt  }
0x64: {  	_ =	shalt  }
0x65: {  	_ =	shalt  }
0x66: {  	_ =	shalt  }
0x67: {  	_ =	shalt  }
0x68: {  	_ =	shalt  }
0x69: {  	_ =	shalt  }
0x6a: {  	_ =	shalt  }
0x6b: {  	_ =	shalt  }
0x6c: {  	_ =	shalt  }
0x6d: {  	_ =	shalt  }
0x6e: {  	_ =	shalt  }
0x6f: {  	_ =	shalt  }
0x70: {  	_ =	shalt  }
0x71: {  	_ =	shalt  }
0x72: {  	_ =	shalt  }
0x73: {  	_ =	shalt  }
0x74: {  	_ =	shalt  }
0x75: {  	_ =	shalt  }
0x76: {  	_ =	shalt  }
0x77: {  	_ =	shalt  }
0x78: {  	_ =	shalt  }
0x79: {  	_ =	shalt  }
0x7a: {  	_ =	shalt  }
0x7b: {  	_ =	shalt  }
0x7c: {  	_ =	shalt  }
0x7d: {  	_ =	shalt  }
0x7e: {  	_ =	shalt  }
0x7f: {  	_ =	shalt  }
0x80: {  	_ =	shalt  }
0x81: {  	_ =	shalt  }
0x82: {  	_ =	shalt  }
0x83: {  	_ =	shalt  }
0x84: {  	_ =	shalt  }
0x85: {  	_ =	shalt  }
0x86: {  	_ =	shalt  }
0x87: {  	_ =	shalt  }
.Lfunc_end0:
.L_simem_size_0:
called_computation_lowered:
.L_overlay_start_0:
0x88: {  	s2 =	sld [smem:$0x3FD9]  }
0x89: {  	s3 =	sld [smem:$0x3FFE];
	_ =	sdelay $0x1  }
0x8a: {  	s1 =	srdreg.scid  }
0x8b: {  	s0 =	sand.u32 $0x1, s1  }
0x8c: {  	s17 =	sshll.u32 s0, $0xA;
	s2 =	sadd.s32 s3, s2  }
0x8d: {  	s2 =	sadd.s32 s2, s17  }
0x8e: {  	[smem:$0x3FC6] =	sst s2  }
0x8f: {  	_ = 	snop  }
0x90: {  	s2 =	sld [smem:$0x3FC9]  }
0x91: {  	s18 =	sld [smem:$0x3FD0];
	(tm) =	ssettm $0x1  }
0x92: {  	s4 =	sld [smem:$0x3FFB];
	_ =	sdelay $0x3  }
0x93: {  	_ =	strace s4  }
0x94: {  	s4 =	sld [smem:$0x3FFC];
	_ =	sdelay $0x3  }
0x95: {  	_ =	strace s4  }
0x96: {  	s4 =	sld [smem:$0x3FFD];
	_ =	sdelay $0x3  }
0x97: {  	_ =	strace s4  }
0x98: {  	_ =	strace $0x8FFFFFFF  }
0x99: {  	s19 =	sld [smem:$0x3FDB];
	_ =	sdelay $0x1  }
0x9a: {  	s5 =	simm.s32 $_scs_section_size  }
0x9b: {  	s6 =	simm.s32 $_size__tile_overlayer_lowered;
	s7 =	simm.s32 $_tile_overlayer_lowered  }
0x9c: {  	s22 =	simm.s32 $0x1BFF;
	s21 =	sshll.u32 s7, $0x1;
	s4 =	sadd.s32 s5, s19  }
0x9d: {  	s8 =	simm.s32 $0x0;
	s20 =	sshll.u32 s6, $0x1;
	s6 =	sadd.s32 s21, s4  }
0x9e: {  	[timem:s8], [sflag:s22] =	dma.local [hbm:s6], s20  }
0x9f: {  	_ =	swait.ge [sflag:s22], s20  }
0xa0: {  	s5 =	ssub.s32 $0x0, s20;
	[sflag:s22] =	ssyncset.done $0x0  }
0xa1: {  	[sflag:s22] =	ssyncadd.s32 s5;
	_ =	sdelay $0x1  }
0xa2: {  	s23 =	simm.s32 $0x1B8B  }
0xa3: {  	_ =	swait.ge [sflag:s23], $0x1  }
0xa4: {  	[sflag:s23] =	ssyncset.done $0x0  }
0xa5: {  	s25 =	simm.s32 $0x1B8E;
	s24 =	sld [smem:$0x3FFE];
	[sflag:s23] =	ssyncadd.s32 $0xFFFFFFFF  }
0xa6: {  	s26 =	simm.s32 $execute0_lowered;
	[smem:$0x3FD2] =	sst s25  }
0xa7: {  	s6 =	sshll.u32 s26, $0x1;
	_ =	strace $0x80000046;
	[dreg:$0x1] =	wrdreg $0xFFFFFFFF  }
0xa8: {  	s28 =	simm.s32 $_size_execute0_lowered;
	s4 =	sadd.s32 s4, s6;
	[dreg:$0x0] =	wrdreg $0x0  }
0xa9: {  	s6 =	sshll.u32 s28, $0x1;
	[dreg:$0x2] =	wrdreg s4  }
0xaa: {  	[dreg:$0x3] =	wrdreg s6  }
0xab: {  	[dreg:$0x4] =	wrdreg $0xC0  }
0xac: {  	_ =	task [dreg:s8], $0x5FFFF  }
0xad: {  	[dreg:$0x1] =	wrdreg $0xFFFFFFFF  }
0xae: {  	[dreg:$0x0] =	wrdreg $0x60  }
0xaf: {  	[dreg:$0x2] =	wrdreg s2  }
0xb0: {  	[dreg:$0x3] =	wrdreg s24  }
0xb1: {  	[dreg:$0x4] =	wrdreg s18  }
0xb2: {  	[dreg:$0x5] =	wrdreg $0x9  }
0xb3: {  	_ =	task.clear_ibuf [dreg:s8], $0x6FFFF;
	_ =	strace $0x90000046  }
0xb4: {  	s29 =	simm.s32 $0x9;
	_ =	strace $0x80000048  }
0xb5: {  	_ =	swait.ge [sflag:s29], $0x1  }
0xb6: {  	[sflag:s29] =	ssyncadd.s32 $0xFFFFFFFF  }
0xb7: {  	_ =	strace $0x90000048  }
0xb8: {  	_ =	sfence  }
0xb9: {  	s30 =	sld [smem:$0x0];
	_ =	sdelay $0x2  }
0xba: {  	s31 =	sshll.u32 s1, $0xD;
	s1 =	sshrl.u32 s1, $0x2  }
0xbb: {  	s3 =	sand.u32 $0x4000, s31;
	s1 =	sadd.s32 s1, s30  }
0xbc: {  	s0 =	sor.u32 s3, s0;
	s1 =	sshll.u32 s1, $0x11  }
0xbd: {  	s0 =	sor.u32 s1, s0  }
0xbe: {  	s0 =	sadd.s32 $0x8F2B, s0  }
0xbf: {  	[sflag:s0] =	ssyncadd.remote.s32 $0x1  }
0xc0: {  	_ =	sfence.sel $0xFFFF  }
0xc1: {  	[dreg:$0x0] =	wrdreg $0xFFFFFFFF;
	(pc) =	sbr.abs _section_cstart, $3  }
0xc2: {  	[dreg:$0x1] =	wrdreg $0xFFFFFFFF  }
0xc3: {  	_ =	task.clear_ibuf [dreg:s8], $0x2FFFF;
	_ =	strace $0x9FFFFFFF  }
0xc4: {  	(tm) =	ssettm $0x7FFFFFFF  }
0xc5: {  	_ =	shalt  }
tec
execute0_lowered:
.L_overlay_start_1:
0x0: {  	(tag) =	ssettag $0x1  }
0x1: {  	s0 =	rddreg [dreg:$0x0]  }
0x2: {  	s1 =	rddreg [dreg:$0x1];
	s3 =	srdreg.scid  }
0x3: {  	s4 =	rddreg [dreg:$0x2];
	v0 =	vlaneseq.u32;
	s6 =	stileid.u32;
	s5 =	sand.u32 $0x1, s3  }
0x4: {  	s10 =	simm.s32 $0x0;
	v0 =	vmul.u32 $0x10, v0;
	s6 =	sshll.u32 s6, $0xA;
	s7 =	sshll.u32 s5, $0x9  }
0x5: {  	[smem:$0x7FF] =	sst s10;
	s3 =	sadd.s32 $0x400, s1;
	s28 =	sor.u32 s7, s6  }
0x6: {  	_ =	strace $0x80000047;
	s26 =	ssub.s32 $0x2, s5;
	v1 =	vor.u32 $0x1, v0;
	v2 =	vor.u32 $0x2, v0;
	v3 =	vor.u32 $0x3, v0;
	s7 =	sshrl.u32 s28, $0x1  }
0x7: {  	s29 =	sshrl.u32 s26, $0x1;
	v4 =	vor.u32 $0x4, v0;
	v5 =	vor.u32 $0x5, v0;
	v6 =	vor.u32 $0x6, v0;
	s5 =	sshrl.u32 s28, $0x3;
	s0 =	sadd.s32 s0, s7  }
0x8: {  	v7 =	vor.u32 $0x7, v0;
	v8 =	vor.u32 $0x8, v0;
	v9 =	vor.u32 $0x9, v0;
	s1 =	ssub.s32 s26, s29;
	s30 =	sadd.s32 s4, s5;
	[dreg:$0x16] =	wrdreg s0  }
0x9: {  	v10 =	vor.u32 $0xA, v0;
	v11 =	vor.u32 $0xB, v0;
	v12 =	vor.u32 $0xC, v0;
	s31 =	smax.u32 s1, $0x1;
	[dreg:$0x17] =	wrdreg s30  }
0xa: {  	v13 =	vor.u32 $0xD, v0;
	v14 =	vor.u32 $0xE, v0;
	v15 =	vor.u32 $0xF, v0;
	s4 =	simm.s32 $0x2;
	s1 =	simm.s32 $0x0;
	[dreg:$0x18] =	wrdreg s31  }
.LBB2_1:
0xb: {  	[dreg:$0x19] =	wrdreg s1  }
0xc: {  	s0 =	rddreg [dreg:$0x16]  }
0xd: {  	[tilespmem:s10], [sflag:$0x2] =	stream.linear.gather [hbm4b:s0+s10], $0x800, $0x38;
	[tilespmem:$0x10B00] =	vst v63  }
0xe: {  	_ =	swait.ge [sflag:s4], $0x800  }
0xf: {  	s25 =	sand.u32 $0x70, s10;
	s26 =	sand.u32 $0x200, s10;
	[sflag:s4] =	ssyncset.done $0x0  }
0x10: {  	s0 =	sor.u32 s25, s26;
	[sflag:s4] =	ssyncadd.s32 $0xFFFFF800  }
0x11: {  	v16 =	vld [tilespmem:s0+$0x0]  }
0x12: {  	v18 =	vld [tilespmem:s0+$0x80];
	_ =	sdelay $0x3  }
0x13: {  	v17 =	vshll.u32 v16, $0x4  }
0x14: {  	v16 =	vshll.u32 v18, $0x4;
	(v2sf) =	vpush v17, $0x0  }
0x15: {  	(v2sf) =	vpush v16, $0x0  }
0x16: {  	(v2sf) =	vpush v17, $0x1;
	_ =	sdelay $0x1  }
0x17: {  	(v2sf) =	vpush v16, $0x1  }
0x18: {  	(v2sf) =	vpush v17, $0x2;
	_ =	sdelay $0x3  }
0x19: {  	s13 =	simm.s32 $0x2000;
	s12 =	simm.s32 $0x0;
	(v2sf) =	vpush v16, $0x2  }
0x1a: {  	s1 =	simm.s32 $0xB00;
	s23 =	simm.s32 $0x8C80;
	s6 =	simm.s32 $0x8880  }
0x1b: {  	s5 =	simm.s32 $0xA00;
	s24 =	simm.s32 $0x8D00;
	s16 =	simm.s32 $0xE80;
	(v2sf) =	vpush v17, $0x3  }
0x1c: {  	s15 =	simm.s32 $0xF00;
	s14 =	simm.s32 $0x8F00;
	s8 =	simm.s32 $0x880  }
0x1d: {  	s9 =	simm.s32 $0x800;
	s30 =	simm.s32 $0x8800;
	s18 =	simm.s32 $0x8E80  }
0x1e: {  	s22 =	simm.s32 $0x900;
	s29 =	simm.s32 $0xD80;
	s28 =	simm.s32 $0x8D80  }
0x1f: {  	s31 =	simm.s32 $0xE00;
	s25 =	simm.s32 $0xC80;
	s7 =	spop (v2sf);
	(v2sf) =	vpush v16, $0x3  }
0x20: {  	s26 =	simm.s32 $0xD00;
	s7 =	sand.u32 $0x1FFFFFF0, s7;
	s2 =	spop (v2sf)  }
0x21: {  	(v2sf) =	vpush v17, $0x4;
	s7 =	sadd.s32 s3, s7;
	s2 =	sand.u32 $0x1FFFFFF0, s2;
	s11 =	spop (v2sf)  }
0x22: {  	(v2sf) =	vpush v16, $0x4;
	[tilespmem:s9], [sflag:$0x1] =	stream.linear.gather [hbm4b:s7+s10], $0x80, $0x38;
	[tilespmem:$0x10B00] =	vst v63  }
0x23: {  	s9 =	sadd.s32 s3, s2;
	s2 =	sand.u32 $0x1FFFFFF0, s11;
	s11 =	spop (v2sf)  }
0x24: {  	s4 =	simm.s32 $0xA80;
	(v2sf) =	vpush v17, $0x5;
	s19 =	sand.u32 $0x1FFFFFF0, s11;
	s20 =	spop (v2sf)  }
0x25: {  	(v2sf) =	vpush v16, $0x5;
	[tilespmem:s30], [sflag:$0x1] =	stream.linear.gather [hbm4b:s9+s10], $0x80, $0x38;
	[tilespmem:$0x10B00] =	vst v63  }
0x26: {  	s0 =	simm.s32 $0x8B80;
	s17 =	sadd.s32 s3, s2;
	s21 =	sadd.s32 s3, s19  }
0x27: {  	(v2sf) =	vpush v17, $0x6;
	[tilespmem:s8], [sflag:$0x1] =	stream.linear.gather [hbm4b:s17+s10], $0x80, $0x38;
	[tilespmem:$0x10B00] =	vst v63  }
0x28: {  	s7 =	sand.u32 $0x1FFFFFF0, s20;
	s30 =	spop (v2sf);
	s19 =	simm.s32 $0x980  }
0x29: {  	[tilespmem:s6], [sflag:$0x1] =	stream.linear.gather [hbm4b:s21+s10], $0x80, $0x38;
	[tilespmem:$0x10B00] =	vst v63  }
0x2a: {  	s7 =	sadd.s32 s3, s7;
	s2 =	spop (v2sf);
	s8 =	sand.u32 $0x1FFFFFF0, s30  }
0x2b: {  	(v2sf) =	vpush v16, $0x6;
	[tilespmem:s22], [sflag:$0x1] =	stream.linear.gather [hbm4b:s7+s10], $0x80, $0x38;
	[tilespmem:$0x10B00] =	vst v63  }
0x2c: {  	s11 =	sand.u32 $0x1FFFFFF0, s2;
	s8 =	sadd.s32 s3, s8;
	s7 =	simm.s32 $0x8900  }
0x2d: {  	[tilespmem:s7], [sflag:$0x1] =	stream.linear.gather [hbm4b:s8+s10], $0x80, $0x38;
	[tilespmem:$0x10B00] =	vst v63  }
0x2e: {  	s17 =	simm.s32 $0x4000;
	s8 =	sadd.s32 s3, s11;
	s20 =	spop (v2sf)  }
0x2f: {  	(v2sf) =	vpush v17, $0x7;
	[tilespmem:s19], [sflag:$0x1] =	stream.linear.gather [hbm4b:s8+s10], $0x80, $0x38;
	[tilespmem:$0x10B00] =	vst v63  }
0x30: {  	s2 =	simm.s32 $0x8E00;
	s7 =	sand.u32 $0x1FFFFFF0, s20;
	s22 =	spop (v2sf)  }
0x31: {  	s21 =	simm.s32 $0x8980;
	(v2sf) =	vpush v16, $0x7;
	s7 =	sadd.s32 s3, s7;
	s30 =	spop (v2sf)  }
0x32: {  	(v2sf) =	vpush v17, $0x8;
	[tilespmem:s21], [sflag:$0x1] =	stream.linear.gather [hbm4b:s7+s10], $0x80, $0x38;
	[tilespmem:$0x10B00] =	vst v63  }
0x33: {  	s20 =	simm.s32 $0x8A00;
	s8 =	sand.u32 $0x1FFFFFF0, s22;
	s21 =	spop (v2sf)  }
0x34: {  	s11 =	sadd.s32 s3, s8;
	s19 =	sand.u32 $0x1FFFFFF0, s30;
	(v2sf) =	vpush v16, $0x8;
	s22 =	spop (v2sf)  }
0x35: {  	[tilespmem:s5], [sflag:$0x1] =	stream.linear.gather [hbm4b:s11+s10], $0x80, $0x38;
	[tilespmem:$0x10B00] =	vst v63  }
0x36: {  	s7 =	sadd.s32 s3, s19;
	s6 =	sand.u32 $0x1FFFFFF0, s21;
	s30 =	spop (v2sf)  }
0x37: {  	[tilespmem:s20], [sflag:$0x1] =	stream.linear.gather [hbm4b:s7+s10], $0x80, $0x38;
	[tilespmem:$0x10B00] =	vst v63  }
0x38: {  	(v2sf) =	vpush v17, $0x9;
	s6 =	sadd.s32 s3, s6;
	s8 =	sand.u32 $0x1FFFFFF0, s30;
	s7 =	sand.u32 $0x1FFFFFF0, s22  }
0x39: {  	[tilespmem:s4], [sflag:$0x1] =	stream.linear.gather [hbm4b:s6+s10], $0x80, $0x38;
	[tilespmem:$0x10B00] =	vst v63  }
0x3a: {  	(v2sf) =	vpush v16, $0x9;
	s9 =	spop (v2sf);
	s7 =	sadd.s32 s3, s7;
	s6 =	simm.s32 $0x8A80  }
0x3b: {  	[tilespmem:s6], [sflag:$0x1] =	stream.linear.gather [hbm4b:s7+s10], $0x80, $0x38;
	[tilespmem:$0x10B00] =	vst v63  }
0x3c: {  	s5 =	simm.s32 $0xC00;
	s7 =	sadd.s32 s3, s8;
	s6 =	sand.u32 $0x1FFFFFF0, s9  }
0x3d: {  	[tilespmem:s1], [sflag:$0x1] =	stream.linear.gather [hbm4b:s7+s10], $0x80, $0x38;
	[tilespmem:$0x10B00] =	vst v63  }
0x3e: {  	s11 =	simm.s32 $0x8B00;
	s6 =	sadd.s32 s3, s6;
	s19 =	spop (v2sf)  }
0x3f: {  	[tilespmem:s11], [sflag:$0x1] =	stream.linear.gather [hbm4b:s6+s10], $0x80, $0x38;
	[tilespmem:$0x10B00] =	vst v63  }
0x40: {  	s4 =	simm.s32 $0xB80;
	s7 =	sand.u32 $0x1FFFFFF0, s19;
	s20 =	spop (v2sf)  }
0x41: {  	s21 =	sadd.s32 s3, s7;
	s22 =	sand.u32 $0x1FFFFFF0, s20;
	s30 =	spop (v2sf)  }
0x42: {  	(v2sf) =	vpush v17, $0xA;
	[tilespmem:s4], [sflag:$0x1] =	stream.linear.gather [hbm4b:s21+s10], $0x80, $0x38;
	[tilespmem:$0x10B00] =	vst v63  }
0x43: {  	s8 =	sadd.s32 s3, s22;
	s9 =	sand.u32 $0x1FFFFFF0, s30;
	s11 =	spop (v2sf);
	(v2sf) =	vpush v16, $0xA  }
0x44: {  	(v2sf) =	vpush v17, $0xB;
	[tilespmem:s0], [sflag:$0x1] =	stream.linear.gather [hbm4b:s8+s10], $0x80, $0x38;
	[tilespmem:$0x10B00] =	vst v63  }
0x45: {  	s19 =	simm.s32 $0x40;
	s20 =	sadd.s32 s3, s9;
	s21 =	sand.u32 $0x1FFFFFF0, s11;
	(v2sf) =	vpush v16, $0xB  }
0x46: {  	(v2sf) =	vpush v17, $0xC;
	[tilespmem:s5], [sflag:$0x1] =	stream.linear.gather [hbm4b:s20+s10], $0x80, $0x38;
	[tilespmem:$0x10B00] =	vst v63  }
0x47: {  	s22 =	simm.s32 $0x8C00;
	s30 =	spop (v2sf);
	s1 =	sadd.s32 s3, s21;
	(v2sf) =	vpush v16, $0xC  }
0x48: {  	(v2sf) =	vpush v17, $0xD;
	[tilespmem:s22], [sflag:$0x1] =	stream.linear.gather [hbm4b:s1+s10], $0x80, $0x38;
	[tilespmem:$0x10B00] =	vst v63  }
0x49: {  	s0 =	spop (v2sf);
	s20 =	simm.s32 $0x10;
	s1 =	sand.u32 $0x1FFFFFF0, s30;
	(v2sf) =	vpush v16, $0xD  }
.LBB2_2:
0x4a: {  	_ =	sdelay $0x4  }
0x4b: {  	s1 =	sadd.s32 s3, s1;
	s0 =	sand.u32 $0x1FFFFFF0, s0  }
0x4c: {  	[tilespmem:s25], [sflag:$0x1] =	stream.linear.gather [hbm4b:s1+s10], $0x80, $0x38;
	[tilespmem:$0x10B00] =	vst v63  }
0x4d: {  	s0 =	sadd.s32 s3, s0;
	s4 =	spop (v2sf);
	(v2sf) =	vpush v17, $0xE  }
0x4e: {  	[tilespmem:s23], [sflag:$0x1] =	stream.linear.gather [hbm4b:s0+s10], $0x80, $0x38;
	[tilespmem:$0x10B00] =	vst v63  }
0x4f: {  	s25 =	sand.u32 $0x1FFFFFF0, s4;
	s30 =	spop (v2sf);
	(v2sf) =	vpush v16, $0xE  }
0x50: {  	s1 =	sadd.s32 s3, s25;
	s4 =	sand.u32 $0x1FFFFFF0, s30;
	s5 =	spop (v2sf)  }
0x51: {  	(v2sf) =	vpush v17, $0xF;
	[tilespmem:s26], [sflag:$0x1] =	stream.linear.gather [hbm4b:s1+s10], $0x80, $0x38;
	[tilespmem:$0x10B00] =	vst v63  }
0x52: {  	s6 =	sadd.s32 s3, s4;
	s7 =	sand.u32 $0x1FFFFFF0, s5;
	s8 =	spop (v2sf)  }
0x53: {  	[tilespmem:s24], [sflag:$0x1] =	stream.linear.gather [hbm4b:s6+s10], $0x80, $0x38;
	[tilespmem:$0x10B00] =	vst v63  }
0x54: {  	s9 =	sadd.s32 s3, s7;
	s11 =	sand.u32 $0x1FFFFFF0, s8;
	s21 =	spop (v2sf)  }
0x55: {  	(v2sf) =	vpush v16, $0xF;
	[tilespmem:s29], [sflag:$0x1] =	stream.linear.gather [hbm4b:s9+s10], $0x80, $0x38;
	[tilespmem:$0x10B00] =	vst v63  }
0x56: {  	s22 =	sadd.s32 s3, s11;
	s23 =	sand.u32 $0x1FFFFFF0, s21;
	s24 =	spop (v2sf)  }
0x57: {  	[tilespmem:s28], [sflag:$0x1] =	stream.linear.gather [hbm4b:s22+s10], $0x80, $0x38;
	[tilespmem:$0x10B00] =	vst v63  }
0x58: {  	s25 =	sadd.s32 s3, s23;
	s26 =	sand.u32 $0x1FFFFFF0, s24;
	s30 =	spop (v2sf)  }
0x59: {  	[tilespmem:s31], [sflag:$0x1] =	stream.linear.gather [hbm4b:s25+s10], $0x80, $0x38;
	[tilespmem:$0x10B00] =	vst v63  }
0x5a: {  	s1 =	sadd.s32 s3, s26;
	s4 =	sand.u32 $0x1FFFFFF0, s30;
	s5 =	spop (v2sf)  }
0x5b: {  	[tilespmem:s2], [sflag:$0x1] =	stream.linear.gather [hbm4b:s1+s10], $0x80, $0x38;
	[tilespmem:$0x10B00] =	vst v63  }
0x5c: {  	s6 =	sadd.s32 s3, s4;
	s7 =	sand.u32 $0x1FFFFFF0, s5;
	s8 =	spop (v2sf)  }
0x5d: {  	[tilespmem:s16], [sflag:$0x1] =	stream.linear.gather [hbm4b:s6+s10], $0x80, $0x38;
	[tilespmem:$0x10B00] =	vst v63  }
0x5e: {  	s9 =	sadd.s32 s3, s7;
	s11 =	sand.u32 $0x1FFFFFF0, s8;
	s16 =	spop (v2sf)  }
0x5f: {  	[tilespmem:s18], [sflag:$0x1] =	stream.linear.gather [hbm4b:s9+s10], $0x80, $0x38;
	[tilespmem:$0x10B00] =	vst v63  }
0x60: {  	s21 =	sadd.s32 s3, s11;
	s22 =	sand.u32 $0x1FFFFFF0, s16;
	s23 =	spop (v2sf)  }
0x61: {  	[tilespmem:s15], [sflag:$0x1] =	stream.linear.gather [hbm4b:s21+s10], $0x80, $0x38;
	[tilespmem:$0x10B00] =	vst v63  }
0x62: {  	s24 =	sadd.s32 s3, s22;
	s25 =	sand.u32 $0x1FFFFFF0, s23  }
0x63: {  	[tilespmem:s14], [sflag:$0x1] =	stream.linear.gather [hbm4b:s24+s10], $0x80, $0x38;
	[tilespmem:$0x10B00] =	vst v63  }
0x64: {  	s30 =	sadd.s32 $0xF80, s12;
	s26 =	spop (v2sf);
	s1 =	sadd.s32 s3, s25  }
0x65: {  	[tilespmem:s30], [sflag:$0x1] =	stream.linear.gather [hbm4b:s1+s10], $0x80, $0x38;
	[tilespmem:$0x10B00] =	vst v63  }
0x66: {  	s2 =	sand.u32 $0x200, s19;
	s4 =	sand.u32 $0x1FFFFFF0, s26;
	s1 =	sand.u32 $0x70, s20  }
0x67: {  	s5 =	sadd.s32 $0x8F80, s12;
	s6 =	sadd.s32 s3, s4;
	s1 =	sor.u32 s1, s2  }
0x68: {  	[tilespmem:s5], [sflag:$0x1] =	stream.linear.gather [hbm4b:s6+s10], $0x80, $0x38;
	[tilespmem:$0x10B00] =	vst v63  }
0x69: {  	v16 =	vld [tilespmem:s1+$0x0]  }
0x6a: {  	v18 =	vld [tilespmem:s1+$0x80];
	_ =	sdelay $0x3  }
0x6b: {  	v17 =	vshll.u32 v16, $0x4  }
0x6c: {  	v16 =	vshll.u32 v18, $0x4;
	(v2sf) =	vpush v17, $0x0  }
0x6d: {  	s12 =	sshra.s32 s13, $0x2;
	(v2sf) =	vpush v16, $0x0  }
0x6e: {  	p0 =	sne.s32 s17, $0x1E000;
	s7 =	sadd.s32 $0xB00, s12;
	s13 =	sadd.s32 $0xA00, s12;
	(v2sf) =	vpush v17, $0x1  }
0x6f: {  	s29 =	sadd.s32 $0xD80, s12;
	s28 =	sadd.s32 $0x8D80, s12;
	[dreg:$0x8] =	wrdreg s7  }
0x70: {  	[dreg:$0x12] =	wrdreg s13;
	s7 =	sadd.s32 $0x8A80, s12;
	s13 =	sadd.s32 $0x8980, s12;
	(v2sf) =	vpush v16, $0x1  }
0x71: {  	s31 =	sadd.s32 $0xE00, s12;
	s19 =	sadd.s32 $0x40, s19;
	s8 =	sadd.s32 $0x8C80, s12  }
0x72: {  	[dreg:$0x14] =	wrdreg s8;
	s11 =	sadd.s32 $0x8880, s12;
	s9 =	sadd.s32 $0x8B80, s12;
	(v2sf) =	vpush v17, $0x2  }
0x73: {  	s8 =	sadd.s32 $0x880, s12;
	s16 =	sadd.s32 $0xB80, s12;
	[dreg:$0x4] =	wrdreg s9  }
0x74: {  	s18 =	sadd.s32 $0x8B00, s12;
	s23 =	sadd.s32 $0x8F00, s12;
	[dreg:$0xa] =	wrdreg s16  }
0x75: {  	[dreg:$0xe] =	wrdreg s18;
	s9 =	sadd.s32 $0x8A00, s12;
	s16 =	sadd.s32 $0x8800, s12;
	(v2sf) =	vpush v16, $0x2  }
0x76: {  	s18 =	sadd.s32 $0x900, s12;
	s26 =	sadd.s32 $0xD00, s12;
	s15 =	sadd.s32 $0xC00, s12;
	(v2sf) =	vpush v17, $0x3  }
0x77: {  	s25 =	sadd.s32 $0xE80, s12;
	s21 =	sadd.s32 $0x8C00, s12;
	[dreg:$0x6] =	wrdreg s15  }
0x78: {  	s4 =	sadd.s32 $0xC80, s12;
	[dreg:$0xc] =	wrdreg s21;
	s14 =	sadd.s32 $0xA80, s12  }
0x79: {  	s15 =	sadd.s32 $0x980, s12;
	s24 =	sadd.s32 $0x8D00, s12;
	[dreg:$0x10] =	wrdreg s14  }
0x7a: {  	s14 =	sadd.s32 $0x8900, s12;
	s20 =	sadd.s32 $0x10, s20;
	s30 =	sadd.s32 $0x800, s12;
	(v2sf) =	vpush v16, $0x3  }
0x7b: {  	s2 =	sadd.s32 $0x8E00, s12;
	s6 =	sadd.s32 $0xF00, s12;
	s21 =	spop (v2sf)  }
0x7c: {  	s5 =	smov.u32 s17;
	(v2sf) =	vpush v17, $0x4;
	s21 =	sand.u32 $0x1FFFFFF0, s21;
	s22 =	spop (v2sf)  }
0x7d: {  	s21 =	sadd.s32 s3, s21;
	s0 =	sand.u32 $0x1FFFFFF0, s22;
	s22 =	spop (v2sf)  }
0x7e: {  	[tilespmem:s30], [sflag:$0x1] =	stream.linear.gather [hbm4b:s21+s10], $0x80, $0x38;
	[tilespmem:$0x10B00] =	vst v63  }
0x7f: {  	(v2sf) =	vpush v16, $0x4;
	s0 =	sadd.s32 s3, s0;
	s22 =	sand.u32 $0x1FFFFFF0, s22;
	s30 =	spop (v2sf)  }
0x80: {  	[tilespmem:s16], [sflag:$0x1] =	stream.linear.gather [hbm4b:s0+s10], $0x80, $0x38;
	[tilespmem:$0x10B00] =	vst v63  }
0x81: {  	(v2sf) =	vpush v17, $0x5;
	s21 =	sadd.s32 s3, s22;
	s22 =	sand.u32 $0x1FFFFFF0, s30;
	s30 =	spop (v2sf)  }
0x82: {  	(v2sf) =	vpush v16, $0x5;
	[tilespmem:s8], [sflag:$0x1] =	stream.linear.gather [hbm4b:s21+s10], $0x80, $0x38;
	[tilespmem:$0x10B00] =	vst v63  }
0x83: {  	s17 =	sadd.s32 $0x2000, s17;
	s16 =	sand.u32 $0x1FFFFFF0, s30;
	s8 =	sadd.s32 s3, s22  }
0x84: {  	s21 =	spop (v2sf);
	s22 =	sadd.s32 s3, s16;
	s16 =	smov.u32 s25  }
0x85: {  	(v2sf) =	vpush v17, $0x6;
	s25 =	smov.u32 s4;
	s30 =	sand.u32 $0x1FFFFFF0, s21;
	s4 =	spop (v2sf)  }
0x86: {  	[tilespmem:s11], [sflag:$0x1] =	stream.linear.gather [hbm4b:s8+s10], $0x80, $0x38;
	[tilespmem:$0x10B00] =	vst v63  }
0x87: {  	s1 =	sadd.s32 $0x8E80, s12;
	(v2sf) =	vpush v16, $0x6;
	s8 =	sadd.s32 s3, s30;
	s21 =	sand.u32 $0x1FFFFFF0, s4  }
0x88: {  	[tilespmem:s18], [sflag:$0x1] =	stream.linear.gather [hbm4b:s22+s10], $0x80, $0x38;
	[tilespmem:$0x10B00] =	vst v63  }
0x89: {  	(v2sf) =	vpush v17, $0x7;
	s30 =	sadd.s32 s3, s21;
	s18 =	smov.u32 s1;
	s22 =	spop (v2sf)  }
0x8a: {  	[tilespmem:s14], [sflag:$0x1] =	stream.linear.gather [hbm4b:s8+s10], $0x80, $0x38;
	[tilespmem:$0x10B00] =	vst v63  }
0x8b: {  	s1 =	sand.u32 $0x1FFFFFF0, s22;
	s4 =	spop (v2sf);
	s14 =	smov.u32 s23  }
0x8c: {  	s23 =	rddreg [dreg:$0x14];
	s21 =	sadd.s32 s3, s1;
	s22 =	sand.u32 $0x1FFFFFF0, s4  }
0x8d: {  	(v2sf) =	vpush v16, $0x7;
	[tilespmem:s15], [sflag:$0x1] =	stream.linear.gather [hbm4b:s30+s10], $0x80, $0x38;
	[tilespmem:$0x10B00] =	vst v63  }
0x8e: {  	s1 =	sadd.s32 s3, s22;
	s15 =	smov.u32 s6;
	s30 =	spop (v2sf)  }
0x8f: {  	(v2sf) =	vpush v17, $0x8;
	[tilespmem:s13], [sflag:$0x1] =	stream.linear.gather [hbm4b:s21+s10], $0x80, $0x38;
	[tilespmem:$0x10B00] =	vst v63  }
0x90: {  	s13 =	smov.u32 s5;
	s4 =	sand.u32 $0x1FFFFFF0, s30;
	s5 =	spop (v2sf)  }
0x91: {  	s6 =	rddreg [dreg:$0x12];
	s8 =	sadd.s32 s3, s4;
	s21 =	spop (v2sf)  }
0x92: {  	[tilespmem:s6], [sflag:$0x1] =	stream.linear.gather [hbm4b:s1+s10], $0x80, $0x38;
	[tilespmem:$0x10B00] =	vst v63  }
0x93: {  	(v2sf) =	vpush v16, $0x8;
	s11 =	sand.u32 $0x1FFFFFF0, s5;
	s5 =	rddreg [dreg:$0x10];
	s30 =	sand.u32 $0x1FFFFFF0, s21  }
0x94: {  	(v2sf) =	vpush v17, $0x9;
	s22 =	sadd.s32 s3, s11;
	s4 =	spop (v2sf);
	s6 =	sadd.s32 s3, s30  }
0x95: {  	[tilespmem:s9], [sflag:$0x1] =	stream.linear.gather [hbm4b:s8+s10], $0x80, $0x38;
	[tilespmem:$0x10B00] =	vst v63  }
0x96: {  	(v2sf) =	vpush v16, $0x9;
	s9 =	sand.u32 $0x1FFFFFF0, s4;
	s4 =	rddreg [dreg:$0x8];
	s11 =	spop (v2sf)  }
0x97: {  	[tilespmem:s5], [sflag:$0x1] =	stream.linear.gather [hbm4b:s22+s10], $0x80, $0x38;
	[tilespmem:$0x10B00] =	vst v63  }
0x98: {  	s21 =	sadd.s32 s3, s9;
	s22 =	sand.u32 $0x1FFFFFF0, s11;
	s30 =	spop (v2sf)  }
0x99: {  	[tilespmem:s7], [sflag:$0x1] =	stream.linear.gather [hbm4b:s6+s10], $0x80, $0x38;
	[tilespmem:$0x10B00] =	vst v63  }
0x9a: {  	s9 =	rddreg [dreg:$0xe];
	s5 =	sadd.s32 s3, s22;
	s7 =	sand.u32 $0x1FFFFFF0, s30  }
0x9b: {  	[tilespmem:s4], [sflag:$0x1] =	stream.linear.gather [hbm4b:s21+s10], $0x80, $0x38;
	[tilespmem:$0x10B00] =	vst v63  }
0x9c: {  	s30 =	rddreg [dreg:$0xa];
	s8 =	spop (v2sf);
	s11 =	sadd.s32 s3, s7  }
0x9d: {  	[tilespmem:s9], [sflag:$0x1] =	stream.linear.gather [hbm4b:s5+s10], $0x80, $0x38;
	[tilespmem:$0x10B00] =	vst v63  }
0x9e: {  	s7 =	rddreg [dreg:$0x4];
	s21 =	sand.u32 $0x1FFFFFF0, s8;
	s22 =	spop (v2sf)  }
0x9f: {  	(v2sf) =	vpush v17, $0xA;
	[tilespmem:s30], [sflag:$0x1] =	stream.linear.gather [hbm4b:s11+s10], $0x80, $0x38;
	[tilespmem:$0x10B00] =	vst v63  }
0xa0: {  	(v2sf) =	vpush v16, $0xA;
	s1 =	sadd.s32 s3, s21;
	s4 =	sand.u32 $0x1FFFFFF0, s22;
	s21 =	rddreg [dreg:$0x6]  }
0xa1: {  	(v2sf) =	vpush v17, $0xB;
	[tilespmem:s7], [sflag:$0x1] =	stream.linear.gather [hbm4b:s1+s10], $0x80, $0x38;
	[tilespmem:$0x10B00] =	vst v63  }
.Ltmp0:
0xa2: {  	(v2sf) =	vpush v16, $0xB;
	s8 =	sadd.s32 s3, s4;
	s6 =	spop (v2sf);
	(pc) =	sbr.rel @p0 .LBB2_2-.Ltmp0, $4  }
0xa3: {  	(v2sf) =	vpush v17, $0xC;
	s30 =	rddreg [dreg:$0xc];
	s9 =	sand.u32 $0x1FFFFFF0, s6;
	s11 =	spop (v2sf)  }
0xa4: {  	(v2sf) =	vpush v16, $0xC;
	[tilespmem:s21], [sflag:$0x1] =	stream.linear.gather [hbm4b:s8+s10], $0x80, $0x38;
	[tilespmem:$0x10B00] =	vst v63  }
0xa5: {  	(v2sf) =	vpush v17, $0xD;
	s22 =	sadd.s32 s3, s9;
	s1 =	sand.u32 $0x1FFFFFF0, s11;
	s0 =	spop (v2sf)  }
0xa6: {  	(v2sf) =	vpush v16, $0xD;
	[tilespmem:s30], [sflag:$0x1] =	stream.linear.gather [hbm4b:s22+s10], $0x80, $0x38;
	[tilespmem:$0x10B00] =	vst v63  }
0xa7: {  	_ =	sdelay $0x2  }
0xa8: {  	s1 =	sadd.s32 s3, s1;
	s0 =	sand.u32 $0x1FFFFFF0, s0  }
0xa9: {  	[tilespmem:s25], [sflag:$0x1] =	stream.linear.gather [hbm4b:s1+s10], $0x80, $0x38;
	[tilespmem:$0x10B00] =	vst v63  }
0xaa: {  	s0 =	sadd.s32 s3, s0  }
0xab: {  	[tilespmem:s23], [sflag:$0x1] =	stream.linear.gather [hbm4b:s0+s10], $0x80, $0x38;
	[tilespmem:$0x10B00] =	vst v63  }
0xac: {  	s25 =	spop (v2sf)  }
0xad: {  	s0 =	sand.u32 $0x1FFFFFF0, s25  }
0xae: {  	s0 =	sadd.s32 s3, s0  }
0xaf: {  	[tilespmem:s26], [sflag:$0x1] =	stream.linear.gather [hbm4b:s0+s10], $0x80, $0x38;
	[tilespmem:$0x10B00] =	vst v63  }
0xb0: {  	s26 =	spop (v2sf)  }
0xb1: {  	s0 =	sand.u32 $0x1FFFFFF0, s26  }
0xb2: {  	s30 =	spop (v2sf);
	s0 =	sadd.s32 s3, s0  }
0xb3: {  	[tilespmem:s24], [sflag:$0x1] =	stream.linear.gather [hbm4b:s0+s10], $0x80, $0x38;
	[tilespmem:$0x10B00] =	vst v63  }
0xb4: {  	s0 =	sand.u32 $0x1FFFFFF0, s30  }
0xb5: {  	s1 =	spop (v2sf);
	s0 =	sadd.s32 s3, s0  }
0xb6: {  	[tilespmem:s29], [sflag:$0x1] =	stream.linear.gather [hbm4b:s0+s10], $0x80, $0x38;
	[tilespmem:$0x10B00] =	vst v63  }
0xb7: {  	(v2sf) =	vpush v17, $0xE;
	s4 =	spop (v2sf);
	s0 =	sand.u32 $0x1FFFFFF0, s1  }
0xb8: {  	s5 =	spop (v2sf);
	s0 =	sadd.s32 s3, s0  }
0xb9: {  	(v2sf) =	vpush v16, $0xE;
	[tilespmem:s28], [sflag:$0x1] =	stream.linear.gather [hbm4b:s0+s10], $0x80, $0x38;
	[tilespmem:$0x10B00] =	vst v63  }
0xba: {  	s0 =	sand.u32 $0x1FFFFFF0, s4  }
0xbb: {  	s6 =	spop (v2sf);
	s0 =	sadd.s32 s3, s0  }
0xbc: {  	(v2sf) =	vpush v17, $0xF;
	[tilespmem:s31], [sflag:$0x1] =	stream.linear.gather [hbm4b:s0+s10], $0x80, $0x38;
	[tilespmem:$0x10B00] =	vst v63  }
0xbd: {  	s0 =	sand.u32 $0x1FFFFFF0, s5  }
0xbe: {  	s7 =	spop (v2sf);
	s0 =	sadd.s32 s3, s0  }
0xbf: {  	(v2sf) =	vpush v16, $0xF;
	[tilespmem:s2], [sflag:$0x1] =	stream.linear.gather [hbm4b:s0+s10], $0x80, $0x38;
	[tilespmem:$0x10B00] =	vst v63  }
0xc0: {  	s0 =	sand.u32 $0x1FFFFFF0, s6  }
0xc1: {  	s0 =	sadd.s32 s3, s0  }
0xc2: {  	[tilespmem:s16], [sflag:$0x1] =	stream.linear.gather [hbm4b:s0+s10], $0x80, $0x38;
	[tilespmem:$0x10B00] =	vst v63  }
0xc3: {  	s0 =	sand.u32 $0x1FFFFFF0, s7  }
0xc4: {  	s0 =	sadd.s32 s3, s0  }
0xc5: {  	[tilespmem:s18], [sflag:$0x1] =	stream.linear.gather [hbm4b:s0+s10], $0x80, $0x38;
	[tilespmem:$0x10B00] =	vst v63  }
0xc6: {  	s8 =	spop (v2sf)  }
0xc7: {  	s0 =	sand.u32 $0x1FFFFFF0, s8  }
0xc8: {  	s0 =	sadd.s32 s3, s0;
	s9 =	spop (v2sf)  }
0xc9: {  	[tilespmem:s15], [sflag:$0x1] =	stream.linear.gather [hbm4b:s0+s10], $0x80, $0x38;
	[tilespmem:$0x10B00] =	vst v63  }
0xca: {  	s0 =	sand.u32 $0x1FFFFFF0, s9  }
0xcb: {  	s11 =	spop (v2sf);
	s0 =	sadd.s32 s3, s0  }
0xcc: {  	[tilespmem:s14], [sflag:$0x1] =	stream.linear.gather [hbm4b:s0+s10], $0x80, $0x38;
	[tilespmem:$0x10B00] =	vst v63  }
0xcd: {  	s0 =	sand.u32 $0x1FFFFFF0, s11  }
0xce: {  	s15 =	spop (v2sf);
	s14 =	sadd.s32 $0xF80, s12;
	s0 =	sadd.s32 s3, s0  }
0xcf: {  	[tilespmem:s14], [sflag:$0x1] =	stream.linear.gather [hbm4b:s0+s10], $0x80, $0x38;
	[tilespmem:$0x10B00] =	vst v63  }
0xd0: {  	s17 =	sand.u32 $0x70, s20;
	s0 =	sand.u32 $0x1FFFFFF0, s15  }
0xd1: {  	s16 =	sadd.s32 $0x8F80, s12;
	s18 =	sand.u32 $0x200, s19;
	s0 =	sadd.s32 s3, s0  }
0xd2: {  	[tilespmem:s16], [sflag:$0x1] =	stream.linear.gather [hbm4b:s0+s10], $0x80, $0x38;
	[tilespmem:$0x10B00] =	vst v63  }
0xd3: {  	s0 =	sor.u32 s17, s18  }
0xd4: {  	v16 =	vld [tilespmem:s0+$0x0];
	_ =	sdelay $0x1  }
0xd5: {  	v18 =	vld [tilespmem:s0+$0x80];
	_ =	sdelay $0x2  }
0xd6: {  	v17 =	vshll.u32 v16, $0x4  }
0xd7: {  	(v2sf) =	vpush v17, $0x0  }
0xd8: {  	v16 =	vshll.u32 v18, $0x4  }
0xd9: {  	(v2sf) =	vpush v16, $0x0;
	_ =	sdelay $0x1  }
0xda: {  	(v2sf) =	vpush v17, $0x1;
	_ =	sdelay $0x2  }
0xdb: {  	(v2sf) =	vpush v16, $0x1;
	_ =	sdelay $0x7  }
0xdc: {  	s19 =	spop (v2sf);
	(v2sf) =	vpush v17, $0x2;
	_ =	sdelay $0x1  }
0xdd: {  	s21 =	spop (v2sf);
	(v2sf) =	vpush v16, $0x2;
	_ =	sdelay $0x1  }
0xde: {  	s23 =	spop (v2sf);
	(v2sf) =	vpush v17, $0x3;
	_ =	sdelay $0x2  }
0xdf: {  	s25 =	spop (v2sf);
	(v2sf) =	vpush v16, $0x3;
	_ =	sdelay $0x4  }
0xe0: {  	s12 =	sshra.s32 s13, $0x2;
	s0 =	sand.u32 $0x1FFFFFF0, s19  }
0xe1: {  	s20 =	sadd.s32 $0x800, s12;
	s0 =	sadd.s32 s3, s0  }
0xe2: {  	[tilespmem:s20], [sflag:$0x1] =	stream.linear.gather [hbm4b:s0+s10], $0x80, $0x38;
	[tilespmem:$0x10B00] =	vst v63  }
0xe3: {  	s28 =	spop (v2sf);
	(v2sf) =	vpush v17, $0x4  }
0xe4: {  	s0 =	sand.u32 $0x1FFFFFF0, s21  }
0xe5: {  	s22 =	sadd.s32 $0x8800, s12;
	s0 =	sadd.s32 s3, s0;
	s30 =	spop (v2sf);
	(v2sf) =	vpush v16, $0x4  }
0xe6: {  	[tilespmem:s22], [sflag:$0x1] =	stream.linear.gather [hbm4b:s0+s10], $0x80, $0x38;
	[tilespmem:$0x10B00] =	vst v63  }
0xe7: {  	s0 =	sand.u32 $0x1FFFFFF0, s23;
	s2 =	spop (v2sf);
	(v2sf) =	vpush v17, $0x5  }
0xe8: {  	s24 =	sadd.s32 $0x880, s12;
	s0 =	sadd.s32 s3, s0  }
0xe9: {  	[tilespmem:s24], [sflag:$0x1] =	stream.linear.gather [hbm4b:s0+s10], $0x80, $0x38;
	[tilespmem:$0x10B00] =	vst v63  }
0xea: {  	s5 =	spop (v2sf);
	(v2sf) =	vpush v16, $0x5  }
0xeb: {  	s0 =	sand.u32 $0x1FFFFFF0, s25  }
0xec: {  	s26 =	sadd.s32 $0x8880, s12;
	s0 =	sadd.s32 s3, s0  }
0xed: {  	[tilespmem:s26], [sflag:$0x1] =	stream.linear.gather [hbm4b:s0+s10], $0x80, $0x38;
	[tilespmem:$0x10B00] =	vst v63  }
0xee: {  	s0 =	sand.u32 $0x1FFFFFF0, s28  }
0xef: {  	s29 =	sadd.s32 $0x900, s12;
	s0 =	sadd.s32 s3, s0  }
0xf0: {  	[tilespmem:s29], [sflag:$0x1] =	stream.linear.gather [hbm4b:s0+s10], $0x80, $0x38;
	[tilespmem:$0x10B00] =	vst v63  }
0xf1: {  	s0 =	sand.u32 $0x1FFFFFF0, s30  }
0xf2: {  	s31 =	sadd.s32 $0x8900, s12;
	s0 =	sadd.s32 s3, s0;
	s7 =	spop (v2sf);
	(v2sf) =	vpush v17, $0x6  }
0xf3: {  	[tilespmem:s31], [sflag:$0x1] =	stream.linear.gather [hbm4b:s0+s10], $0x80, $0x38;
	[tilespmem:$0x10B00] =	vst v63  }
0xf4: {  	s9 =	spop (v2sf);
	(v2sf) =	vpush v16, $0x6  }
0xf5: {  	s0 =	sand.u32 $0x1FFFFFF0, s2  }
0xf6: {  	s4 =	sadd.s32 $0x980, s12;
	s0 =	sadd.s32 s3, s0;
	s13 =	spop (v2sf);
	(v2sf) =	vpush v17, $0x7  }
0xf7: {  	[tilespmem:s4], [sflag:$0x1] =	stream.linear.gather [hbm4b:s0+s10], $0x80, $0x38;
	[tilespmem:$0x10B00] =	vst v63  }
0xf8: {  	s0 =	sand.u32 $0x1FFFFFF0, s5  }
0xf9: {  	s6 =	sadd.s32 $0x8980, s12;
	s0 =	sadd.s32 s3, s0;
	s15 =	spop (v2sf);
	(v2sf) =	vpush v16, $0x7  }
0xfa: {  	[tilespmem:s6], [sflag:$0x1] =	stream.linear.gather [hbm4b:s0+s10], $0x80, $0x38;
	[tilespmem:$0x10B00] =	vst v63  }
0xfb: {  	s0 =	sand.u32 $0x1FFFFFF0, s7  }
0xfc: {  	s8 =	sadd.s32 $0xA00, s12;
	s0 =	sadd.s32 s3, s0  }
0xfd: {  	[tilespmem:s8], [sflag:$0x1] =	stream.linear.gather [hbm4b:s0+s10], $0x80, $0x38;
	[tilespmem:$0x10B00] =	vst v63  }
0xfe: {  	s0 =	sand.u32 $0x1FFFFFF0, s9  }
0xff: {  	s11 =	sadd.s32 $0x8A00, s12;
	s0 =	sadd.s32 s3, s0  }
0x100: {  	[tilespmem:s11], [sflag:$0x1] =	stream.linear.gather [hbm4b:s0+s10], $0x80, $0x38;
	[tilespmem:$0x10B00] =	vst v63  }
0x101: {  	s17 =	spop (v2sf);
	(v2sf) =	vpush v17, $0x8  }
0x102: {  	s0 =	sand.u32 $0x1FFFFFF0, s13  }
0x103: {  	s14 =	sadd.s32 $0xA80, s12;
	s0 =	sadd.s32 s3, s0;
	s19 =	spop (v2sf);
	(v2sf) =	vpush v16, $0x8  }
0x104: {  	[tilespmem:s14], [sflag:$0x1] =	stream.linear.gather [hbm4b:s0+s10], $0x80, $0x38;
	[tilespmem:$0x10B00] =	vst v63  }
0x105: {  	s0 =	sand.u32 $0x1FFFFFF0, s15;
	s21 =	spop (v2sf);
	(v2sf) =	vpush v17, $0x9  }
0x106: {  	s16 =	sadd.s32 $0x8A80, s12;
	s0 =	sadd.s32 s3, s0  }
0x107: {  	[tilespmem:s16], [sflag:$0x1] =	stream.linear.gather [hbm4b:s0+s10], $0x80, $0x38;
	[tilespmem:$0x10B00] =	vst v63  }
0x108: {  	s23 =	spop (v2sf);
	(v2sf) =	vpush v16, $0x9  }
0x109: {  	s0 =	sand.u32 $0x1FFFFFF0, s17  }
0x10a: {  	s18 =	sadd.s32 $0xB00, s12;
	s0 =	sadd.s32 s3, s0  }
0x10b: {  	[tilespmem:s18], [sflag:$0x1] =	stream.linear.gather [hbm4b:s0+s10], $0x80, $0x38;
	[tilespmem:$0x10B00] =	vst v63  }
0x10c: {  	s0 =	sand.u32 $0x1FFFFFF0, s19  }
0x10d: {  	s20 =	sadd.s32 $0x8B00, s12;
	s0 =	sadd.s32 s3, s0  }
0x10e: {  	[tilespmem:s20], [sflag:$0x1] =	stream.linear.gather [hbm4b:s0+s10], $0x80, $0x38;
	[tilespmem:$0x10B00] =	vst v63  }
0x10f: {  	s0 =	sand.u32 $0x1FFFFFF0, s21  }
0x110: {  	s22 =	sadd.s32 $0xB80, s12;
	s0 =	sadd.s32 s3, s0;
	s25 =	spop (v2sf);
	(v2sf) =	vpush v17, $0xA  }
0x111: {  	[tilespmem:s22], [sflag:$0x1] =	stream.linear.gather [hbm4b:s0+s10], $0x80, $0x38;
	[tilespmem:$0x10B00] =	vst v63  }
0x112: {  	s28 =	spop (v2sf);
	(v2sf) =	vpush v16, $0xA  }
0x113: {  	s0 =	sand.u32 $0x1FFFFFF0, s23  }
0x114: {  	s24 =	sadd.s32 $0x8B80, s12;
	s0 =	sadd.s32 s3, s0;
	s30 =	spop (v2sf);
	(v2sf) =	vpush v17, $0xB  }
0x115: {  	[tilespmem:s24], [sflag:$0x1] =	stream.linear.gather [hbm4b:s0+s10], $0x80, $0x38;
	[tilespmem:$0x10B00] =	vst v63  }
0x116: {  	s0 =	sand.u32 $0x1FFFFFF0, s25  }
0x117: {  	s26 =	sadd.s32 $0xC00, s12;
	s0 =	sadd.s32 s3, s0;
	s2 =	spop (v2sf);
	(v2sf) =	vpush v16, $0xB  }
0x118: {  	[tilespmem:s26], [sflag:$0x1] =	stream.linear.gather [hbm4b:s0+s10], $0x80, $0x38;
	[tilespmem:$0x10B00] =	vst v63  }
0x119: {  	s0 =	sand.u32 $0x1FFFFFF0, s28  }
0x11a: {  	s29 =	sadd.s32 $0x8C00, s12;
	s0 =	sadd.s32 s3, s0  }
0x11b: {  	[tilespmem:s29], [sflag:$0x1] =	stream.linear.gather [hbm4b:s0+s10], $0x80, $0x38;
	[tilespmem:$0x10B00] =	vst v63  }
0x11c: {  	s0 =	sand.u32 $0x1FFFFFF0, s30  }
0x11d: {  	s31 =	sadd.s32 $0xC80, s12;
	s0 =	sadd.s32 s3, s0  }
0x11e: {  	[tilespmem:s31], [sflag:$0x1] =	stream.linear.gather [hbm4b:s0+s10], $0x80, $0x38;
	[tilespmem:$0x10B00] =	vst v63  }
0x11f: {  	s5 =	spop (v2sf);
	(v2sf) =	vpush v17, $0xC  }
0x120: {  	s0 =	sand.u32 $0x1FFFFFF0, s2  }
0x121: {  	s4 =	sadd.s32 $0x8C80, s12;
	s0 =	sadd.s32 s3, s0;
	s7 =	spop (v2sf);
	(v2sf) =	vpush v16, $0xC  }
0x122: {  	[tilespmem:s4], [sflag:$0x1] =	stream.linear.gather [hbm4b:s0+s10], $0x80, $0x38;
	[tilespmem:$0x10B00] =	vst v63  }
0x123: {  	s0 =	sand.u32 $0x1FFFFFF0, s5;
	s9 =	spop (v2sf);
	(v2sf) =	vpush v17, $0xD  }
0x124: {  	s6 =	sadd.s32 $0xD00, s12;
	s0 =	sadd.s32 s3, s0  }
0x125: {  	[tilespmem:s6], [sflag:$0x1] =	stream.linear.gather [hbm4b:s0+s10], $0x80, $0x38;
	[tilespmem:$0x10B00] =	vst v63  }
0x126: {  	s13 =	spop (v2sf);
	(v2sf) =	vpush v16, $0xD  }
0x127: {  	s0 =	sand.u32 $0x1FFFFFF0, s7  }
0x128: {  	s8 =	sadd.s32 $0x8D00, s12;
	s0 =	sadd.s32 s3, s0  }
0x129: {  	[tilespmem:s8], [sflag:$0x1] =	stream.linear.gather [hbm4b:s0+s10], $0x80, $0x38;
	[tilespmem:$0x10B00] =	vst v63  }
0x12a: {  	s0 =	sand.u32 $0x1FFFFFF0, s9  }
0x12b: {  	s11 =	sadd.s32 $0xD80, s12;
	s0 =	sadd.s32 s3, s0  }
0x12c: {  	[tilespmem:s11], [sflag:$0x1] =	stream.linear.gather [hbm4b:s0+s10], $0x80, $0x38;
	[tilespmem:$0x10B00] =	vst v63  }
0x12d: {  	s0 =	sand.u32 $0x1FFFFFF0, s13  }
0x12e: {  	s14 =	sadd.s32 $0x8D80, s12;
	s0 =	sadd.s32 s3, s0;
	s15 =	spop (v2sf);
	(v2sf) =	vpush v17, $0xE  }
0x12f: {  	[tilespmem:s14], [sflag:$0x1] =	stream.linear.gather [hbm4b:s0+s10], $0x80, $0x38;
	[tilespmem:$0x10B00] =	vst v63  }
0x130: {  	s17 =	spop (v2sf);
	(v2sf) =	vpush v16, $0xE  }
0x131: {  	s0 =	sand.u32 $0x1FFFFFF0, s15  }
0x132: {  	s16 =	sadd.s32 $0xE00, s12;
	s0 =	sadd.s32 s3, s0;
	s19 =	spop (v2sf)  }
0x133: {  	(v2sf) =	vpush v17, $0xF;
	[tilespmem:s16], [sflag:$0x1] =	stream.linear.gather [hbm4b:s0+s10], $0x80, $0x38;
	[tilespmem:$0x10B00] =	vst v63  }
0x134: {  	s0 =	sand.u32 $0x1FFFFFF0, s17  }
0x135: {  	s18 =	sadd.s32 $0x8E00, s12;
	s21 =	spop (v2sf);
	s0 =	sadd.s32 s3, s0  }
0x136: {  	(v2sf) =	vpush v16, $0xF;
	[tilespmem:s18], [sflag:$0x1] =	stream.linear.gather [hbm4b:s0+s10], $0x80, $0x38;
	[tilespmem:$0x10B00] =	vst v63  }
0x137: {  	s0 =	sand.u32 $0x1FFFFFF0, s19  }
0x138: {  	s20 =	sadd.s32 $0xE80, s12;
	s0 =	sadd.s32 s3, s0  }
0x139: {  	[tilespmem:s20], [sflag:$0x1] =	stream.linear.gather [hbm4b:s0+s10], $0x80, $0x38;
	[tilespmem:$0x10B00] =	vst v63  }
0x13a: {  	s0 =	sand.u32 $0x1FFFFFF0, s21  }
0x13b: {  	s22 =	sadd.s32 $0x8E80, s12;
	s0 =	sadd.s32 s3, s0  }
0x13c: {  	[tilespmem:s22], [sflag:$0x1] =	stream.linear.gather [hbm4b:s0+s10], $0x80, $0x38;
	[tilespmem:$0x10B00] =	vst v63  }
0x13d: {  	s23 =	spop (v2sf)  }
0x13e: {  	s0 =	sand.u32 $0x1FFFFFF0, s23  }
0x13f: {  	s24 =	sadd.s32 $0xF00, s12;
	s25 =	spop (v2sf);
	s0 =	sadd.s32 s3, s0  }
0x140: {  	[tilespmem:s24], [sflag:$0x1] =	stream.linear.gather [hbm4b:s0+s10], $0x80, $0x38;
	[tilespmem:$0x10B00] =	vst v63  }
0x141: {  	s0 =	sand.u32 $0x1FFFFFF0, s25  }
0x142: {  	s26 =	sadd.s32 $0x8F00, s12;
	s28 =	spop (v2sf);
	s0 =	sadd.s32 s3, s0  }
0x143: {  	[tilespmem:s26], [sflag:$0x1] =	stream.linear.gather [hbm4b:s0+s10], $0x80, $0x38;
	[tilespmem:$0x10B00] =	vst v63  }
0x144: {  	s0 =	sand.u32 $0x1FFFFFF0, s28  }
0x145: {  	s29 =	sadd.s32 $0xF80, s12;
	s30 =	spop (v2sf);
	s0 =	sadd.s32 s3, s0  }
0x146: {  	[tilespmem:s29], [sflag:$0x1] =	stream.linear.gather [hbm4b:s0+s10], $0x80, $0x38;
	[tilespmem:$0x10B00] =	vst v63  }
0x147: {  	s0 =	sand.u32 $0x1FFFFFF0, s30  }
0x148: {  	s1 =	simm.s32 $0x1;
	s31 =	sadd.s32 $0x8F80, s12;
	s0 =	sadd.s32 s3, s0  }
0x149: {  	[tilespmem:s31], [sflag:$0x1] =	stream.linear.gather [hbm4b:s0+s10], $0x80, $0x38;
	[tilespmem:$0x10B00] =	vst v63  }
0x14a: {  	_ =	swait.ge [sflag:s1], $0x80  }
0x14b: {  	[sflag:s1] =	ssyncset.done $0x0  }
0x14c: {  	[sflag:s1] =	ssyncadd.s32 $0xFFFFFF80  }
0x14d: {  	_ =	swait.ge [sflag:s1], $0x80  }
0x14e: {  	s0 =	simm.s32 $0xFF;
	[sflag:s1] =	ssyncset.done $0x0  }
.LBB2_4:
0x14f: {  	p0 =	sne.s32 s0, $0x1;
	s0 =	sadd.s32 $0xFFFFFFFF, s0;
	[sflag:s1] =	ssyncadd.s32 $0xFFFFFF80  }
.Ltmp1:
0x150: {  	_ =	swait.ge [sflag:s1], $0x80;
	(pc) =	sbr.rel @p0 .LBB2_4-.Ltmp1, $4  }
0x151: {  	[sflag:s1] =	ssyncset.done $0x0  }
0x152: {  	[sflag:s1] =	ssyncadd.s32 $0xFFFFFF80  }
0x153: {  	_ =	swait.ge [sflag:s1], $0x80  }
0x154: {  	[sflag:s1] =	ssyncset.done $0x0  }
0x155: {  	[sflag:s1] =	ssyncadd.s32 $0xFFFFFF80;
	s12 =	simm.s32 $0x0  }
0x156: {  	s13 =	simm.s32 $0x10900;
	s14 =	simm.s32 $0x0;
	s0 =	simm.s32 $0x10800  }
.LBB2_6:
0x157: {  	s15 =	sshra.s32 s14, $0x2  }
0x158: {  	v16 =	vld [tilespmem:s15+$0x800]  }
0x159: {  	v17 =	vld [tilespmem:s15+$0x8800]  }
0x15a: {  	v18 =	vld [tilespmem:s15+$0x810]  }
0x15b: {  	v19 =	vld [tilespmem:s15+$0x8810]  }
0x15c: {  	v20 =	vld [tilespmem:s15+$0x820]  }
0x15d: {  	v21 =	vld [tilespmem:s15+$0x8820]  }
0x15e: {  	v22 =	vld [tilespmem:s15+$0x830]  }
0x15f: {  	v23 =	vld [tilespmem:s15+$0x8830]  }
0x160: {  	v16 =	vsub.f32 v16, v17;
	v17 =	vsub.f32 v18, v19;
	_ =	sdelay $0x1  }
0x161: {  	v50 =	vsub.f32 v20, v21;
	v16 =	vmul.f32 v16, v16;
	v17 =	vmul.f32 v17, v17;
	_ =	sdelay $0x1  }
0x162: {  	v51 =	vsub.f32 v22, v23;
	v16 =	vadd.f32 v17, v16;
	v17 =	vmul.f32 v50, v50;
	_ =	sdelay $0x1  }
0x163: {  	v16 =	vadd.f32 v17, v16;
	v17 =	vmul.f32 v51, v51;
	_ =	sdelay $0x1  }
0x164: {  	v16 =	vadd.f32 v17, v16;
	_ =	sdelay $0x1  }
0x165: {  	[tilespmem:$0x10800] =	vst v16  }
0x166: {  	v16 =	vld [tilespmem:s15+$0x880]  }
0x167: {  	v17 =	vld [tilespmem:s15+$0x8880]  }
0x168: {  	v52 =	vld [tilespmem:s15+$0x890]  }
0x169: {  	v53 =	vld [tilespmem:s15+$0x8890]  }
0x16a: {  	v54 =	vld [tilespmem:s15+$0x8A0]  }
0x16b: {  	v55 =	vld [tilespmem:s15+$0x88A0]  }
0x16c: {  	v56 =	vld [tilespmem:s15+$0x8B0]  }
0x16d: {  	v57 =	vld [tilespmem:s15+$0x88B0]  }
0x16e: {  	v16 =	vsub.f32 v16, v17;
	v17 =	vsub.f32 v52, v53;
	_ =	sdelay $0x1  }
0x16f: {  	v58 =	vsub.f32 v54, v55;
	v16 =	vmul.f32 v16, v16;
	v17 =	vmul.f32 v17, v17;
	_ =	sdelay $0x1  }
0x170: {  	v59 =	vsub.f32 v56, v57;
	v16 =	vadd.f32 v17, v16;
	v17 =	vmul.f32 v58, v58;
	_ =	sdelay $0x1  }
0x171: {  	v16 =	vadd.f32 v17, v16;
	v17 =	vmul.f32 v59, v59;
	_ =	sdelay $0x1  }
0x172: {  	v16 =	vadd.f32 v17, v16;
	_ =	sdelay $0x1  }
0x173: {  	[tilespmem:$0x10810] =	vst v16  }
0x174: {  	v16 =	vld [tilespmem:s15+$0x900]  }
0x175: {  	v17 =	vld [tilespmem:s15+$0x8900]  }
0x176: {  	v60 =	vld [tilespmem:s15+$0x910]  }
0x177: {  	v61 =	vld [tilespmem:s15+$0x8910]  }
0x178: {  	v62 =	vld [tilespmem:s15+$0x920]  }
0x179: {  	v63 =	vld [tilespmem:s15+$0x8920]  }
0x17a: {  	v24 =	vld [tilespmem:s15+$0x930]  }
0x17b: {  	v25 =	vld [tilespmem:s15+$0x8930]  }
0x17c: {  	v16 =	vsub.f32 v16, v17;
	v17 =	vsub.f32 v60, v61;
	_ =	sdelay $0x1  }
0x17d: {  	v26 =	vsub.f32 v62, v63;
	v16 =	vmul.f32 v16, v16;
	v17 =	vmul.f32 v17, v17;
	_ =	sdelay $0x1  }
0x17e: {  	v27 =	vsub.f32 v24, v25;
	v16 =	vadd.f32 v17, v16;
	v17 =	vmul.f32 v26, v26;
	_ =	sdelay $0x1  }
0x17f: {  	v16 =	vadd.f32 v17, v16;
	v17 =	vmul.f32 v27, v27;
	_ =	sdelay $0x1  }
0x180: {  	v16 =	vadd.f32 v17, v16;
	_ =	sdelay $0x1  }
0x181: {  	[tilespmem:$0x10820] =	vst v16  }
0x182: {  	v16 =	vld [tilespmem:s15+$0x980]  }
0x183: {  	v17 =	vld [tilespmem:s15+$0x8980]  }
0x184: {  	v28 =	vld [tilespmem:s15+$0x990]  }
0x185: {  	v29 =	vld [tilespmem:s15+$0x8990]  }
0x186: {  	v30 =	vld [tilespmem:s15+$0x9A0]  }
0x187: {  	v31 =	vld [tilespmem:s15+$0x89A0]  }
0x188: {  	v32 =	vld [tilespmem:s15+$0x9B0]  }
0x189: {  	v33 =	vld [tilespmem:s15+$0x89B0]  }
0x18a: {  	v16 =	vsub.f32 v16, v17;
	v17 =	vsub.f32 v28, v29;
	_ =	sdelay $0x1  }
0x18b: {  	v34 =	vsub.f32 v30, v31;
	v16 =	vmul.f32 v16, v16;
	v17 =	vmul.f32 v17, v17;
	_ =	sdelay $0x1  }
0x18c: {  	v35 =	vsub.f32 v32, v33;
	v16 =	vadd.f32 v17, v16;
	v17 =	vmul.f32 v34, v34;
	_ =	sdelay $0x1  }
0x18d: {  	v16 =	vadd.f32 v17, v16;
	v17 =	vmul.f32 v35, v35;
	_ =	sdelay $0x1  }
0x18e: {  	v16 =	vadd.f32 v17, v16;
	_ =	sdelay $0x1  }
0x18f: {  	[tilespmem:$0x10830] =	vst v16  }
0x190: {  	v16 =	vld [tilespmem:s15+$0xA00]  }
0x191: {  	v17 =	vld [tilespmem:s15+$0x8A00]  }
0x192: {  	v36 =	vld [tilespmem:s15+$0xA10]  }
0x193: {  	v37 =	vld [tilespmem:s15+$0x8A10]  }
0x194: {  	v38 =	vld [tilespmem:s15+$0xA20]  }
0x195: {  	v39 =	vld [tilespmem:s15+$0x8A20]  }
0x196: {  	v40 =	vld [tilespmem:s15+$0xA30]  }
0x197: {  	v41 =	vld [tilespmem:s15+$0x8A30]  }
0x198: {  	v16 =	vsub.f32 v16, v17;
	v17 =	vsub.f32 v36, v37;
	_ =	sdelay $0x1  }
0x199: {  	v42 =	vsub.f32 v38, v39;
	v16 =	vmul.f32 v16, v16;
	v17 =	vmul.f32 v17, v17;
	_ =	sdelay $0x1  }
0x19a: {  	v43 =	vsub.f32 v40, v41;
	v16 =	vadd.f32 v17, v16;
	v17 =	vmul.f32 v42, v42;
	_ =	sdelay $0x1  }
0x19b: {  	v16 =	vadd.f32 v17, v16;
	v17 =	vmul.f32 v43, v43;
	_ =	sdelay $0x1  }
0x19c: {  	v16 =	vadd.f32 v17, v16;
	_ =	sdelay $0x1  }
0x19d: {  	[tilespmem:$0x10840] =	vst v16  }
0x19e: {  	v16 =	vld [tilespmem:s15+$0xA80]  }
0x19f: {  	v17 =	vld [tilespmem:s15+$0x8A80]  }
0x1a0: {  	v44 =	vld [tilespmem:s15+$0xA90]  }
0x1a1: {  	v45 =	vld [tilespmem:s15+$0x8A90]  }
0x1a2: {  	v46 =	vld [tilespmem:s15+$0xAA0]  }
0x1a3: {  	v47 =	vld [tilespmem:s15+$0x8AA0]  }
0x1a4: {  	v48 =	vld [tilespmem:s15+$0xAB0]  }
0x1a5: {  	v49 =	vld [tilespmem:s15+$0x8AB0]  }
0x1a6: {  	v16 =	vsub.f32 v16, v17;
	v17 =	vsub.f32 v44, v45;
	_ =	sdelay $0x1  }
0x1a7: {  	v50 =	vsub.f32 v46, v47;
	v16 =	vmul.f32 v16, v16;
	v17 =	vmul.f32 v17, v17;
	_ =	sdelay $0x1  }
0x1a8: {  	v51 =	vsub.f32 v48, v49;
	v16 =	vadd.f32 v17, v16;
	v17 =	vmul.f32 v50, v50;
	_ =	sdelay $0x1  }
0x1a9: {  	v16 =	vadd.f32 v17, v16;
	v17 =	vmul.f32 v51, v51;
	_ =	sdelay $0x1  }
0x1aa: {  	v16 =	vadd.f32 v17, v16;
	_ =	sdelay $0x1  }
0x1ab: {  	[tilespmem:$0x10850] =	vst v16  }
0x1ac: {  	v16 =	vld [tilespmem:s15+$0xB00]  }
0x1ad: {  	v17 =	vld [tilespmem:s15+$0x8B00]  }
0x1ae: {  	v52 =	vld [tilespmem:s15+$0xB10]  }
0x1af: {  	v53 =	vld [tilespmem:s15+$0x8B10]  }
0x1b0: {  	v54 =	vld [tilespmem:s15+$0xB20]  }
0x1b1: {  	v55 =	vld [tilespmem:s15+$0x8B20]  }
0x1b2: {  	v56 =	vld [tilespmem:s15+$0xB30]  }
0x1b3: {  	v57 =	vld [tilespmem:s15+$0x8B30]  }
0x1b4: {  	v16 =	vsub.f32 v16, v17;
	v17 =	vsub.f32 v52, v53;
	_ =	sdelay $0x1  }
0x1b5: {  	v58 =	vsub.f32 v54, v55;
	v16 =	vmul.f32 v16, v16;
	v17 =	vmul.f32 v17, v17;
	_ =	sdelay $0x1  }
0x1b6: {  	v59 =	vsub.f32 v56, v57;
	v16 =	vadd.f32 v17, v16;
	v17 =	vmul.f32 v58, v58;
	_ =	sdelay $0x1  }
0x1b7: {  	v16 =	vadd.f32 v17, v16;
	v17 =	vmul.f32 v59, v59;
	_ =	sdelay $0x1  }
0x1b8: {  	v16 =	vadd.f32 v17, v16;
	_ =	sdelay $0x1  }
0x1b9: {  	[tilespmem:$0x10860] =	vst v16  }
0x1ba: {  	v16 =	vld [tilespmem:s15+$0xB80]  }
0x1bb: {  	v17 =	vld [tilespmem:s15+$0x8B80]  }
0x1bc: {  	v60 =	vld [tilespmem:s15+$0xB90]  }
0x1bd: {  	v61 =	vld [tilespmem:s15+$0x8B90]  }
0x1be: {  	v62 =	vld [tilespmem:s15+$0xBA0]  }
0x1bf: {  	v63 =	vld [tilespmem:s15+$0x8BA0]  }
0x1c0: {  	v24 =	vld [tilespmem:s15+$0xBB0]  }
0x1c1: {  	v25 =	vld [tilespmem:s15+$0x8BB0]  }
0x1c2: {  	v16 =	vsub.f32 v16, v17;
	v17 =	vsub.f32 v60, v61;
	_ =	sdelay $0x1  }
0x1c3: {  	v26 =	vsub.f32 v62, v63;
	v16 =	vmul.f32 v16, v16;
	v17 =	vmul.f32 v17, v17;
	_ =	sdelay $0x1  }
0x1c4: {  	v27 =	vsub.f32 v24, v25;
	v16 =	vadd.f32 v17, v16;
	v17 =	vmul.f32 v26, v26;
	_ =	sdelay $0x1  }
0x1c5: {  	v16 =	vadd.f32 v17, v16;
	v17 =	vmul.f32 v27, v27;
	_ =	sdelay $0x1  }
0x1c6: {  	v16 =	vadd.f32 v17, v16;
	_ =	sdelay $0x1  }
0x1c7: {  	[tilespmem:$0x10870] =	vst v16  }
0x1c8: {  	v16 =	vld [tilespmem:s15+$0xC00]  }
0x1c9: {  	v17 =	vld [tilespmem:s15+$0x8C00]  }
0x1ca: {  	v28 =	vld [tilespmem:s15+$0xC10]  }
0x1cb: {  	v29 =	vld [tilespmem:s15+$0x8C10]  }
0x1cc: {  	v30 =	vld [tilespmem:s15+$0xC20]  }
0x1cd: {  	v31 =	vld [tilespmem:s15+$0x8C20]  }
0x1ce: {  	v32 =	vld [tilespmem:s15+$0xC30]  }
0x1cf: {  	v33 =	vld [tilespmem:s15+$0x8C30]  }
0x1d0: {  	v16 =	vsub.f32 v16, v17;
	v17 =	vsub.f32 v28, v29;
	_ =	sdelay $0x1  }
0x1d1: {  	v34 =	vsub.f32 v30, v31;
	v16 =	vmul.f32 v16, v16;
	v17 =	vmul.f32 v17, v17;
	_ =	sdelay $0x1  }
0x1d2: {  	v35 =	vsub.f32 v32, v33;
	v16 =	vadd.f32 v17, v16;
	v17 =	vmul.f32 v34, v34;
	_ =	sdelay $0x1  }
0x1d3: {  	v16 =	vadd.f32 v17, v16;
	v17 =	vmul.f32 v35, v35;
	_ =	sdelay $0x1  }
0x1d4: {  	v16 =	vadd.f32 v17, v16;
	_ =	sdelay $0x1  }
0x1d5: {  	[tilespmem:$0x10880] =	vst v16  }
0x1d6: {  	v16 =	vld [tilespmem:s15+$0xC80]  }
0x1d7: {  	v17 =	vld [tilespmem:s15+$0x8C80]  }
0x1d8: {  	v36 =	vld [tilespmem:s15+$0xC90]  }
0x1d9: {  	v37 =	vld [tilespmem:s15+$0x8C90]  }
0x1da: {  	v38 =	vld [tilespmem:s15+$0xCA0]  }
0x1db: {  	v39 =	vld [tilespmem:s15+$0x8CA0]  }
0x1dc: {  	v40 =	vld [tilespmem:s15+$0xCB0]  }
0x1dd: {  	v41 =	vld [tilespmem:s15+$0x8CB0]  }
0x1de: {  	v16 =	vsub.f32 v16, v17;
	v17 =	vsub.f32 v36, v37;
	_ =	sdelay $0x1  }
0x1df: {  	v42 =	vsub.f32 v38, v39;
	v16 =	vmul.f32 v16, v16;
	v17 =	vmul.f32 v17, v17;
	_ =	sdelay $0x1  }
0x1e0: {  	v43 =	vsub.f32 v40, v41;
	v16 =	vadd.f32 v17, v16;
	v17 =	vmul.f32 v42, v42;
	_ =	sdelay $0x1  }
0x1e1: {  	v16 =	vadd.f32 v17, v16;
	v17 =	vmul.f32 v43, v43;
	_ =	sdelay $0x1  }
0x1e2: {  	v16 =	vadd.f32 v17, v16;
	_ =	sdelay $0x1  }
0x1e3: {  	[tilespmem:$0x10890] =	vst v16  }
0x1e4: {  	v16 =	vld [tilespmem:s15+$0xD00]  }
0x1e5: {  	v17 =	vld [tilespmem:s15+$0x8D00]  }
0x1e6: {  	v44 =	vld [tilespmem:s15+$0xD10]  }
0x1e7: {  	v45 =	vld [tilespmem:s15+$0x8D10]  }
0x1e8: {  	v46 =	vld [tilespmem:s15+$0xD20]  }
0x1e9: {  	v47 =	vld [tilespmem:s15+$0x8D20]  }
0x1ea: {  	v48 =	vld [tilespmem:s15+$0xD30]  }
0x1eb: {  	v49 =	vld [tilespmem:s15+$0x8D30]  }
0x1ec: {  	v16 =	vsub.f32 v16, v17;
	v17 =	vsub.f32 v44, v45;
	_ =	sdelay $0x1  }
0x1ed: {  	v50 =	vsub.f32 v46, v47;
	v16 =	vmul.f32 v16, v16;
	v17 =	vmul.f32 v17, v17;
	_ =	sdelay $0x1  }
0x1ee: {  	v51 =	vsub.f32 v48, v49;
	v16 =	vadd.f32 v17, v16;
	v17 =	vmul.f32 v50, v50;
	_ =	sdelay $0x1  }
0x1ef: {  	v16 =	vadd.f32 v17, v16;
	v17 =	vmul.f32 v51, v51;
	_ =	sdelay $0x1  }
0x1f0: {  	v16 =	vadd.f32 v17, v16;
	_ =	sdelay $0x1  }
0x1f1: {  	[tilespmem:$0x108A0] =	vst v16  }
0x1f2: {  	v16 =	vld [tilespmem:s15+$0xD80]  }
0x1f3: {  	v17 =	vld [tilespmem:s15+$0x8D80]  }
0x1f4: {  	v52 =	vld [tilespmem:s15+$0xD90]  }
0x1f5: {  	v53 =	vld [tilespmem:s15+$0x8D90]  }
0x1f6: {  	v54 =	vld [tilespmem:s15+$0xDA0]  }
0x1f7: {  	v55 =	vld [tilespmem:s15+$0x8DA0]  }
0x1f8: {  	v56 =	vld [tilespmem:s15+$0xDB0]  }
0x1f9: {  	v57 =	vld [tilespmem:s15+$0x8DB0]  }
0x1fa: {  	v16 =	vsub.f32 v16, v17;
	v17 =	vsub.f32 v52, v53;
	_ =	sdelay $0x1  }
0x1fb: {  	v58 =	vsub.f32 v54, v55;
	v16 =	vmul.f32 v16, v16;
	v17 =	vmul.f32 v17, v17;
	_ =	sdelay $0x1  }
0x1fc: {  	v59 =	vsub.f32 v56, v57;
	v16 =	vadd.f32 v17, v16;
	v17 =	vmul.f32 v58, v58;
	_ =	sdelay $0x1  }
0x1fd: {  	v16 =	vadd.f32 v17, v16;
	v17 =	vmul.f32 v59, v59;
	_ =	sdelay $0x1  }
0x1fe: {  	v16 =	vadd.f32 v17, v16;
	_ =	sdelay $0x1  }
0x1ff: {  	[tilespmem:$0x108B0] =	vst v16  }
0x200: {  	v16 =	vld [tilespmem:s15+$0xE00]  }
0x201: {  	v17 =	vld [tilespmem:s15+$0x8E00]  }
0x202: {  	v60 =	vld [tilespmem:s15+$0xE10]  }
0x203: {  	v61 =	vld [tilespmem:s15+$0x8E10]  }
0x204: {  	v62 =	vld [tilespmem:s15+$0xE20]  }
0x205: {  	v63 =	vld [tilespmem:s15+$0x8E20]  }
0x206: {  	v24 =	vld [tilespmem:s15+$0xE30]  }
0x207: {  	v25 =	vld [tilespmem:s15+$0x8E30]  }
0x208: {  	v16 =	vsub.f32 v16, v17;
	v17 =	vsub.f32 v60, v61;
	_ =	sdelay $0x1  }
0x209: {  	v26 =	vsub.f32 v62, v63;
	v16 =	vmul.f32 v16, v16;
	v17 =	vmul.f32 v17, v17;
	_ =	sdelay $0x1  }
0x20a: {  	v27 =	vsub.f32 v24, v25;
	v16 =	vadd.f32 v17, v16;
	v17 =	vmul.f32 v26, v26;
	_ =	sdelay $0x1  }
0x20b: {  	v16 =	vadd.f32 v17, v16;
	v17 =	vmul.f32 v27, v27;
	_ =	sdelay $0x1  }
0x20c: {  	v16 =	vadd.f32 v17, v16;
	_ =	sdelay $0x1  }
0x20d: {  	[tilespmem:$0x108C0] =	vst v16  }
0x20e: {  	v16 =	vld [tilespmem:s15+$0xE80]  }
0x20f: {  	v17 =	vld [tilespmem:s15+$0x8E80]  }
0x210: {  	v28 =	vld [tilespmem:s15+$0xE90]  }
0x211: {  	v29 =	vld [tilespmem:s15+$0x8E90]  }
0x212: {  	v30 =	vld [tilespmem:s15+$0xEA0]  }
0x213: {  	v31 =	vld [tilespmem:s15+$0x8EA0]  }
0x214: {  	v32 =	vld [tilespmem:s15+$0xEB0]  }
0x215: {  	v33 =	vld [tilespmem:s15+$0x8EB0]  }
0x216: {  	v16 =	vsub.f32 v16, v17;
	v17 =	vsub.f32 v28, v29;
	_ =	sdelay $0x1  }
0x217: {  	v34 =	vsub.f32 v30, v31;
	v16 =	vmul.f32 v16, v16;
	v17 =	vmul.f32 v17, v17;
	_ =	sdelay $0x1  }
0x218: {  	v35 =	vsub.f32 v32, v33;
	v16 =	vadd.f32 v17, v16;
	v17 =	vmul.f32 v34, v34;
	_ =	sdelay $0x1  }
0x219: {  	v16 =	vadd.f32 v17, v16;
	v17 =	vmul.f32 v35, v35;
	_ =	sdelay $0x1  }
0x21a: {  	v16 =	vadd.f32 v17, v16;
	_ =	sdelay $0x1  }
0x21b: {  	[tilespmem:$0x108D0] =	vst v16  }
0x21c: {  	v16 =	vld [tilespmem:s15+$0xF00]  }
0x21d: {  	v17 =	vld [tilespmem:s15+$0x8F00]  }
0x21e: {  	v36 =	vld [tilespmem:s15+$0xF10]  }
0x21f: {  	v37 =	vld [tilespmem:s15+$0x8F10]  }
0x220: {  	v38 =	vld [tilespmem:s15+$0xF20]  }
0x221: {  	v39 =	vld [tilespmem:s15+$0x8F20]  }
0x222: {  	v40 =	vld [tilespmem:s15+$0xF30]  }
0x223: {  	v41 =	vld [tilespmem:s15+$0x8F30]  }
0x224: {  	v16 =	vsub.f32 v16, v17;
	v17 =	vsub.f32 v36, v37;
	_ =	sdelay $0x1  }
0x225: {  	v42 =	vsub.f32 v38, v39;
	v16 =	vmul.f32 v16, v16;
	v17 =	vmul.f32 v17, v17;
	_ =	sdelay $0x1  }
0x226: {  	v43 =	vsub.f32 v40, v41;
	v16 =	vadd.f32 v17, v16;
	v17 =	vmul.f32 v42, v42;
	_ =	sdelay $0x1  }
0x227: {  	v16 =	vadd.f32 v17, v16;
	v17 =	vmul.f32 v43, v43;
	_ =	sdelay $0x1  }
0x228: {  	v16 =	vadd.f32 v17, v16;
	_ =	sdelay $0x1  }
0x229: {  	[tilespmem:$0x108E0] =	vst v16  }
0x22a: {  	v16 =	vld [tilespmem:s15+$0xF80]  }
0x22b: {  	v17 =	vld [tilespmem:s15+$0x8F80]  }
0x22c: {  	v44 =	vld [tilespmem:s15+$0xF90]  }
0x22d: {  	v45 =	vld [tilespmem:s15+$0x8F90]  }
0x22e: {  	v46 =	vld [tilespmem:s15+$0xFA0]  }
0x22f: {  	v47 =	vld [tilespmem:s15+$0x8FA0]  }
0x230: {  	v48 =	vld [tilespmem:s15+$0xFB0]  }
0x231: {  	v49 =	vld [tilespmem:s15+$0x8FB0]  }
0x232: {  	v16 =	vsub.f32 v16, v17;
	v17 =	vsub.f32 v44, v45;
	_ =	sdelay $0x1  }
0x233: {  	v50 =	vsub.f32 v46, v47;
	v16 =	vmul.f32 v16, v16;
	v17 =	vmul.f32 v17, v17;
	_ =	sdelay $0x1  }
0x234: {  	v51 =	vsub.f32 v48, v49;
	v16 =	vadd.f32 v17, v16;
	v17 =	vmul.f32 v50, v50;
	_ =	sdelay $0x1  }
0x235: {  	v16 =	vadd.f32 v17, v16;
	v17 =	vmul.f32 v51, v51;
	_ =	sdelay $0x1  }
0x236: {  	v16 =	vadd.f32 v17, v16;
	_ =	sdelay $0x1  }
0x237: {  	[tilespmem:$0x108F0] =	vst v16  }
0x238: {  	v16 =	vld.idx.msk [tilespmem:v0+s0+$0x0], $0xffff;
	_ =	sdelay $0x1  }
0x239: {  	v17 =	vld.idx.msk [tilespmem:v1+s0+$0x0], $0xffff;
	_ =	sdelay $0x1  }
0x23a: {  	v52 =	vld.idx.msk [tilespmem:v2+s0+$0x0], $0xffff  }
0x23b: {  	v16 =	vadd.f32 $9.999999960e-13, v16  }
0x23c: {  	v53 =	vld.idx.msk [tilespmem:v3+s0+$0x0], $0xffff  }
0x23d: {  	v16 =	vadd.f32 v17, v16  }
0x23e: {  	v17 =	vld.idx.msk [tilespmem:v4+s0+$0x0], $0xffff  }
0x23f: {  	v16 =	vadd.f32 v52, v16  }
0x240: {  	v54 =	vld.idx.msk [tilespmem:v5+s0+$0x0], $0xffff  }
0x241: {  	v16 =	vadd.f32 v53, v16  }
0x242: {  	v55 =	vld.idx.msk [tilespmem:v6+s0+$0x0], $0xffff  }
0x243: {  	v16 =	vadd.f32 v17, v16  }
0x244: {  	v17 =	vld.idx.msk [tilespmem:v7+s0+$0x0], $0xffff  }
0x245: {  	v16 =	vadd.f32 v54, v16  }
0x246: {  	v56 =	vld.idx.msk [tilespmem:v8+s0+$0x0], $0xffff  }
0x247: {  	v16 =	vadd.f32 v55, v16  }
0x248: {  	v57 =	vld.idx.msk [tilespmem:v9+s0+$0x0], $0xffff  }
0x249: {  	v16 =	vadd.f32 v17, v16  }
0x24a: {  	v17 =	vld.idx.msk [tilespmem:v10+s0+$0x0], $0xffff  }
0x24b: {  	v16 =	vadd.f32 v56, v16  }
0x24c: {  	v58 =	vld.idx.msk [tilespmem:v11+s0+$0x0], $0xffff  }
0x24d: {  	v16 =	vadd.f32 v57, v16  }
0x24e: {  	v59 =	vld.idx.msk [tilespmem:v12+s0+$0x0], $0xffff  }
0x24f: {  	v16 =	vadd.f32 v17, v16  }
0x250: {  	v17 =	vld.idx.msk [tilespmem:v13+s0+$0x0], $0xffff  }
0x251: {  	v16 =	vadd.f32 v58, v16  }
0x252: {  	v60 =	vld.idx.msk [tilespmem:v14+s0+$0x0], $0xffff  }
0x253: {  	v16 =	vadd.f32 v59, v16  }
0x254: {  	v61 =	vld.idx.msk [tilespmem:v15+s0+$0x0], $0xffff  }
0x255: {  	v16 =	vadd.f32 v17, v16;
	_ =	sdelay $0x1  }
0x256: {  	v16 =	vadd.f32 v60, v16;
	_ =	sdelay $0x1  }
0x257: {  	v16 =	vadd.f32 v61, v16;
	_ =	sdelay $0x1  }
0x258: {  	v17 =	vshra.s32 v16, $0x1;
	v62 =	vmul.f32 $5.000000000e-01, v16  }
0x259: {  	v17 =	vsub.s32 $0x5F3759DF, v17  }
0x25a: {  	v63 =	vmul.f32 v17, v62;
	_ =	sdelay $0x1  }
0x25b: {  	v19 =	vmul.f32 v17, v63;
	_ =	sdelay $0x1  }
0x25c: {  	v19 =	vsub.f32 $1.500000000e+00, v19;
	_ =	sdelay $0x1  }
0x25d: {  	v17 =	vmul.f32 v17, v19;
	_ =	sdelay $0x1  }
0x25e: {  	v19 =	vmul.f32 v17, v62;
	_ =	sdelay $0x1  }
0x25f: {  	v19 =	vmul.f32 v19, v17;
	_ =	sdelay $0x1  }
0x260: {  	v19 =	vsub.f32 $1.500000000e+00, v19;
	_ =	sdelay $0x1  }
0x261: {  	v17 =	vmul.f32 v19, v17;
	_ =	sdelay $0x1  }
0x262: {  	v18 =	vmul.f32 v17, v62;
	_ =	sdelay $0x1  }
0x263: {  	v18 =	vmul.f32 v18, v17;
	_ =	sdelay $0x1  }
0x264: {  	v18 =	vsub.f32 $1.500000000e+00, v18  }
0x265: {  	p0 =	sne.s32 s14, $0x1E000  }
.Ltmp2:
0x266: {  	v17 =	vmul.f32 v18, v17;
	(pc) =	sbr.rel @p0 .LBB2_6-.Ltmp2, $3  }
0x267: {  	_ = 	snop  }
0x268: {  	v16 =	vmul.f32 v17, v16;
	_ =	sdelay $0x1  }
0x269: {  	s14 =	sadd.s32 $0x2000, s14;
	[tilespmem:s13+$0x0] =	vst v16;
	s13 =	sadd.s32 $0x10, s13  }
0x26a: {  	s0 =	sand.u32 $0x70, s12;
	s1 =	sand.u32 $0x200, s12  }
0x26b: {  	s0 =	sor.u32 s0, s1  }
0x26c: {  	v16 =	vld [tilespmem:s0+$0x400]  }
0x26d: {  	v18 =	vld [tilespmem:s0+$0x480];
	_ =	sdelay $0x3  }
0x26e: {  	v17 =	vshll.u32 v16, $0x4  }
0x26f: {  	v16 =	vshll.u32 v18, $0x4;
	(v2sf) =	vpush v17, $0x0  }
0x270: {  	(v2sf) =	vpush v16, $0x0  }
0x271: {  	(v2sf) =	vpush v17, $0x1;
	_ =	sdelay $0x1  }
0x272: {  	(v2sf) =	vpush v16, $0x1  }
0x273: {  	(v2sf) =	vpush v17, $0x2;
	_ =	sdelay $0x3  }
0x274: {  	s13 =	simm.s32 $0x2000;
	s12 =	simm.s32 $0x0;
	(v2sf) =	vpush v16, $0x2  }
0x275: {  	s25 =	simm.s32 $0xC80;
	s23 =	simm.s32 $0x8C80;
	s6 =	simm.s32 $0x8880  }
0x276: {  	s24 =	simm.s32 $0xD00;
	s5 =	simm.s32 $0xA00;
	s21 =	simm.s32 $0x8D00;
	(v2sf) =	vpush v17, $0x3  }
0x277: {  	s16 =	simm.s32 $0xE80;
	s4 =	simm.s32 $0xA80;
	s15 =	simm.s32 $0xF00  }
0x278: {  	s14 =	simm.s32 $0x8F00;
	s8 =	simm.s32 $0x880;
	s9 =	simm.s32 $0x800  }
0x279: {  	s30 =	simm.s32 $0x8800;
	s18 =	simm.s32 $0x8E80;
	s26 =	simm.s32 $0x900  }
0x27a: {  	s29 =	simm.s32 $0xD80;
	s28 =	simm.s32 $0x8D80;
	s7 =	spop (v2sf);
	(v2sf) =	vpush v16, $0x3  }
0x27b: {  	s31 =	simm.s32 $0xE00;
	s7 =	sand.u32 $0x1FFFFFF0, s7;
	s2 =	spop (v2sf)  }
0x27c: {  	(v2sf) =	vpush v17, $0x4;
	s7 =	sadd.s32 s3, s7;
	s2 =	sand.u32 $0x1FFFFFF0, s2;
	s11 =	spop (v2sf)  }
0x27d: {  	(v2sf) =	vpush v16, $0x4;
	[tilespmem:s9], [sflag:$0x1] =	stream.linear.gather [hbm4b:s7+s10], $0x80, $0x38;
	[tilespmem:$0x10B00] =	vst v63  }
0x27e: {  	s9 =	sadd.s32 s3, s2;
	s2 =	sand.u32 $0x1FFFFFF0, s11;
	s11 =	spop (v2sf)  }
0x27f: {  	s1 =	simm.s32 $0xB00;
	(v2sf) =	vpush v17, $0x5;
	s19 =	sand.u32 $0x1FFFFFF0, s11;
	s20 =	spop (v2sf)  }
0x280: {  	(v2sf) =	vpush v16, $0x5;
	[tilespmem:s30], [sflag:$0x1] =	stream.linear.gather [hbm4b:s9+s10], $0x80, $0x38;
	[tilespmem:$0x10B00] =	vst v63  }
0x281: {  	s0 =	simm.s32 $0x8B80;
	s17 =	sadd.s32 s3, s2;
	s22 =	sadd.s32 s3, s19  }
0x282: {  	(v2sf) =	vpush v17, $0x6;
	[tilespmem:s8], [sflag:$0x1] =	stream.linear.gather [hbm4b:s17+s10], $0x80, $0x38;
	[tilespmem:$0x10B00] =	vst v63  }
0x283: {  	s7 =	sand.u32 $0x1FFFFFF0, s20;
	s30 =	spop (v2sf);
	s19 =	simm.s32 $0x980  }
0x284: {  	[tilespmem:s6], [sflag:$0x1] =	stream.linear.gather [hbm4b:s22+s10], $0x80, $0x38;
	[tilespmem:$0x10B00] =	vst v63  }
0x285: {  	s7 =	sadd.s32 s3, s7;
	s2 =	spop (v2sf);
	s8 =	sand.u32 $0x1FFFFFF0, s30  }
0x286: {  	(v2sf) =	vpush v16, $0x6;
	[tilespmem:s26], [sflag:$0x1] =	stream.linear.gather [hbm4b:s7+s10], $0x80, $0x38;
	[tilespmem:$0x10B00] =	vst v63  }
0x287: {  	s11 =	sand.u32 $0x1FFFFFF0, s2;
	s8 =	sadd.s32 s3, s8;
	s7 =	simm.s32 $0x8900  }
0x288: {  	[tilespmem:s7], [sflag:$0x1] =	stream.linear.gather [hbm4b:s8+s10], $0x80, $0x38;
	[tilespmem:$0x10B00] =	vst v63  }
0x289: {  	s17 =	simm.s32 $0x4000;
	s8 =	sadd.s32 s3, s11;
	s20 =	spop (v2sf)  }
0x28a: {  	(v2sf) =	vpush v17, $0x7;
	[tilespmem:s19], [sflag:$0x1] =	stream.linear.gather [hbm4b:s8+s10], $0x80, $0x38;
	[tilespmem:$0x10B00] =	vst v63  }
0x28b: {  	s2 =	simm.s32 $0x8E00;
	s7 =	sand.u32 $0x1FFFFFF0, s20;
	s26 =	spop (v2sf)  }
0x28c: {  	s22 =	simm.s32 $0x8980;
	(v2sf) =	vpush v16, $0x7;
	s7 =	sadd.s32 s3, s7;
	s30 =	spop (v2sf)  }
0x28d: {  	(v2sf) =	vpush v17, $0x8;
	[tilespmem:s22], [sflag:$0x1] =	stream.linear.gather [hbm4b:s7+s10], $0x80, $0x38;
	[tilespmem:$0x10B00] =	vst v63  }
0x28e: {  	s20 =	simm.s32 $0x8A00;
	s8 =	sand.u32 $0x1FFFFFF0, s26;
	s22 =	spop (v2sf)  }
0x28f: {  	s11 =	sadd.s32 s3, s8;
	s19 =	sand.u32 $0x1FFFFFF0, s30;
	(v2sf) =	vpush v16, $0x8;
	s26 =	spop (v2sf)  }
0x290: {  	[tilespmem:s5], [sflag:$0x1] =	stream.linear.gather [hbm4b:s11+s10], $0x80, $0x38;
	[tilespmem:$0x10B00] =	vst v63  }
0x291: {  	s7 =	sadd.s32 s3, s19;
	s6 =	sand.u32 $0x1FFFFFF0, s22;
	s30 =	spop (v2sf)  }
0x292: {  	[tilespmem:s20], [sflag:$0x1] =	stream.linear.gather [hbm4b:s7+s10], $0x80, $0x38;
	[tilespmem:$0x10B00] =	vst v63  }
0x293: {  	(v2sf) =	vpush v17, $0x9;
	s6 =	sadd.s32 s3, s6;
	s8 =	sand.u32 $0x1FFFFFF0, s30;
	s7 =	sand.u32 $0x1FFFFFF0, s26  }
0x294: {  	[tilespmem:s4], [sflag:$0x1] =	stream.linear.gather [hbm4b:s6+s10], $0x80, $0x38;
	[tilespmem:$0x10B00] =	vst v63  }
0x295: {  	(v2sf) =	vpush v16, $0x9;
	s9 =	spop (v2sf);
	s7 =	sadd.s32 s3, s7;
	s6 =	simm.s32 $0x8A80  }
0x296: {  	[tilespmem:s6], [sflag:$0x1] =	stream.linear.gather [hbm4b:s7+s10], $0x80, $0x38;
	[tilespmem:$0x10B00] =	vst v63  }
0x297: {  	s5 =	simm.s32 $0xC00;
	s7 =	sadd.s32 s3, s8;
	s6 =	sand.u32 $0x1FFFFFF0, s9  }
0x298: {  	[tilespmem:s1], [sflag:$0x1] =	stream.linear.gather [hbm4b:s7+s10], $0x80, $0x38;
	[tilespmem:$0x10B00] =	vst v63  }
0x299: {  	s11 =	simm.s32 $0x8B00;
	s6 =	sadd.s32 s3, s6;
	s19 =	spop (v2sf)  }
0x29a: {  	[tilespmem:s11], [sflag:$0x1] =	stream.linear.gather [hbm4b:s6+s10], $0x80, $0x38;
	[tilespmem:$0x10B00] =	vst v63  }
0x29b: {  	s4 =	simm.s32 $0xB80;
	s7 =	sand.u32 $0x1FFFFFF0, s19;
	s20 =	spop (v2sf)  }
0x29c: {  	s22 =	sadd.s32 s3, s7;
	s26 =	sand.u32 $0x1FFFFFF0, s20;
	s30 =	spop (v2sf)  }
0x29d: {  	(v2sf) =	vpush v17, $0xA;
	[tilespmem:s4], [sflag:$0x1] =	stream.linear.gather [hbm4b:s22+s10], $0x80, $0x38;
	[tilespmem:$0x10B00] =	vst v63  }
0x29e: {  	s8 =	sadd.s32 s3, s26;
	s9 =	sand.u32 $0x1FFFFFF0, s30;
	s11 =	spop (v2sf);
	(v2sf) =	vpush v16, $0xA  }
0x29f: {  	(v2sf) =	vpush v17, $0xB;
	[tilespmem:s0], [sflag:$0x1] =	stream.linear.gather [hbm4b:s8+s10], $0x80, $0x38;
	[tilespmem:$0x10B00] =	vst v63  }
0x2a0: {  	s19 =	simm.s32 $0x40;
	s20 =	sadd.s32 s3, s9;
	s22 =	sand.u32 $0x1FFFFFF0, s11;
	(v2sf) =	vpush v16, $0xB  }
0x2a1: {  	(v2sf) =	vpush v17, $0xC;
	[tilespmem:s5], [sflag:$0x1] =	stream.linear.gather [hbm4b:s20+s10], $0x80, $0x38;
	[tilespmem:$0x10B00] =	vst v63  }
0x2a2: {  	s26 =	simm.s32 $0x8C00;
	s30 =	spop (v2sf);
	s1 =	sadd.s32 s3, s22;
	(v2sf) =	vpush v16, $0xC  }
0x2a3: {  	(v2sf) =	vpush v17, $0xD;
	[tilespmem:s26], [sflag:$0x1] =	stream.linear.gather [hbm4b:s1+s10], $0x80, $0x38;
	[tilespmem:$0x10B00] =	vst v63  }
0x2a4: {  	s0 =	spop (v2sf);
	s20 =	simm.s32 $0x10;
	s1 =	sand.u32 $0x1FFFFFF0, s30;
	(v2sf) =	vpush v16, $0xD  }
.LBB2_8:
0x2a5: {  	_ =	sdelay $0x2  }
0x2a6: {  	s1 =	sadd.s32 s3, s1;
	s0 =	sand.u32 $0x1FFFFFF0, s0  }
0x2a7: {  	[tilespmem:s25], [sflag:$0x1] =	stream.linear.gather [hbm4b:s1+s10], $0x80, $0x38;
	[tilespmem:$0x10B00] =	vst v63  }
0x2a8: {  	s0 =	sadd.s32 s3, s0  }
0x2a9: {  	[tilespmem:s23], [sflag:$0x1] =	stream.linear.gather [hbm4b:s0+s10], $0x80, $0x38;
	[tilespmem:$0x10B00] =	vst v63  }
0x2aa: {  	s4 =	spop (v2sf);
	(v2sf) =	vpush v17, $0xE  }
0x2ab: {  	s26 =	sand.u32 $0x1FFFFFF0, s4;
	s30 =	spop (v2sf)  }
0x2ac: {  	(v2sf) =	vpush v16, $0xE;
	s5 =	sadd.s32 s3, s26;
	s7 =	spop (v2sf)  }
0x2ad: {  	[tilespmem:s24], [sflag:$0x1] =	stream.linear.gather [hbm4b:s5+s10], $0x80, $0x38;
	[tilespmem:$0x10B00] =	vst v63  }
0x2ae: {  	s6 =	sand.u32 $0x1FFFFFF0, s30;
	(v2sf) =	vpush v17, $0xF;
	s9 =	sand.u32 $0x1FFFFFF0, s7;
	s11 =	spop (v2sf)  }
0x2af: {  	s8 =	sadd.s32 s3, s6;
	s22 =	sadd.s32 s3, s9;
	s24 =	spop (v2sf)  }
0x2b0: {  	(v2sf) =	vpush v16, $0xF;
	[tilespmem:s21], [sflag:$0x1] =	stream.linear.gather [hbm4b:s8+s10], $0x80, $0x38;
	[tilespmem:$0x10B00] =	vst v63  }
0x2b1: {  	s23 =	sand.u32 $0x1FFFFFF0, s11;
	s26 =	sand.u32 $0x1FFFFFF0, s24;
	s30 =	spop (v2sf)  }
0x2b2: {  	[tilespmem:s29], [sflag:$0x1] =	stream.linear.gather [hbm4b:s22+s10], $0x80, $0x38;
	[tilespmem:$0x10B00] =	vst v63  }
0x2b3: {  	s25 =	sadd.s32 s3, s23;
	s1 =	sadd.s32 s3, s26;
	s5 =	spop (v2sf)  }
0x2b4: {  	[tilespmem:s28], [sflag:$0x1] =	stream.linear.gather [hbm4b:s25+s10], $0x80, $0x38;
	[tilespmem:$0x10B00] =	vst v63  }
0x2b5: {  	s4 =	sand.u32 $0x1FFFFFF0, s30;
	s7 =	sand.u32 $0x1FFFFFF0, s5;
	s8 =	spop (v2sf)  }
0x2b6: {  	[tilespmem:s31], [sflag:$0x1] =	stream.linear.gather [hbm4b:s1+s10], $0x80, $0x38;
	[tilespmem:$0x10B00] =	vst v63  }
0x2b7: {  	s6 =	sadd.s32 s3, s4;
	s9 =	sadd.s32 s3, s7;
	s11 =	sand.u32 $0x1FFFFFF0, s8  }
0x2b8: {  	[tilespmem:s2], [sflag:$0x1] =	stream.linear.gather [hbm4b:s6+s10], $0x80, $0x38;
	[tilespmem:$0x10B00] =	vst v63  }
0x2b9: {  	s7 =	sand.u32 $0x70, s20;
	s8 =	sand.u32 $0x200, s19;
	s21 =	spop (v2sf)  }
0x2ba: {  	[tilespmem:s16], [sflag:$0x1] =	stream.linear.gather [hbm4b:s9+s10], $0x80, $0x38;
	[tilespmem:$0x10B00] =	vst v63  }
0x2bb: {  	s22 =	sadd.s32 s3, s11;
	s23 =	sand.u32 $0x1FFFFFF0, s21;
	s24 =	spop (v2sf)  }
0x2bc: {  	[tilespmem:s18], [sflag:$0x1] =	stream.linear.gather [hbm4b:s22+s10], $0x80, $0x38;
	[tilespmem:$0x10B00] =	vst v63  }
0x2bd: {  	s25 =	sadd.s32 s3, s23;
	s26 =	sand.u32 $0x1FFFFFF0, s24;
	s30 =	spop (v2sf)  }
0x2be: {  	[tilespmem:s15], [sflag:$0x1] =	stream.linear.gather [hbm4b:s25+s10], $0x80, $0x38;
	[tilespmem:$0x10B00] =	vst v63  }
0x2bf: {  	s2 =	sadd.s32 s3, s26;
	s4 =	sand.u32 $0x1FFFFFF0, s30;
	s5 =	spop (v2sf)  }
0x2c0: {  	[tilespmem:s14], [sflag:$0x1] =	stream.linear.gather [hbm4b:s2+s10], $0x80, $0x38;
	[tilespmem:$0x10B00] =	vst v63  }
0x2c1: {  	s6 =	sadd.s32 $0xF80, s12;
	s1 =	sadd.s32 s3, s4;
	s4 =	sand.u32 $0x1FFFFFF0, s5  }
0x2c2: {  	[tilespmem:s6], [sflag:$0x1] =	stream.linear.gather [hbm4b:s1+s10], $0x80, $0x38;
	[tilespmem:$0x10B00] =	vst v63  }
0x2c3: {  	s5 =	sadd.s32 $0x8F80, s12;
	s9 =	sadd.s32 s3, s4;
	s1 =	sor.u32 s7, s8  }
0x2c4: {  	[tilespmem:s5], [sflag:$0x1] =	stream.linear.gather [hbm4b:s9+s10], $0x80, $0x38;
	[tilespmem:$0x10B00] =	vst v63  }
0x2c5: {  	v16 =	vld [tilespmem:s1+$0x400]  }
0x2c6: {  	v18 =	vld [tilespmem:s1+$0x480];
	_ =	sdelay $0x3  }
0x2c7: {  	v17 =	vshll.u32 v16, $0x4  }
0x2c8: {  	v16 =	vshll.u32 v18, $0x4;
	(v2sf) =	vpush v17, $0x0  }
0x2c9: {  	p0 =	sne.s32 s17, $0x1E000;
	(v2sf) =	vpush v16, $0x0  }
0x2ca: {  	s19 =	sadd.s32 $0x40, s19;
	s20 =	sadd.s32 $0x10, s20;
	s12 =	sshra.s32 s13, $0x2;
	(v2sf) =	vpush v17, $0x1  }
0x2cb: {  	s26 =	simm.s32 $0x0;
	s11 =	sadd.s32 $0xB00, s12;
	s4 =	sadd.s32 $0xC80, s12  }
0x2cc: {  	s13 =	sadd.s32 $0x8C80, s12;
	s24 =	sadd.s32 $0xD00, s12;
	[dreg:$0x9] =	wrdreg s11;
	(v2sf) =	vpush v16, $0x1  }
0x2cd: {  	s15 =	sadd.s32 $0xA00, s12;
	s25 =	sadd.s32 $0xE80, s12;
	[dreg:$0x15] =	wrdreg s13;
	(v2sf) =	vpush v17, $0x2  }
0x2ce: {  	s16 =	sadd.s32 $0xA80, s12;
	s23 =	sadd.s32 $0x8F00, s12;
	[dreg:$0x13] =	wrdreg s15  }
0x2cf: {  	s18 =	sadd.s32 $0xC00, s12;
	s21 =	sadd.s32 $0xB80, s12;
	[dreg:$0x11] =	wrdreg s16  }
0x2d0: {  	s22 =	sadd.s32 $0x8B00, s12;
	s29 =	sadd.s32 $0xD80, s12;
	[dreg:$0x7] =	wrdreg s18  }
0x2d1: {  	s28 =	sadd.s32 $0x8D80, s12;
	s31 =	sadd.s32 $0xE00, s12;
	[dreg:$0xb] =	wrdreg s21  }
0x2d2: {  	s30 =	sadd.s32 $0x8C00, s12;
	s11 =	sadd.s32 $0x8880, s12;
	[dreg:$0xf] =	wrdreg s22;
	(v2sf) =	vpush v16, $0x2  }
0x2d3: {  	s14 =	sadd.s32 $0x8B80, s12;
	s2 =	sadd.s32 $0x8E00, s12;
	[dreg:$0xd] =	wrdreg s30;
	(v2sf) =	vpush v17, $0x3  }
0x2d4: {  	s15 =	sadd.s32 $0x980, s12;
	s13 =	sadd.s32 $0x8980, s12;
	s16 =	sadd.s32 $0x8800, s12  }
0x2d5: {  	s18 =	sadd.s32 $0x900, s12;
	s30 =	sadd.s32 $0x800, s12;
	[dreg:$0x5] =	wrdreg s14  }
0x2d6: {  	s14 =	sadd.s32 $0x8900, s12;
	s6 =	sadd.s32 $0xF00, s12;
	s8 =	sadd.s32 $0x880, s12  }
0x2d7: {  	s7 =	sadd.s32 $0x8A80, s12;
	s10 =	sadd.s32 $0x8D00, s12;
	(v2sf) =	vpush v16, $0x3;
	s0 =	spop (v2sf)  }
0x2d8: {  	s5 =	smov.u32 s17;
	s21 =	sand.u32 $0x1FFFFFF0, s0;
	s22 =	spop (v2sf)  }
0x2d9: {  	(v2sf) =	vpush v17, $0x4;
	s21 =	sadd.s32 s3, s21;
	s0 =	sand.u32 $0x1FFFFFF0, s22;
	s22 =	spop (v2sf)  }
0x2da: {  	[tilespmem:s30], [sflag:$0x1] =	stream.linear.gather [hbm4b:s21+s26], $0x80, $0x38;
	[tilespmem:$0x10B00] =	vst v63  }
0x2db: {  	s0 =	sadd.s32 s3, s0;
	s22 =	sand.u32 $0x1FFFFFF0, s22;
	s30 =	spop (v2sf)  }
0x2dc: {  	(v2sf) =	vpush v16, $0x4;
	s21 =	sadd.s32 s3, s22;
	s22 =	sand.u32 $0x1FFFFFF0, s30;
	s30 =	spop (v2sf)  }
0x2dd: {  	[tilespmem:s16], [sflag:$0x1] =	stream.linear.gather [hbm4b:s0+s26], $0x80, $0x38;
	[tilespmem:$0x10B00] =	vst v63  }
0x2de: {  	s17 =	sadd.s32 $0x2000, s17;
	s9 =	sadd.s32 $0x8A00, s12;
	(v2sf) =	vpush v17, $0x5;
	s16 =	sand.u32 $0x1FFFFFF0, s30  }
0x2df: {  	(v2sf) =	vpush v16, $0x5;
	[tilespmem:s8], [sflag:$0x1] =	stream.linear.gather [hbm4b:s21+s26], $0x80, $0x38;
	[tilespmem:$0x10B00] =	vst v63  }
0x2e0: {  	s8 =	sadd.s32 s3, s22;
	s21 =	smov.u32 s10;
	s10 =	simm.s32 $0x0  }
0x2e1: {  	s22 =	spop (v2sf);
	s26 =	sadd.s32 s3, s16;
	s16 =	smov.u32 s25  }
0x2e2: {  	(v2sf) =	vpush v17, $0x6;
	s25 =	smov.u32 s4;
	s30 =	sand.u32 $0x1FFFFFF0, s22;
	s4 =	spop (v2sf)  }
0x2e3: {  	[tilespmem:s11], [sflag:$0x1] =	stream.linear.gather [hbm4b:s8+s10], $0x80, $0x38;
	[tilespmem:$0x10B00] =	vst v63  }
0x2e4: {  	s1 =	sadd.s32 $0x8E80, s12;
	(v2sf) =	vpush v16, $0x6;
	s8 =	sadd.s32 s3, s30;
	s22 =	sand.u32 $0x1FFFFFF0, s4  }
0x2e5: {  	[tilespmem:s18], [sflag:$0x1] =	stream.linear.gather [hbm4b:s26+s10], $0x80, $0x38;
	[tilespmem:$0x10B00] =	vst v63  }
0x2e6: {  	(v2sf) =	vpush v17, $0x7;
	s30 =	sadd.s32 s3, s22;
	s18 =	smov.u32 s1;
	s26 =	spop (v2sf)  }
0x2e7: {  	[tilespmem:s14], [sflag:$0x1] =	stream.linear.gather [hbm4b:s8+s10], $0x80, $0x38;
	[tilespmem:$0x10B00] =	vst v63  }
0x2e8: {  	s1 =	sand.u32 $0x1FFFFFF0, s26;
	s4 =	spop (v2sf);
	s14 =	smov.u32 s23  }
0x2e9: {  	s23 =	rddreg [dreg:$0x15];
	s22 =	sadd.s32 s3, s1;
	s26 =	sand.u32 $0x1FFFFFF0, s4  }
0x2ea: {  	(v2sf) =	vpush v16, $0x7;
	[tilespmem:s15], [sflag:$0x1] =	stream.linear.gather [hbm4b:s30+s10], $0x80, $0x38;
	[tilespmem:$0x10B00] =	vst v63  }
0x2eb: {  	s1 =	sadd.s32 s3, s26;
	s15 =	smov.u32 s6;
	s30 =	spop (v2sf)  }
0x2ec: {  	(v2sf) =	vpush v17, $0x8;
	[tilespmem:s13], [sflag:$0x1] =	stream.linear.gather [hbm4b:s22+s10], $0x80, $0x38;
	[tilespmem:$0x10B00] =	vst v63  }
0x2ed: {  	s13 =	smov.u32 s5;
	s4 =	sand.u32 $0x1FFFFFF0, s30;
	s5 =	spop (v2sf)  }
0x2ee: {  	s6 =	rddreg [dreg:$0x13];
	s8 =	sadd.s32 s3, s4;
	s22 =	spop (v2sf)  }
0x2ef: {  	[tilespmem:s6], [sflag:$0x1] =	stream.linear.gather [hbm4b:s1+s10], $0x80, $0x38;
	[tilespmem:$0x10B00] =	vst v63  }
0x2f0: {  	(v2sf) =	vpush v16, $0x8;
	s11 =	sand.u32 $0x1FFFFFF0, s5;
	s5 =	rddreg [dreg:$0x11];
	s30 =	sand.u32 $0x1FFFFFF0, s22  }
0x2f1: {  	(v2sf) =	vpush v17, $0x9;
	s26 =	sadd.s32 s3, s11;
	s4 =	spop (v2sf);
	s6 =	sadd.s32 s3, s30  }
0x2f2: {  	[tilespmem:s9], [sflag:$0x1] =	stream.linear.gather [hbm4b:s8+s10], $0x80, $0x38;
	[tilespmem:$0x10B00] =	vst v63  }
0x2f3: {  	(v2sf) =	vpush v16, $0x9;
	s9 =	sand.u32 $0x1FFFFFF0, s4;
	s4 =	rddreg [dreg:$0x9];
	s11 =	spop (v2sf)  }
0x2f4: {  	[tilespmem:s5], [sflag:$0x1] =	stream.linear.gather [hbm4b:s26+s10], $0x80, $0x38;
	[tilespmem:$0x10B00] =	vst v63  }
0x2f5: {  	s22 =	sadd.s32 s3, s9;
	s26 =	sand.u32 $0x1FFFFFF0, s11;
	s30 =	spop (v2sf)  }
0x2f6: {  	[tilespmem:s7], [sflag:$0x1] =	stream.linear.gather [hbm4b:s6+s10], $0x80, $0x38;
	[tilespmem:$0x10B00] =	vst v63  }
0x2f7: {  	s9 =	rddreg [dreg:$0xf];
	s5 =	sadd.s32 s3, s26;
	s7 =	sand.u32 $0x1FFFFFF0, s30  }
0x2f8: {  	[tilespmem:s4], [sflag:$0x1] =	stream.linear.gather [hbm4b:s22+s10], $0x80, $0x38;
	[tilespmem:$0x10B00] =	vst v63  }
0x2f9: {  	s30 =	rddreg [dreg:$0xb];
	s8 =	spop (v2sf);
	s11 =	sadd.s32 s3, s7  }
0x2fa: {  	[tilespmem:s9], [sflag:$0x1] =	stream.linear.gather [hbm4b:s5+s10], $0x80, $0x38;
	[tilespmem:$0x10B00] =	vst v63  }
0x2fb: {  	s7 =	rddreg [dreg:$0x5];
	s22 =	sand.u32 $0x1FFFFFF0, s8;
	s26 =	spop (v2sf)  }
0x2fc: {  	(v2sf) =	vpush v17, $0xA;
	[tilespmem:s30], [sflag:$0x1] =	stream.linear.gather [hbm4b:s11+s10], $0x80, $0x38;
	[tilespmem:$0x10B00] =	vst v63  }
0x2fd: {  	(v2sf) =	vpush v16, $0xA;
	s1 =	sadd.s32 s3, s22;
	s4 =	sand.u32 $0x1FFFFFF0, s26;
	s22 =	rddreg [dreg:$0x7]  }
0x2fe: {  	(v2sf) =	vpush v17, $0xB;
	[tilespmem:s7], [sflag:$0x1] =	stream.linear.gather [hbm4b:s1+s10], $0x80, $0x38;
	[tilespmem:$0x10B00] =	vst v63  }
.Ltmp3:
0x2ff: {  	(v2sf) =	vpush v16, $0xB;
	s8 =	sadd.s32 s3, s4;
	s6 =	spop (v2sf);
	(pc) =	sbr.rel @p0 .LBB2_8-.Ltmp3, $4  }
0x300: {  	(v2sf) =	vpush v17, $0xC;
	s30 =	rddreg [dreg:$0xd];
	s9 =	sand.u32 $0x1FFFFFF0, s6;
	s11 =	spop (v2sf)  }
0x301: {  	(v2sf) =	vpush v16, $0xC;
	[tilespmem:s22], [sflag:$0x1] =	stream.linear.gather [hbm4b:s8+s10], $0x80, $0x38;
	[tilespmem:$0x10B00] =	vst v63  }
0x302: {  	(v2sf) =	vpush v17, $0xD;
	s26 =	sadd.s32 s3, s9;
	s1 =	sand.u32 $0x1FFFFFF0, s11;
	s0 =	spop (v2sf)  }
0x303: {  	(v2sf) =	vpush v16, $0xD;
	[tilespmem:s30], [sflag:$0x1] =	stream.linear.gather [hbm4b:s26+s10], $0x80, $0x38;
	[tilespmem:$0x10B00] =	vst v63  }
0x304: {  	_ =	sdelay $0x2  }
0x305: {  	s1 =	sadd.s32 s3, s1;
	s0 =	sand.u32 $0x1FFFFFF0, s0  }
0x306: {  	[tilespmem:s25], [sflag:$0x1] =	stream.linear.gather [hbm4b:s1+s10], $0x80, $0x38;
	[tilespmem:$0x10B00] =	vst v63  }
0x307: {  	s0 =	sadd.s32 s3, s0  }
0x308: {  	[tilespmem:s23], [sflag:$0x1] =	stream.linear.gather [hbm4b:s0+s10], $0x80, $0x38;
	[tilespmem:$0x10B00] =	vst v63  }
0x309: {  	s25 =	spop (v2sf)  }
0x30a: {  	s0 =	sand.u32 $0x1FFFFFF0, s25  }
0x30b: {  	s26 =	spop (v2sf);
	s0 =	sadd.s32 s3, s0  }
0x30c: {  	[tilespmem:s24], [sflag:$0x1] =	stream.linear.gather [hbm4b:s0+s10], $0x80, $0x38;
	[tilespmem:$0x10B00] =	vst v63  }
0x30d: {  	s0 =	sand.u32 $0x1FFFFFF0, s26  }
0x30e: {  	s30 =	spop (v2sf);
	s0 =	sadd.s32 s3, s0  }
0x30f: {  	[tilespmem:s21], [sflag:$0x1] =	stream.linear.gather [hbm4b:s0+s10], $0x80, $0x38;
	[tilespmem:$0x10B00] =	vst v63  }
0x310: {  	s0 =	sand.u32 $0x1FFFFFF0, s30  }
0x311: {  	s1 =	spop (v2sf);
	s0 =	sadd.s32 s3, s0  }
0x312: {  	[tilespmem:s29], [sflag:$0x1] =	stream.linear.gather [hbm4b:s0+s10], $0x80, $0x38;
	[tilespmem:$0x10B00] =	vst v63  }
0x313: {  	(v2sf) =	vpush v17, $0xE;
	s4 =	spop (v2sf);
	s0 =	sand.u32 $0x1FFFFFF0, s1  }
0x314: {  	s5 =	spop (v2sf);
	s0 =	sadd.s32 s3, s0  }
0x315: {  	(v2sf) =	vpush v16, $0xE;
	[tilespmem:s28], [sflag:$0x1] =	stream.linear.gather [hbm4b:s0+s10], $0x80, $0x38;
	[tilespmem:$0x10B00] =	vst v63  }
0x316: {  	s0 =	sand.u32 $0x1FFFFFF0, s4  }
0x317: {  	s6 =	spop (v2sf);
	s0 =	sadd.s32 s3, s0  }
0x318: {  	(v2sf) =	vpush v17, $0xF;
	[tilespmem:s31], [sflag:$0x1] =	stream.linear.gather [hbm4b:s0+s10], $0x80, $0x38;
	[tilespmem:$0x10B00] =	vst v63  }
0x319: {  	s0 =	sand.u32 $0x1FFFFFF0, s5  }
0x31a: {  	s7 =	spop (v2sf);
	s0 =	sadd.s32 s3, s0  }
0x31b: {  	(v2sf) =	vpush v16, $0xF;
	[tilespmem:s2], [sflag:$0x1] =	stream.linear.gather [hbm4b:s0+s10], $0x80, $0x38;
	[tilespmem:$0x10B00] =	vst v63  }
0x31c: {  	s0 =	sand.u32 $0x1FFFFFF0, s6  }
0x31d: {  	s0 =	sadd.s32 s3, s0  }
0x31e: {  	[tilespmem:s16], [sflag:$0x1] =	stream.linear.gather [hbm4b:s0+s10], $0x80, $0x38;
	[tilespmem:$0x10B00] =	vst v63  }
0x31f: {  	s0 =	sand.u32 $0x1FFFFFF0, s7  }
0x320: {  	s0 =	sadd.s32 s3, s0  }
0x321: {  	[tilespmem:s18], [sflag:$0x1] =	stream.linear.gather [hbm4b:s0+s10], $0x80, $0x38;
	[tilespmem:$0x10B00] =	vst v63  }
0x322: {  	s8 =	spop (v2sf)  }
0x323: {  	s0 =	sand.u32 $0x1FFFFFF0, s8  }
0x324: {  	s0 =	sadd.s32 s3, s0;
	s9 =	spop (v2sf)  }
0x325: {  	[tilespmem:s15], [sflag:$0x1] =	stream.linear.gather [hbm4b:s0+s10], $0x80, $0x38;
	[tilespmem:$0x10B00] =	vst v63  }
0x326: {  	s0 =	sand.u32 $0x1FFFFFF0, s9  }
0x327: {  	s11 =	spop (v2sf);
	s0 =	sadd.s32 s3, s0  }
0x328: {  	[tilespmem:s14], [sflag:$0x1] =	stream.linear.gather [hbm4b:s0+s10], $0x80, $0x38;
	[tilespmem:$0x10B00] =	vst v63  }
0x329: {  	s0 =	sand.u32 $0x1FFFFFF0, s11  }
0x32a: {  	s15 =	spop (v2sf);
	s14 =	sadd.s32 $0xF80, s12;
	s0 =	sadd.s32 s3, s0  }
0x32b: {  	[tilespmem:s14], [sflag:$0x1] =	stream.linear.gather [hbm4b:s0+s10], $0x80, $0x38;
	[tilespmem:$0x10B00] =	vst v63  }
0x32c: {  	s17 =	sand.u32 $0x70, s20;
	s0 =	sand.u32 $0x1FFFFFF0, s15  }
0x32d: {  	s16 =	sadd.s32 $0x8F80, s12;
	s18 =	sand.u32 $0x200, s19;
	s0 =	sadd.s32 s3, s0  }
0x32e: {  	[tilespmem:s16], [sflag:$0x1] =	stream.linear.gather [hbm4b:s0+s10], $0x80, $0x38;
	[tilespmem:$0x10B00] =	vst v63  }
0x32f: {  	s0 =	sor.u32 s17, s18  }
0x330: {  	v16 =	vld [tilespmem:s0+$0x400];
	_ =	sdelay $0x1  }
0x331: {  	v18 =	vld [tilespmem:s0+$0x480];
	_ =	sdelay $0x2  }
0x332: {  	v17 =	vshll.u32 v16, $0x4  }
0x333: {  	(v2sf) =	vpush v17, $0x0  }
0x334: {  	v16 =	vshll.u32 v18, $0x4  }
0x335: {  	(v2sf) =	vpush v16, $0x0;
	_ =	sdelay $0x1  }
0x336: {  	(v2sf) =	vpush v17, $0x1;
	_ =	sdelay $0x2  }
0x337: {  	(v2sf) =	vpush v16, $0x1;
	_ =	sdelay $0x7  }
0x338: {  	s19 =	spop (v2sf);
	(v2sf) =	vpush v17, $0x2;
	_ =	sdelay $0x1  }
0x339: {  	s21 =	spop (v2sf);
	(v2sf) =	vpush v16, $0x2;
	_ =	sdelay $0x1  }
0x33a: {  	s23 =	spop (v2sf);
	(v2sf) =	vpush v17, $0x3;
	_ =	sdelay $0x2  }
0x33b: {  	s25 =	spop (v2sf);
	(v2sf) =	vpush v16, $0x3;
	_ =	sdelay $0x4  }
0x33c: {  	s12 =	sshra.s32 s13, $0x2;
	s0 =	sand.u32 $0x1FFFFFF0, s19  }
0x33d: {  	s20 =	sadd.s32 $0x800, s12;
	s0 =	sadd.s32 s3, s0  }
0x33e: {  	[tilespmem:s20], [sflag:$0x1] =	stream.linear.gather [hbm4b:s0+s10], $0x80, $0x38;
	[tilespmem:$0x10B00] =	vst v63  }
0x33f: {  	s28 =	spop (v2sf);
	(v2sf) =	vpush v17, $0x4  }
0x340: {  	s0 =	sand.u32 $0x1FFFFFF0, s21  }
0x341: {  	s22 =	sadd.s32 $0x8800, s12;
	s0 =	sadd.s32 s3, s0;
	s30 =	spop (v2sf);
	(v2sf) =	vpush v16, $0x4  }
0x342: {  	[tilespmem:s22], [sflag:$0x1] =	stream.linear.gather [hbm4b:s0+s10], $0x80, $0x38;
	[tilespmem:$0x10B00] =	vst v63  }
0x343: {  	s0 =	sand.u32 $0x1FFFFFF0, s23;
	s2 =	spop (v2sf);
	(v2sf) =	vpush v17, $0x5  }
0x344: {  	s24 =	sadd.s32 $0x880, s12;
	s0 =	sadd.s32 s3, s0  }
0x345: {  	[tilespmem:s24], [sflag:$0x1] =	stream.linear.gather [hbm4b:s0+s10], $0x80, $0x38;
	[tilespmem:$0x10B00] =	vst v63  }
0x346: {  	s5 =	spop (v2sf);
	(v2sf) =	vpush v16, $0x5  }
0x347: {  	s0 =	sand.u32 $0x1FFFFFF0, s25  }
0x348: {  	s26 =	sadd.s32 $0x8880, s12;
	s0 =	sadd.s32 s3, s0  }
0x349: {  	[tilespmem:s26], [sflag:$0x1] =	stream.linear.gather [hbm4b:s0+s10], $0x80, $0x38;
	[tilespmem:$0x10B00] =	vst v63  }
0x34a: {  	s0 =	sand.u32 $0x1FFFFFF0, s28  }
0x34b: {  	s29 =	sadd.s32 $0x900, s12;
	s0 =	sadd.s32 s3, s0  }
0x34c: {  	[tilespmem:s29], [sflag:$0x1] =	stream.linear.gather [hbm4b:s0+s10], $0x80, $0x38;
	[tilespmem:$0x10B00] =	vst v63  }
0x34d: {  	s0 =	sand.u32 $0x1FFFFFF0, s30  }
0x34e: {  	s31 =	sadd.s32 $0x8900, s12;
	s0 =	sadd.s32 s3, s0;
	s7 =	spop (v2sf);
	(v2sf) =	vpush v17, $0x6  }
0x34f: {  	[tilespmem:s31], [sflag:$0x1] =	stream.linear.gather [hbm4b:s0+s10], $0x80, $0x38;
	[tilespmem:$0x10B00] =	vst v63  }
0x350: {  	s9 =	spop (v2sf);
	(v2sf) =	vpush v16, $0x6  }
0x351: {  	s0 =	sand.u32 $0x1FFFFFF0, s2  }
0x352: {  	s4 =	sadd.s32 $0x980, s12;
	s0 =	sadd.s32 s3, s0;
	s13 =	spop (v2sf);
	(v2sf) =	vpush v17, $0x7  }
0x353: {  	[tilespmem:s4], [sflag:$0x1] =	stream.linear.gather [hbm4b:s0+s10], $0x80, $0x38;
	[tilespmem:$0x10B00] =	vst v63  }
0x354: {  	s0 =	sand.u32 $0x1FFFFFF0, s5  }
0x355: {  	s6 =	sadd.s32 $0x8980, s12;
	s0 =	sadd.s32 s3, s0;
	s15 =	spop (v2sf);
	(v2sf) =	vpush v16, $0x7  }
0x356: {  	[tilespmem:s6], [sflag:$0x1] =	stream.linear.gather [hbm4b:s0+s10], $0x80, $0x38;
	[tilespmem:$0x10B00] =	vst v63  }
0x357: {  	s0 =	sand.u32 $0x1FFFFFF0, s7  }
0x358: {  	s8 =	sadd.s32 $0xA00, s12;
	s0 =	sadd.s32 s3, s0  }
0x359: {  	[tilespmem:s8], [sflag:$0x1] =	stream.linear.gather [hbm4b:s0+s10], $0x80, $0x38;
	[tilespmem:$0x10B00] =	vst v63  }
0x35a: {  	s0 =	sand.u32 $0x1FFFFFF0, s9  }
0x35b: {  	s11 =	sadd.s32 $0x8A00, s12;
	s0 =	sadd.s32 s3, s0  }
0x35c: {  	[tilespmem:s11], [sflag:$0x1] =	stream.linear.gather [hbm4b:s0+s10], $0x80, $0x38;
	[tilespmem:$0x10B00] =	vst v63  }
0x35d: {  	s17 =	spop (v2sf);
	(v2sf) =	vpush v17, $0x8  }
0x35e: {  	s0 =	sand.u32 $0x1FFFFFF0, s13  }
0x35f: {  	s14 =	sadd.s32 $0xA80, s12;
	s0 =	sadd.s32 s3, s0;
	s19 =	spop (v2sf);
	(v2sf) =	vpush v16, $0x8  }
0x360: {  	[tilespmem:s14], [sflag:$0x1] =	stream.linear.gather [hbm4b:s0+s10], $0x80, $0x38;
	[tilespmem:$0x10B00] =	vst v63  }
0x361: {  	s0 =	sand.u32 $0x1FFFFFF0, s15;
	s21 =	spop (v2sf);
	(v2sf) =	vpush v17, $0x9  }
0x362: {  	s16 =	sadd.s32 $0x8A80, s12;
	s0 =	sadd.s32 s3, s0  }
0x363: {  	[tilespmem:s16], [sflag:$0x1] =	stream.linear.gather [hbm4b:s0+s10], $0x80, $0x38;
	[tilespmem:$0x10B00] =	vst v63  }
0x364: {  	s23 =	spop (v2sf);
	(v2sf) =	vpush v16, $0x9  }
0x365: {  	s0 =	sand.u32 $0x1FFFFFF0, s17  }
0x366: {  	s18 =	sadd.s32 $0xB00, s12;
	s0 =	sadd.s32 s3, s0  }
0x367: {  	[tilespmem:s18], [sflag:$0x1] =	stream.linear.gather [hbm4b:s0+s10], $0x80, $0x38;
	[tilespmem:$0x10B00] =	vst v63  }
0x368: {  	s0 =	sand.u32 $0x1FFFFFF0, s19  }
0x369: {  	s20 =	sadd.s32 $0x8B00, s12;
	s0 =	sadd.s32 s3, s0  }
0x36a: {  	[tilespmem:s20], [sflag:$0x1] =	stream.linear.gather [hbm4b:s0+s10], $0x80, $0x38;
	[tilespmem:$0x10B00] =	vst v63  }
0x36b: {  	s0 =	sand.u32 $0x1FFFFFF0, s21  }
0x36c: {  	s22 =	sadd.s32 $0xB80, s12;
	s0 =	sadd.s32 s3, s0;
	s25 =	spop (v2sf);
	(v2sf) =	vpush v17, $0xA  }
0x36d: {  	[tilespmem:s22], [sflag:$0x1] =	stream.linear.gather [hbm4b:s0+s10], $0x80, $0x38;
	[tilespmem:$0x10B00] =	vst v63  }
0x36e: {  	s28 =	spop (v2sf);
	(v2sf) =	vpush v16, $0xA  }
0x36f: {  	s0 =	sand.u32 $0x1FFFFFF0, s23  }
0x370: {  	s24 =	sadd.s32 $0x8B80, s12;
	s0 =	sadd.s32 s3, s0;
	s30 =	spop (v2sf);
	(v2sf) =	vpush v17, $0xB  }
0x371: {  	[tilespmem:s24], [sflag:$0x1] =	stream.linear.gather [hbm4b:s0+s10], $0x80, $0x38;
	[tilespmem:$0x10B00] =	vst v63  }
0x372: {  	s0 =	sand.u32 $0x1FFFFFF0, s25  }
0x373: {  	s26 =	sadd.s32 $0xC00, s12;
	s0 =	sadd.s32 s3, s0;
	s2 =	spop (v2sf);
	(v2sf) =	vpush v16, $0xB  }
0x374: {  	[tilespmem:s26], [sflag:$0x1] =	stream.linear.gather [hbm4b:s0+s10], $0x80, $0x38;
	[tilespmem:$0x10B00] =	vst v63  }
0x375: {  	s0 =	sand.u32 $0x1FFFFFF0, s28  }
0x376: {  	s29 =	sadd.s32 $0x8C00, s12;
	s0 =	sadd.s32 s3, s0  }
0x377: {  	[tilespmem:s29], [sflag:$0x1] =	stream.linear.gather [hbm4b:s0+s10], $0x80, $0x38;
	[tilespmem:$0x10B00] =	vst v63  }
0x378: {  	s0 =	sand.u32 $0x1FFFFFF0, s30  }
0x379: {  	s31 =	sadd.s32 $0xC80, s12;
	s0 =	sadd.s32 s3, s0  }
0x37a: {  	[tilespmem:s31], [sflag:$0x1] =	stream.linear.gather [hbm4b:s0+s10], $0x80, $0x38;
	[tilespmem:$0x10B00] =	vst v63  }
0x37b: {  	s5 =	spop (v2sf);
	(v2sf) =	vpush v17, $0xC  }
0x37c: {  	s0 =	sand.u32 $0x1FFFFFF0, s2  }
0x37d: {  	s4 =	sadd.s32 $0x8C80, s12;
	s0 =	sadd.s32 s3, s0;
	s7 =	spop (v2sf);
	(v2sf) =	vpush v16, $0xC  }
0x37e: {  	[tilespmem:s4], [sflag:$0x1] =	stream.linear.gather [hbm4b:s0+s10], $0x80, $0x38;
	[tilespmem:$0x10B00] =	vst v63  }
0x37f: {  	s0 =	sand.u32 $0x1FFFFFF0, s5;
	s9 =	spop (v2sf);
	(v2sf) =	vpush v17, $0xD  }
0x380: {  	s6 =	sadd.s32 $0xD00, s12;
	s0 =	sadd.s32 s3, s0  }
0x381: {  	[tilespmem:s6], [sflag:$0x1] =	stream.linear.gather [hbm4b:s0+s10], $0x80, $0x38;
	[tilespmem:$0x10B00] =	vst v63  }
0x382: {  	s13 =	spop (v2sf);
	(v2sf) =	vpush v16, $0xD  }
0x383: {  	s0 =	sand.u32 $0x1FFFFFF0, s7  }
0x384: {  	s8 =	sadd.s32 $0x8D00, s12;
	s0 =	sadd.s32 s3, s0  }
0x385: {  	[tilespmem:s8], [sflag:$0x1] =	stream.linear.gather [hbm4b:s0+s10], $0x80, $0x38;
	[tilespmem:$0x10B00] =	vst v63  }
0x386: {  	s0 =	sand.u32 $0x1FFFFFF0, s9  }
0x387: {  	s11 =	sadd.s32 $0xD80, s12;
	s0 =	sadd.s32 s3, s0  }
0x388: {  	[tilespmem:s11], [sflag:$0x1] =	stream.linear.gather [hbm4b:s0+s10], $0x80, $0x38;
	[tilespmem:$0x10B00] =	vst v63  }
0x389: {  	s0 =	sand.u32 $0x1FFFFFF0, s13  }
0x38a: {  	s14 =	sadd.s32 $0x8D80, s12;
	s0 =	sadd.s32 s3, s0;
	s15 =	spop (v2sf);
	(v2sf) =	vpush v17, $0xE  }
0x38b: {  	[tilespmem:s14], [sflag:$0x1] =	stream.linear.gather [hbm4b:s0+s10], $0x80, $0x38;
	[tilespmem:$0x10B00] =	vst v63  }
0x38c: {  	s17 =	spop (v2sf);
	(v2sf) =	vpush v16, $0xE  }
0x38d: {  	s0 =	sand.u32 $0x1FFFFFF0, s15  }
0x38e: {  	s16 =	sadd.s32 $0xE00, s12;
	s0 =	sadd.s32 s3, s0;
	s19 =	spop (v2sf)  }
0x38f: {  	(v2sf) =	vpush v17, $0xF;
	[tilespmem:s16], [sflag:$0x1] =	stream.linear.gather [hbm4b:s0+s10], $0x80, $0x38;
	[tilespmem:$0x10B00] =	vst v63  }
0x390: {  	s0 =	sand.u32 $0x1FFFFFF0, s17  }
0x391: {  	s18 =	sadd.s32 $0x8E00, s12;
	s21 =	spop (v2sf);
	s0 =	sadd.s32 s3, s0  }
0x392: {  	(v2sf) =	vpush v16, $0xF;
	[tilespmem:s18], [sflag:$0x1] =	stream.linear.gather [hbm4b:s0+s10], $0x80, $0x38;
	[tilespmem:$0x10B00] =	vst v63  }
0x393: {  	s0 =	sand.u32 $0x1FFFFFF0, s19  }
0x394: {  	s20 =	sadd.s32 $0xE80, s12;
	s0 =	sadd.s32 s3, s0  }
0x395: {  	[tilespmem:s20], [sflag:$0x1] =	stream.linear.gather [hbm4b:s0+s10], $0x80, $0x38;
	[tilespmem:$0x10B00] =	vst v63  }
0x396: {  	s0 =	sand.u32 $0x1FFFFFF0, s21  }
0x397: {  	s22 =	sadd.s32 $0x8E80, s12;
	s0 =	sadd.s32 s3, s0  }
0x398: {  	[tilespmem:s22], [sflag:$0x1] =	stream.linear.gather [hbm4b:s0+s10], $0x80, $0x38;
	[tilespmem:$0x10B00] =	vst v63  }
0x399: {  	s23 =	spop (v2sf)  }
0x39a: {  	s0 =	sand.u32 $0x1FFFFFF0, s23  }
0x39b: {  	s24 =	sadd.s32 $0xF00, s12;
	s25 =	spop (v2sf);
	s0 =	sadd.s32 s3, s0  }
0x39c: {  	[tilespmem:s24], [sflag:$0x1] =	stream.linear.gather [hbm4b:s0+s10], $0x80, $0x38;
	[tilespmem:$0x10B00] =	vst v63  }
0x39d: {  	s0 =	sand.u32 $0x1FFFFFF0, s25  }
0x39e: {  	s26 =	sadd.s32 $0x8F00, s12;
	s28 =	spop (v2sf);
	s0 =	sadd.s32 s3, s0  }
0x39f: {  	[tilespmem:s26], [sflag:$0x1] =	stream.linear.gather [hbm4b:s0+s10], $0x80, $0x38;
	[tilespmem:$0x10B00] =	vst v63  }
0x3a0: {  	s0 =	sand.u32 $0x1FFFFFF0, s28  }
0x3a1: {  	s29 =	sadd.s32 $0xF80, s12;
	s30 =	spop (v2sf);
	s0 =	sadd.s32 s3, s0  }
0x3a2: {  	[tilespmem:s29], [sflag:$0x1] =	stream.linear.gather [hbm4b:s0+s10], $0x80, $0x38;
	[tilespmem:$0x10B00] =	vst v63  }
0x3a3: {  	s0 =	sand.u32 $0x1FFFFFF0, s30  }
0x3a4: {  	s1 =	simm.s32 $0x1;
	s31 =	sadd.s32 $0x8F80, s12;
	s0 =	sadd.s32 s3, s0  }
0x3a5: {  	[tilespmem:s31], [sflag:$0x1] =	stream.linear.gather [hbm4b:s0+s10], $0x80, $0x38;
	[tilespmem:$0x10B00] =	vst v63  }
0x3a6: {  	_ =	swait.ge [sflag:s1], $0x80  }
0x3a7: {  	[sflag:s1] =	ssyncset.done $0x0  }
0x3a8: {  	[sflag:s1] =	ssyncadd.s32 $0xFFFFFF80  }
0x3a9: {  	_ =	swait.ge [sflag:s1], $0x80  }
0x3aa: {  	s0 =	simm.s32 $0xFF;
	[sflag:s1] =	ssyncset.done $0x0  }
.LBB2_10:
0x3ab: {  	p0 =	sne.s32 s0, $0x1;
	s0 =	sadd.s32 $0xFFFFFFFF, s0;
	[sflag:s1] =	ssyncadd.s32 $0xFFFFFF80  }
.Ltmp4:
0x3ac: {  	_ =	swait.ge [sflag:s1], $0x80;
	(pc) =	sbr.rel @p0 .LBB2_10-.Ltmp4, $4  }
0x3ad: {  	[sflag:s1] =	ssyncset.done $0x0  }
0x3ae: {  	[sflag:s1] =	ssyncadd.s32 $0xFFFFFF80  }
0x3af: {  	_ =	swait.ge [sflag:s1], $0x80  }
0x3b0: {  	[sflag:s1] =	ssyncset.done $0x0  }
0x3b1: {  	[sflag:s1] =	ssyncadd.s32 $0xFFFFFF80;
	s12 =	simm.s32 $0x0;
	s13 =	simm.s32 $0xC00  }
0x3b2: {  	s14 =	simm.s32 $0x8C00;
	s4 =	simm.s32 $0x2;
	s1 =	simm.s32 $0x10800  }
.LBB2_12:
0x3b3: {  	v16 =	vld [tilespmem:s13+$0xFFFFFC00]  }
0x3b4: {  	v17 =	vld [tilespmem:s14+$0xFFFFFC00]  }
0x3b5: {  	v18 =	vld [tilespmem:s13+$0xFFFFFC10]  }
0x3b6: {  	v19 =	vld [tilespmem:s14+$0xFFFFFC10]  }
0x3b7: {  	v20 =	vld [tilespmem:s13+$0xFFFFFC20]  }
0x3b8: {  	v21 =	vld [tilespmem:s14+$0xFFFFFC20]  }
0x3b9: {  	v22 =	vld [tilespmem:s13+$0xFFFFFC30]  }
0x3ba: {  	v23 =	vld [tilespmem:s14+$0xFFFFFC30]  }
0x3bb: {  	v16 =	vsub.f32 v16, v17;
	v17 =	vsub.f32 v18, v19;
	_ =	sdelay $0x1  }
0x3bc: {  	v50 =	vsub.f32 v20, v21;
	v16 =	vmul.f32 v16, v16;
	v17 =	vmul.f32 v17, v17;
	_ =	sdelay $0x1  }
0x3bd: {  	v51 =	vsub.f32 v22, v23;
	v16 =	vadd.f32 v17, v16;
	v17 =	vmul.f32 v50, v50;
	_ =	sdelay $0x1  }
0x3be: {  	v16 =	vadd.f32 v17, v16;
	v17 =	vmul.f32 v51, v51;
	_ =	sdelay $0x1  }
0x3bf: {  	v16 =	vadd.f32 v17, v16;
	_ =	sdelay $0x1  }
0x3c0: {  	[tilespmem:$0x10800] =	vst v16  }
0x3c1: {  	v16 =	vld [tilespmem:s13+$0xFFFFFC80]  }
0x3c2: {  	v17 =	vld [tilespmem:s14+$0xFFFFFC80]  }
0x3c3: {  	v52 =	vld [tilespmem:s13+$0xFFFFFC90]  }
0x3c4: {  	v53 =	vld [tilespmem:s14+$0xFFFFFC90]  }
0x3c5: {  	v54 =	vld [tilespmem:s13+$0xFFFFFCA0]  }
0x3c6: {  	v55 =	vld [tilespmem:s14+$0xFFFFFCA0]  }
0x3c7: {  	v56 =	vld [tilespmem:s13+$0xFFFFFCB0]  }
0x3c8: {  	v57 =	vld [tilespmem:s14+$0xFFFFFCB0]  }
0x3c9: {  	v16 =	vsub.f32 v16, v17;
	v17 =	vsub.f32 v52, v53;
	_ =	sdelay $0x1  }
0x3ca: {  	v58 =	vsub.f32 v54, v55;
	v16 =	vmul.f32 v16, v16;
	v17 =	vmul.f32 v17, v17;
	_ =	sdelay $0x1  }
0x3cb: {  	v59 =	vsub.f32 v56, v57;
	v16 =	vadd.f32 v17, v16;
	v17 =	vmul.f32 v58, v58;
	_ =	sdelay $0x1  }
0x3cc: {  	v16 =	vadd.f32 v17, v16;
	v17 =	vmul.f32 v59, v59;
	_ =	sdelay $0x1  }
0x3cd: {  	v16 =	vadd.f32 v17, v16;
	_ =	sdelay $0x1  }
0x3ce: {  	[tilespmem:$0x10810] =	vst v16  }
0x3cf: {  	v16 =	vld [tilespmem:s13+$0xFFFFFD00]  }
0x3d0: {  	v17 =	vld [tilespmem:s14+$0xFFFFFD00]  }
0x3d1: {  	v60 =	vld [tilespmem:s13+$0xFFFFFD10]  }
0x3d2: {  	v61 =	vld [tilespmem:s14+$0xFFFFFD10]  }
0x3d3: {  	v62 =	vld [tilespmem:s13+$0xFFFFFD20]  }
0x3d4: {  	v63 =	vld [tilespmem:s14+$0xFFFFFD20]  }
0x3d5: {  	v24 =	vld [tilespmem:s13+$0xFFFFFD30]  }
0x3d6: {  	v25 =	vld [tilespmem:s14+$0xFFFFFD30]  }
0x3d7: {  	v16 =	vsub.f32 v16, v17;
	v17 =	vsub.f32 v60, v61;
	_ =	sdelay $0x1  }
0x3d8: {  	v26 =	vsub.f32 v62, v63;
	v16 =	vmul.f32 v16, v16;
	v17 =	vmul.f32 v17, v17;
	_ =	sdelay $0x1  }
0x3d9: {  	v27 =	vsub.f32 v24, v25;
	v16 =	vadd.f32 v17, v16;
	v17 =	vmul.f32 v26, v26;
	_ =	sdelay $0x1  }
0x3da: {  	v16 =	vadd.f32 v17, v16;
	v17 =	vmul.f32 v27, v27;
	_ =	sdelay $0x1  }
0x3db: {  	v16 =	vadd.f32 v17, v16;
	_ =	sdelay $0x1  }
0x3dc: {  	[tilespmem:$0x10820] =	vst v16  }
0x3dd: {  	v16 =	vld [tilespmem:s13+$0xFFFFFD80]  }
0x3de: {  	v17 =	vld [tilespmem:s14+$0xFFFFFD80]  }
0x3df: {  	v28 =	vld [tilespmem:s13+$0xFFFFFD90]  }
0x3e0: {  	v29 =	vld [tilespmem:s14+$0xFFFFFD90]  }
0x3e1: {  	v30 =	vld [tilespmem:s13+$0xFFFFFDA0]  }
0x3e2: {  	v31 =	vld [tilespmem:s14+$0xFFFFFDA0]  }
0x3e3: {  	v32 =	vld [tilespmem:s13+$0xFFFFFDB0]  }
0x3e4: {  	v33 =	vld [tilespmem:s14+$0xFFFFFDB0]  }
0x3e5: {  	v16 =	vsub.f32 v16, v17;
	v17 =	vsub.f32 v28, v29;
	_ =	sdelay $0x1  }
0x3e6: {  	v34 =	vsub.f32 v30, v31;
	v16 =	vmul.f32 v16, v16;
	v17 =	vmul.f32 v17, v17;
	_ =	sdelay $0x1  }
0x3e7: {  	v35 =	vsub.f32 v32, v33;
	v16 =	vadd.f32 v17, v16;
	v17 =	vmul.f32 v34, v34;
	_ =	sdelay $0x1  }
0x3e8: {  	v16 =	vadd.f32 v17, v16;
	v17 =	vmul.f32 v35, v35;
	_ =	sdelay $0x1  }
0x3e9: {  	v16 =	vadd.f32 v17, v16;
	_ =	sdelay $0x1  }
0x3ea: {  	[tilespmem:$0x10830] =	vst v16  }
0x3eb: {  	v16 =	vld [tilespmem:s13+$0xFFFFFE00]  }
0x3ec: {  	v17 =	vld [tilespmem:s14+$0xFFFFFE00]  }
0x3ed: {  	v36 =	vld [tilespmem:s13+$0xFFFFFE10]  }
0x3ee: {  	v37 =	vld [tilespmem:s14+$0xFFFFFE10]  }
0x3ef: {  	v38 =	vld [tilespmem:s13+$0xFFFFFE20]  }
0x3f0: {  	v39 =	vld [tilespmem:s14+$0xFFFFFE20]  }
0x3f1: {  	v40 =	vld [tilespmem:s13+$0xFFFFFE30]  }
0x3f2: {  	v41 =	vld [tilespmem:s14+$0xFFFFFE30]  }
0x3f3: {  	v16 =	vsub.f32 v16, v17;
	v17 =	vsub.f32 v36, v37;
	_ =	sdelay $0x1  }
0x3f4: {  	v42 =	vsub.f32 v38, v39;
	v16 =	vmul.f32 v16, v16;
	v17 =	vmul.f32 v17, v17;
	_ =	sdelay $0x1  }
0x3f5: {  	v43 =	vsub.f32 v40, v41;
	v16 =	vadd.f32 v17, v16;
	v17 =	vmul.f32 v42, v42;
	_ =	sdelay $0x1  }
0x3f6: {  	v16 =	vadd.f32 v17, v16;
	v17 =	vmul.f32 v43, v43;
	_ =	sdelay $0x1  }
0x3f7: {  	v16 =	vadd.f32 v17, v16;
	_ =	sdelay $0x1  }
0x3f8: {  	[tilespmem:$0x10840] =	vst v16  }
0x3f9: {  	v16 =	vld [tilespmem:s13+$0xFFFFFE80]  }
0x3fa: {  	v17 =	vld [tilespmem:s14+$0xFFFFFE80]  }
0x3fb: {  	v44 =	vld [tilespmem:s13+$0xFFFFFE90]  }
0x3fc: {  	v45 =	vld [tilespmem:s14+$0xFFFFFE90]  }
0x3fd: {  	v46 =	vld [tilespmem:s13+$0xFFFFFEA0]  }
0x3fe: {  	v47 =	vld [tilespmem:s14+$0xFFFFFEA0]  }
0x3ff: {  	v48 =	vld [tilespmem:s13+$0xFFFFFEB0]  }
0x400: {  	v49 =	vld [tilespmem:s14+$0xFFFFFEB0]  }
0x401: {  	v16 =	vsub.f32 v16, v17;
	v17 =	vsub.f32 v44, v45;
	_ =	sdelay $0x1  }
0x402: {  	v50 =	vsub.f32 v46, v47;
	v16 =	vmul.f32 v16, v16;
	v17 =	vmul.f32 v17, v17;
	_ =	sdelay $0x1  }
0x403: {  	v51 =	vsub.f32 v48, v49;
	v16 =	vadd.f32 v17, v16;
	v17 =	vmul.f32 v50, v50;
	_ =	sdelay $0x1  }
0x404: {  	v16 =	vadd.f32 v17, v16;
	v17 =	vmul.f32 v51, v51;
	_ =	sdelay $0x1  }
0x405: {  	v16 =	vadd.f32 v17, v16;
	_ =	sdelay $0x1  }
0x406: {  	[tilespmem:$0x10850] =	vst v16  }
0x407: {  	v16 =	vld [tilespmem:s13+$0xFFFFFF00]  }
0x408: {  	v17 =	vld [tilespmem:s14+$0xFFFFFF00]  }
0x409: {  	v52 =	vld [tilespmem:s13+$0xFFFFFF10]  }
0x40a: {  	v53 =	vld [tilespmem:s14+$0xFFFFFF10]  }
0x40b: {  	v54 =	vld [tilespmem:s13+$0xFFFFFF20]  }
0x40c: {  	v55 =	vld [tilespmem:s14+$0xFFFFFF20]  }
0x40d: {  	v56 =	vld [tilespmem:s13+$0xFFFFFF30]  }
0x40e: {  	v57 =	vld [tilespmem:s14+$0xFFFFFF30]  }
0x40f: {  	v16 =	vsub.f32 v16, v17;
	v17 =	vsub.f32 v52, v53;
	_ =	sdelay $0x1  }
0x410: {  	v58 =	vsub.f32 v54, v55;
	v16 =	vmul.f32 v16, v16;
	v17 =	vmul.f32 v17, v17;
	_ =	sdelay $0x1  }
0x411: {  	v59 =	vsub.f32 v56, v57;
	v16 =	vadd.f32 v17, v16;
	v17 =	vmul.f32 v58, v58;
	_ =	sdelay $0x1  }
0x412: {  	v16 =	vadd.f32 v17, v16;
	v17 =	vmul.f32 v59, v59;
	_ =	sdelay $0x1  }
0x413: {  	v16 =	vadd.f32 v17, v16;
	_ =	sdelay $0x1  }
0x414: {  	[tilespmem:$0x10860] =	vst v16  }
0x415: {  	v16 =	vld [tilespmem:s13+$0xFFFFFF80]  }
0x416: {  	v17 =	vld [tilespmem:s14+$0xFFFFFF80]  }
0x417: {  	v60 =	vld [tilespmem:s13+$0xFFFFFF90]  }
0x418: {  	v61 =	vld [tilespmem:s14+$0xFFFFFF90]  }
0x419: {  	v62 =	vld [tilespmem:s13+$0xFFFFFFA0]  }
0x41a: {  	v63 =	vld [tilespmem:s14+$0xFFFFFFA0]  }
0x41b: {  	v24 =	vld [tilespmem:s13+$0xFFFFFFB0]  }
0x41c: {  	v25 =	vld [tilespmem:s14+$0xFFFFFFB0]  }
0x41d: {  	v16 =	vsub.f32 v16, v17;
	v17 =	vsub.f32 v60, v61;
	_ =	sdelay $0x1  }
0x41e: {  	v26 =	vsub.f32 v62, v63;
	v16 =	vmul.f32 v16, v16;
	v17 =	vmul.f32 v17, v17;
	_ =	sdelay $0x1  }
0x41f: {  	v27 =	vsub.f32 v24, v25;
	v16 =	vadd.f32 v17, v16;
	v17 =	vmul.f32 v26, v26;
	_ =	sdelay $0x1  }
0x420: {  	v16 =	vadd.f32 v17, v16;
	v17 =	vmul.f32 v27, v27;
	_ =	sdelay $0x1  }
0x421: {  	v16 =	vadd.f32 v17, v16;
	_ =	sdelay $0x1  }
0x422: {  	[tilespmem:$0x10870] =	vst v16  }
0x423: {  	v16 =	vld [tilespmem:s13+$0x0]  }
0x424: {  	v17 =	vld [tilespmem:s14+$0x0]  }
0x425: {  	v28 =	vld [tilespmem:s13+$0x10]  }
0x426: {  	v29 =	vld [tilespmem:s14+$0x10]  }
0x427: {  	v30 =	vld [tilespmem:s13+$0x20]  }
0x428: {  	v31 =	vld [tilespmem:s14+$0x20]  }
0x429: {  	v32 =	vld [tilespmem:s13+$0x30]  }
0x42a: {  	v33 =	vld [tilespmem:s14+$0x30]  }
0x42b: {  	v16 =	vsub.f32 v16, v17;
	v17 =	vsub.f32 v28, v29;
	_ =	sdelay $0x1  }
0x42c: {  	v34 =	vsub.f32 v30, v31;
	v16 =	vmul.f32 v16, v16;
	v17 =	vmul.f32 v17, v17;
	_ =	sdelay $0x1  }
0x42d: {  	v35 =	vsub.f32 v32, v33;
	v16 =	vadd.f32 v17, v16;
	v17 =	vmul.f32 v34, v34;
	_ =	sdelay $0x1  }
0x42e: {  	v16 =	vadd.f32 v17, v16;
	v17 =	vmul.f32 v35, v35;
	_ =	sdelay $0x1  }
0x42f: {  	v16 =	vadd.f32 v17, v16;
	_ =	sdelay $0x1  }
0x430: {  	[tilespmem:$0x10880] =	vst v16  }
0x431: {  	v16 =	vld [tilespmem:s13+$0x80]  }
0x432: {  	v17 =	vld [tilespmem:s14+$0x80]  }
0x433: {  	v36 =	vld [tilespmem:s13+$0x90]  }
0x434: {  	v37 =	vld [tilespmem:s14+$0x90]  }
0x435: {  	v38 =	vld [tilespmem:s13+$0xA0]  }
0x436: {  	v39 =	vld [tilespmem:s14+$0xA0]  }
0x437: {  	v40 =	vld [tilespmem:s13+$0xB0]  }
0x438: {  	v41 =	vld [tilespmem:s14+$0xB0]  }
0x439: {  	v16 =	vsub.f32 v16, v17;
	v17 =	vsub.f32 v36, v37;
	_ =	sdelay $0x1  }
0x43a: {  	v42 =	vsub.f32 v38, v39;
	v16 =	vmul.f32 v16, v16;
	v17 =	vmul.f32 v17, v17;
	_ =	sdelay $0x1  }
0x43b: {  	v43 =	vsub.f32 v40, v41;
	v16 =	vadd.f32 v17, v16;
	v17 =	vmul.f32 v42, v42;
	_ =	sdelay $0x1  }
0x43c: {  	v16 =	vadd.f32 v17, v16;
	v17 =	vmul.f32 v43, v43;
	_ =	sdelay $0x1  }
0x43d: {  	v16 =	vadd.f32 v17, v16;
	_ =	sdelay $0x1  }
0x43e: {  	[tilespmem:$0x10890] =	vst v16  }
0x43f: {  	v16 =	vld [tilespmem:s13+$0x100]  }
0x440: {  	v17 =	vld [tilespmem:s14+$0x100]  }
0x441: {  	v44 =	vld [tilespmem:s13+$0x110]  }
0x442: {  	v45 =	vld [tilespmem:s14+$0x110]  }
0x443: {  	v46 =	vld [tilespmem:s13+$0x120]  }
0x444: {  	v47 =	vld [tilespmem:s14+$0x120]  }
0x445: {  	v48 =	vld [tilespmem:s13+$0x130]  }
0x446: {  	v49 =	vld [tilespmem:s14+$0x130]  }
0x447: {  	v16 =	vsub.f32 v16, v17;
	v17 =	vsub.f32 v44, v45;
	_ =	sdelay $0x1  }
0x448: {  	v50 =	vsub.f32 v46, v47;
	v16 =	vmul.f32 v16, v16;
	v17 =	vmul.f32 v17, v17;
	_ =	sdelay $0x1  }
0x449: {  	v51 =	vsub.f32 v48, v49;
	v16 =	vadd.f32 v17, v16;
	v17 =	vmul.f32 v50, v50;
	_ =	sdelay $0x1  }
0x44a: {  	v16 =	vadd.f32 v17, v16;
	v17 =	vmul.f32 v51, v51;
	_ =	sdelay $0x1  }
0x44b: {  	v16 =	vadd.f32 v17, v16;
	_ =	sdelay $0x1  }
0x44c: {  	[tilespmem:$0x108A0] =	vst v16  }
0x44d: {  	v16 =	vld [tilespmem:s13+$0x180]  }
0x44e: {  	v17 =	vld [tilespmem:s14+$0x180]  }
0x44f: {  	v52 =	vld [tilespmem:s13+$0x190]  }
0x450: {  	v53 =	vld [tilespmem:s14+$0x190]  }
0x451: {  	v54 =	vld [tilespmem:s13+$0x1A0]  }
0x452: {  	v55 =	vld [tilespmem:s14+$0x1A0]  }
0x453: {  	v56 =	vld [tilespmem:s13+$0x1B0]  }
0x454: {  	v57 =	vld [tilespmem:s14+$0x1B0]  }
0x455: {  	v16 =	vsub.f32 v16, v17;
	v17 =	vsub.f32 v52, v53;
	_ =	sdelay $0x1  }
0x456: {  	v58 =	vsub.f32 v54, v55;
	v16 =	vmul.f32 v16, v16;
	v17 =	vmul.f32 v17, v17;
	_ =	sdelay $0x1  }
0x457: {  	v59 =	vsub.f32 v56, v57;
	v16 =	vadd.f32 v17, v16;
	v17 =	vmul.f32 v58, v58;
	_ =	sdelay $0x1  }
0x458: {  	v16 =	vadd.f32 v17, v16;
	v17 =	vmul.f32 v59, v59;
	_ =	sdelay $0x1  }
0x459: {  	v16 =	vadd.f32 v17, v16;
	_ =	sdelay $0x1  }
0x45a: {  	[tilespmem:$0x108B0] =	vst v16  }
0x45b: {  	v16 =	vld [tilespmem:s13+$0x200]  }
0x45c: {  	v17 =	vld [tilespmem:s14+$0x200]  }
0x45d: {  	v60 =	vld [tilespmem:s13+$0x210]  }
0x45e: {  	v61 =	vld [tilespmem:s14+$0x210]  }
0x45f: {  	v62 =	vld [tilespmem:s13+$0x220]  }
0x460: {  	v63 =	vld [tilespmem:s14+$0x220]  }
0x461: {  	v24 =	vld [tilespmem:s13+$0x230]  }
0x462: {  	v25 =	vld [tilespmem:s14+$0x230]  }
0x463: {  	v16 =	vsub.f32 v16, v17;
	v17 =	vsub.f32 v60, v61;
	_ =	sdelay $0x1  }
0x464: {  	v26 =	vsub.f32 v62, v63;
	v16 =	vmul.f32 v16, v16;
	v17 =	vmul.f32 v17, v17;
	_ =	sdelay $0x1  }
0x465: {  	v27 =	vsub.f32 v24, v25;
	v16 =	vadd.f32 v17, v16;
	v17 =	vmul.f32 v26, v26;
	_ =	sdelay $0x1  }
0x466: {  	v16 =	vadd.f32 v17, v16;
	v17 =	vmul.f32 v27, v27;
	_ =	sdelay $0x1  }
0x467: {  	v16 =	vadd.f32 v17, v16;
	_ =	sdelay $0x1  }
0x468: {  	[tilespmem:$0x108C0] =	vst v16  }
0x469: {  	v16 =	vld [tilespmem:s13+$0x280]  }
0x46a: {  	v17 =	vld [tilespmem:s14+$0x280]  }
0x46b: {  	v28 =	vld [tilespmem:s13+$0x290]  }
0x46c: {  	v29 =	vld [tilespmem:s14+$0x290]  }
0x46d: {  	v30 =	vld [tilespmem:s13+$0x2A0]  }
0x46e: {  	v31 =	vld [tilespmem:s14+$0x2A0]  }
0x46f: {  	v32 =	vld [tilespmem:s13+$0x2B0]  }
0x470: {  	v33 =	vld [tilespmem:s14+$0x2B0]  }
0x471: {  	v16 =	vsub.f32 v16, v17;
	v17 =	vsub.f32 v28, v29;
	_ =	sdelay $0x1  }
0x472: {  	v34 =	vsub.f32 v30, v31;
	v16 =	vmul.f32 v16, v16;
	v17 =	vmul.f32 v17, v17;
	_ =	sdelay $0x1  }
0x473: {  	v35 =	vsub.f32 v32, v33;
	v16 =	vadd.f32 v17, v16;
	v17 =	vmul.f32 v34, v34;
	_ =	sdelay $0x1  }
0x474: {  	v16 =	vadd.f32 v17, v16;
	v17 =	vmul.f32 v35, v35;
	_ =	sdelay $0x1  }
0x475: {  	v16 =	vadd.f32 v17, v16;
	_ =	sdelay $0x1  }
0x476: {  	[tilespmem:$0x108D0] =	vst v16  }
0x477: {  	v16 =	vld [tilespmem:s13+$0x300]  }
0x478: {  	v17 =	vld [tilespmem:s14+$0x300]  }
0x479: {  	v36 =	vld [tilespmem:s13+$0x310]  }
0x47a: {  	v37 =	vld [tilespmem:s14+$0x310]  }
0x47b: {  	v38 =	vld [tilespmem:s13+$0x320]  }
0x47c: {  	v39 =	vld [tilespmem:s14+$0x320]  }
0x47d: {  	v40 =	vld [tilespmem:s13+$0x330]  }
0x47e: {  	v41 =	vld [tilespmem:s14+$0x330]  }
0x47f: {  	v16 =	vsub.f32 v16, v17;
	v17 =	vsub.f32 v36, v37;
	_ =	sdelay $0x1  }
0x480: {  	v42 =	vsub.f32 v38, v39;
	v16 =	vmul.f32 v16, v16;
	v17 =	vmul.f32 v17, v17;
	_ =	sdelay $0x1  }
0x481: {  	v43 =	vsub.f32 v40, v41;
	v16 =	vadd.f32 v17, v16;
	v17 =	vmul.f32 v42, v42;
	_ =	sdelay $0x1  }
0x482: {  	v16 =	vadd.f32 v17, v16;
	v17 =	vmul.f32 v43, v43;
	_ =	sdelay $0x1  }
0x483: {  	v16 =	vadd.f32 v17, v16;
	_ =	sdelay $0x1  }
0x484: {  	[tilespmem:$0x108E0] =	vst v16  }
0x485: {  	v16 =	vld [tilespmem:s13+$0x380]  }
0x486: {  	v17 =	vld [tilespmem:s14+$0x380]  }
0x487: {  	v44 =	vld [tilespmem:s13+$0x390]  }
0x488: {  	v45 =	vld [tilespmem:s14+$0x390]  }
0x489: {  	v46 =	vld [tilespmem:s13+$0x3A0]  }
0x48a: {  	v47 =	vld [tilespmem:s14+$0x3A0]  }
0x48b: {  	v48 =	vld [tilespmem:s13+$0x3B0]  }
0x48c: {  	v49 =	vld [tilespmem:s14+$0x3B0]  }
0x48d: {  	v16 =	vsub.f32 v16, v17;
	v17 =	vsub.f32 v44, v45;
	_ =	sdelay $0x1  }
0x48e: {  	v50 =	vsub.f32 v46, v47;
	v16 =	vmul.f32 v16, v16;
	v17 =	vmul.f32 v17, v17;
	_ =	sdelay $0x1  }
0x48f: {  	v51 =	vsub.f32 v48, v49;
	v16 =	vadd.f32 v17, v16;
	v17 =	vmul.f32 v50, v50;
	_ =	sdelay $0x1  }
0x490: {  	v16 =	vadd.f32 v17, v16;
	v17 =	vmul.f32 v51, v51;
	_ =	sdelay $0x1  }
0x491: {  	v16 =	vadd.f32 v17, v16;
	_ =	sdelay $0x1  }
0x492: {  	[tilespmem:$0x108F0] =	vst v16  }
0x493: {  	v16 =	vld.idx.msk [tilespmem:v0+s1+$0x0], $0xffff;
	_ =	sdelay $0x1  }
0x494: {  	v17 =	vld.idx.msk [tilespmem:v1+s1+$0x0], $0xffff;
	_ =	sdelay $0x1  }
0x495: {  	v52 =	vld.idx.msk [tilespmem:v2+s1+$0x0], $0xffff  }
0x496: {  	v16 =	vadd.f32 $9.999999960e-13, v16  }
0x497: {  	v53 =	vld.idx.msk [tilespmem:v3+s1+$0x0], $0xffff  }
0x498: {  	v16 =	vadd.f32 v17, v16  }
0x499: {  	v17 =	vld.idx.msk [tilespmem:v4+s1+$0x0], $0xffff  }
0x49a: {  	v16 =	vadd.f32 v52, v16  }
0x49b: {  	v54 =	vld.idx.msk [tilespmem:v5+s1+$0x0], $0xffff  }
0x49c: {  	v16 =	vadd.f32 v53, v16  }
0x49d: {  	v55 =	vld.idx.msk [tilespmem:v6+s1+$0x0], $0xffff  }
0x49e: {  	v16 =	vadd.f32 v17, v16  }
0x49f: {  	v17 =	vld.idx.msk [tilespmem:v7+s1+$0x0], $0xffff  }
0x4a0: {  	v16 =	vadd.f32 v54, v16  }
0x4a1: {  	v56 =	vld.idx.msk [tilespmem:v8+s1+$0x0], $0xffff  }
0x4a2: {  	v16 =	vadd.f32 v55, v16  }
0x4a3: {  	v57 =	vld.idx.msk [tilespmem:v9+s1+$0x0], $0xffff  }
0x4a4: {  	v16 =	vadd.f32 v17, v16  }
0x4a5: {  	v17 =	vld.idx.msk [tilespmem:v10+s1+$0x0], $0xffff  }
0x4a6: {  	v16 =	vadd.f32 v56, v16  }
0x4a7: {  	v58 =	vld.idx.msk [tilespmem:v11+s1+$0x0], $0xffff  }
0x4a8: {  	v16 =	vadd.f32 v57, v16  }
0x4a9: {  	v59 =	vld.idx.msk [tilespmem:v12+s1+$0x0], $0xffff  }
0x4aa: {  	v16 =	vadd.f32 v17, v16  }
0x4ab: {  	v17 =	vld.idx.msk [tilespmem:v13+s1+$0x0], $0xffff  }
0x4ac: {  	v16 =	vadd.f32 v58, v16  }
0x4ad: {  	v60 =	vld.idx.msk [tilespmem:v14+s1+$0x0], $0xffff  }
0x4ae: {  	v16 =	vadd.f32 v59, v16  }
0x4af: {  	v61 =	vld.idx.msk [tilespmem:v15+s1+$0x0], $0xffff  }
0x4b0: {  	v16 =	vadd.f32 v17, v16;
	_ =	sdelay $0x1  }
0x4b1: {  	v16 =	vadd.f32 v60, v16;
	_ =	sdelay $0x1  }
0x4b2: {  	v16 =	vadd.f32 v61, v16;
	_ =	sdelay $0x1  }
0x4b3: {  	v17 =	vshra.s32 v16, $0x1;
	v62 =	vmul.f32 $5.000000000e-01, v16  }
0x4b4: {  	v17 =	vsub.s32 $0x5F3759DF, v17  }
0x4b5: {  	v63 =	vmul.f32 v17, v62;
	_ =	sdelay $0x1  }
0x4b6: {  	v19 =	vmul.f32 v17, v63;
	_ =	sdelay $0x1  }
0x4b7: {  	v19 =	vsub.f32 $1.500000000e+00, v19;
	_ =	sdelay $0x1  }
0x4b8: {  	v17 =	vmul.f32 v17, v19;
	_ =	sdelay $0x1  }
0x4b9: {  	v19 =	vmul.f32 v17, v62;
	_ =	sdelay $0x1  }
0x4ba: {  	v19 =	vmul.f32 v19, v17;
	_ =	sdelay $0x1  }
0x4bb: {  	v19 =	vsub.f32 $1.500000000e+00, v19;
	_ =	sdelay $0x1  }
0x4bc: {  	v17 =	vmul.f32 v19, v17;
	_ =	sdelay $0x1  }
0x4bd: {  	v18 =	vmul.f32 v17, v62;
	_ =	sdelay $0x1  }
0x4be: {  	v18 =	vmul.f32 v18, v17;
	_ =	sdelay $0x1  }
0x4bf: {  	v18 =	vsub.f32 $1.500000000e+00, v18  }
0x4c0: {  	p0 =	sne.s32 s12, $0xF0  }
.Ltmp5:
0x4c1: {  	v17 =	vmul.f32 v18, v17;
	(pc) =	sbr.rel @p0 .LBB2_12-.Ltmp5, $4  }
0x4c2: {  	_ = 	snop  }
0x4c3: {  	v16 =	vmul.f32 v17, v16  }
0x4c4: {  	s0 =	sand.u32 $0xF0, s12  }
0x4c5: {  	s12 =	sadd.s32 $0x10, s12;
	s13 =	sadd.s32 $0x800, s13;
	s14 =	sadd.s32 $0x800, s14;
	[tilespmem:s0+$0x10A00] =	vst v16  }
0x4c6: {  	s0 =	rddreg [dreg:$0x17];
	s1 =	simm.s32 $0x10900  }
0x4c7: {  	[hbm4b:s0+s10] =	stream.linear.scatter [tilespmem:s1], [sflag:$0x2], $0x200, $0x38;
	[tilespmem:$0x10B00] =	vst v63  }
0x4c8: {  	_ =	swait.ge [sflag:s4], $0x200  }
0x4c9: {  	s30 =	rddreg [dreg:$0x19]  }
0x4ca: {  	s31 =	rddreg [dreg:$0x18];
	s1 =	sadd.s32 $0x1, s30  }
0x4cb: {  	p0 =	sne.s32 s1, s31  }
.Ltmp6:
0x4cc: {  	_ = 	snop;
	(pc) =	sbr.rel @p0 .LBB2_1-.Ltmp6, $3  }
0x4cd: {  	_ =	sdelay $0x1  }
0x4ce: {  	[sflag:s4] =	ssyncset.done $0x0  }
0x4cf: {  	[sflag:s4] =	ssyncadd.s32 $0xFFFFFE00  }
0x4d0: {  	_ =	sfence.sel $0x180000  }
0x4d1: {  	[bflag:$0x0] =	sbarrier.arrive $0xFFFF  }
0x4d2: {  	_ =	strace $0x90000047  }
0x4d3: {  	s0 =	stileid.u32;
	[bflag:$0x2] =	sbarrier.arrive $0xFFFF  }
0x4d4: {  	p0 =	sne.s32 s0, $0x0;
	s0 =	rddreg [dreg:$0x3]  }
0x4d5: {  	s0 =	sadd.s32 @!p0 $0x100000, s0  }
0x4d6: {  	[sflag:s0] =	ssyncadd.tile.s32 @!p0 $0x1;
	_ =	shalt  }
.Lfunc_end2:
_tile_overlayer_lowered:
.L_overlay_start_2:
0x4d7: {  	(tag) =	ssettag $0x2  }
0x4d8: {  	s0 =	rddreg [dreg:$0x0];
	s2 =	stileid.u32  }
0x4d9: {  	s1 =	rddreg [dreg:$0x1];
	p0 =	sne.s32 s2, $0x0  }
0x4da: {  	s3 =	rddreg [dreg:$0x2];
	[bflag:$0x3] =	sbarrier.arrive $0xFFFF;
	s2 =	simm.s32 @!p0 $0x1C02  }
0x4db: {  	[timem:s3], [sflag:s2] =	dma.local @!p0 [hbm:s0], s1  }
0x4dc: {  	s0 =	simm.s32 @!p0 $0x2  }
0x4dd: {  	_ =	swait.ge @!p0 [sflag:s0], s1  }
0x4de: {  	s1 =	ssub.s32 @!p0 $0x0, s1;
	[sflag:s0] =	ssyncset.done @!p0 $0x0  }
0x4df: {  	[sflag:s0] =	ssyncadd.s32 @!p0 s1  }
0x4e0: {  	[bflag:$0x3] =	sbarrier.arrive $0xFFFF  }
0x4e1: {  	_ =	shalt  }

</sc_bundles>
